<compile_context>
chip_gen: v7x
topology: tpu7x:2x2x1
jax: 0.10.2.dev20260603
libtpu: 0.0.44.dev20260713+nightly
codegen_flags: <defaults>
</compile_context>

<pallas_src>
import functools

import jax
import jax.numpy as jnp
from jax import lax
from jax.experimental import pallas as pl
from jax.experimental.pallas import tpu as pltpu
from jax.experimental.pallas import tpu_sc as plsc

_NC = 2
_NS = 16
_NW = _NC * _NS
_C = 32


@functools.partial(jax.jit, static_argnums=(5, 6, 7, 8))
def _scores(center, pos, negf, in_table, out_table, V, D, B, NNEG):
    BPW = B // _NW
    NCH = BPW // _C
    mesh = plsc.VectorSubcoreMesh(
        core_axis_name="c", subcore_axis_name="s",
        num_cores=_NC, num_subcores=_NS)

    @functools.partial(
        pl.kernel,
        out_type=(
            jax.ShapeDtypeStruct((B,), jnp.float32),
            jax.ShapeDtypeStruct((NNEG, B), jnp.float32),
        ),
        mesh=mesh,
        scratch_types=[
            pltpu.VMEM((_C,), jnp.int32),
            pltpu.VMEM((_C,), jnp.int32),
            pltpu.VMEM((_C,), jnp.int32),
            pltpu.VMEM((_C,), jnp.int32),
            pltpu.VMEM((_C * NNEG,), jnp.int32),
            pltpu.VMEM((_C * NNEG,), jnp.int32),
            pltpu.VMEM((_C, D), jnp.float32),
            pltpu.VMEM((_C, D), jnp.float32),
            pltpu.VMEM((_C, D), jnp.float32),
            pltpu.VMEM((_C, D), jnp.float32),
            pltpu.VMEM((_C * NNEG, D), jnp.float32),
            pltpu.VMEM((_C * NNEG, D), jnp.float32),
            pltpu.VMEM((_C,), jnp.float32),
            pltpu.VMEM((NNEG, _C), jnp.float32),
            pltpu.SemaphoreType.DMA,
            pltpu.SemaphoreType.DMA,
            pltpu.SemaphoreType.DMA,
            pltpu.SemaphoreType.DMA,
            pltpu.SemaphoreType.DMA,
            pltpu.SemaphoreType.DMA,
        ],
        compiler_params=pltpu.CompilerParams(use_tc_tiling_on_sc=False,
                                             needs_layout_passes=False),
    )
    def score_k(center_h, pos_h, negf_h, in_t, out_t,
                pos_out_h, neg_out_h,
                ci0, ci1, pi0, pi1, ni0, ni1,
                cr0, cr1, pr0, pr1, nr0, nr1,
                pos_loc, neg_loc,
                s10, s11, s20, s21, s30, s31):
        cis, pis, nis = (ci0, ci1), (pi0, pi1), (ni0, ni1)
        crs, prs, nrs = (cr0, cr1), (pr0, pr1), (nr0, nr1)
        s1s, s2s, s3s = (s10, s11), (s20, s21), (s30, s31)
        wid = lax.axis_index("s") * _NC + lax.axis_index("c")
        base = wid * BPW

        def issue(ch, b):
            cb = base + ch * _C
            pltpu.sync_copy(center_h.at[pl.ds(cb, _C)], cis[b])
            pltpu.sync_copy(pos_h.at[pl.ds(cb, _C)], pis[b])
            pltpu.sync_copy(negf_h.at[pl.ds(cb * NNEG, _C * NNEG)], nis[b])
            pltpu.async_copy(in_t.at[cis[b]], crs[b], s1s[b])
            pltpu.async_copy(out_t.at[pis[b]], prs[b], s2s[b])
            pltpu.async_copy(out_t.at[nis[b]], nrs[b], s3s[b])

        def wait(b):
            pltpu.make_async_copy(in_t.at[cis[b]], crs[b], s1s[b]).wait()
            pltpu.make_async_copy(out_t.at[pis[b]], prs[b], s2s[b]).wait()
            pltpu.make_async_copy(out_t.at[nis[b]], nrs[b], s3s[b]).wait()

        issue(0, 0)
        issue(1, 1)

        def pair_step(i, carry):
            for b in range(2):
                ch = 2 * i + b
                cb = base + ch * _C
                wait(b)
                for g in range(_C // 16):
                    rows16 = lax.iota(jnp.int32, 16) + (g * 16)
                    nrow0 = rows16 * NNEG

                    def dstep(d, accs):
                        cols = (lax.iota(jnp.int32, 16) + d) & (D - 1)
                        c_d = plsc.load_gather(crs[b], [rows16, cols])
                        p_d = plsc.load_gather(prs[b], [rows16, cols])
                        out = [accs[0] + c_d * p_d]
                        for n in range(NNEG):
                            nv = plsc.load_gather(nrs[b], [nrow0 + n, cols])
                            out.append(accs[1 + n] + c_d * nv)
                        return tuple(out)

                    z = jnp.zeros((16,), jnp.float32)
                    accs = lax.fori_loop(0, D, dstep, (z,) * (NNEG + 1),
                                         unroll=2)
                    pos_loc[pl.ds(g * 16, 16)] = accs[0]
                    for n in range(NNEG):
                        neg_loc[n, pl.ds(g * 16, 16)] = accs[1 + n]

                nxt = ch + 2

                @pl.when(nxt < NCH)
                def _():
                    issue(nxt, b)

                pltpu.sync_copy(pos_loc, pos_out_h.at[pl.ds(cb, _C)])
                for n in range(NNEG):
                    pltpu.sync_copy(neg_loc.at[n],
                                    neg_out_h.at[n, pl.ds(cb, _C)])
            return carry

        lax.fori_loop(0, NCH // 2, pair_step, 0)

    return score_k(center, pos, negf, in_table, out_table)


@functools.partial(jax.jit, static_argnums=(2,))
def _loss(pos_s, neg_s, B):
    def body(p_ref, n_ref, out_ref):
        p = p_ref[...]
        n = n_ref[...]

        def ls(x):
            return jnp.minimum(x, 0.0) - jnp.log(1.0 + jnp.exp(-jnp.abs(x)))

        out_ref[0, 0] = -(jnp.sum(ls(p)) + jnp.sum(ls(-n))) / B

    out = pl.pallas_call(
        body,
        out_specs=pl.BlockSpec(memory_space=pltpu.SMEM),
        out_shape=jax.ShapeDtypeStruct((1, 1), jnp.float32),
    )(pos_s.reshape(128, B // 128), neg_s)
    return out[0, 0]


def kernel(center, pos_context, neg_context, in_table, out_table):
    B = center.shape[0]
    NNEG = neg_context.shape[1]
    V, D = in_table.shape
    c32 = center.astype(jnp.int32)
    p32 = pos_context.astype(jnp.int32)
    n32 = neg_context.astype(jnp.int32).reshape(B * NNEG)
    pos_s, neg_s = _scores(c32, p32, n32, in_table, out_table, V, D, B, NNEG)
    return _loss(pos_s, neg_s, B)

# --- scband reference (transcript-rebuilt; emitter-appended) ---
"""Pipeline reference for scband-skip-gram-neg-89103391523060 (READ-ONLY COPY).

The authoritative reference and input builder live on the scoring server;
editing this copy changes nothing except your own understanding.
"""

import jax, jax.numpy as jnp
import numpy as np

VOCAB = 1000000
EMBED_DIM = 64
B = 16384
N_NEG = 20

def setup_inputs(seed: int = 0) -> dict:
    key = jax.random.key(seed)
    k1, k2, k3, k4, k5 = jax.random.split(key, 5)
    center = jax.random.randint(k1, (B,), 0, VOCAB, dtype=jnp.int64) if jax.config.jax_enable_x64 else jax.random.randint(k1, (B,), 0, VOCAB).astype(jnp.int32)
    pos_context = jax.random.randint(k2, (B,), 0, VOCAB).astype(center.dtype)
    neg_context = jax.random.randint(k3, (B, N_NEG), 0, VOCAB).astype(center.dtype)
    in_table = jax.random.normal(k4, (VOCAB, EMBED_DIM), dtype=jnp.float32)
    out_table = jax.random.normal(k5, (VOCAB, EMBED_DIM), dtype=jnp.float32)
    return {"center": center, "pos_context": pos_context, "neg_context": neg_context, "in_table": in_table, "out_table": out_table}

def reference(center, pos_context, neg_context, in_table, out_table):
    # center_emb = self.in_embed(center)
    center_emb = jnp.take(in_table, center, axis=0)          # [B, D]
    # pos_emb = self.out_embed(pos_context)
    pos_emb = jnp.take(out_table, pos_context, axis=0)       # [B, D]
    # neg_emb = self.out_embed(neg_context)
    neg_emb = jnp.take(out_table, neg_context, axis=0)       # [B, N_NEG, D]
    # pos_score = (center_emb * pos_emb).sum(dim=1)
    pos_score = jnp.sum(center_emb * pos_emb, axis=1)        # [B]
    pos_loss = jnp.log(jax.nn.sigmoid(pos_score))            # [B]
    # neg_score = bmm(neg_emb, center_emb.unsqueeze(2)).squeeze()
    neg_score = jnp.einsum('bnd,bd->bn', neg_emb, center_emb)  # [B, N_NEG]
    neg_loss = jnp.sum(jnp.log(jax.nn.sigmoid(-neg_score)), axis=1)  # [B]
    return -jnp.mean(pos_loss + neg_loss)

if False:  # reference __main__ guard neutralized (emitter)
    out = reference(**setup_inputs())
    print(out)

if __name__ == "__main__":
    import jax
    _d = setup_inputs()
    print(jax.jit(kernel)(*tuple(_d.values())))

</pallas_src>

<mosaic_0001>
#map = affine_map<(d0, d1) -> (0)>
#map1 = affine_map<(d0, d1) -> (0, 0)>
module attributes {stable_mosaic.version = 14 : i64} {
  func.func @score_k(%arg0: i32, %arg1: i32, %arg2: memref<16384xi32, #tpu.memory_space<hbm>>, %arg3: memref<16384xi32, #tpu.memory_space<hbm>>, %arg4: memref<327680xi32, #tpu.memory_space<hbm>>, %arg5: memref<1000000x64xf32, #tpu.memory_space<hbm>>, %arg6: memref<1000000x64xf32, #tpu.memory_space<hbm>>, %arg7: memref<16384xf32, #tpu.memory_space<hbm>>, %arg8: memref<20x16384xf32, #tpu.memory_space<hbm>>, %arg9: memref<32xi32, #tpu.memory_space<vmem>>, %arg10: memref<32xi32, #tpu.memory_space<vmem>>, %arg11: memref<32xi32, #tpu.memory_space<vmem>>, %arg12: memref<32xi32, #tpu.memory_space<vmem>>, %arg13: memref<640xi32, #tpu.memory_space<vmem>>, %arg14: memref<640xi32, #tpu.memory_space<vmem>>, %arg15: memref<32x64xf32, #tpu.memory_space<vmem>>, %arg16: memref<32x64xf32, #tpu.memory_space<vmem>>, %arg17: memref<32x64xf32, #tpu.memory_space<vmem>>, %arg18: memref<32x64xf32, #tpu.memory_space<vmem>>, %arg19: memref<640x64xf32, #tpu.memory_space<vmem>>, %arg20: memref<640x64xf32, #tpu.memory_space<vmem>>, %arg21: memref<32xf32, #tpu.memory_space<vmem>>, %arg22: memref<20x32xf32, #tpu.memory_space<vmem>>, %arg23: memref<!tpu.dma_semaphore, #tpu.memory_space<semaphore_mem>>, %arg24: memref<!tpu.dma_semaphore, #tpu.memory_space<semaphore_mem>>, %arg25: memref<!tpu.dma_semaphore, #tpu.memory_space<semaphore_mem>>, %arg26: memref<!tpu.dma_semaphore, #tpu.memory_space<semaphore_mem>>, %arg27: memref<!tpu.dma_semaphore, #tpu.memory_space<semaphore_mem>>, %arg28: memref<!tpu.dma_semaphore, #tpu.memory_space<semaphore_mem>>) attributes {dimension_semantics = [#tpu.dimension_semantics<core_parallel>, #tpu.dimension_semantics<subcore_parallel>], iteration_bounds = array<i64: 2, 16>, scalar_prefetch = 0 : i64, scratch_operands = 20 : i64, tpu.core_type = #tpu.core_type<sc_vector_subcore>, window_params = [{transform_indices = #map}, {transform_indices = #map}, {transform_indices = #map}, {transform_indices = #map1}, {transform_indices = #map1}, {transform_indices = #map}, {transform_indices = #map1}]} {
    %mul3A = arith.constant 2 : i32
    %mul3A_0 = arith.muli %arg1, %mul3A : i32
    %add3A = arith.addi %mul3A_0, %arg0 : i32
    %mul3A_1 = arith.constant 512 : i32
    %mul3A_2 = arith.muli %add3A, %mul3A_1 : i32
    %add3A_3 = arith.constant 0 : i32
    %add3A_4 = arith.addi %mul3A_2, %add3A_3 : i32
    "tpu.region"() ({
      %run_scoped3A = tpu.sem_alloc : memref<!tpu.dma_semaphore, #tpu.memory_space<semaphore_mem>>
      %dma_start3A_33 = tpu.memref_slice %arg2[%add3A_4] : memref<16384xi32, #tpu.memory_space<hbm>> -> memref<32xi32, #tpu.memory_space<hbm>>
      %dma_start3A_34 = tpu.memref_slice %arg2[%add3A_4] : memref<16384xi32, #tpu.memory_space<hbm>> -> memref<32xi32, #tpu.memory_space<hbm>>
      tpu.enqueue_dma source(%dma_start3A_34 : memref<32xi32, #tpu.memory_space<hbm>>) target(%arg9 : memref<32xi32, #tpu.memory_space<vmem>>) target_semaphore(%run_scoped3A : memref<!tpu.dma_semaphore, #tpu.memory_space<semaphore_mem>>)
      %dma_wait3A = tpu.memref_slice %arg2[%add3A_4] : memref<16384xi32, #tpu.memory_space<hbm>> -> memref<32xi32, #tpu.memory_space<hbm>>
      %dma_wait3A_35 = tpu.memref_slice %arg2[%add3A_4] : memref<16384xi32, #tpu.memory_space<hbm>> -> memref<32xi32, #tpu.memory_space<hbm>>
      tpu.wait_dma2 semaphore(%run_scoped3A : memref<!tpu.dma_semaphore, #tpu.memory_space<semaphore_mem>>) src(%dma_wait3A_35 : memref<32xi32, #tpu.memory_space<hbm>>) dst(%arg9 : memref<32xi32, #tpu.memory_space<vmem>>)
      tpu.yield
    }) : () -> ()
    "tpu.region"() ({
      %run_scoped3A = tpu.sem_alloc : memref<!tpu.dma_semaphore, #tpu.memory_space<semaphore_mem>>
      %dma_start3A_33 = tpu.memref_slice %arg3[%add3A_4] : memref<16384xi32, #tpu.memory_space<hbm>> -> memref<32xi32, #tpu.memory_space<hbm>>
      %dma_start3A_34 = tpu.memref_slice %arg3[%add3A_4] : memref<16384xi32, #tpu.memory_space<hbm>> -> memref<32xi32, #tpu.memory_space<hbm>>
      tpu.enqueue_dma source(%dma_start3A_34 : memref<32xi32, #tpu.memory_space<hbm>>) target(%arg11 : memref<32xi32, #tpu.memory_space<vmem>>) target_semaphore(%run_scoped3A : memref<!tpu.dma_semaphore, #tpu.memory_space<semaphore_mem>>)
      %dma_wait3A = tpu.memref_slice %arg3[%add3A_4] : memref<16384xi32, #tpu.memory_space<hbm>> -> memref<32xi32, #tpu.memory_space<hbm>>
      %dma_wait3A_35 = tpu.memref_slice %arg3[%add3A_4] : memref<16384xi32, #tpu.memory_space<hbm>> -> memref<32xi32, #tpu.memory_space<hbm>>
      tpu.wait_dma2 semaphore(%run_scoped3A : memref<!tpu.dma_semaphore, #tpu.memory_space<semaphore_mem>>) src(%dma_wait3A_35 : memref<32xi32, #tpu.memory_space<hbm>>) dst(%arg11 : memref<32xi32, #tpu.memory_space<vmem>>)
      tpu.yield
    }) : () -> ()
    %mul3A_5 = arith.constant 20 : i32
    %mul3A_6 = arith.muli %add3A_4, %mul3A_5 : i32
    "tpu.region"() ({
      %run_scoped3A = tpu.sem_alloc : memref<!tpu.dma_semaphore, #tpu.memory_space<semaphore_mem>>
      %dma_start3A_33 = tpu.memref_slice %arg4[%mul3A_6] : memref<327680xi32, #tpu.memory_space<hbm>> -> memref<640xi32, #tpu.memory_space<hbm>>
      %dma_start3A_34 = tpu.memref_slice %arg4[%mul3A_6] : memref<327680xi32, #tpu.memory_space<hbm>> -> memref<640xi32, #tpu.memory_space<hbm>>
      tpu.enqueue_dma source(%dma_start3A_34 : memref<640xi32, #tpu.memory_space<hbm>>) target(%arg13 : memref<640xi32, #tpu.memory_space<vmem>>) target_semaphore(%run_scoped3A : memref<!tpu.dma_semaphore, #tpu.memory_space<semaphore_mem>>)
      %dma_wait3A = tpu.memref_slice %arg4[%mul3A_6] : memref<327680xi32, #tpu.memory_space<hbm>> -> memref<640xi32, #tpu.memory_space<hbm>>
      %dma_wait3A_35 = tpu.memref_slice %arg4[%mul3A_6] : memref<327680xi32, #tpu.memory_space<hbm>> -> memref<640xi32, #tpu.memory_space<hbm>>
      tpu.wait_dma2 semaphore(%run_scoped3A : memref<!tpu.dma_semaphore, #tpu.memory_space<semaphore_mem>>) src(%dma_wait3A_35 : memref<640xi32, #tpu.memory_space<hbm>>) dst(%arg13 : memref<640xi32, #tpu.memory_space<vmem>>)
      tpu.yield
    }) : () -> ()
    %dma_start3A = arith.constant 0 : i32
    %dma_start3A_7 = arith.constant 0 : i32
    %dma_start3A_8 = tpu.memref_slice %arg5[%dma_start3A, %dma_start3A_7] : memref<1000000x64xf32, #tpu.memory_space<hbm>> -> memref<1000000x64xf32, #tpu.memory_space<hbm>>
    tpu.enqueue_indirect_dma source(%dma_start3A_8 : memref<1000000x64xf32, #tpu.memory_space<hbm>>) target(%arg15 : memref<32x64xf32, #tpu.memory_space<vmem>>) offsets(%arg9 : memref<32xi32, #tpu.memory_space<vmem>>) semaphore(%arg23 : memref<!tpu.dma_semaphore, #tpu.memory_space<semaphore_mem>>)
    %dma_start3A_9 = arith.constant 0 : i32
    %dma_start3A_10 = arith.constant 0 : i32
    %dma_start3A_11 = tpu.memref_slice %arg6[%dma_start3A_9, %dma_start3A_10] : memref<1000000x64xf32, #tpu.memory_space<hbm>> -> memref<1000000x64xf32, #tpu.memory_space<hbm>>
    tpu.enqueue_indirect_dma source(%dma_start3A_11 : memref<1000000x64xf32, #tpu.memory_space<hbm>>) target(%arg17 : memref<32x64xf32, #tpu.memory_space<vmem>>) offsets(%arg11 : memref<32xi32, #tpu.memory_space<vmem>>) semaphore(%arg25 : memref<!tpu.dma_semaphore, #tpu.memory_space<semaphore_mem>>)
    %dma_start3A_12 = arith.constant 0 : i32
    %dma_start3A_13 = arith.constant 0 : i32
    %dma_start3A_14 = tpu.memref_slice %arg6[%dma_start3A_12, %dma_start3A_13] : memref<1000000x64xf32, #tpu.memory_space<hbm>> -> memref<1000000x64xf32, #tpu.memory_space<hbm>>
    tpu.enqueue_indirect_dma source(%dma_start3A_14 : memref<1000000x64xf32, #tpu.memory_space<hbm>>) target(%arg19 : memref<640x64xf32, #tpu.memory_space<vmem>>) offsets(%arg13 : memref<640xi32, #tpu.memory_space<vmem>>) semaphore(%arg27 : memref<!tpu.dma_semaphore, #tpu.memory_space<semaphore_mem>>)
    %add3A_15 = arith.constant 32 : i32
    %add3A_16 = arith.addi %mul3A_2, %add3A_15 : i32
    "tpu.region"() ({
      %run_scoped3A = tpu.sem_alloc : memref<!tpu.dma_semaphore, #tpu.memory_space<semaphore_mem>>
      %dma_start3A_33 = tpu.memref_slice %arg2[%add3A_16] : memref<16384xi32, #tpu.memory_space<hbm>> -> memref<32xi32, #tpu.memory_space<hbm>>
      %dma_start3A_34 = tpu.memref_slice %arg2[%add3A_16] : memref<16384xi32, #tpu.memory_space<hbm>> -> memref<32xi32, #tpu.memory_space<hbm>>
      tpu.enqueue_dma source(%dma_start3A_34 : memref<32xi32, #tpu.memory_space<hbm>>) target(%arg10 : memref<32xi32, #tpu.memory_space<vmem>>) target_semaphore(%run_scoped3A : memref<!tpu.dma_semaphore, #tpu.memory_space<semaphore_mem>>)
      %dma_wait3A = tpu.memref_slice %arg2[%add3A_16] : memref<16384xi32, #tpu.memory_space<hbm>> -> memref<32xi32, #tpu.memory_space<hbm>>
      %dma_wait3A_35 = tpu.memref_slice %arg2[%add3A_16] : memref<16384xi32, #tpu.memory_space<hbm>> -> memref<32xi32, #tpu.memory_space<hbm>>
      tpu.wait_dma2 semaphore(%run_scoped3A : memref<!tpu.dma_semaphore, #tpu.memory_space<semaphore_mem>>) src(%dma_wait3A_35 : memref<32xi32, #tpu.memory_space<hbm>>) dst(%arg10 : memref<32xi32, #tpu.memory_space<vmem>>)
      tpu.yield
    }) : () -> ()
    "tpu.region"() ({
      %run_scoped3A = tpu.sem_alloc : memref<!tpu.dma_semaphore, #tpu.memory_space<semaphore_mem>>
      %dma_start3A_33 = tpu.memref_slice %arg3[%add3A_16] : memref<16384xi32, #tpu.memory_space<hbm>> -> memref<32xi32, #tpu.memory_space<hbm>>
      %dma_start3A_34 = tpu.memref_slice %arg3[%add3A_16] : memref<16384xi32, #tpu.memory_space<hbm>> -> memref<32xi32, #tpu.memory_space<hbm>>
      tpu.enqueue_dma source(%dma_start3A_34 : memref<32xi32, #tpu.memory_space<hbm>>) target(%arg12 : memref<32xi32, #tpu.memory_space<vmem>>) target_semaphore(%run_scoped3A : memref<!tpu.dma_semaphore, #tpu.memory_space<semaphore_mem>>)
      %dma_wait3A = tpu.memref_slice %arg3[%add3A_16] : memref<16384xi32, #tpu.memory_space<hbm>> -> memref<32xi32, #tpu.memory_space<hbm>>
      %dma_wait3A_35 = tpu.memref_slice %arg3[%add3A_16] : memref<16384xi32, #tpu.memory_space<hbm>> -> memref<32xi32, #tpu.memory_space<hbm>>
      tpu.wait_dma2 semaphore(%run_scoped3A : memref<!tpu.dma_semaphore, #tpu.memory_space<semaphore_mem>>) src(%dma_wait3A_35 : memref<32xi32, #tpu.memory_space<hbm>>) dst(%arg12 : memref<32xi32, #tpu.memory_space<vmem>>)
      tpu.yield
    }) : () -> ()
    %mul3A_17 = arith.constant 20 : i32
    %mul3A_18 = arith.muli %add3A_16, %mul3A_17 : i32
    "tpu.region"() ({
      %run_scoped3A = tpu.sem_alloc : memref<!tpu.dma_semaphore, #tpu.memory_space<semaphore_mem>>
      %dma_start3A_33 = tpu.memref_slice %arg4[%mul3A_18] : memref<327680xi32, #tpu.memory_space<hbm>> -> memref<640xi32, #tpu.memory_space<hbm>>
      %dma_start3A_34 = tpu.memref_slice %arg4[%mul3A_18] : memref<327680xi32, #tpu.memory_space<hbm>> -> memref<640xi32, #tpu.memory_space<hbm>>
      tpu.enqueue_dma source(%dma_start3A_34 : memref<640xi32, #tpu.memory_space<hbm>>) target(%arg14 : memref<640xi32, #tpu.memory_space<vmem>>) target_semaphore(%run_scoped3A : memref<!tpu.dma_semaphore, #tpu.memory_space<semaphore_mem>>)
      %dma_wait3A = tpu.memref_slice %arg4[%mul3A_18] : memref<327680xi32, #tpu.memory_space<hbm>> -> memref<640xi32, #tpu.memory_space<hbm>>
      %dma_wait3A_35 = tpu.memref_slice %arg4[%mul3A_18] : memref<327680xi32, #tpu.memory_space<hbm>> -> memref<640xi32, #tpu.memory_space<hbm>>
      tpu.wait_dma2 semaphore(%run_scoped3A : memref<!tpu.dma_semaphore, #tpu.memory_space<semaphore_mem>>) src(%dma_wait3A_35 : memref<640xi32, #tpu.memory_space<hbm>>) dst(%arg14 : memref<640xi32, #tpu.memory_space<vmem>>)
      tpu.yield
    }) : () -> ()
    %dma_start3A_19 = arith.constant 0 : i32
    %dma_start3A_20 = arith.constant 0 : i32
    %dma_start3A_21 = tpu.memref_slice %arg5[%dma_start3A_19, %dma_start3A_20] : memref<1000000x64xf32, #tpu.memory_space<hbm>> -> memref<1000000x64xf32, #tpu.memory_space<hbm>>
    tpu.enqueue_indirect_dma source(%dma_start3A_21 : memref<1000000x64xf32, #tpu.memory_space<hbm>>) target(%arg16 : memref<32x64xf32, #tpu.memory_space<vmem>>) offsets(%arg10 : memref<32xi32, #tpu.memory_space<vmem>>) semaphore(%arg24 : memref<!tpu.dma_semaphore, #tpu.memory_space<semaphore_mem>>)
    %dma_start3A_22 = arith.constant 0 : i32
    %dma_start3A_23 = arith.constant 0 : i32
    %dma_start3A_24 = tpu.memref_slice %arg6[%dma_start3A_22, %dma_start3A_23] : memref<1000000x64xf32, #tpu.memory_space<hbm>> -> memref<1000000x64xf32, #tpu.memory_space<hbm>>
    tpu.enqueue_indirect_dma source(%dma_start3A_24 : memref<1000000x64xf32, #tpu.memory_space<hbm>>) target(%arg18 : memref<32x64xf32, #tpu.memory_space<vmem>>) offsets(%arg12 : memref<32xi32, #tpu.memory_space<vmem>>) semaphore(%arg26 : memref<!tpu.dma_semaphore, #tpu.memory_space<semaphore_mem>>)
    %dma_start3A_25 = arith.constant 0 : i32
    %dma_start3A_26 = arith.constant 0 : i32
    %dma_start3A_27 = tpu.memref_slice %arg6[%dma_start3A_25, %dma_start3A_26] : memref<1000000x64xf32, #tpu.memory_space<hbm>> -> memref<1000000x64xf32, #tpu.memory_space<hbm>>
    tpu.enqueue_indirect_dma source(%dma_start3A_27 : memref<1000000x64xf32, #tpu.memory_space<hbm>>) target(%arg20 : memref<640x64xf32, #tpu.memory_space<vmem>>) offsets(%arg14 : memref<640xi32, #tpu.memory_space<vmem>>) semaphore(%arg28 : memref<!tpu.dma_semaphore, #tpu.memory_space<semaphore_mem>>)
    %scan3A = arith.constant 0 : i32
    %scan3A_28 = arith.constant 0 : i32
    %scan3A_29 = arith.constant 8 : i32
    %scan3A_30 = arith.addi %scan3A_28, %scan3A_29 : i32
    %scan3A_31 = arith.constant 1 : i32
    scf.for %scan3A_33 = %scan3A_28 to %scan3A_30 step %scan3A_31  : i32 {
      %mul3A_34 = arith.constant 2 : i32
      %mul3A_35 = arith.muli %mul3A_34, %scan3A_33 : i32
      %add3A_36 = arith.constant 0 : i32
      %add3A_37 = arith.addi %mul3A_35, %add3A_36 : i32
      %mul3A_38 = arith.constant 32 : i32
      %mul3A_39 = arith.muli %add3A_37, %mul3A_38 : i32
      %add3A_40 = arith.addi %mul3A_2, %mul3A_39 : i32
      %dma_wait3A = arith.constant 0 : i32
      %dma_wait3A_41 = arith.constant 0 : i32
      %dma_wait3A_42 = tpu.memref_slice %arg5[%dma_wait3A, %dma_wait3A_41] : memref<1000000x64xf32, #tpu.memory_space<hbm>> -> memref<1000000x64xf32, #tpu.memory_space<hbm>>
      tpu.wait_indirect_dma semaphore(%arg23 : memref<!tpu.dma_semaphore, #tpu.memory_space<semaphore_mem>>) src(%dma_wait3A_42 : memref<1000000x64xf32, #tpu.memory_space<hbm>>) dst(%arg15 : memref<32x64xf32, #tpu.memory_space<vmem>>)
      %dma_wait3A_43 = arith.constant 0 : i32
      %dma_wait3A_44 = arith.constant 0 : i32
      %dma_wait3A_45 = tpu.memref_slice %arg6[%dma_wait3A_43, %dma_wait3A_44] : memref<1000000x64xf32, #tpu.memory_space<hbm>> -> memref<1000000x64xf32, #tpu.memory_space<hbm>>
      tpu.wait_indirect_dma semaphore(%arg25 : memref<!tpu.dma_semaphore, #tpu.memory_space<semaphore_mem>>) src(%dma_wait3A_45 : memref<1000000x64xf32, #tpu.memory_space<hbm>>) dst(%arg17 : memref<32x64xf32, #tpu.memory_space<vmem>>)
      %dma_wait3A_46 = arith.constant 0 : i32
      %dma_wait3A_47 = arith.constant 0 : i32
      %dma_wait3A_48 = tpu.memref_slice %arg6[%dma_wait3A_46, %dma_wait3A_47] : memref<1000000x64xf32, #tpu.memory_space<hbm>> -> memref<1000000x64xf32, #tpu.memory_space<hbm>>
      tpu.wait_indirect_dma semaphore(%arg27 : memref<!tpu.dma_semaphore, #tpu.memory_space<semaphore_mem>>) src(%dma_wait3A_48 : memref<1000000x64xf32, #tpu.memory_space<hbm>>) dst(%arg19 : memref<640x64xf32, #tpu.memory_space<vmem>>)
      %iota3A = tpu.iota {dimensions = array<i32: 0>} : vector<16xi32>
      %add3A_49 = arith.constant 0 : i32
      %add3A_50 = vector.broadcast %add3A_49 : i32 to vector<16xi32>
      %add3A_51 = arith.addi %iota3A, %add3A_50 : vector<16xi32>
      %mul3A_52 = arith.constant 20 : i32
      %mul3A_53 = vector.broadcast %mul3A_52 : i32 to vector<16xi32>
      %mul3A_54 = arith.muli %add3A_51, %mul3A_53 : vector<16xi32>
      %broadcast_in_dim3A = arith.constant 0.000000e+00 : f32
      %broadcast_in_dim3A_55 = vector.broadcast %broadcast_in_dim3A : f32 to vector<16xf32>
      %scan3A_56 = arith.constant 0 : i32
      %scan3A_57 = arith.constant 64 : i32
      %scan3A_58 = arith.addi %scan3A_56, %scan3A_57 : i32
      %scan3A_59 = arith.constant 2 : i32
      %scan3A_60:21 = scf.for %scan3A_540 = %scan3A_56 to %scan3A_58 step %scan3A_59 iter_args(%scan3A_541 = %broadcast_in_dim3A_55, %scan3A_542 = %broadcast_in_dim3A_55, %scan3A_543 = %broadcast_in_dim3A_55, %scan3A_544 = %broadcast_in_dim3A_55, %scan3A_545 = %broadcast_in_dim3A_55, %scan3A_546 = %broadcast_in_dim3A_55, %scan3A_547 = %broadcast_in_dim3A_55, %scan3A_548 = %broadcast_in_dim3A_55, %scan3A_549 = %broadcast_in_dim3A_55, %scan3A_550 = %broadcast_in_dim3A_55, %scan3A_551 = %broadcast_in_dim3A_55, %scan3A_552 = %broadcast_in_dim3A_55, %scan3A_553 = %broadcast_in_dim3A_55, %scan3A_554 = %broadcast_in_dim3A_55, %scan3A_555 = %broadcast_in_dim3A_55, %scan3A_556 = %broadcast_in_dim3A_55, %scan3A_557 = %broadcast_in_dim3A_55, %scan3A_558 = %broadcast_in_dim3A_55, %scan3A_559 = %broadcast_in_dim3A_55, %scan3A_560 = %broadcast_in_dim3A_55, %scan3A_561 = %broadcast_in_dim3A_55) -> (vector<16xf32>, vector<16xf32>, vector<16xf32>, vector<16xf32>, vector<16xf32>, vector<16xf32>, vector<16xf32>, vector<16xf32>, vector<16xf32>, vector<16xf32>, vector<16xf32>, vector<16xf32>, vector<16xf32>, vector<16xf32>, vector<16xf32>, vector<16xf32>, vector<16xf32>, vector<16xf32>, vector<16xf32>, vector<16xf32>, vector<16xf32>)  : i32 {
        %iota3A_562 = tpu.iota {dimensions = array<i32: 0>} : vector<16xi32>
        %add3A_563 = vector.broadcast %scan3A_540 : i32 to vector<16xi32>
        %add3A_564 = arith.addi %iota3A_562, %add3A_563 : vector<16xi32>
        %and3A = arith.constant 63 : i32
        %and3A_565 = vector.broadcast %and3A : i32 to vector<16xi32>
        %and3A_566 = arith.andi %add3A_564, %and3A_565 : vector<16xi32>
        %gather3A = tpu.vector_load_idx %arg15[%add3A_51, %and3A_566] : memref<32x64xf32, #tpu.memory_space<vmem>>[vector<16xi32>, vector<16xi32>], vector<16xf32>,
        %gather3A_567 = tpu.vector_load_idx %arg17[%add3A_51, %and3A_566] : memref<32x64xf32, #tpu.memory_space<vmem>>[vector<16xi32>, vector<16xi32>], vector<16xf32>,
        %mul3A_568 = arith.mulf %gather3A, %gather3A_567 : vector<16xf32>
        %add3A_569 = arith.addf %scan3A_541, %mul3A_568 : vector<16xf32>
        %add3A_570 = arith.constant 0 : i32
        %add3A_571 = vector.broadcast %add3A_570 : i32 to vector<16xi32>
        %add3A_572 = arith.addi %mul3A_54, %add3A_571 : vector<16xi32>
        %gather3A_573 = tpu.vector_load_idx %arg19[%add3A_572, %and3A_566] : memref<640x64xf32, #tpu.memory_space<vmem>>[vector<16xi32>, vector<16xi32>], vector<16xf32>,
        %mul3A_574 = arith.mulf %gather3A, %gather3A_573 : vector<16xf32>
        %add3A_575 = arith.addf %scan3A_542, %mul3A_574 : vector<16xf32>
        %add3A_576 = arith.constant 1 : i32
        %add3A_577 = vector.broadcast %add3A_576 : i32 to vector<16xi32>
        %add3A_578 = arith.addi %mul3A_54, %add3A_577 : vector<16xi32>
        %gather3A_579 = tpu.vector_load_idx %arg19[%add3A_578, %and3A_566] : memref<640x64xf32, #tpu.memory_space<vmem>>[vector<16xi32>, vector<16xi32>], vector<16xf32>,
        %mul3A_580 = arith.mulf %gather3A, %gather3A_579 : vector<16xf32>
        %add3A_581 = arith.addf %scan3A_543, %mul3A_580 : vector<16xf32>
        %add3A_582 = arith.constant 2 : i32
        %add3A_583 = vector.broadcast %add3A_582 : i32 to vector<16xi32>
        %add3A_584 = arith.addi %mul3A_54, %add3A_583 : vector<16xi32>
        %gather3A_585 = tpu.vector_load_idx %arg19[%add3A_584, %and3A_566] : memref<640x64xf32, #tpu.memory_space<vmem>>[vector<16xi32>, vector<16xi32>], vector<16xf32>,
        %mul3A_586 = arith.mulf %gather3A, %gather3A_585 : vector<16xf32>
        %add3A_587 = arith.addf %scan3A_544, %mul3A_586 : vector<16xf32>
        %add3A_588 = arith.constant 3 : i32
        %add3A_589 = vector.broadcast %add3A_588 : i32 to vector<16xi32>
        %add3A_590 = arith.addi %mul3A_54, %add3A_589 : vector<16xi32>
        %gather3A_591 = tpu.vector_load_idx %arg19[%add3A_590, %and3A_566] : memref<640x64xf32, #tpu.memory_space<vmem>>[vector<16xi32>, vector<16xi32>], vector<16xf32>,
        %mul3A_592 = arith.mulf %gather3A, %gather3A_591 : vector<16xf32>
        %add3A_593 = arith.addf %scan3A_545, %mul3A_592 : vector<16xf32>
        %add3A_594 = arith.constant 4 : i32
        %add3A_595 = vector.broadcast %add3A_594 : i32 to vector<16xi32>
        %add3A_596 = arith.addi %mul3A_54, %add3A_595 : vector<16xi32>
        %gather3A_597 = tpu.vector_load_idx %arg19[%add3A_596, %and3A_566] : memref<640x64xf32, #tpu.memory_space<vmem>>[vector<16xi32>, vector<16xi32>], vector<16xf32>,
        %mul3A_598 = arith.mulf %gather3A, %gather3A_597 : vector<16xf32>
        %add3A_599 = arith.addf %scan3A_546, %mul3A_598 : vector<16xf32>
        %add3A_600 = arith.constant 5 : i32
        %add3A_601 = vector.broadcast %add3A_600 : i32 to vector<16xi32>
        %add3A_602 = arith.addi %mul3A_54, %add3A_601 : vector<16xi32>
        %gather3A_603 = tpu.vector_load_idx %arg19[%add3A_602, %and3A_566] : memref<640x64xf32, #tpu.memory_space<vmem>>[vector<16xi32>, vector<16xi32>], vector<16xf32>,
        %mul3A_604 = arith.mulf %gather3A, %gather3A_603 : vector<16xf32>
        %add3A_605 = arith.addf %scan3A_547, %mul3A_604 : vector<16xf32>
        %add3A_606 = arith.constant 6 : i32
        %add3A_607 = vector.broadcast %add3A_606 : i32 to vector<16xi32>
        %add3A_608 = arith.addi %mul3A_54, %add3A_607 : vector<16xi32>
        %gather3A_609 = tpu.vector_load_idx %arg19[%add3A_608, %and3A_566] : memref<640x64xf32, #tpu.memory_space<vmem>>[vector<16xi32>, vector<16xi32>], vector<16xf32>,
        %mul3A_610 = arith.mulf %gather3A, %gather3A_609 : vector<16xf32>
        %add3A_611 = arith.addf %scan3A_548, %mul3A_610 : vector<16xf32>
        %add3A_612 = arith.constant 7 : i32
        %add3A_613 = vector.broadcast %add3A_612 : i32 to vector<16xi32>
        %add3A_614 = arith.addi %mul3A_54, %add3A_613 : vector<16xi32>
        %gather3A_615 = tpu.vector_load_idx %arg19[%add3A_614, %and3A_566] : memref<640x64xf32, #tpu.memory_space<vmem>>[vector<16xi32>, vector<16xi32>], vector<16xf32>,
        %mul3A_616 = arith.mulf %gather3A, %gather3A_615 : vector<16xf32>
        %add3A_617 = arith.addf %scan3A_549, %mul3A_616 : vector<16xf32>
        %add3A_618 = arith.constant 8 : i32
        %add3A_619 = vector.broadcast %add3A_618 : i32 to vector<16xi32>
        %add3A_620 = arith.addi %mul3A_54, %add3A_619 : vector<16xi32>
        %gather3A_621 = tpu.vector_load_idx %arg19[%add3A_620, %and3A_566] : memref<640x64xf32, #tpu.memory_space<vmem>>[vector<16xi32>, vector<16xi32>], vector<16xf32>,
        %mul3A_622 = arith.mulf %gather3A, %gather3A_621 : vector<16xf32>
        %add3A_623 = arith.addf %scan3A_550, %mul3A_622 : vector<16xf32>
        %add3A_624 = arith.constant 9 : i32
        %add3A_625 = vector.broadcast %add3A_624 : i32 to vector<16xi32>
        %add3A_626 = arith.addi %mul3A_54, %add3A_625 : vector<16xi32>
        %gather3A_627 = tpu.vector_load_idx %arg19[%add3A_626, %and3A_566] : memref<640x64xf32, #tpu.memory_space<vmem>>[vector<16xi32>, vector<16xi32>], vector<16xf32>,
        %mul3A_628 = arith.mulf %gather3A, %gather3A_627 : vector<16xf32>
        %add3A_629 = arith.addf %scan3A_551, %mul3A_628 : vector<16xf32>
        %add3A_630 = arith.constant 10 : i32
        %add3A_631 = vector.broadcast %add3A_630 : i32 to vector<16xi32>
        %add3A_632 = arith.addi %mul3A_54, %add3A_631 : vector<16xi32>
        %gather3A_633 = tpu.vector_load_idx %arg19[%add3A_632, %and3A_566] : memref<640x64xf32, #tpu.memory_space<vmem>>[vector<16xi32>, vector<16xi32>], vector<16xf32>,
        %mul3A_634 = arith.mulf %gather3A, %gather3A_633 : vector<16xf32>
        %add3A_635 = arith.addf %scan3A_552, %mul3A_634 : vector<16xf32>
        %add3A_636 = arith.constant 11 : i32
        %add3A_637 = vector.broadcast %add3A_636 : i32 to vector<16xi32>
        %add3A_638 = arith.addi %mul3A_54, %add3A_637 : vector<16xi32>
        %gather3A_639 = tpu.vector_load_idx %arg19[%add3A_638, %and3A_566] : memref<640x64xf32, #tpu.memory_space<vmem>>[vector<16xi32>, vector<16xi32>], vector<16xf32>,
        %mul3A_640 = arith.mulf %gather3A, %gather3A_639 : vector<16xf32>
        %add3A_641 = arith.addf %scan3A_553, %mul3A_640 : vector<16xf32>
        %add3A_642 = arith.constant 12 : i32
        %add3A_643 = vector.broadcast %add3A_642 : i32 to vector<16xi32>
        %add3A_644 = arith.addi %mul3A_54, %add3A_643 : vector<16xi32>
        %gather3A_645 = tpu.vector_load_idx %arg19[%add3A_644, %and3A_566] : memref<640x64xf32, #tpu.memory_space<vmem>>[vector<16xi32>, vector<16xi32>], vector<16xf32>,
        %mul3A_646 = arith.mulf %gather3A, %gather3A_645 : vector<16xf32>
        %add3A_647 = arith.addf %scan3A_554, %mul3A_646 : vector<16xf32>
        %add3A_648 = arith.constant 13 : i32
        %add3A_649 = vector.broadcast %add3A_648 : i32 to vector<16xi32>
        %add3A_650 = arith.addi %mul3A_54, %add3A_649 : vector<16xi32>
        %gather3A_651 = tpu.vector_load_idx %arg19[%add3A_650, %and3A_566] : memref<640x64xf32, #tpu.memory_space<vmem>>[vector<16xi32>, vector<16xi32>], vector<16xf32>,
        %mul3A_652 = arith.mulf %gather3A, %gather3A_651 : vector<16xf32>
        %add3A_653 = arith.addf %scan3A_555, %mul3A_652 : vector<16xf32>
        %add3A_654 = arith.constant 14 : i32
        %add3A_655 = vector.broadcast %add3A_654 : i32 to vector<16xi32>
        %add3A_656 = arith.addi %mul3A_54, %add3A_655 : vector<16xi32>
        %gather3A_657 = tpu.vector_load_idx %arg19[%add3A_656, %and3A_566] : memref<640x64xf32, #tpu.memory_space<vmem>>[vector<16xi32>, vector<16xi32>], vector<16xf32>,
        %mul3A_658 = arith.mulf %gather3A, %gather3A_657 : vector<16xf32>
        %add3A_659 = arith.addf %scan3A_556, %mul3A_658 : vector<16xf32>
        %add3A_660 = arith.constant 15 : i32
        %add3A_661 = vector.broadcast %add3A_660 : i32 to vector<16xi32>
        %add3A_662 = arith.addi %mul3A_54, %add3A_661 : vector<16xi32>
        %gather3A_663 = tpu.vector_load_idx %arg19[%add3A_662, %and3A_566] : memref<640x64xf32, #tpu.memory_space<vmem>>[vector<16xi32>, vector<16xi32>], vector<16xf32>,
        %mul3A_664 = arith.mulf %gather3A, %gather3A_663 : vector<16xf32>
        %add3A_665 = arith.addf %scan3A_557, %mul3A_664 : vector<16xf32>
        %add3A_666 = arith.constant 16 : i32
        %add3A_667 = vector.broadcast %add3A_666 : i32 to vector<16xi32>
        %add3A_668 = arith.addi %mul3A_54, %add3A_667 : vector<16xi32>
        %gather3A_669 = tpu.vector_load_idx %arg19[%add3A_668, %and3A_566] : memref<640x64xf32, #tpu.memory_space<vmem>>[vector<16xi32>, vector<16xi32>], vector<16xf32>,
        %mul3A_670 = arith.mulf %gather3A, %gather3A_669 : vector<16xf32>
        %add3A_671 = arith.addf %scan3A_558, %mul3A_670 : vector<16xf32>
        %add3A_672 = arith.constant 17 : i32
        %add3A_673 = vector.broadcast %add3A_672 : i32 to vector<16xi32>
        %add3A_674 = arith.addi %mul3A_54, %add3A_673 : vector<16xi32>
        %gather3A_675 = tpu.vector_load_idx %arg19[%add3A_674, %and3A_566] : memref<640x64xf32, #tpu.memory_space<vmem>>[vector<16xi32>, vector<16xi32>], vector<16xf32>,
        %mul3A_676 = arith.mulf %gather3A, %gather3A_675 : vector<16xf32>
        %add3A_677 = arith.addf %scan3A_559, %mul3A_676 : vector<16xf32>
        %add3A_678 = arith.constant 18 : i32
        %add3A_679 = vector.broadcast %add3A_678 : i32 to vector<16xi32>
        %add3A_680 = arith.addi %mul3A_54, %add3A_679 : vector<16xi32>
        %gather3A_681 = tpu.vector_load_idx %arg19[%add3A_680, %and3A_566] : memref<640x64xf32, #tpu.memory_space<vmem>>[vector<16xi32>, vector<16xi32>], vector<16xf32>,
        %mul3A_682 = arith.mulf %gather3A, %gather3A_681 : vector<16xf32>
        %add3A_683 = arith.addf %scan3A_560, %mul3A_682 : vector<16xf32>
        %add3A_684 = arith.constant 19 : i32
        %add3A_685 = vector.broadcast %add3A_684 : i32 to vector<16xi32>
        %add3A_686 = arith.addi %mul3A_54, %add3A_685 : vector<16xi32>
        %gather3A_687 = tpu.vector_load_idx %arg19[%add3A_686, %and3A_566] : memref<640x64xf32, #tpu.memory_space<vmem>>[vector<16xi32>, vector<16xi32>], vector<16xf32>,
        %mul3A_688 = arith.mulf %gather3A, %gather3A_687 : vector<16xf32>
        %add3A_689 = arith.addf %scan3A_561, %mul3A_688 : vector<16xf32>
        %scan3A_690 = arith.constant 1 : i32
        %scan3A_691 = arith.addi %scan3A_540, %scan3A_690 : i32
        %iota3A_692 = tpu.iota {dimensions = array<i32: 0>} : vector<16xi32>
        %add3A_693 = vector.broadcast %scan3A_691 : i32 to vector<16xi32>
        %add3A_694 = arith.addi %iota3A_692, %add3A_693 : vector<16xi32>
        %and3A_695 = arith.constant 63 : i32
        %and3A_696 = vector.broadcast %and3A_695 : i32 to vector<16xi32>
        %and3A_697 = arith.andi %add3A_694, %and3A_696 : vector<16xi32>
        %gather3A_698 = tpu.vector_load_idx %arg15[%add3A_51, %and3A_697] : memref<32x64xf32, #tpu.memory_space<vmem>>[vector<16xi32>, vector<16xi32>], vector<16xf32>,
        %gather3A_699 = tpu.vector_load_idx %arg17[%add3A_51, %and3A_697] : memref<32x64xf32, #tpu.memory_space<vmem>>[vector<16xi32>, vector<16xi32>], vector<16xf32>,
        %mul3A_700 = arith.mulf %gather3A_698, %gather3A_699 : vector<16xf32>
        %add3A_701 = arith.addf %add3A_569, %mul3A_700 : vector<16xf32>
        %add3A_702 = arith.constant 0 : i32
        %add3A_703 = vector.broadcast %add3A_702 : i32 to vector<16xi32>
        %add3A_704 = arith.addi %mul3A_54, %add3A_703 : vector<16xi32>
        %gather3A_705 = tpu.vector_load_idx %arg19[%add3A_704, %and3A_697] : memref<640x64xf32, #tpu.memory_space<vmem>>[vector<16xi32>, vector<16xi32>], vector<16xf32>,
        %mul3A_706 = arith.mulf %gather3A_698, %gather3A_705 : vector<16xf32>
        %add3A_707 = arith.addf %add3A_575, %mul3A_706 : vector<16xf32>
        %add3A_708 = arith.constant 1 : i32
        %add3A_709 = vector.broadcast %add3A_708 : i32 to vector<16xi32>
        %add3A_710 = arith.addi %mul3A_54, %add3A_709 : vector<16xi32>
        %gather3A_711 = tpu.vector_load_idx %arg19[%add3A_710, %and3A_697] : memref<640x64xf32, #tpu.memory_space<vmem>>[vector<16xi32>, vector<16xi32>], vector<16xf32>,
        %mul3A_712 = arith.mulf %gather3A_698, %gather3A_711 : vector<16xf32>
        %add3A_713 = arith.addf %add3A_581, %mul3A_712 : vector<16xf32>
        %add3A_714 = arith.constant 2 : i32
        %add3A_715 = vector.broadcast %add3A_714 : i32 to vector<16xi32>
        %add3A_716 = arith.addi %mul3A_54, %add3A_715 : vector<16xi32>
        %gather3A_717 = tpu.vector_load_idx %arg19[%add3A_716, %and3A_697] : memref<640x64xf32, #tpu.memory_space<vmem>>[vector<16xi32>, vector<16xi32>], vector<16xf32>,
        %mul3A_718 = arith.mulf %gather3A_698, %gather3A_717 : vector<16xf32>
        %add3A_719 = arith.addf %add3A_587, %mul3A_718 : vector<16xf32>
        %add3A_720 = arith.constant 3 : i32
        %add3A_721 = vector.broadcast %add3A_720 : i32 to vector<16xi32>
        %add3A_722 = arith.addi %mul3A_54, %add3A_721 : vector<16xi32>
        %gather3A_723 = tpu.vector_load_idx %arg19[%add3A_722, %and3A_697] : memref<640x64xf32, #tpu.memory_space<vmem>>[vector<16xi32>, vector<16xi32>], vector<16xf32>,
        %mul3A_724 = arith.mulf %gather3A_698, %gather3A_723 : vector<16xf32>
        %add3A_725 = arith.addf %add3A_593, %mul3A_724 : vector<16xf32>
        %add3A_726 = arith.constant 4 : i32
        %add3A_727 = vector.broadcast %add3A_726 : i32 to vector<16xi32>
        %add3A_728 = arith.addi %mul3A_54, %add3A_727 : vector<16xi32>
        %gather3A_729 = tpu.vector_load_idx %arg19[%add3A_728, %and3A_697] : memref<640x64xf32, #tpu.memory_space<vmem>>[vector<16xi32>, vector<16xi32>], vector<16xf32>,
        %mul3A_730 = arith.mulf %gather3A_698, %gather3A_729 : vector<16xf32>
        %add3A_731 = arith.addf %add3A_599, %mul3A_730 : vector<16xf32>
        %add3A_732 = arith.constant 5 : i32
        %add3A_733 = vector.broadcast %add3A_732 : i32 to vector<16xi32>
        %add3A_734 = arith.addi %mul3A_54, %add3A_733 : vector<16xi32>
        %gather3A_735 = tpu.vector_load_idx %arg19[%add3A_734, %and3A_697] : memref<640x64xf32, #tpu.memory_space<vmem>>[vector<16xi32>, vector<16xi32>], vector<16xf32>,
        %mul3A_736 = arith.mulf %gather3A_698, %gather3A_735 : vector<16xf32>
        %add3A_737 = arith.addf %add3A_605, %mul3A_736 : vector<16xf32>
        %add3A_738 = arith.constant 6 : i32
        %add3A_739 = vector.broadcast %add3A_738 : i32 to vector<16xi32>
        %add3A_740 = arith.addi %mul3A_54, %add3A_739 : vector<16xi32>
        %gather3A_741 = tpu.vector_load_idx %arg19[%add3A_740, %and3A_697] : memref<640x64xf32, #tpu.memory_space<vmem>>[vector<16xi32>, vector<16xi32>], vector<16xf32>,
        %mul3A_742 = arith.mulf %gather3A_698, %gather3A_741 : vector<16xf32>
        %add3A_743 = arith.addf %add3A_611, %mul3A_742 : vector<16xf32>
        %add3A_744 = arith.constant 7 : i32
        %add3A_745 = vector.broadcast %add3A_744 : i32 to vector<16xi32>
        %add3A_746 = arith.addi %mul3A_54, %add3A_745 : vector<16xi32>
        %gather3A_747 = tpu.vector_load_idx %arg19[%add3A_746, %and3A_697] : memref<640x64xf32, #tpu.memory_space<vmem>>[vector<16xi32>, vector<16xi32>], vector<16xf32>,
        %mul3A_748 = arith.mulf %gather3A_698, %gather3A_747 : vector<16xf32>
        %add3A_749 = arith.addf %add3A_617, %mul3A_748 : vector<16xf32>
        %add3A_750 = arith.constant 8 : i32
        %add3A_751 = vector.broadcast %add3A_750 : i32 to vector<16xi32>
        %add3A_752 = arith.addi %mul3A_54, %add3A_751 : vector<16xi32>
        %gather3A_753 = tpu.vector_load_idx %arg19[%add3A_752, %and3A_697] : memref<640x64xf32, #tpu.memory_space<vmem>>[vector<16xi32>, vector<16xi32>], vector<16xf32>,
        %mul3A_754 = arith.mulf %gather3A_698, %gather3A_753 : vector<16xf32>
        %add3A_755 = arith.addf %add3A_623, %mul3A_754 : vector<16xf32>
        %add3A_756 = arith.constant 9 : i32
        %add3A_757 = vector.broadcast %add3A_756 : i32 to vector<16xi32>
        %add3A_758 = arith.addi %mul3A_54, %add3A_757 : vector<16xi32>
        %gather3A_759 = tpu.vector_load_idx %arg19[%add3A_758, %and3A_697] : memref<640x64xf32, #tpu.memory_space<vmem>>[vector<16xi32>, vector<16xi32>], vector<16xf32>,
        %mul3A_760 = arith.mulf %gather3A_698, %gather3A_759 : vector<16xf32>
        %add3A_761 = arith.addf %add3A_629, %mul3A_760 : vector<16xf32>
        %add3A_762 = arith.constant 10 : i32
        %add3A_763 = vector.broadcast %add3A_762 : i32 to vector<16xi32>
        %add3A_764 = arith.addi %mul3A_54, %add3A_763 : vector<16xi32>
        %gather3A_765 = tpu.vector_load_idx %arg19[%add3A_764, %and3A_697] : memref<640x64xf32, #tpu.memory_space<vmem>>[vector<16xi32>, vector<16xi32>], vector<16xf32>,
        %mul3A_766 = arith.mulf %gather3A_698, %gather3A_765 : vector<16xf32>
        %add3A_767 = arith.addf %add3A_635, %mul3A_766 : vector<16xf32>
        %add3A_768 = arith.constant 11 : i32
        %add3A_769 = vector.broadcast %add3A_768 : i32 to vector<16xi32>
        %add3A_770 = arith.addi %mul3A_54, %add3A_769 : vector<16xi32>
        %gather3A_771 = tpu.vector_load_idx %arg19[%add3A_770, %and3A_697] : memref<640x64xf32, #tpu.memory_space<vmem>>[vector<16xi32>, vector<16xi32>], vector<16xf32>,
        %mul3A_772 = arith.mulf %gather3A_698, %gather3A_771 : vector<16xf32>
        %add3A_773 = arith.addf %add3A_641, %mul3A_772 : vector<16xf32>
        %add3A_774 = arith.constant 12 : i32
        %add3A_775 = vector.broadcast %add3A_774 : i32 to vector<16xi32>
        %add3A_776 = arith.addi %mul3A_54, %add3A_775 : vector<16xi32>
        %gather3A_777 = tpu.vector_load_idx %arg19[%add3A_776, %and3A_697] : memref<640x64xf32, #tpu.memory_space<vmem>>[vector<16xi32>, vector<16xi32>], vector<16xf32>,
        %mul3A_778 = arith.mulf %gather3A_698, %gather3A_777 : vector<16xf32>
        %add3A_779 = arith.addf %add3A_647, %mul3A_778 : vector<16xf32>
        %add3A_780 = arith.constant 13 : i32
        %add3A_781 = vector.broadcast %add3A_780 : i32 to vector<16xi32>
        %add3A_782 = arith.addi %mul3A_54, %add3A_781 : vector<16xi32>
        %gather3A_783 = tpu.vector_load_idx %arg19[%add3A_782, %and3A_697] : memref<640x64xf32, #tpu.memory_space<vmem>>[vector<16xi32>, vector<16xi32>], vector<16xf32>,
        %mul3A_784 = arith.mulf %gather3A_698, %gather3A_783 : vector<16xf32>
        %add3A_785 = arith.addf %add3A_653, %mul3A_784 : vector<16xf32>
        %add3A_786 = arith.constant 14 : i32
        %add3A_787 = vector.broadcast %add3A_786 : i32 to vector<16xi32>
        %add3A_788 = arith.addi %mul3A_54, %add3A_787 : vector<16xi32>
        %gather3A_789 = tpu.vector_load_idx %arg19[%add3A_788, %and3A_697] : memref<640x64xf32, #tpu.memory_space<vmem>>[vector<16xi32>, vector<16xi32>], vector<16xf32>,
        %mul3A_790 = arith.mulf %gather3A_698, %gather3A_789 : vector<16xf32>
        %add3A_791 = arith.addf %add3A_659, %mul3A_790 : vector<16xf32>
        %add3A_792 = arith.constant 15 : i32
        %add3A_793 = vector.broadcast %add3A_792 : i32 to vector<16xi32>
        %add3A_794 = arith.addi %mul3A_54, %add3A_793 : vector<16xi32>
        %gather3A_795 = tpu.vector_load_idx %arg19[%add3A_794, %and3A_697] : memref<640x64xf32, #tpu.memory_space<vmem>>[vector<16xi32>, vector<16xi32>], vector<16xf32>,
        %mul3A_796 = arith.mulf %gather3A_698, %gather3A_795 : vector<16xf32>
        %add3A_797 = arith.addf %add3A_665, %mul3A_796 : vector<16xf32>
        %add3A_798 = arith.constant 16 : i32
        %add3A_799 = vector.broadcast %add3A_798 : i32 to vector<16xi32>
        %add3A_800 = arith.addi %mul3A_54, %add3A_799 : vector<16xi32>
        %gather3A_801 = tpu.vector_load_idx %arg19[%add3A_800, %and3A_697] : memref<640x64xf32, #tpu.memory_space<vmem>>[vector<16xi32>, vector<16xi32>], vector<16xf32>,
        %mul3A_802 = arith.mulf %gather3A_698, %gather3A_801 : vector<16xf32>
        %add3A_803 = arith.addf %add3A_671, %mul3A_802 : vector<16xf32>
        %add3A_804 = arith.constant 17 : i32
        %add3A_805 = vector.broadcast %add3A_804 : i32 to vector<16xi32>
        %add3A_806 = arith.addi %mul3A_54, %add3A_805 : vector<16xi32>
        %gather3A_807 = tpu.vector_load_idx %arg19[%add3A_806, %and3A_697] : memref<640x64xf32, #tpu.memory_space<vmem>>[vector<16xi32>, vector<16xi32>], vector<16xf32>,
        %mul3A_808 = arith.mulf %gather3A_698, %gather3A_807 : vector<16xf32>
        %add3A_809 = arith.addf %add3A_677, %mul3A_808 : vector<16xf32>
        %add3A_810 = arith.constant 18 : i32
        %add3A_811 = vector.broadcast %add3A_810 : i32 to vector<16xi32>
        %add3A_812 = arith.addi %mul3A_54, %add3A_811 : vector<16xi32>
        %gather3A_813 = tpu.vector_load_idx %arg19[%add3A_812, %and3A_697] : memref<640x64xf32, #tpu.memory_space<vmem>>[vector<16xi32>, vector<16xi32>], vector<16xf32>,
        %mul3A_814 = arith.mulf %gather3A_698, %gather3A_813 : vector<16xf32>
        %add3A_815 = arith.addf %add3A_683, %mul3A_814 : vector<16xf32>
        %add3A_816 = arith.constant 19 : i32
        %add3A_817 = vector.broadcast %add3A_816 : i32 to vector<16xi32>
        %add3A_818 = arith.addi %mul3A_54, %add3A_817 : vector<16xi32>
        %gather3A_819 = tpu.vector_load_idx %arg19[%add3A_818, %and3A_697] : memref<640x64xf32, #tpu.memory_space<vmem>>[vector<16xi32>, vector<16xi32>], vector<16xf32>,
        %mul3A_820 = arith.mulf %gather3A_698, %gather3A_819 : vector<16xf32>
        %add3A_821 = arith.addf %add3A_689, %mul3A_820 : vector<16xf32>
        scf.yield %add3A_701, %add3A_707, %add3A_713, %add3A_719, %add3A_725, %add3A_731, %add3A_737, %add3A_743, %add3A_749, %add3A_755, %add3A_761, %add3A_767, %add3A_773, %add3A_779, %add3A_785, %add3A_791, %add3A_797, %add3A_803, %add3A_809, %add3A_815, %add3A_821 : vector<16xf32>, vector<16xf32>, vector<16xf32>, vector<16xf32>, vector<16xf32>, vector<16xf32>, vector<16xf32>, vector<16xf32>, vector<16xf32>, vector<16xf32>, vector<16xf32>, vector<16xf32>, vector<16xf32>, vector<16xf32>, vector<16xf32>, vector<16xf32>, vector<16xf32>, vector<16xf32>, vector<16xf32>, vector<16xf32>, vector<16xf32>
      }
      %scan3A_61 = arith.constant 64 : i32
      %swap3A = arith.constant 0 : index
      %swap3A_62 = tpu.vector_load %arg21[%swap3A] {strides = array<i32>} : memref<32xf32, #tpu.memory_space<vmem>>, vector<16xf32>,
      tpu.vector_store %arg21[%swap3A], %scan3A_60#0 {strides = array<i32>} : memref<32xf32, #tpu.memory_space<vmem>>, vector<16xf32>,
      %swap3A_63 = arith.constant 0 : i32
      %swap3A_64 = arith.index_cast %swap3A_63 : i32 to index
      %swap3A_65 = arith.constant 0 : index
      %swap3A_66 = tpu.vector_load %arg22[%swap3A_64, %swap3A_65] {strides = array<i32>} : memref<20x32xf32, #tpu.memory_space<vmem>>, vector<16xf32>,
      tpu.vector_store %arg22[%swap3A_64, %swap3A_65], %scan3A_60#1 {strides = array<i32>} : memref<20x32xf32, #tpu.memory_space<vmem>>, vector<16xf32>,
      %swap3A_67 = arith.constant 1 : i32
      %swap3A_68 = arith.index_cast %swap3A_67 : i32 to index
      %swap3A_69 = arith.constant 0 : index
      %swap3A_70 = tpu.vector_load %arg22[%swap3A_68, %swap3A_69] {strides = array<i32>} : memref<20x32xf32, #tpu.memory_space<vmem>>, vector<16xf32>,
      tpu.vector_store %arg22[%swap3A_68, %swap3A_69], %scan3A_60#2 {strides = array<i32>} : memref<20x32xf32, #tpu.memory_space<vmem>>, vector<16xf32>,
      %swap3A_71 = arith.constant 2 : i32
      %swap3A_72 = arith.index_cast %swap3A_71 : i32 to index
      %swap3A_73 = arith.constant 0 : index
      %swap3A_74 = tpu.vector_load %arg22[%swap3A_72, %swap3A_73] {strides = array<i32>} : memref<20x32xf32, #tpu.memory_space<vmem>>, vector<16xf32>,
      tpu.vector_store %arg22[%swap3A_72, %swap3A_73], %scan3A_60#3 {strides = array<i32>} : memref<20x32xf32, #tpu.memory_space<vmem>>, vector<16xf32>,
      %swap3A_75 = arith.constant 3 : i32
      %swap3A_76 = arith.index_cast %swap3A_75 : i32 to index
      %swap3A_77 = arith.constant 0 : index
      %swap3A_78 = tpu.vector_load %arg22[%swap3A_76, %swap3A_77] {strides = array<i32>} : memref<20x32xf32, #tpu.memory_space<vmem>>, vector<16xf32>,
      tpu.vector_store %arg22[%swap3A_76, %swap3A_77], %scan3A_60#4 {strides = array<i32>} : memref<20x32xf32, #tpu.memory_space<vmem>>, vector<16xf32>,
      %swap3A_79 = arith.constant 4 : i32
      %swap3A_80 = arith.index_cast %swap3A_79 : i32 to index
      %swap3A_81 = arith.constant 0 : index
      %swap3A_82 = tpu.vector_load %arg22[%swap3A_80, %swap3A_81] {strides = array<i32>} : memref<20x32xf32, #tpu.memory_space<vmem>>, vector<16xf32>,
      tpu.vector_store %arg22[%swap3A_80, %swap3A_81], %scan3A_60#5 {strides = array<i32>} : memref<20x32xf32, #tpu.memory_space<vmem>>, vector<16xf32>,
      %swap3A_83 = arith.constant 5 : i32
      %swap3A_84 = arith.index_cast %swap3A_83 : i32 to index
      %swap3A_85 = arith.constant 0 : index
      %swap3A_86 = tpu.vector_load %arg22[%swap3A_84, %swap3A_85] {strides = array<i32>} : memref<20x32xf32, #tpu.memory_space<vmem>>, vector<16xf32>,
      tpu.vector_store %arg22[%swap3A_84, %swap3A_85], %scan3A_60#6 {strides = array<i32>} : memref<20x32xf32, #tpu.memory_space<vmem>>, vector<16xf32>,
      %swap3A_87 = arith.constant 6 : i32
      %swap3A_88 = arith.index_cast %swap3A_87 : i32 to index
      %swap3A_89 = arith.constant 0 : index
      %swap3A_90 = tpu.vector_load %arg22[%swap3A_88, %swap3A_89] {strides = array<i32>} : memref<20x32xf32, #tpu.memory_space<vmem>>, vector<16xf32>,
      tpu.vector_store %arg22[%swap3A_88, %swap3A_89], %scan3A_60#7 {strides = array<i32>} : memref<20x32xf32, #tpu.memory_space<vmem>>, vector<16xf32>,
      %swap3A_91 = arith.constant 7 : i32
      %swap3A_92 = arith.index_cast %swap3A_91 : i32 to index
      %swap3A_93 = arith.constant 0 : index
      %swap3A_94 = tpu.vector_load %arg22[%swap3A_92, %swap3A_93] {strides = array<i32>} : memref<20x32xf32, #tpu.memory_space<vmem>>, vector<16xf32>,
      tpu.vector_store %arg22[%swap3A_92, %swap3A_93], %scan3A_60#8 {strides = array<i32>} : memref<20x32xf32, #tpu.memory_space<vmem>>, vector<16xf32>,
      %swap3A_95 = arith.constant 8 : i32
      %swap3A_96 = arith.index_cast %swap3A_95 : i32 to index
      %swap3A_97 = arith.constant 0 : index
      %swap3A_98 = tpu.vector_load %arg22[%swap3A_96, %swap3A_97] {strides = array<i32>} : memref<20x32xf32, #tpu.memory_space<vmem>>, vector<16xf32>,
      tpu.vector_store %arg22[%swap3A_96, %swap3A_97], %scan3A_60#9 {strides = array<i32>} : memref<20x32xf32, #tpu.memory_space<vmem>>, vector<16xf32>,
      %swap3A_99 = arith.constant 9 : i32
      %swap3A_100 = arith.index_cast %swap3A_99 : i32 to index
      %swap3A_101 = arith.constant 0 : index
      %swap3A_102 = tpu.vector_load %arg22[%swap3A_100, %swap3A_101] {strides = array<i32>} : memref<20x32xf32, #tpu.memory_space<vmem>>, vector<16xf32>,
      tpu.vector_store %arg22[%swap3A_100, %swap3A_101], %scan3A_60#10 {strides = array<i32>} : memref<20x32xf32, #tpu.memory_space<vmem>>, vector<16xf32>,
      %swap3A_103 = arith.constant 10 : i32
      %swap3A_104 = arith.index_cast %swap3A_103 : i32 to index
      %swap3A_105 = arith.constant 0 : index
      %swap3A_106 = tpu.vector_load %arg22[%swap3A_104, %swap3A_105] {strides = array<i32>} : memref<20x32xf32, #tpu.memory_space<vmem>>, vector<16xf32>,
      tpu.vector_store %arg22[%swap3A_104, %swap3A_105], %scan3A_60#11 {strides = array<i32>} : memref<20x32xf32, #tpu.memory_space<vmem>>, vector<16xf32>,
      %swap3A_107 = arith.constant 11 : i32
      %swap3A_108 = arith.index_cast %swap3A_107 : i32 to index
      %swap3A_109 = arith.constant 0 : index
      %swap3A_110 = tpu.vector_load %arg22[%swap3A_108, %swap3A_109] {strides = array<i32>} : memref<20x32xf32, #tpu.memory_space<vmem>>, vector<16xf32>,
      tpu.vector_store %arg22[%swap3A_108, %swap3A_109], %scan3A_60#12 {strides = array<i32>} : memref<20x32xf32, #tpu.memory_space<vmem>>, vector<16xf32>,
      %swap3A_111 = arith.constant 12 : i32
      %swap3A_112 = arith.index_cast %swap3A_111 : i32 to index
      %swap3A_113 = arith.constant 0 : index
      %swap3A_114 = tpu.vector_load %arg22[%swap3A_112, %swap3A_113] {strides = array<i32>} : memref<20x32xf32, #tpu.memory_space<vmem>>, vector<16xf32>,
      tpu.vector_store %arg22[%swap3A_112, %swap3A_113], %scan3A_60#13 {strides = array<i32>} : memref<20x32xf32, #tpu.memory_space<vmem>>, vector<16xf32>,
      %swap3A_115 = arith.constant 13 : i32
      %swap3A_116 = arith.index_cast %swap3A_115 : i32 to index
      %swap3A_117 = arith.constant 0 : index
      %swap3A_118 = tpu.vector_load %arg22[%swap3A_116, %swap3A_117] {strides = array<i32>} : memref<20x32xf32, #tpu.memory_space<vmem>>, vector<16xf32>,
      tpu.vector_store %arg22[%swap3A_116, %swap3A_117], %scan3A_60#14 {strides = array<i32>} : memref<20x32xf32, #tpu.memory_space<vmem>>, vector<16xf32>,
      %swap3A_119 = arith.constant 14 : i32
      %swap3A_120 = arith.index_cast %swap3A_119 : i32 to index
      %swap3A_121 = arith.constant 0 : index
      %swap3A_122 = tpu.vector_load %arg22[%swap3A_120, %swap3A_121] {strides = array<i32>} : memref<20x32xf32, #tpu.memory_space<vmem>>, vector<16xf32>,
      tpu.vector_store %arg22[%swap3A_120, %swap3A_121], %scan3A_60#15 {strides = array<i32>} : memref<20x32xf32, #tpu.memory_space<vmem>>, vector<16xf32>,
      %swap3A_123 = arith.constant 15 : i32
      %swap3A_124 = arith.index_cast %swap3A_123 : i32 to index
      %swap3A_125 = arith.constant 0 : index
      %swap3A_126 = tpu.vector_load %arg22[%swap3A_124, %swap3A_125] {strides = array<i32>} : memref<20x32xf32, #tpu.memory_space<vmem>>, vector<16xf32>,
      tpu.vector_store %arg22[%swap3A_124, %swap3A_125], %scan3A_60#16 {strides = array<i32>} : memref<20x32xf32, #tpu.memory_space<vmem>>, vector<16xf32>,
      %swap3A_127 = arith.constant 16 : i32
      %swap3A_128 = arith.index_cast %swap3A_127 : i32 to index
      %swap3A_129 = arith.constant 0 : index
      %swap3A_130 = tpu.vector_load %arg22[%swap3A_128, %swap3A_129] {strides = array<i32>} : memref<20x32xf32, #tpu.memory_space<vmem>>, vector<16xf32>,
      tpu.vector_store %arg22[%swap3A_128, %swap3A_129], %scan3A_60#17 {strides = array<i32>} : memref<20x32xf32, #tpu.memory_space<vmem>>, vector<16xf32>,
      %swap3A_131 = arith.constant 17 : i32
      %swap3A_132 = arith.index_cast %swap3A_131 : i32 to index
      %swap3A_133 = arith.constant 0 : index
      %swap3A_134 = tpu.vector_load %arg22[%swap3A_132, %swap3A_133] {strides = array<i32>} : memref<20x32xf32, #tpu.memory_space<vmem>>, vector<16xf32>,
      tpu.vector_store %arg22[%swap3A_132, %swap3A_133], %scan3A_60#18 {strides = array<i32>} : memref<20x32xf32, #tpu.memory_space<vmem>>, vector<16xf32>,
      %swap3A_135 = arith.constant 18 : i32
      %swap3A_136 = arith.index_cast %swap3A_135 : i32 to index
      %swap3A_137 = arith.constant 0 : index
      %swap3A_138 = tpu.vector_load %arg22[%swap3A_136, %swap3A_137] {strides = array<i32>} : memref<20x32xf32, #tpu.memory_space<vmem>>, vector<16xf32>,
      tpu.vector_store %arg22[%swap3A_136, %swap3A_137], %scan3A_60#19 {strides = array<i32>} : memref<20x32xf32, #tpu.memory_space<vmem>>, vector<16xf32>,
      %swap3A_139 = arith.constant 19 : i32
      %swap3A_140 = arith.index_cast %swap3A_139 : i32 to index
      %swap3A_141 = arith.constant 0 : index
      %swap3A_142 = tpu.vector_load %arg22[%swap3A_140, %swap3A_141] {strides = array<i32>} : memref<20x32xf32, #tpu.memory_space<vmem>>, vector<16xf32>,
      tpu.vector_store %arg22[%swap3A_140, %swap3A_141], %scan3A_60#20 {strides = array<i32>} : memref<20x32xf32, #tpu.memory_space<vmem>>, vector<16xf32>,
      %iota3A_143 = tpu.iota {dimensions = array<i32: 0>} : vector<16xi32>
      %add3A_144 = arith.constant 16 : i32
      %add3A_145 = vector.broadcast %add3A_144 : i32 to vector<16xi32>
      %add3A_146 = arith.addi %iota3A_143, %add3A_145 : vector<16xi32>
      %mul3A_147 = arith.constant 20 : i32
      %mul3A_148 = vector.broadcast %mul3A_147 : i32 to vector<16xi32>
      %mul3A_149 = arith.muli %add3A_146, %mul3A_148 : vector<16xi32>
      %broadcast_in_dim3A_150 = arith.constant 0.000000e+00 : f32
      %broadcast_in_dim3A_151 = vector.broadcast %broadcast_in_dim3A_150 : f32 to vector<16xf32>
      %scan3A_152 = arith.constant 0 : i32
      %scan3A_153 = arith.constant 64 : i32
      %scan3A_154 = arith.addi %scan3A_152, %scan3A_153 : i32
      %scan3A_155 = arith.constant 2 : i32
      %scan3A_156:21 = scf.for %scan3A_540 = %scan3A_152 to %scan3A_154 step %scan3A_155 iter_args(%scan3A_541 = %broadcast_in_dim3A_151, %scan3A_542 = %broadcast_in_dim3A_151, %scan3A_543 = %broadcast_in_dim3A_151, %scan3A_544 = %broadcast_in_dim3A_151, %scan3A_545 = %broadcast_in_dim3A_151, %scan3A_546 = %broadcast_in_dim3A_151, %scan3A_547 = %broadcast_in_dim3A_151, %scan3A_548 = %broadcast_in_dim3A_151, %scan3A_549 = %broadcast_in_dim3A_151, %scan3A_550 = %broadcast_in_dim3A_151, %scan3A_551 = %broadcast_in_dim3A_151, %scan3A_552 = %broadcast_in_dim3A_151, %scan3A_553 = %broadcast_in_dim3A_151, %scan3A_554 = %broadcast_in_dim3A_151, %scan3A_555 = %broadcast_in_dim3A_151, %scan3A_556 = %broadcast_in_dim3A_151, %scan3A_557 = %broadcast_in_dim3A_151, %scan3A_558 = %broadcast_in_dim3A_151, %scan3A_559 = %broadcast_in_dim3A_151, %scan3A_560 = %broadcast_in_dim3A_151, %scan3A_561 = %broadcast_in_dim3A_151) -> (vector<16xf32>, vector<16xf32>, vector<16xf32>, vector<16xf32>, vector<16xf32>, vector<16xf32>, vector<16xf32>, vector<16xf32>, vector<16xf32>, vector<16xf32>, vector<16xf32>, vector<16xf32>, vector<16xf32>, vector<16xf32>, vector<16xf32>, vector<16xf32>, vector<16xf32>, vector<16xf32>, vector<16xf32>, vector<16xf32>, vector<16xf32>)  : i32 {
        %iota3A_562 = tpu.iota {dimensions = array<i32: 0>} : vector<16xi32>
        %add3A_563 = vector.broadcast %scan3A_540 : i32 to vector<16xi32>
        %add3A_564 = arith.addi %iota3A_562, %add3A_563 : vector<16xi32>
        %and3A = arith.constant 63 : i32
        %and3A_565 = vector.broadcast %and3A : i32 to vector<16xi32>
        %and3A_566 = arith.andi %add3A_564, %and3A_565 : vector<16xi32>
        %gather3A = tpu.vector_load_idx %arg15[%add3A_146, %and3A_566] : memref<32x64xf32, #tpu.memory_space<vmem>>[vector<16xi32>, vector<16xi32>], vector<16xf32>,
        %gather3A_567 = tpu.vector_load_idx %arg17[%add3A_146, %and3A_566] : memref<32x64xf32, #tpu.memory_space<vmem>>[vector<16xi32>, vector<16xi32>], vector<16xf32>,
        %mul3A_568 = arith.mulf %gather3A, %gather3A_567 : vector<16xf32>
        %add3A_569 = arith.addf %scan3A_541, %mul3A_568 : vector<16xf32>
        %add3A_570 = arith.constant 0 : i32
        %add3A_571 = vector.broadcast %add3A_570 : i32 to vector<16xi32>
        %add3A_572 = arith.addi %mul3A_149, %add3A_571 : vector<16xi32>
        %gather3A_573 = tpu.vector_load_idx %arg19[%add3A_572, %and3A_566] : memref<640x64xf32, #tpu.memory_space<vmem>>[vector<16xi32>, vector<16xi32>], vector<16xf32>,
        %mul3A_574 = arith.mulf %gather3A, %gather3A_573 : vector<16xf32>
        %add3A_575 = arith.addf %scan3A_542, %mul3A_574 : vector<16xf32>
        %add3A_576 = arith.constant 1 : i32
        %add3A_577 = vector.broadcast %add3A_576 : i32 to vector<16xi32>
        %add3A_578 = arith.addi %mul3A_149, %add3A_577 : vector<16xi32>
        %gather3A_579 = tpu.vector_load_idx %arg19[%add3A_578, %and3A_566] : memref<640x64xf32, #tpu.memory_space<vmem>>[vector<16xi32>, vector<16xi32>], vector<16xf32>,
        %mul3A_580 = arith.mulf %gather3A, %gather3A_579 : vector<16xf32>
        %add3A_581 = arith.addf %scan3A_543, %mul3A_580 : vector<16xf32>
        %add3A_582 = arith.constant 2 : i32
        %add3A_583 = vector.broadcast %add3A_582 : i32 to vector<16xi32>
        %add3A_584 = arith.addi %mul3A_149, %add3A_583 : vector<16xi32>
        %gather3A_585 = tpu.vector_load_idx %arg19[%add3A_584, %and3A_566] : memref<640x64xf32, #tpu.memory_space<vmem>>[vector<16xi32>, vector<16xi32>], vector<16xf32>,
        %mul3A_586 = arith.mulf %gather3A, %gather3A_585 : vector<16xf32>
        %add3A_587 = arith.addf %scan3A_544, %mul3A_586 : vector<16xf32>
        %add3A_588 = arith.constant 3 : i32
        %add3A_589 = vector.broadcast %add3A_588 : i32 to vector<16xi32>
        %add3A_590 = arith.addi %mul3A_149, %add3A_589 : vector<16xi32>
        %gather3A_591 = tpu.vector_load_idx %arg19[%add3A_590, %and3A_566] : memref<640x64xf32, #tpu.memory_space<vmem>>[vector<16xi32>, vector<16xi32>], vector<16xf32>,
        %mul3A_592 = arith.mulf %gather3A, %gather3A_591 : vector<16xf32>
        %add3A_593 = arith.addf %scan3A_545, %mul3A_592 : vector<16xf32>
        %add3A_594 = arith.constant 4 : i32
        %add3A_595 = vector.broadcast %add3A_594 : i32 to vector<16xi32>
        %add3A_596 = arith.addi %mul3A_149, %add3A_595 : vector<16xi32>
        %gather3A_597 = tpu.vector_load_idx %arg19[%add3A_596, %and3A_566] : memref<640x64xf32, #tpu.memory_space<vmem>>[vector<16xi32>, vector<16xi32>], vector<16xf32>,
        %mul3A_598 = arith.mulf %gather3A, %gather3A_597 : vector<16xf32>
        %add3A_599 = arith.addf %scan3A_546, %mul3A_598 : vector<16xf32>
        %add3A_600 = arith.constant 5 : i32
        %add3A_601 = vector.broadcast %add3A_600 : i32 to vector<16xi32>
        %add3A_602 = arith.addi %mul3A_149, %add3A_601 : vector<16xi32>
        %gather3A_603 = tpu.vector_load_idx %arg19[%add3A_602, %and3A_566] : memref<640x64xf32, #tpu.memory_space<vmem>>[vector<16xi32>, vector<16xi32>], vector<16xf32>,
        %mul3A_604 = arith.mulf %gather3A, %gather3A_603 : vector<16xf32>
        %add3A_605 = arith.addf %scan3A_547, %mul3A_604 : vector<16xf32>
        %add3A_606 = arith.constant 6 : i32
        %add3A_607 = vector.broadcast %add3A_606 : i32 to vector<16xi32>
        %add3A_608 = arith.addi %mul3A_149, %add3A_607 : vector<16xi32>
        %gather3A_609 = tpu.vector_load_idx %arg19[%add3A_608, %and3A_566] : memref<640x64xf32, #tpu.memory_space<vmem>>[vector<16xi32>, vector<16xi32>], vector<16xf32>,
        %mul3A_610 = arith.mulf %gather3A, %gather3A_609 : vector<16xf32>
        %add3A_611 = arith.addf %scan3A_548, %mul3A_610 : vector<16xf32>
        %add3A_612 = arith.constant 7 : i32
        %add3A_613 = vector.broadcast %add3A_612 : i32 to vector<16xi32>
        %add3A_614 = arith.addi %mul3A_149, %add3A_613 : vector<16xi32>
        %gather3A_615 = tpu.vector_load_idx %arg19[%add3A_614, %and3A_566] : memref<640x64xf32, #tpu.memory_space<vmem>>[vector<16xi32>, vector<16xi32>], vector<16xf32>,
        %mul3A_616 = arith.mulf %gather3A, %gather3A_615 : vector<16xf32>
        %add3A_617 = arith.addf %scan3A_549, %mul3A_616 : vector<16xf32>
        %add3A_618 = arith.constant 8 : i32
        %add3A_619 = vector.broadcast %add3A_618 : i32 to vector<16xi32>
        %add3A_620 = arith.addi %mul3A_149, %add3A_619 : vector<16xi32>
        %gather3A_621 = tpu.vector_load_idx %arg19[%add3A_620, %and3A_566] : memref<640x64xf32, #tpu.memory_space<vmem>>[vector<16xi32>, vector<16xi32>], vector<16xf32>,
        %mul3A_622 = arith.mulf %gather3A, %gather3A_621 : vector<16xf32>
        %add3A_623 = arith.addf %scan3A_550, %mul3A_622 : vector<16xf32>
        %add3A_624 = arith.constant 9 : i32
        %add3A_625 = vector.broadcast %add3A_624 : i32 to vector<16xi32>
        %add3A_626 = arith.addi %mul3A_149, %add3A_625 : vector<16xi32>
        %gather3A_627 = tpu.vector_load_idx %arg19[%add3A_626, %and3A_566] : memref<640x64xf32, #tpu.memory_space<vmem>>[vector<16xi32>, vector<16xi32>], vector<16xf32>,
        %mul3A_628 = arith.mulf %gather3A, %gather3A_627 : vector<16xf32>
        %add3A_629 = arith.addf %scan3A_551, %mul3A_628 : vector<16xf32>
        %add3A_630 = arith.constant 10 : i32
        %add3A_631 = vector.broadcast %add3A_630 : i32 to vector<16xi32>
        %add3A_632 = arith.addi %mul3A_149, %add3A_631 : vector<16xi32>
        %gather3A_633 = tpu.vector_load_idx %arg19[%add3A_632, %and3A_566] : memref<640x64xf32, #tpu.memory_space<vmem>>[vector<16xi32>, vector<16xi32>], vector<16xf32>,
        %mul3A_634 = arith.mulf %gather3A, %gather3A_633 : vector<16xf32>
        %add3A_635 = arith.addf %scan3A_552, %mul3A_634 : vector<16xf32>
        %add3A_636 = arith.constant 11 : i32
        %add3A_637 = vector.broadcast %add3A_636 : i32 to vector<16xi32>
        %add3A_638 = arith.addi %mul3A_149, %add3A_637 : vector<16xi32>
        %gather3A_639 = tpu.vector_load_idx %arg19[%add3A_638, %and3A_566] : memref<640x64xf32, #tpu.memory_space<vmem>>[vector<16xi32>, vector<16xi32>], vector<16xf32>,
        %mul3A_640 = arith.mulf %gather3A, %gather3A_639 : vector<16xf32>
        %add3A_641 = arith.addf %scan3A_553, %mul3A_640 : vector<16xf32>
        %add3A_642 = arith.constant 12 : i32
        %add3A_643 = vector.broadcast %add3A_642 : i32 to vector<16xi32>
        %add3A_644 = arith.addi %mul3A_149, %add3A_643 : vector<16xi32>
        %gather3A_645 = tpu.vector_load_idx %arg19[%add3A_644, %and3A_566] : memref<640x64xf32, #tpu.memory_space<vmem>>[vector<16xi32>, vector<16xi32>], vector<16xf32>,
        %mul3A_646 = arith.mulf %gather3A, %gather3A_645 : vector<16xf32>
        %add3A_647 = arith.addf %scan3A_554, %mul3A_646 : vector<16xf32>
        %add3A_648 = arith.constant 13 : i32
        %add3A_649 = vector.broadcast %add3A_648 : i32 to vector<16xi32>
        %add3A_650 = arith.addi %mul3A_149, %add3A_649 : vector<16xi32>
        %gather3A_651 = tpu.vector_load_idx %arg19[%add3A_650, %and3A_566] : memref<640x64xf32, #tpu.memory_space<vmem>>[vector<16xi32>, vector<16xi32>], vector<16xf32>,
        %mul3A_652 = arith.mulf %gather3A, %gather3A_651 : vector<16xf32>
        %add3A_653 = arith.addf %scan3A_555, %mul3A_652 : vector<16xf32>
        %add3A_654 = arith.constant 14 : i32
        %add3A_655 = vector.broadcast %add3A_654 : i32 to vector<16xi32>
        %add3A_656 = arith.addi %mul3A_149, %add3A_655 : vector<16xi32>
        %gather3A_657 = tpu.vector_load_idx %arg19[%add3A_656, %and3A_566] : memref<640x64xf32, #tpu.memory_space<vmem>>[vector<16xi32>, vector<16xi32>], vector<16xf32>,
        %mul3A_658 = arith.mulf %gather3A, %gather3A_657 : vector<16xf32>
        %add3A_659 = arith.addf %scan3A_556, %mul3A_658 : vector<16xf32>
        %add3A_660 = arith.constant 15 : i32
        %add3A_661 = vector.broadcast %add3A_660 : i32 to vector<16xi32>
        %add3A_662 = arith.addi %mul3A_149, %add3A_661 : vector<16xi32>
        %gather3A_663 = tpu.vector_load_idx %arg19[%add3A_662, %and3A_566] : memref<640x64xf32, #tpu.memory_space<vmem>>[vector<16xi32>, vector<16xi32>], vector<16xf32>,
        %mul3A_664 = arith.mulf %gather3A, %gather3A_663 : vector<16xf32>
        %add3A_665 = arith.addf %scan3A_557, %mul3A_664 : vector<16xf32>
        %add3A_666 = arith.constant 16 : i32
        %add3A_667 = vector.broadcast %add3A_666 : i32 to vector<16xi32>
        %add3A_668 = arith.addi %mul3A_149, %add3A_667 : vector<16xi32>
        %gather3A_669 = tpu.vector_load_idx %arg19[%add3A_668, %and3A_566] : memref<640x64xf32, #tpu.memory_space<vmem>>[vector<16xi32>, vector<16xi32>], vector<16xf32>,
        %mul3A_670 = arith.mulf %gather3A, %gather3A_669 : vector<16xf32>
        %add3A_671 = arith.addf %scan3A_558, %mul3A_670 : vector<16xf32>
        %add3A_672 = arith.constant 17 : i32
        %add3A_673 = vector.broadcast %add3A_672 : i32 to vector<16xi32>
        %add3A_674 = arith.addi %mul3A_149, %add3A_673 : vector<16xi32>
        %gather3A_675 = tpu.vector_load_idx %arg19[%add3A_674, %and3A_566] : memref<640x64xf32, #tpu.memory_space<vmem>>[vector<16xi32>, vector<16xi32>], vector<16xf32>,
        %mul3A_676 = arith.mulf %gather3A, %gather3A_675 : vector<16xf32>
        %add3A_677 = arith.addf %scan3A_559, %mul3A_676 : vector<16xf32>
        %add3A_678 = arith.constant 18 : i32
        %add3A_679 = vector.broadcast %add3A_678 : i32 to vector<16xi32>
        %add3A_680 = arith.addi %mul3A_149, %add3A_679 : vector<16xi32>
        %gather3A_681 = tpu.vector_load_idx %arg19[%add3A_680, %and3A_566] : memref<640x64xf32, #tpu.memory_space<vmem>>[vector<16xi32>, vector<16xi32>], vector<16xf32>,
        %mul3A_682 = arith.mulf %gather3A, %gather3A_681 : vector<16xf32>
        %add3A_683 = arith.addf %scan3A_560, %mul3A_682 : vector<16xf32>
        %add3A_684 = arith.constant 19 : i32
        %add3A_685 = vector.broadcast %add3A_684 : i32 to vector<16xi32>
        %add3A_686 = arith.addi %mul3A_149, %add3A_685 : vector<16xi32>
        %gather3A_687 = tpu.vector_load_idx %arg19[%add3A_686, %and3A_566] : memref<640x64xf32, #tpu.memory_space<vmem>>[vector<16xi32>, vector<16xi32>], vector<16xf32>,
        %mul3A_688 = arith.mulf %gather3A, %gather3A_687 : vector<16xf32>
        %add3A_689 = arith.addf %scan3A_561, %mul3A_688 : vector<16xf32>
        %scan3A_690 = arith.constant 1 : i32
        %scan3A_691 = arith.addi %scan3A_540, %scan3A_690 : i32
        %iota3A_692 = tpu.iota {dimensions = array<i32: 0>} : vector<16xi32>
        %add3A_693 = vector.broadcast %scan3A_691 : i32 to vector<16xi32>
        %add3A_694 = arith.addi %iota3A_692, %add3A_693 : vector<16xi32>
        %and3A_695 = arith.constant 63 : i32
        %and3A_696 = vector.broadcast %and3A_695 : i32 to vector<16xi32>
        %and3A_697 = arith.andi %add3A_694, %and3A_696 : vector<16xi32>
        %gather3A_698 = tpu.vector_load_idx %arg15[%add3A_146, %and3A_697] : memref<32x64xf32, #tpu.memory_space<vmem>>[vector<16xi32>, vector<16xi32>], vector<16xf32>,
        %gather3A_699 = tpu.vector_load_idx %arg17[%add3A_146, %and3A_697] : memref<32x64xf32, #tpu.memory_space<vmem>>[vector<16xi32>, vector<16xi32>], vector<16xf32>,
        %mul3A_700 = arith.mulf %gather3A_698, %gather3A_699 : vector<16xf32>
        %add3A_701 = arith.addf %add3A_569, %mul3A_700 : vector<16xf32>
        %add3A_702 = arith.constant 0 : i32
        %add3A_703 = vector.broadcast %add3A_702 : i32 to vector<16xi32>
        %add3A_704 = arith.addi %mul3A_149, %add3A_703 : vector<16xi32>
        %gather3A_705 = tpu.vector_load_idx %arg19[%add3A_704, %and3A_697] : memref<640x64xf32, #tpu.memory_space<vmem>>[vector<16xi32>, vector<16xi32>], vector<16xf32>,
        %mul3A_706 = arith.mulf %gather3A_698, %gather3A_705 : vector<16xf32>
        %add3A_707 = arith.addf %add3A_575, %mul3A_706 : vector<16xf32>
        %add3A_708 = arith.constant 1 : i32
        %add3A_709 = vector.broadcast %add3A_708 : i32 to vector<16xi32>
        %add3A_710 = arith.addi %mul3A_149, %add3A_709 : vector<16xi32>
        %gather3A_711 = tpu.vector_load_idx %arg19[%add3A_710, %and3A_697] : memref<640x64xf32, #tpu.memory_space<vmem>>[vector<16xi32>, vector<16xi32>], vector<16xf32>,
        %mul3A_712 = arith.mulf %gather3A_698, %gather3A_711 : vector<16xf32>
        %add3A_713 = arith.addf %add3A_581, %mul3A_712 : vector<16xf32>
        %add3A_714 = arith.constant 2 : i32
        %add3A_715 = vector.broadcast %add3A_714 : i32 to vector<16xi32>
        %add3A_716 = arith.addi %mul3A_149, %add3A_715 : vector<16xi32>
        %gather3A_717 = tpu.vector_load_idx %arg19[%add3A_716, %and3A_697] : memref<640x64xf32, #tpu.memory_space<vmem>>[vector<16xi32>, vector<16xi32>], vector<16xf32>,
        %mul3A_718 = arith.mulf %gather3A_698, %gather3A_717 : vector<16xf32>
        %add3A_719 = arith.addf %add3A_587, %mul3A_718 : vector<16xf32>
        %add3A_720 = arith.constant 3 : i32
        %add3A_721 = vector.broadcast %add3A_720 : i32 to vector<16xi32>
        %add3A_722 = arith.addi %mul3A_149, %add3A_721 : vector<16xi32>
        %gather3A_723 = tpu.vector_load_idx %arg19[%add3A_722, %and3A_697] : memref<640x64xf32, #tpu.memory_space<vmem>>[vector<16xi32>, vector<16xi32>], vector<16xf32>,
        %mul3A_724 = arith.mulf %gather3A_698, %gather3A_723 : vector<16xf32>
        %add3A_725 = arith.addf %add3A_593, %mul3A_724 : vector<16xf32>
        %add3A_726 = arith.constant 4 : i32
        %add3A_727 = vector.broadcast %add3A_726 : i32 to vector<16xi32>
        %add3A_728 = arith.addi %mul3A_149, %add3A_727 : vector<16xi32>
        %gather3A_729 = tpu.vector_load_idx %arg19[%add3A_728, %and3A_697] : memref<640x64xf32, #tpu.memory_space<vmem>>[vector<16xi32>, vector<16xi32>], vector<16xf32>,
        %mul3A_730 = arith.mulf %gather3A_698, %gather3A_729 : vector<16xf32>
        %add3A_731 = arith.addf %add3A_599, %mul3A_730 : vector<16xf32>
        %add3A_732 = arith.constant 5 : i32
        %add3A_733 = vector.broadcast %add3A_732 : i32 to vector<16xi32>
        %add3A_734 = arith.addi %mul3A_149, %add3A_733 : vector<16xi32>
        %gather3A_735 = tpu.vector_load_idx %arg19[%add3A_734, %and3A_697] : memref<640x64xf32, #tpu.memory_space<vmem>>[vector<16xi32>, vector<16xi32>], vector<16xf32>,
        %mul3A_736 = arith.mulf %gather3A_698, %gather3A_735 : vector<16xf32>
        %add3A_737 = arith.addf %add3A_605, %mul3A_736 : vector<16xf32>
        %add3A_738 = arith.constant 6 : i32
        %add3A_739 = vector.broadcast %add3A_738 : i32 to vector<16xi32>
        %add3A_740 = arith.addi %mul3A_149, %add3A_739 : vector<16xi32>
        %gather3A_741 = tpu.vector_load_idx %arg19[%add3A_740, %and3A_697] : memref<640x64xf32, #tpu.memory_space<vmem>>[vector<16xi32>, vector<16xi32>], vector<16xf32>,
        %mul3A_742 = arith.mulf %gather3A_698, %gather3A_741 : vector<16xf32>
        %add3A_743 = arith.addf %add3A_611, %mul3A_742 : vector<16xf32>
        %add3A_744 = arith.constant 7 : i32
        %add3A_745 = vector.broadcast %add3A_744 : i32 to vector<16xi32>
        %add3A_746 = arith.addi %mul3A_149, %add3A_745 : vector<16xi32>
        %gather3A_747 = tpu.vector_load_idx %arg19[%add3A_746, %and3A_697] : memref<640x64xf32, #tpu.memory_space<vmem>>[vector<16xi32>, vector<16xi32>], vector<16xf32>,
        %mul3A_748 = arith.mulf %gather3A_698, %gather3A_747 : vector<16xf32>
        %add3A_749 = arith.addf %add3A_617, %mul3A_748 : vector<16xf32>
        %add3A_750 = arith.constant 8 : i32
        %add3A_751 = vector.broadcast %add3A_750 : i32 to vector<16xi32>
        %add3A_752 = arith.addi %mul3A_149, %add3A_751 : vector<16xi32>
        %gather3A_753 = tpu.vector_load_idx %arg19[%add3A_752, %and3A_697] : memref<640x64xf32, #tpu.memory_space<vmem>>[vector<16xi32>, vector<16xi32>], vector<16xf32>,
        %mul3A_754 = arith.mulf %gather3A_698, %gather3A_753 : vector<16xf32>
        %add3A_755 = arith.addf %add3A_623, %mul3A_754 : vector<16xf32>
        %add3A_756 = arith.constant 9 : i32
        %add3A_757 = vector.broadcast %add3A_756 : i32 to vector<16xi32>
        %add3A_758 = arith.addi %mul3A_149, %add3A_757 : vector<16xi32>
        %gather3A_759 = tpu.vector_load_idx %arg19[%add3A_758, %and3A_697] : memref<640x64xf32, #tpu.memory_space<vmem>>[vector<16xi32>, vector<16xi32>], vector<16xf32>,
        %mul3A_760 = arith.mulf %gather3A_698, %gather3A_759 : vector<16xf32>
        %add3A_761 = arith.addf %add3A_629, %mul3A_760 : vector<16xf32>
        %add3A_762 = arith.constant 10 : i32
        %add3A_763 = vector.broadcast %add3A_762 : i32 to vector<16xi32>
        %add3A_764 = arith.addi %mul3A_149, %add3A_763 : vector<16xi32>
        %gather3A_765 = tpu.vector_load_idx %arg19[%add3A_764, %and3A_697] : memref<640x64xf32, #tpu.memory_space<vmem>>[vector<16xi32>, vector<16xi32>], vector<16xf32>,
        %mul3A_766 = arith.mulf %gather3A_698, %gather3A_765 : vector<16xf32>
        %add3A_767 = arith.addf %add3A_635, %mul3A_766 : vector<16xf32>
        %add3A_768 = arith.constant 11 : i32
        %add3A_769 = vector.broadcast %add3A_768 : i32 to vector<16xi32>
        %add3A_770 = arith.addi %mul3A_149, %add3A_769 : vector<16xi32>
        %gather3A_771 = tpu.vector_load_idx %arg19[%add3A_770, %and3A_697] : memref<640x64xf32, #tpu.memory_space<vmem>>[vector<16xi32>, vector<16xi32>], vector<16xf32>,
        %mul3A_772 = arith.mulf %gather3A_698, %gather3A_771 : vector<16xf32>
        %add3A_773 = arith.addf %add3A_641, %mul3A_772 : vector<16xf32>
        %add3A_774 = arith.constant 12 : i32
        %add3A_775 = vector.broadcast %add3A_774 : i32 to vector<16xi32>
        %add3A_776 = arith.addi %mul3A_149, %add3A_775 : vector<16xi32>
        %gather3A_777 = tpu.vector_load_idx %arg19[%add3A_776, %and3A_697] : memref<640x64xf32, #tpu.memory_space<vmem>>[vector<16xi32>, vector<16xi32>], vector<16xf32>,
        %mul3A_778 = arith.mulf %gather3A_698, %gather3A_777 : vector<16xf32>
        %add3A_779 = arith.addf %add3A_647, %mul3A_778 : vector<16xf32>
        %add3A_780 = arith.constant 13 : i32
        %add3A_781 = vector.broadcast %add3A_780 : i32 to vector<16xi32>
        %add3A_782 = arith.addi %mul3A_149, %add3A_781 : vector<16xi32>
        %gather3A_783 = tpu.vector_load_idx %arg19[%add3A_782, %and3A_697] : memref<640x64xf32, #tpu.memory_space<vmem>>[vector<16xi32>, vector<16xi32>], vector<16xf32>,
        %mul3A_784 = arith.mulf %gather3A_698, %gather3A_783 : vector<16xf32>
        %add3A_785 = arith.addf %add3A_653, %mul3A_784 : vector<16xf32>
        %add3A_786 = arith.constant 14 : i32
        %add3A_787 = vector.broadcast %add3A_786 : i32 to vector<16xi32>
        %add3A_788 = arith.addi %mul3A_149, %add3A_787 : vector<16xi32>
        %gather3A_789 = tpu.vector_load_idx %arg19[%add3A_788, %and3A_697] : memref<640x64xf32, #tpu.memory_space<vmem>>[vector<16xi32>, vector<16xi32>], vector<16xf32>,
        %mul3A_790 = arith.mulf %gather3A_698, %gather3A_789 : vector<16xf32>
        %add3A_791 = arith.addf %add3A_659, %mul3A_790 : vector<16xf32>
        %add3A_792 = arith.constant 15 : i32
        %add3A_793 = vector.broadcast %add3A_792 : i32 to vector<16xi32>
        %add3A_794 = arith.addi %mul3A_149, %add3A_793 : vector<16xi32>
        %gather3A_795 = tpu.vector_load_idx %arg19[%add3A_794, %and3A_697] : memref<640x64xf32, #tpu.memory_space<vmem>>[vector<16xi32>, vector<16xi32>], vector<16xf32>,
        %mul3A_796 = arith.mulf %gather3A_698, %gather3A_795 : vector<16xf32>
        %add3A_797 = arith.addf %add3A_665, %mul3A_796 : vector<16xf32>
        %add3A_798 = arith.constant 16 : i32
        %add3A_799 = vector.broadcast %add3A_798 : i32 to vector<16xi32>
        %add3A_800 = arith.addi %mul3A_149, %add3A_799 : vector<16xi32>
        %gather3A_801 = tpu.vector_load_idx %arg19[%add3A_800, %and3A_697] : memref<640x64xf32, #tpu.memory_space<vmem>>[vector<16xi32>, vector<16xi32>], vector<16xf32>,
        %mul3A_802 = arith.mulf %gather3A_698, %gather3A_801 : vector<16xf32>
        %add3A_803 = arith.addf %add3A_671, %mul3A_802 : vector<16xf32>
        %add3A_804 = arith.constant 17 : i32
        %add3A_805 = vector.broadcast %add3A_804 : i32 to vector<16xi32>
        %add3A_806 = arith.addi %mul3A_149, %add3A_805 : vector<16xi32>
        %gather3A_807 = tpu.vector_load_idx %arg19[%add3A_806, %and3A_697] : memref<640x64xf32, #tpu.memory_space<vmem>>[vector<16xi32>, vector<16xi32>], vector<16xf32>,
        %mul3A_808 = arith.mulf %gather3A_698, %gather3A_807 : vector<16xf32>
        %add3A_809 = arith.addf %add3A_677, %mul3A_808 : vector<16xf32>
        %add3A_810 = arith.constant 18 : i32
        %add3A_811 = vector.broadcast %add3A_810 : i32 to vector<16xi32>
        %add3A_812 = arith.addi %mul3A_149, %add3A_811 : vector<16xi32>
        %gather3A_813 = tpu.vector_load_idx %arg19[%add3A_812, %and3A_697] : memref<640x64xf32, #tpu.memory_space<vmem>>[vector<16xi32>, vector<16xi32>], vector<16xf32>,
        %mul3A_814 = arith.mulf %gather3A_698, %gather3A_813 : vector<16xf32>
        %add3A_815 = arith.addf %add3A_683, %mul3A_814 : vector<16xf32>
        %add3A_816 = arith.constant 19 : i32
        %add3A_817 = vector.broadcast %add3A_816 : i32 to vector<16xi32>
        %add3A_818 = arith.addi %mul3A_149, %add3A_817 : vector<16xi32>
        %gather3A_819 = tpu.vector_load_idx %arg19[%add3A_818, %and3A_697] : memref<640x64xf32, #tpu.memory_space<vmem>>[vector<16xi32>, vector<16xi32>], vector<16xf32>,
        %mul3A_820 = arith.mulf %gather3A_698, %gather3A_819 : vector<16xf32>
        %add3A_821 = arith.addf %add3A_689, %mul3A_820 : vector<16xf32>
        scf.yield %add3A_701, %add3A_707, %add3A_713, %add3A_719, %add3A_725, %add3A_731, %add3A_737, %add3A_743, %add3A_749, %add3A_755, %add3A_761, %add3A_767, %add3A_773, %add3A_779, %add3A_785, %add3A_791, %add3A_797, %add3A_803, %add3A_809, %add3A_815, %add3A_821 : vector<16xf32>, vector<16xf32>, vector<16xf32>, vector<16xf32>, vector<16xf32>, vector<16xf32>, vector<16xf32>, vector<16xf32>, vector<16xf32>, vector<16xf32>, vector<16xf32>, vector<16xf32>, vector<16xf32>, vector<16xf32>, vector<16xf32>, vector<16xf32>, vector<16xf32>, vector<16xf32>, vector<16xf32>, vector<16xf32>, vector<16xf32>
      }
      %scan3A_157 = arith.constant 64 : i32
      %swap3A_158 = arith.constant 16 : index
      %swap3A_159 = tpu.vector_load %arg21[%swap3A_158] {strides = array<i32>} : memref<32xf32, #tpu.memory_space<vmem>>, vector<16xf32>,
      tpu.vector_store %arg21[%swap3A_158], %scan3A_156#0 {strides = array<i32>} : memref<32xf32, #tpu.memory_space<vmem>>, vector<16xf32>,
      %swap3A_160 = arith.constant 0 : i32
      %swap3A_161 = arith.index_cast %swap3A_160 : i32 to index
      %swap3A_162 = arith.constant 16 : index
      %swap3A_163 = tpu.vector_load %arg22[%swap3A_161, %swap3A_162] {strides = array<i32>} : memref<20x32xf32, #tpu.memory_space<vmem>>, vector<16xf32>,
      tpu.vector_store %arg22[%swap3A_161, %swap3A_162], %scan3A_156#1 {strides = array<i32>} : memref<20x32xf32, #tpu.memory_space<vmem>>, vector<16xf32>,
      %swap3A_164 = arith.constant 1 : i32
      %swap3A_165 = arith.index_cast %swap3A_164 : i32 to index
      %swap3A_166 = arith.constant 16 : index
      %swap3A_167 = tpu.vector_load %arg22[%swap3A_165, %swap3A_166] {strides = array<i32>} : memref<20x32xf32, #tpu.memory_space<vmem>>, vector<16xf32>,
      tpu.vector_store %arg22[%swap3A_165, %swap3A_166], %scan3A_156#2 {strides = array<i32>} : memref<20x32xf32, #tpu.memory_space<vmem>>, vector<16xf32>,
      %swap3A_168 = arith.constant 2 : i32
      %swap3A_169 = arith.index_cast %swap3A_168 : i32 to index
      %swap3A_170 = arith.constant 16 : index
      %swap3A_171 = tpu.vector_load %arg22[%swap3A_169, %swap3A_170] {strides = array<i32>} : memref<20x32xf32, #tpu.memory_space<vmem>>, vector<16xf32>,
      tpu.vector_store %arg22[%swap3A_169, %swap3A_170], %scan3A_156#3 {strides = array<i32>} : memref<20x32xf32, #tpu.memory_space<vmem>>, vector<16xf32>,
      %swap3A_172 = arith.constant 3 : i32
      %swap3A_173 = arith.index_cast %swap3A_172 : i32 to index
      %swap3A_174 = arith.constant 16 : index
      %swap3A_175 = tpu.vector_load %arg22[%swap3A_173, %swap3A_174] {strides = array<i32>} : memref<20x32xf32, #tpu.memory_space<vmem>>, vector<16xf32>,
      tpu.vector_store %arg22[%swap3A_173, %swap3A_174], %scan3A_156#4 {strides = array<i32>} : memref<20x32xf32, #tpu.memory_space<vmem>>, vector<16xf32>,
      %swap3A_176 = arith.constant 4 : i32
      %swap3A_177 = arith.index_cast %swap3A_176 : i32 to index
      %swap3A_178 = arith.constant 16 : index
      %swap3A_179 = tpu.vector_load %arg22[%swap3A_177, %swap3A_178] {strides = array<i32>} : memref<20x32xf32, #tpu.memory_space<vmem>>, vector<16xf32>,
      tpu.vector_store %arg22[%swap3A_177, %swap3A_178], %scan3A_156#5 {strides = array<i32>} : memref<20x32xf32, #tpu.memory_space<vmem>>, vector<16xf32>,
      %swap3A_180 = arith.constant 5 : i32
      %swap3A_181 = arith.index_cast %swap3A_180 : i32 to index
      %swap3A_182 = arith.constant 16 : index
      %swap3A_183 = tpu.vector_load %arg22[%swap3A_181, %swap3A_182] {strides = array<i32>} : memref<20x32xf32, #tpu.memory_space<vmem>>, vector<16xf32>,
      tpu.vector_store %arg22[%swap3A_181, %swap3A_182], %scan3A_156#6 {strides = array<i32>} : memref<20x32xf32, #tpu.memory_space<vmem>>, vector<16xf32>,
      %swap3A_184 = arith.constant 6 : i32
      %swap3A_185 = arith.index_cast %swap3A_184 : i32 to index
      %swap3A_186 = arith.constant 16 : index
      %swap3A_187 = tpu.vector_load %arg22[%swap3A_185, %swap3A_186] {strides = array<i32>} : memref<20x32xf32, #tpu.memory_space<vmem>>, vector<16xf32>,
      tpu.vector_store %arg22[%swap3A_185, %swap3A_186], %scan3A_156#7 {strides = array<i32>} : memref<20x32xf32, #tpu.memory_space<vmem>>, vector<16xf32>,
      %swap3A_188 = arith.constant 7 : i32
      %swap3A_189 = arith.index_cast %swap3A_188 : i32 to index
      %swap3A_190 = arith.constant 16 : index
      %swap3A_191 = tpu.vector_load %arg22[%swap3A_189, %swap3A_190] {strides = array<i32>} : memref<20x32xf32, #tpu.memory_space<vmem>>, vector<16xf32>,
      tpu.vector_store %arg22[%swap3A_189, %swap3A_190], %scan3A_156#8 {strides = array<i32>} : memref<20x32xf32, #tpu.memory_space<vmem>>, vector<16xf32>,
      %swap3A_192 = arith.constant 8 : i32
      %swap3A_193 = arith.index_cast %swap3A_192 : i32 to index
      %swap3A_194 = arith.constant 16 : index
      %swap3A_195 = tpu.vector_load %arg22[%swap3A_193, %swap3A_194] {strides = array<i32>} : memref<20x32xf32, #tpu.memory_space<vmem>>, vector<16xf32>,
      tpu.vector_store %arg22[%swap3A_193, %swap3A_194], %scan3A_156#9 {strides = array<i32>} : memref<20x32xf32, #tpu.memory_space<vmem>>, vector<16xf32>,
      %swap3A_196 = arith.constant 9 : i32
      %swap3A_197 = arith.index_cast %swap3A_196 : i32 to index
      %swap3A_198 = arith.constant 16 : index
      %swap3A_199 = tpu.vector_load %arg22[%swap3A_197, %swap3A_198] {strides = array<i32>} : memref<20x32xf32, #tpu.memory_space<vmem>>, vector<16xf32>,
      tpu.vector_store %arg22[%swap3A_197, %swap3A_198], %scan3A_156#10 {strides = array<i32>} : memref<20x32xf32, #tpu.memory_space<vmem>>, vector<16xf32>,
      %swap3A_200 = arith.constant 10 : i32
      %swap3A_201 = arith.index_cast %swap3A_200 : i32 to index
      %swap3A_202 = arith.constant 16 : index
      %swap3A_203 = tpu.vector_load %arg22[%swap3A_201, %swap3A_202] {strides = array<i32>} : memref<20x32xf32, #tpu.memory_space<vmem>>, vector<16xf32>,
      tpu.vector_store %arg22[%swap3A_201, %swap3A_202], %scan3A_156#11 {strides = array<i32>} : memref<20x32xf32, #tpu.memory_space<vmem>>, vector<16xf32>,
      %swap3A_204 = arith.constant 11 : i32
      %swap3A_205 = arith.index_cast %swap3A_204 : i32 to index
      %swap3A_206 = arith.constant 16 : index
      %swap3A_207 = tpu.vector_load %arg22[%swap3A_205, %swap3A_206] {strides = array<i32>} : memref<20x32xf32, #tpu.memory_space<vmem>>, vector<16xf32>,
      tpu.vector_store %arg22[%swap3A_205, %swap3A_206], %scan3A_156#12 {strides = array<i32>} : memref<20x32xf32, #tpu.memory_space<vmem>>, vector<16xf32>,
      %swap3A_208 = arith.constant 12 : i32
      %swap3A_209 = arith.index_cast %swap3A_208 : i32 to index
      %swap3A_210 = arith.constant 16 : index
      %swap3A_211 = tpu.vector_load %arg22[%swap3A_209, %swap3A_210] {strides = array<i32>} : memref<20x32xf32, #tpu.memory_space<vmem>>, vector<16xf32>,
      tpu.vector_store %arg22[%swap3A_209, %swap3A_210], %scan3A_156#13 {strides = array<i32>} : memref<20x32xf32, #tpu.memory_space<vmem>>, vector<16xf32>,
      %swap3A_212 = arith.constant 13 : i32
      %swap3A_213 = arith.index_cast %swap3A_212 : i32 to index
      %swap3A_214 = arith.constant 16 : index
      %swap3A_215 = tpu.vector_load %arg22[%swap3A_213, %swap3A_214] {strides = array<i32>} : memref<20x32xf32, #tpu.memory_space<vmem>>, vector<16xf32>,
      tpu.vector_store %arg22[%swap3A_213, %swap3A_214], %scan3A_156#14 {strides = array<i32>} : memref<20x32xf32, #tpu.memory_space<vmem>>, vector<16xf32>,
      %swap3A_216 = arith.constant 14 : i32
      %swap3A_217 = arith.index_cast %swap3A_216 : i32 to index
      %swap3A_218 = arith.constant 16 : index
      %swap3A_219 = tpu.vector_load %arg22[%swap3A_217, %swap3A_218] {strides = array<i32>} : memref<20x32xf32, #tpu.memory_space<vmem>>, vector<16xf32>,
      tpu.vector_store %arg22[%swap3A_217, %swap3A_218], %scan3A_156#15 {strides = array<i32>} : memref<20x32xf32, #tpu.memory_space<vmem>>, vector<16xf32>,
      %swap3A_220 = arith.constant 15 : i32
      %swap3A_221 = arith.index_cast %swap3A_220 : i32 to index
      %swap3A_222 = arith.constant 16 : index
      %swap3A_223 = tpu.vector_load %arg22[%swap3A_221, %swap3A_222] {strides = array<i32>} : memref<20x32xf32, #tpu.memory_space<vmem>>, vector<16xf32>,
      tpu.vector_store %arg22[%swap3A_221, %swap3A_222], %scan3A_156#16 {strides = array<i32>} : memref<20x32xf32, #tpu.memory_space<vmem>>, vector<16xf32>,
      %swap3A_224 = arith.constant 16 : i32
      %swap3A_225 = arith.index_cast %swap3A_224 : i32 to index
      %swap3A_226 = arith.constant 16 : index
      %swap3A_227 = tpu.vector_load %arg22[%swap3A_225, %swap3A_226] {strides = array<i32>} : memref<20x32xf32, #tpu.memory_space<vmem>>, vector<16xf32>,
      tpu.vector_store %arg22[%swap3A_225, %swap3A_226], %scan3A_156#17 {strides = array<i32>} : memref<20x32xf32, #tpu.memory_space<vmem>>, vector<16xf32>,
      %swap3A_228 = arith.constant 17 : i32
      %swap3A_229 = arith.index_cast %swap3A_228 : i32 to index
      %swap3A_230 = arith.constant 16 : index
      %swap3A_231 = tpu.vector_load %arg22[%swap3A_229, %swap3A_230] {strides = array<i32>} : memref<20x32xf32, #tpu.memory_space<vmem>>, vector<16xf32>,
      tpu.vector_store %arg22[%swap3A_229, %swap3A_230], %scan3A_156#18 {strides = array<i32>} : memref<20x32xf32, #tpu.memory_space<vmem>>, vector<16xf32>,
      %swap3A_232 = arith.constant 18 : i32
      %swap3A_233 = arith.index_cast %swap3A_232 : i32 to index
      %swap3A_234 = arith.constant 16 : index
      %swap3A_235 = tpu.vector_load %arg22[%swap3A_233, %swap3A_234] {strides = array<i32>} : memref<20x32xf32, #tpu.memory_space<vmem>>, vector<16xf32>,
      tpu.vector_store %arg22[%swap3A_233, %swap3A_234], %scan3A_156#19 {strides = array<i32>} : memref<20x32xf32, #tpu.memory_space<vmem>>, vector<16xf32>,
      %swap3A_236 = arith.constant 19 : i32
      %swap3A_237 = arith.index_cast %swap3A_236 : i32 to index
      %swap3A_238 = arith.constant 16 : index
      %swap3A_239 = tpu.vector_load %arg22[%swap3A_237, %swap3A_238] {strides = array<i32>} : memref<20x32xf32, #tpu.memory_space<vmem>>, vector<16xf32>,
      tpu.vector_store %arg22[%swap3A_237, %swap3A_238], %scan3A_156#20 {strides = array<i32>} : memref<20x32xf32, #tpu.memory_space<vmem>>, vector<16xf32>,
      %add3A_240 = arith.constant 2 : i32
      %add3A_241 = arith.addi %add3A_37, %add3A_240 : i32
      %lt3A = arith.constant 16 : i32
      %lt3A_242 = arith.cmpi slt, %add3A_241, %lt3A : i32
      %convert_element_type3A = arith.extui %lt3A_242 : i1 to i32
      %cond3A = arith.constant 0 : i32
      %cond3A_243 = arith.cmpi ne, %convert_element_type3A, %cond3A : i32
      scf.if %cond3A_243 {
        %mul3A_540 = arith.constant 32 : i32
        %mul3A_541 = arith.muli %add3A_241, %mul3A_540 : i32
        %add3A_542 = arith.addi %mul3A_2, %mul3A_541 : i32
        "tpu.region"() ({
          %run_scoped3A_554 = tpu.sem_alloc : memref<!tpu.dma_semaphore, #tpu.memory_space<semaphore_mem>>
          %dma_start3A_555 = tpu.memref_slice %arg2[%add3A_542] : memref<16384xi32, #tpu.memory_space<hbm>> -> memref<32xi32, #tpu.memory_space<hbm>>
          %dma_start3A_556 = tpu.memref_slice %arg2[%add3A_542] : memref<16384xi32, #tpu.memory_space<hbm>> -> memref<32xi32, #tpu.memory_space<hbm>>
          tpu.enqueue_dma source(%dma_start3A_556 : memref<32xi32, #tpu.memory_space<hbm>>) target(%arg9 : memref<32xi32, #tpu.memory_space<vmem>>) target_semaphore(%run_scoped3A_554 : memref<!tpu.dma_semaphore, #tpu.memory_space<semaphore_mem>>)
          %dma_wait3A_557 = tpu.memref_slice %arg2[%add3A_542] : memref<16384xi32, #tpu.memory_space<hbm>> -> memref<32xi32, #tpu.memory_space<hbm>>
          %dma_wait3A_558 = tpu.memref_slice %arg2[%add3A_542] : memref<16384xi32, #tpu.memory_space<hbm>> -> memref<32xi32, #tpu.memory_space<hbm>>
          tpu.wait_dma2 semaphore(%run_scoped3A_554 : memref<!tpu.dma_semaphore, #tpu.memory_space<semaphore_mem>>) src(%dma_wait3A_558 : memref<32xi32, #tpu.memory_space<hbm>>) dst(%arg9 : memref<32xi32, #tpu.memory_space<vmem>>)
          tpu.yield
        }) : () -> ()
        "tpu.region"() ({
          %run_scoped3A_554 = tpu.sem_alloc : memref<!tpu.dma_semaphore, #tpu.memory_space<semaphore_mem>>
          %dma_start3A_555 = tpu.memref_slice %arg3[%add3A_542] : memref<16384xi32, #tpu.memory_space<hbm>> -> memref<32xi32, #tpu.memory_space<hbm>>
          %dma_start3A_556 = tpu.memref_slice %arg3[%add3A_542] : memref<16384xi32, #tpu.memory_space<hbm>> -> memref<32xi32, #tpu.memory_space<hbm>>
          tpu.enqueue_dma source(%dma_start3A_556 : memref<32xi32, #tpu.memory_space<hbm>>) target(%arg11 : memref<32xi32, #tpu.memory_space<vmem>>) target_semaphore(%run_scoped3A_554 : memref<!tpu.dma_semaphore, #tpu.memory_space<semaphore_mem>>)
          %dma_wait3A_557 = tpu.memref_slice %arg3[%add3A_542] : memref<16384xi32, #tpu.memory_space<hbm>> -> memref<32xi32, #tpu.memory_space<hbm>>
          %dma_wait3A_558 = tpu.memref_slice %arg3[%add3A_542] : memref<16384xi32, #tpu.memory_space<hbm>> -> memref<32xi32, #tpu.memory_space<hbm>>
          tpu.wait_dma2 semaphore(%run_scoped3A_554 : memref<!tpu.dma_semaphore, #tpu.memory_space<semaphore_mem>>) src(%dma_wait3A_558 : memref<32xi32, #tpu.memory_space<hbm>>) dst(%arg11 : memref<32xi32, #tpu.memory_space<vmem>>)
          tpu.yield
        }) : () -> ()
        %mul3A_543 = arith.constant 20 : i32
        %mul3A_544 = arith.muli %add3A_542, %mul3A_543 : i32
        "tpu.region"() ({
          %run_scoped3A_554 = tpu.sem_alloc : memref<!tpu.dma_semaphore, #tpu.memory_space<semaphore_mem>>
          %dma_start3A_555 = tpu.memref_slice %arg4[%mul3A_544] : memref<327680xi32, #tpu.memory_space<hbm>> -> memref<640xi32, #tpu.memory_space<hbm>>
          %dma_start3A_556 = tpu.memref_slice %arg4[%mul3A_544] : memref<327680xi32, #tpu.memory_space<hbm>> -> memref<640xi32, #tpu.memory_space<hbm>>
          tpu.enqueue_dma source(%dma_start3A_556 : memref<640xi32, #tpu.memory_space<hbm>>) target(%arg13 : memref<640xi32, #tpu.memory_space<vmem>>) target_semaphore(%run_scoped3A_554 : memref<!tpu.dma_semaphore, #tpu.memory_space<semaphore_mem>>)
          %dma_wait3A_557 = tpu.memref_slice %arg4[%mul3A_544] : memref<327680xi32, #tpu.memory_space<hbm>> -> memref<640xi32, #tpu.memory_space<hbm>>
          %dma_wait3A_558 = tpu.memref_slice %arg4[%mul3A_544] : memref<327680xi32, #tpu.memory_space<hbm>> -> memref<640xi32, #tpu.memory_space<hbm>>
          tpu.wait_dma2 semaphore(%run_scoped3A_554 : memref<!tpu.dma_semaphore, #tpu.memory_space<semaphore_mem>>) src(%dma_wait3A_558 : memref<640xi32, #tpu.memory_space<hbm>>) dst(%arg13 : memref<640xi32, #tpu.memory_space<vmem>>)
          tpu.yield
        }) : () -> ()
        %dma_start3A_545 = arith.constant 0 : i32
        %dma_start3A_546 = arith.constant 0 : i32
        %dma_start3A_547 = tpu.memref_slice %arg5[%dma_start3A_545, %dma_start3A_546] : memref<1000000x64xf32, #tpu.memory_space<hbm>> -> memref<1000000x64xf32, #tpu.memory_space<hbm>>
        tpu.enqueue_indirect_dma source(%dma_start3A_547 : memref<1000000x64xf32, #tpu.memory_space<hbm>>) target(%arg15 : memref<32x64xf32, #tpu.memory_space<vmem>>) offsets(%arg9 : memref<32xi32, #tpu.memory_space<vmem>>) semaphore(%arg23 : memref<!tpu.dma_semaphore, #tpu.memory_space<semaphore_mem>>)
        %dma_start3A_548 = arith.constant 0 : i32
        %dma_start3A_549 = arith.constant 0 : i32
        %dma_start3A_550 = tpu.memref_slice %arg6[%dma_start3A_548, %dma_start3A_549] : memref<1000000x64xf32, #tpu.memory_space<hbm>> -> memref<1000000x64xf32, #tpu.memory_space<hbm>>
        tpu.enqueue_indirect_dma source(%dma_start3A_550 : memref<1000000x64xf32, #tpu.memory_space<hbm>>) target(%arg17 : memref<32x64xf32, #tpu.memory_space<vmem>>) offsets(%arg11 : memref<32xi32, #tpu.memory_space<vmem>>) semaphore(%arg25 : memref<!tpu.dma_semaphore, #tpu.memory_space<semaphore_mem>>)
        %dma_start3A_551 = arith.constant 0 : i32
        %dma_start3A_552 = arith.constant 0 : i32
        %dma_start3A_553 = tpu.memref_slice %arg6[%dma_start3A_551, %dma_start3A_552] : memref<1000000x64xf32, #tpu.memory_space<hbm>> -> memref<1000000x64xf32, #tpu.memory_space<hbm>>
        tpu.enqueue_indirect_dma source(%dma_start3A_553 : memref<1000000x64xf32, #tpu.memory_space<hbm>>) target(%arg19 : memref<640x64xf32, #tpu.memory_space<vmem>>) offsets(%arg13 : memref<640xi32, #tpu.memory_space<vmem>>) semaphore(%arg27 : memref<!tpu.dma_semaphore, #tpu.memory_space<semaphore_mem>>)
      } else {
      }
      "tpu.region"() ({
        %run_scoped3A_540 = tpu.sem_alloc : memref<!tpu.dma_semaphore, #tpu.memory_space<semaphore_mem>>
        %dma_start3A_541 = tpu.memref_slice %arg7[%add3A_40] : memref<16384xf32, #tpu.memory_space<hbm>> -> memref<32xf32, #tpu.memory_space<hbm>>
        %dma_start3A_542 = tpu.memref_slice %arg7[%add3A_40] : memref<16384xf32, #tpu.memory_space<hbm>> -> memref<32xf32, #tpu.memory_space<hbm>>
        tpu.enqueue_dma source(%arg21 : memref<32xf32, #tpu.memory_space<vmem>>) target(%dma_start3A_542 : memref<32xf32, #tpu.memory_space<hbm>>) target_semaphore(%run_scoped3A_540 : memref<!tpu.dma_semaphore, #tpu.memory_space<semaphore_mem>>)
        %dma_wait3A_543 = tpu.memref_slice %arg7[%add3A_40] : memref<16384xf32, #tpu.memory_space<hbm>> -> memref<32xf32, #tpu.memory_space<hbm>>
        %dma_wait3A_544 = tpu.memref_slice %arg7[%add3A_40] : memref<16384xf32, #tpu.memory_space<hbm>> -> memref<32xf32, #tpu.memory_space<hbm>>
        tpu.wait_dma2 semaphore(%run_scoped3A_540 : memref<!tpu.dma_semaphore, #tpu.memory_space<semaphore_mem>>) src(%arg21 : memref<32xf32, #tpu.memory_space<vmem>>) dst(%dma_wait3A_544 : memref<32xf32, #tpu.memory_space<hbm>>)
        tpu.yield
      }) : () -> ()
      %run_scoped3A = arith.constant 0 : i32
      %run_scoped3A_244 = arith.constant 0 : i32
      "tpu.region"() ({
        %run_scoped3A_540 = tpu.sem_alloc : memref<!tpu.dma_semaphore, #tpu.memory_space<semaphore_mem>>
        %dma_start3A_541 = arith.constant 0 : i32
        %dma_start3A_542 = tpu.memref_slice %arg22[%run_scoped3A, %dma_start3A_541] : memref<20x32xf32, #tpu.memory_space<vmem>> -> memref<1x32xf32, #tpu.memory_space<vmem>>
        %dma_start3A_543 = tpu.memref_squeeze %dma_start3A_542 : memref<1x32xf32, #tpu.memory_space<vmem>> -> memref<32xf32, #tpu.memory_space<vmem>>
        %dma_start3A_544 = tpu.memref_slice %arg8[%run_scoped3A_244, %add3A_40] : memref<20x16384xf32, #tpu.memory_space<hbm>> -> memref<1x32xf32, #tpu.memory_space<hbm>>
        %dma_start3A_545 = tpu.memref_squeeze %dma_start3A_544 : memref<1x32xf32, #tpu.memory_space<hbm>> -> memref<32xf32, #tpu.memory_space<hbm>>
        %dma_start3A_546 = tpu.memref_slice %arg8[%run_scoped3A_244, %add3A_40] : memref<20x16384xf32, #tpu.memory_space<hbm>> -> memref<1x32xf32, #tpu.memory_space<hbm>>
        %dma_start3A_547 = tpu.memref_squeeze %dma_start3A_546 : memref<1x32xf32, #tpu.memory_space<hbm>> -> memref<32xf32, #tpu.memory_space<hbm>>
        %dma_start3A_548 = arith.constant 0 : i32
        %dma_start3A_549 = tpu.memref_slice %arg22[%run_scoped3A, %dma_start3A_548] : memref<20x32xf32, #tpu.memory_space<vmem>> -> memref<1x32xf32, #tpu.memory_space<vmem>>
        %dma_start3A_550 = tpu.memref_squeeze %dma_start3A_549 : memref<1x32xf32, #tpu.memory_space<vmem>> -> memref<32xf32, #tpu.memory_space<vmem>>
        tpu.enqueue_dma source(%dma_start3A_550 : memref<32xf32, #tpu.memory_space<vmem>>) target(%dma_start3A_547 : memref<32xf32, #tpu.memory_space<hbm>>) target_semaphore(%run_scoped3A_540 : memref<!tpu.dma_semaphore, #tpu.memory_space<semaphore_mem>>)
        %dma_wait3A_551 = arith.constant 0 : i32
        %dma_wait3A_552 = tpu.memref_slice %arg22[%run_scoped3A, %dma_wait3A_551] : memref<20x32xf32, #tpu.memory_space<vmem>> -> memref<1x32xf32, #tpu.memory_space<vmem>>
        %dma_wait3A_553 = tpu.memref_squeeze %dma_wait3A_552 : memref<1x32xf32, #tpu.memory_space<vmem>> -> memref<32xf32, #tpu.memory_space<vmem>>
        %dma_wait3A_554 = tpu.memref_slice %arg8[%run_scoped3A_244, %add3A_40] : memref<20x16384xf32, #tpu.memory_space<hbm>> -> memref<1x32xf32, #tpu.memory_space<hbm>>
        %dma_wait3A_555 = tpu.memref_squeeze %dma_wait3A_554 : memref<1x32xf32, #tpu.memory_space<hbm>> -> memref<32xf32, #tpu.memory_space<hbm>>
        %dma_wait3A_556 = tpu.memref_slice %arg8[%run_scoped3A_244, %add3A_40] : memref<20x16384xf32, #tpu.memory_space<hbm>> -> memref<1x32xf32, #tpu.memory_space<hbm>>
        %dma_wait3A_557 = tpu.memref_squeeze %dma_wait3A_556 : memref<1x32xf32, #tpu.memory_space<hbm>> -> memref<32xf32, #tpu.memory_space<hbm>>
        %dma_wait3A_558 = arith.constant 0 : i32
        %dma_wait3A_559 = tpu.memref_slice %arg22[%run_scoped3A, %dma_wait3A_558] : memref<20x32xf32, #tpu.memory_space<vmem>> -> memref<1x32xf32, #tpu.memory_space<vmem>>
        %dma_wait3A_560 = tpu.memref_squeeze %dma_wait3A_559 : memref<1x32xf32, #tpu.memory_space<vmem>> -> memref<32xf32, #tpu.memory_space<vmem>>
        tpu.wait_dma2 semaphore(%run_scoped3A_540 : memref<!tpu.dma_semaphore, #tpu.memory_space<semaphore_mem>>) src(%dma_wait3A_560 : memref<32xf32, #tpu.memory_space<vmem>>) dst(%dma_wait3A_557 : memref<32xf32, #tpu.memory_space<hbm>>)
        tpu.yield
      }) : () -> ()
      %run_scoped3A_245 = arith.constant 1 : i32
      %run_scoped3A_246 = arith.constant 1 : i32
      "tpu.region"() ({
        %run_scoped3A_540 = tpu.sem_alloc : memref<!tpu.dma_semaphore, #tpu.memory_space<semaphore_mem>>
        %dma_start3A_541 = arith.constant 0 : i32
        %dma_start3A_542 = tpu.memref_slice %arg22[%run_scoped3A_245, %dma_start3A_541] : memref<20x32xf32, #tpu.memory_space<vmem>> -> memref<1x32xf32, #tpu.memory_space<vmem>>
        %dma_start3A_543 = tpu.memref_squeeze %dma_start3A_542 : memref<1x32xf32, #tpu.memory_space<vmem>> -> memref<32xf32, #tpu.memory_space<vmem>>
        %dma_start3A_544 = tpu.memref_slice %arg8[%run_scoped3A_246, %add3A_40] : memref<20x16384xf32, #tpu.memory_space<hbm>> -> memref<1x32xf32, #tpu.memory_space<hbm>>
        %dma_start3A_545 = tpu.memref_squeeze %dma_start3A_544 : memref<1x32xf32, #tpu.memory_space<hbm>> -> memref<32xf32, #tpu.memory_space<hbm>>
        %dma_start3A_546 = tpu.memref_slice %arg8[%run_scoped3A_246, %add3A_40] : memref<20x16384xf32, #tpu.memory_space<hbm>> -> memref<1x32xf32, #tpu.memory_space<hbm>>
        %dma_start3A_547 = tpu.memref_squeeze %dma_start3A_546 : memref<1x32xf32, #tpu.memory_space<hbm>> -> memref<32xf32, #tpu.memory_space<hbm>>
        %dma_start3A_548 = arith.constant 0 : i32
        %dma_start3A_549 = tpu.memref_slice %arg22[%run_scoped3A_245, %dma_start3A_548] : memref<20x32xf32, #tpu.memory_space<vmem>> -> memref<1x32xf32, #tpu.memory_space<vmem>>
        %dma_start3A_550 = tpu.memref_squeeze %dma_start3A_549 : memref<1x32xf32, #tpu.memory_space<vmem>> -> memref<32xf32, #tpu.memory_space<vmem>>
        tpu.enqueue_dma source(%dma_start3A_550 : memref<32xf32, #tpu.memory_space<vmem>>) target(%dma_start3A_547 : memref<32xf32, #tpu.memory_space<hbm>>) target_semaphore(%run_scoped3A_540 : memref<!tpu.dma_semaphore, #tpu.memory_space<semaphore_mem>>)
        %dma_wait3A_551 = arith.constant 0 : i32
        %dma_wait3A_552 = tpu.memref_slice %arg22[%run_scoped3A_245, %dma_wait3A_551] : memref<20x32xf32, #tpu.memory_space<vmem>> -> memref<1x32xf32, #tpu.memory_space<vmem>>
        %dma_wait3A_553 = tpu.memref_squeeze %dma_wait3A_552 : memref<1x32xf32, #tpu.memory_space<vmem>> -> memref<32xf32, #tpu.memory_space<vmem>>
        %dma_wait3A_554 = tpu.memref_slice %arg8[%run_scoped3A_246, %add3A_40] : memref<20x16384xf32, #tpu.memory_space<hbm>> -> memref<1x32xf32, #tpu.memory_space<hbm>>
        %dma_wait3A_555 = tpu.memref_squeeze %dma_wait3A_554 : memref<1x32xf32, #tpu.memory_space<hbm>> -> memref<32xf32, #tpu.memory_space<hbm>>
        %dma_wait3A_556 = tpu.memref_slice %arg8[%run_scoped3A_246, %add3A_40] : memref<20x16384xf32, #tpu.memory_space<hbm>> -> memref<1x32xf32, #tpu.memory_space<hbm>>
        %dma_wait3A_557 = tpu.memref_squeeze %dma_wait3A_556 : memref<1x32xf32, #tpu.memory_space<hbm>> -> memref<32xf32, #tpu.memory_space<hbm>>
        %dma_wait3A_558 = arith.constant 0 : i32
        %dma_wait3A_559 = tpu.memref_slice %arg22[%run_scoped3A_245, %dma_wait3A_558] : memref<20x32xf32, #tpu.memory_space<vmem>> -> memref<1x32xf32, #tpu.memory_space<vmem>>
        %dma_wait3A_560 = tpu.memref_squeeze %dma_wait3A_559 : memref<1x32xf32, #tpu.memory_space<vmem>> -> memref<32xf32, #tpu.memory_space<vmem>>
        tpu.wait_dma2 semaphore(%run_scoped3A_540 : memref<!tpu.dma_semaphore, #tpu.memory_space<semaphore_mem>>) src(%dma_wait3A_560 : memref<32xf32, #tpu.memory_space<vmem>>) dst(%dma_wait3A_557 : memref<32xf32, #tpu.memory_space<hbm>>)
        tpu.yield
      }) : () -> ()
      %run_scoped3A_247 = arith.constant 2 : i32
      %run_scoped3A_248 = arith.constant 2 : i32
      "tpu.region"() ({
        %run_scoped3A_540 = tpu.sem_alloc : memref<!tpu.dma_semaphore, #tpu.memory_space<semaphore_mem>>
        %dma_start3A_541 = arith.constant 0 : i32
        %dma_start3A_542 = tpu.memref_slice %arg22[%run_scoped3A_247, %dma_start3A_541] : memref<20x32xf32, #tpu.memory_space<vmem>> -> memref<1x32xf32, #tpu.memory_space<vmem>>
        %dma_start3A_543 = tpu.memref_squeeze %dma_start3A_542 : memref<1x32xf32, #tpu.memory_space<vmem>> -> memref<32xf32, #tpu.memory_space<vmem>>
        %dma_start3A_544 = tpu.memref_slice %arg8[%run_scoped3A_248, %add3A_40] : memref<20x16384xf32, #tpu.memory_space<hbm>> -> memref<1x32xf32, #tpu.memory_space<hbm>>
        %dma_start3A_545 = tpu.memref_squeeze %dma_start3A_544 : memref<1x32xf32, #tpu.memory_space<hbm>> -> memref<32xf32, #tpu.memory_space<hbm>>
        %dma_start3A_546 = tpu.memref_slice %arg8[%run_scoped3A_248, %add3A_40] : memref<20x16384xf32, #tpu.memory_space<hbm>> -> memref<1x32xf32, #tpu.memory_space<hbm>>
        %dma_start3A_547 = tpu.memref_squeeze %dma_start3A_546 : memref<1x32xf32, #tpu.memory_space<hbm>> -> memref<32xf32, #tpu.memory_space<hbm>>
        %dma_start3A_548 = arith.constant 0 : i32
        %dma_start3A_549 = tpu.memref_slice %arg22[%run_scoped3A_247, %dma_start3A_548] : memref<20x32xf32, #tpu.memory_space<vmem>> -> memref<1x32xf32, #tpu.memory_space<vmem>>
        %dma_start3A_550 = tpu.memref_squeeze %dma_start3A_549 : memref<1x32xf32, #tpu.memory_space<vmem>> -> memref<32xf32, #tpu.memory_space<vmem>>
        tpu.enqueue_dma source(%dma_start3A_550 : memref<32xf32, #tpu.memory_space<vmem>>) target(%dma_start3A_547 : memref<32xf32, #tpu.memory_space<hbm>>) target_semaphore(%run_scoped3A_540 : memref<!tpu.dma_semaphore, #tpu.memory_space<semaphore_mem>>)
        %dma_wait3A_551 = arith.constant 0 : i32
        %dma_wait3A_552 = tpu.memref_slice %arg22[%run_scoped3A_247, %dma_wait3A_551] : memref<20x32xf32, #tpu.memory_space<vmem>> -> memref<1x32xf32, #tpu.memory_space<vmem>>
        %dma_wait3A_553 = tpu.memref_squeeze %dma_wait3A_552 : memref<1x32xf32, #tpu.memory_space<vmem>> -> memref<32xf32, #tpu.memory_space<vmem>>
        %dma_wait3A_554 = tpu.memref_slice %arg8[%run_scoped3A_248, %add3A_40] : memref<20x16384xf32, #tpu.memory_space<hbm>> -> memref<1x32xf32, #tpu.memory_space<hbm>>
        %dma_wait3A_555 = tpu.memref_squeeze %dma_wait3A_554 : memref<1x32xf32, #tpu.memory_space<hbm>> -> memref<32xf32, #tpu.memory_space<hbm>>
        %dma_wait3A_556 = tpu.memref_slice %arg8[%run_scoped3A_248, %add3A_40] : memref<20x16384xf32, #tpu.memory_space<hbm>> -> memref<1x32xf32, #tpu.memory_space<hbm>>
        %dma_wait3A_557 = tpu.memref_squeeze %dma_wait3A_556 : memref<1x32xf32, #tpu.memory_space<hbm>> -> memref<32xf32, #tpu.memory_space<hbm>>
        %dma_wait3A_558 = arith.constant 0 : i32
        %dma_wait3A_559 = tpu.memref_slice %arg22[%run_scoped3A_247, %dma_wait3A_558] : memref<20x32xf32, #tpu.memory_space<vmem>> -> memref<1x32xf32, #tpu.memory_space<vmem>>
        %dma_wait3A_560 = tpu.memref_squeeze %dma_wait3A_559 : memref<1x32xf32, #tpu.memory_space<vmem>> -> memref<32xf32, #tpu.memory_space<vmem>>
        tpu.wait_dma2 semaphore(%run_scoped3A_540 : memref<!tpu.dma_semaphore, #tpu.memory_space<semaphore_mem>>) src(%dma_wait3A_560 : memref<32xf32, #tpu.memory_space<vmem>>) dst(%dma_wait3A_557 : memref<32xf32, #tpu.memory_space<hbm>>)
        tpu.yield
      }) : () -> ()
      %run_scoped3A_249 = arith.constant 3 : i32
      %run_scoped3A_250 = arith.constant 3 : i32
      "tpu.region"() ({
        %run_scoped3A_540 = tpu.sem_alloc : memref<!tpu.dma_semaphore, #tpu.memory_space<semaphore_mem>>
        %dma_start3A_541 = arith.constant 0 : i32
        %dma_start3A_542 = tpu.memref_slice %arg22[%run_scoped3A_249, %dma_start3A_541] : memref<20x32xf32, #tpu.memory_space<vmem>> -> memref<1x32xf32, #tpu.memory_space<vmem>>
        %dma_start3A_543 = tpu.memref_squeeze %dma_start3A_542 : memref<1x32xf32, #tpu.memory_space<vmem>> -> memref<32xf32, #tpu.memory_space<vmem>>
        %dma_start3A_544 = tpu.memref_slice %arg8[%run_scoped3A_250, %add3A_40] : memref<20x16384xf32, #tpu.memory_space<hbm>> -> memref<1x32xf32, #tpu.memory_space<hbm>>
        %dma_start3A_545 = tpu.memref_squeeze %dma_start3A_544 : memref<1x32xf32, #tpu.memory_space<hbm>> -> memref<32xf32, #tpu.memory_space<hbm>>
        %dma_start3A_546 = tpu.memref_slice %arg8[%run_scoped3A_250, %add3A_40] : memref<20x16384xf32, #tpu.memory_space<hbm>> -> memref<1x32xf32, #tpu.memory_space<hbm>>
        %dma_start3A_547 = tpu.memref_squeeze %dma_start3A_546 : memref<1x32xf32, #tpu.memory_space<hbm>> -> memref<32xf32, #tpu.memory_space<hbm>>
        %dma_start3A_548 = arith.constant 0 : i32
        %dma_start3A_549 = tpu.memref_slice %arg22[%run_scoped3A_249, %dma_start3A_548] : memref<20x32xf32, #tpu.memory_space<vmem>> -> memref<1x32xf32, #tpu.memory_space<vmem>>
        %dma_start3A_550 = tpu.memref_squeeze %dma_start3A_549 : memref<1x32xf32, #tpu.memory_space<vmem>> -> memref<32xf32, #tpu.memory_space<vmem>>
        tpu.enqueue_dma source(%dma_start3A_550 : memref<32xf32, #tpu.memory_space<vmem>>) target(%dma_start3A_547 : memref<32xf32, #tpu.memory_space<hbm>>) target_semaphore(%run_scoped3A_540 : memref<!tpu.dma_semaphore, #tpu.memory_space<semaphore_mem>>)
        %dma_wait3A_551 = arith.constant 0 : i32
        %dma_wait3A_552 = tpu.memref_slice %arg22[%run_scoped3A_249, %dma_wait3A_551] : memref<20x32xf32, #tpu.memory_space<vmem>> -> memref<1x32xf32, #tpu.memory_space<vmem>>
        %dma_wait3A_553 = tpu.memref_squeeze %dma_wait3A_552 : memref<1x32xf32, #tpu.memory_space<vmem>> -> memref<32xf32, #tpu.memory_space<vmem>>
        %dma_wait3A_554 = tpu.memref_slice %arg8[%run_scoped3A_250, %add3A_40] : memref<20x16384xf32, #tpu.memory_space<hbm>> -> memref<1x32xf32, #tpu.memory_space<hbm>>
        %dma_wait3A_555 = tpu.memref_squeeze %dma_wait3A_554 : memref<1x32xf32, #tpu.memory_space<hbm>> -> memref<32xf32, #tpu.memory_space<hbm>>
        %dma_wait3A_556 = tpu.memref_slice %arg8[%run_scoped3A_250, %add3A_40] : memref<20x16384xf32, #tpu.memory_space<hbm>> -> memref<1x32xf32, #tpu.memory_space<hbm>>
        %dma_wait3A_557 = tpu.memref_squeeze %dma_wait3A_556 : memref<1x32xf32, #tpu.memory_space<hbm>> -> memref<32xf32, #tpu.memory_space<hbm>>
        %dma_wait3A_558 = arith.constant 0 : i32
        %dma_wait3A_559 = tpu.memref_slice %arg22[%run_scoped3A_249, %dma_wait3A_558] : memref<20x32xf32, #tpu.memory_space<vmem>> -> memref<1x32xf32, #tpu.memory_space<vmem>>
        %dma_wait3A_560 = tpu.memref_squeeze %dma_wait3A_559 : memref<1x32xf32, #tpu.memory_space<vmem>> -> memref<32xf32, #tpu.memory_space<vmem>>
        tpu.wait_dma2 semaphore(%run_scoped3A_540 : memref<!tpu.dma_semaphore, #tpu.memory_space<semaphore_mem>>) src(%dma_wait3A_560 : memref<32xf32, #tpu.memory_space<vmem>>) dst(%dma_wait3A_557 : memref<32xf32, #tpu.memory_space<hbm>>)
        tpu.yield
      }) : () -> ()
      %run_scoped3A_251 = arith.constant 4 : i32
      %run_scoped3A_252 = arith.constant 4 : i32
      "tpu.region"() ({
        %run_scoped3A_540 = tpu.sem_alloc : memref<!tpu.dma_semaphore, #tpu.memory_space<semaphore_mem>>
        %dma_start3A_541 = arith.constant 0 : i32
        %dma_start3A_542 = tpu.memref_slice %arg22[%run_scoped3A_251, %dma_start3A_541] : memref<20x32xf32, #tpu.memory_space<vmem>> -> memref<1x32xf32, #tpu.memory_space<vmem>>
        %dma_start3A_543 = tpu.memref_squeeze %dma_start3A_542 : memref<1x32xf32, #tpu.memory_space<vmem>> -> memref<32xf32, #tpu.memory_space<vmem>>
        %dma_start3A_544 = tpu.memref_slice %arg8[%run_scoped3A_252, %add3A_40] : memref<20x16384xf32, #tpu.memory_space<hbm>> -> memref<1x32xf32, #tpu.memory_space<hbm>>
        %dma_start3A_545 = tpu.memref_squeeze %dma_start3A_544 : memref<1x32xf32, #tpu.memory_space<hbm>> -> memref<32xf32, #tpu.memory_space<hbm>>
        %dma_start3A_546 = tpu.memref_slice %arg8[%run_scoped3A_252, %add3A_40] : memref<20x16384xf32, #tpu.memory_space<hbm>> -> memref<1x32xf32, #tpu.memory_space<hbm>>
        %dma_start3A_547 = tpu.memref_squeeze %dma_start3A_546 : memref<1x32xf32, #tpu.memory_space<hbm>> -> memref<32xf32, #tpu.memory_space<hbm>>
        %dma_start3A_548 = arith.constant 0 : i32
        %dma_start3A_549 = tpu.memref_slice %arg22[%run_scoped3A_251, %dma_start3A_548] : memref<20x32xf32, #tpu.memory_space<vmem>> -> memref<1x32xf32, #tpu.memory_space<vmem>>
        %dma_start3A_550 = tpu.memref_squeeze %dma_start3A_549 : memref<1x32xf32, #tpu.memory_space<vmem>> -> memref<32xf32, #tpu.memory_space<vmem>>
        tpu.enqueue_dma source(%dma_start3A_550 : memref<32xf32, #tpu.memory_space<vmem>>) target(%dma_start3A_547 : memref<32xf32, #tpu.memory_space<hbm>>) target_semaphore(%run_scoped3A_540 : memref<!tpu.dma_semaphore, #tpu.memory_space<semaphore_mem>>)
        %dma_wait3A_551 = arith.constant 0 : i32
        %dma_wait3A_552 = tpu.memref_slice %arg22[%run_scoped3A_251, %dma_wait3A_551] : memref<20x32xf32, #tpu.memory_space<vmem>> -> memref<1x32xf32, #tpu.memory_space<vmem>>
        %dma_wait3A_553 = tpu.memref_squeeze %dma_wait3A_552 : memref<1x32xf32, #tpu.memory_space<vmem>> -> memref<32xf32, #tpu.memory_space<vmem>>
        %dma_wait3A_554 = tpu.memref_slice %arg8[%run_scoped3A_252, %add3A_40] : memref<20x16384xf32, #tpu.memory_space<hbm>> -> memref<1x32xf32, #tpu.memory_space<hbm>>
        %dma_wait3A_555 = tpu.memref_squeeze %dma_wait3A_554 : memref<1x32xf32, #tpu.memory_space<hbm>> -> memref<32xf32, #tpu.memory_space<hbm>>
        %dma_wait3A_556 = tpu.memref_slice %arg8[%run_scoped3A_252, %add3A_40] : memref<20x16384xf32, #tpu.memory_space<hbm>> -> memref<1x32xf32, #tpu.memory_space<hbm>>
        %dma_wait3A_557 = tpu.memref_squeeze %dma_wait3A_556 : memref<1x32xf32, #tpu.memory_space<hbm>> -> memref<32xf32, #tpu.memory_space<hbm>>
        %dma_wait3A_558 = arith.constant 0 : i32
        %dma_wait3A_559 = tpu.memref_slice %arg22[%run_scoped3A_251, %dma_wait3A_558] : memref<20x32xf32, #tpu.memory_space<vmem>> -> memref<1x32xf32, #tpu.memory_space<vmem>>
        %dma_wait3A_560 = tpu.memref_squeeze %dma_wait3A_559 : memref<1x32xf32, #tpu.memory_space<vmem>> -> memref<32xf32, #tpu.memory_space<vmem>>
        tpu.wait_dma2 semaphore(%run_scoped3A_540 : memref<!tpu.dma_semaphore, #tpu.memory_space<semaphore_mem>>) src(%dma_wait3A_560 : memref<32xf32, #tpu.memory_space<vmem>>) dst(%dma_wait3A_557 : memref<32xf32, #tpu.memory_space<hbm>>)
        tpu.yield
      }) : () -> ()
      %run_scoped3A_253 = arith.constant 5 : i32
      %run_scoped3A_254 = arith.constant 5 : i32
      "tpu.region"() ({
        %run_scoped3A_540 = tpu.sem_alloc : memref<!tpu.dma_semaphore, #tpu.memory_space<semaphore_mem>>
        %dma_start3A_541 = arith.constant 0 : i32
        %dma_start3A_542 = tpu.memref_slice %arg22[%run_scoped3A_253, %dma_start3A_541] : memref<20x32xf32, #tpu.memory_space<vmem>> -> memref<1x32xf32, #tpu.memory_space<vmem>>
        %dma_start3A_543 = tpu.memref_squeeze %dma_start3A_542 : memref<1x32xf32, #tpu.memory_space<vmem>> -> memref<32xf32, #tpu.memory_space<vmem>>
        %dma_start3A_544 = tpu.memref_slice %arg8[%run_scoped3A_254, %add3A_40] : memref<20x16384xf32, #tpu.memory_space<hbm>> -> memref<1x32xf32, #tpu.memory_space<hbm>>
        %dma_start3A_545 = tpu.memref_squeeze %dma_start3A_544 : memref<1x32xf32, #tpu.memory_space<hbm>> -> memref<32xf32, #tpu.memory_space<hbm>>
        %dma_start3A_546 = tpu.memref_slice %arg8[%run_scoped3A_254, %add3A_40] : memref<20x16384xf32, #tpu.memory_space<hbm>> -> memref<1x32xf32, #tpu.memory_space<hbm>>
        %dma_start3A_547 = tpu.memref_squeeze %dma_start3A_546 : memref<1x32xf32, #tpu.memory_space<hbm>> -> memref<32xf32, #tpu.memory_space<hbm>>
        %dma_start3A_548 = arith.constant 0 : i32
        %dma_start3A_549 = tpu.memref_slice %arg22[%run_scoped3A_253, %dma_start3A_548] : memref<20x32xf32, #tpu.memory_space<vmem>> -> memref<1x32xf32, #tpu.memory_space<vmem>>
        %dma_start3A_550 = tpu.memref_squeeze %dma_start3A_549 : memref<1x32xf32, #tpu.memory_space<vmem>> -> memref<32xf32, #tpu.memory_space<vmem>>
        tpu.enqueue_dma source(%dma_start3A_550 : memref<32xf32, #tpu.memory_space<vmem>>) target(%dma_start3A_547 : memref<32xf32, #tpu.memory_space<hbm>>) target_semaphore(%run_scoped3A_540 : memref<!tpu.dma_semaphore, #tpu.memory_space<semaphore_mem>>)
        %dma_wait3A_551 = arith.constant 0 : i32
        %dma_wait3A_552 = tpu.memref_slice %arg22[%run_scoped3A_253, %dma_wait3A_551] : memref<20x32xf32, #tpu.memory_space<vmem>> -> memref<1x32xf32, #tpu.memory_space<vmem>>
        %dma_wait3A_553 = tpu.memref_squeeze %dma_wait3A_552 : memref<1x32xf32, #tpu.memory_space<vmem>> -> memref<32xf32, #tpu.memory_space<vmem>>
        %dma_wait3A_554 = tpu.memref_slice %arg8[%run_scoped3A_254, %add3A_40] : memref<20x16384xf32, #tpu.memory_space<hbm>> -> memref<1x32xf32, #tpu.memory_space<hbm>>
        %dma_wait3A_555 = tpu.memref_squeeze %dma_wait3A_554 : memref<1x32xf32, #tpu.memory_space<hbm>> -> memref<32xf32, #tpu.memory_space<hbm>>
        %dma_wait3A_556 = tpu.memref_slice %arg8[%run_scoped3A_254, %add3A_40] : memref<20x16384xf32, #tpu.memory_space<hbm>> -> memref<1x32xf32, #tpu.memory_space<hbm>>
        %dma_wait3A_557 = tpu.memref_squeeze %dma_wait3A_556 : memref<1x32xf32, #tpu.memory_space<hbm>> -> memref<32xf32, #tpu.memory_space<hbm>>
        %dma_wait3A_558 = arith.constant 0 : i32
        %dma_wait3A_559 = tpu.memref_slice %arg22[%run_scoped3A_253, %dma_wait3A_558] : memref<20x32xf32, #tpu.memory_space<vmem>> -> memref<1x32xf32, #tpu.memory_space<vmem>>
        %dma_wait3A_560 = tpu.memref_squeeze %dma_wait3A_559 : memref<1x32xf32, #tpu.memory_space<vmem>> -> memref<32xf32, #tpu.memory_space<vmem>>
        tpu.wait_dma2 semaphore(%run_scoped3A_540 : memref<!tpu.dma_semaphore, #tpu.memory_space<semaphore_mem>>) src(%dma_wait3A_560 : memref<32xf32, #tpu.memory_space<vmem>>) dst(%dma_wait3A_557 : memref<32xf32, #tpu.memory_space<hbm>>)
        tpu.yield
      }) : () -> ()
      %run_scoped3A_255 = arith.constant 6 : i32
      %run_scoped3A_256 = arith.constant 6 : i32
      "tpu.region"() ({
        %run_scoped3A_540 = tpu.sem_alloc : memref<!tpu.dma_semaphore, #tpu.memory_space<semaphore_mem>>
        %dma_start3A_541 = arith.constant 0 : i32
        %dma_start3A_542 = tpu.memref_slice %arg22[%run_scoped3A_255, %dma_start3A_541] : memref<20x32xf32, #tpu.memory_space<vmem>> -> memref<1x32xf32, #tpu.memory_space<vmem>>
        %dma_start3A_543 = tpu.memref_squeeze %dma_start3A_542 : memref<1x32xf32, #tpu.memory_space<vmem>> -> memref<32xf32, #tpu.memory_space<vmem>>
        %dma_start3A_544 = tpu.memref_slice %arg8[%run_scoped3A_256, %add3A_40] : memref<20x16384xf32, #tpu.memory_space<hbm>> -> memref<1x32xf32, #tpu.memory_space<hbm>>
        %dma_start3A_545 = tpu.memref_squeeze %dma_start3A_544 : memref<1x32xf32, #tpu.memory_space<hbm>> -> memref<32xf32, #tpu.memory_space<hbm>>
        %dma_start3A_546 = tpu.memref_slice %arg8[%run_scoped3A_256, %add3A_40] : memref<20x16384xf32, #tpu.memory_space<hbm>> -> memref<1x32xf32, #tpu.memory_space<hbm>>
        %dma_start3A_547 = tpu.memref_squeeze %dma_start3A_546 : memref<1x32xf32, #tpu.memory_space<hbm>> -> memref<32xf32, #tpu.memory_space<hbm>>
        %dma_start3A_548 = arith.constant 0 : i32
        %dma_start3A_549 = tpu.memref_slice %arg22[%run_scoped3A_255, %dma_start3A_548] : memref<20x32xf32, #tpu.memory_space<vmem>> -> memref<1x32xf32, #tpu.memory_space<vmem>>
        %dma_start3A_550 = tpu.memref_squeeze %dma_start3A_549 : memref<1x32xf32, #tpu.memory_space<vmem>> -> memref<32xf32, #tpu.memory_space<vmem>>
        tpu.enqueue_dma source(%dma_start3A_550 : memref<32xf32, #tpu.memory_space<vmem>>) target(%dma_start3A_547 : memref<32xf32, #tpu.memory_space<hbm>>) target_semaphore(%run_scoped3A_540 : memref<!tpu.dma_semaphore, #tpu.memory_space<semaphore_mem>>)
        %dma_wait3A_551 = arith.constant 0 : i32
        %dma_wait3A_552 = tpu.memref_slice %arg22[%run_scoped3A_255, %dma_wait3A_551] : memref<20x32xf32, #tpu.memory_space<vmem>> -> memref<1x32xf32, #tpu.memory_space<vmem>>
        %dma_wait3A_553 = tpu.memref_squeeze %dma_wait3A_552 : memref<1x32xf32, #tpu.memory_space<vmem>> -> memref<32xf32, #tpu.memory_space<vmem>>
        %dma_wait3A_554 = tpu.memref_slice %arg8[%run_scoped3A_256, %add3A_40] : memref<20x16384xf32, #tpu.memory_space<hbm>> -> memref<1x32xf32, #tpu.memory_space<hbm>>
        %dma_wait3A_555 = tpu.memref_squeeze %dma_wait3A_554 : memref<1x32xf32, #tpu.memory_space<hbm>> -> memref<32xf32, #tpu.memory_space<hbm>>
        %dma_wait3A_556 = tpu.memref_slice %arg8[%run_scoped3A_256, %add3A_40] : memref<20x16384xf32, #tpu.memory_space<hbm>> -> memref<1x32xf32, #tpu.memory_space<hbm>>
        %dma_wait3A_557 = tpu.memref_squeeze %dma_wait3A_556 : memref<1x32xf32, #tpu.memory_space<hbm>> -> memref<32xf32, #tpu.memory_space<hbm>>
        %dma_wait3A_558 = arith.constant 0 : i32
        %dma_wait3A_559 = tpu.memref_slice %arg22[%run_scoped3A_255, %dma_wait3A_558] : memref<20x32xf32, #tpu.memory_space<vmem>> -> memref<1x32xf32, #tpu.memory_space<vmem>>
        %dma_wait3A_560 = tpu.memref_squeeze %dma_wait3A_559 : memref<1x32xf32, #tpu.memory_space<vmem>> -> memref<32xf32, #tpu.memory_space<vmem>>
        tpu.wait_dma2 semaphore(%run_scoped3A_540 : memref<!tpu.dma_semaphore, #tpu.memory_space<semaphore_mem>>) src(%dma_wait3A_560 : memref<32xf32, #tpu.memory_space<vmem>>) dst(%dma_wait3A_557 : memref<32xf32, #tpu.memory_space<hbm>>)
        tpu.yield
      }) : () -> ()
      %run_scoped3A_257 = arith.constant 7 : i32
      %run_scoped3A_258 = arith.constant 7 : i32
      "tpu.region"() ({
        %run_scoped3A_540 = tpu.sem_alloc : memref<!tpu.dma_semaphore, #tpu.memory_space<semaphore_mem>>
        %dma_start3A_541 = arith.constant 0 : i32
        %dma_start3A_542 = tpu.memref_slice %arg22[%run_scoped3A_257, %dma_start3A_541] : memref<20x32xf32, #tpu.memory_space<vmem>> -> memref<1x32xf32, #tpu.memory_space<vmem>>
        %dma_start3A_543 = tpu.memref_squeeze %dma_start3A_542 : memref<1x32xf32, #tpu.memory_space<vmem>> -> memref<32xf32, #tpu.memory_space<vmem>>
        %dma_start3A_544 = tpu.memref_slice %arg8[%run_scoped3A_258, %add3A_40] : memref<20x16384xf32, #tpu.memory_space<hbm>> -> memref<1x32xf32, #tpu.memory_space<hbm>>
        %dma_start3A_545 = tpu.memref_squeeze %dma_start3A_544 : memref<1x32xf32, #tpu.memory_space<hbm>> -> memref<32xf32, #tpu.memory_space<hbm>>
        %dma_start3A_546 = tpu.memref_slice %arg8[%run_scoped3A_258, %add3A_40] : memref<20x16384xf32, #tpu.memory_space<hbm>> -> memref<1x32xf32, #tpu.memory_space<hbm>>
        %dma_start3A_547 = tpu.memref_squeeze %dma_start3A_546 : memref<1x32xf32, #tpu.memory_space<hbm>> -> memref<32xf32, #tpu.memory_space<hbm>>
        %dma_start3A_548 = arith.constant 0 : i32
        %dma_start3A_549 = tpu.memref_slice %arg22[%run_scoped3A_257, %dma_start3A_548] : memref<20x32xf32, #tpu.memory_space<vmem>> -> memref<1x32xf32, #tpu.memory_space<vmem>>
        %dma_start3A_550 = tpu.memref_squeeze %dma_start3A_549 : memref<1x32xf32, #tpu.memory_space<vmem>> -> memref<32xf32, #tpu.memory_space<vmem>>
        tpu.enqueue_dma source(%dma_start3A_550 : memref<32xf32, #tpu.memory_space<vmem>>) target(%dma_start3A_547 : memref<32xf32, #tpu.memory_space<hbm>>) target_semaphore(%run_scoped3A_540 : memref<!tpu.dma_semaphore, #tpu.memory_space<semaphore_mem>>)
        %dma_wait3A_551 = arith.constant 0 : i32
        %dma_wait3A_552 = tpu.memref_slice %arg22[%run_scoped3A_257, %dma_wait3A_551] : memref<20x32xf32, #tpu.memory_space<vmem>> -> memref<1x32xf32, #tpu.memory_space<vmem>>
        %dma_wait3A_553 = tpu.memref_squeeze %dma_wait3A_552 : memref<1x32xf32, #tpu.memory_space<vmem>> -> memref<32xf32, #tpu.memory_space<vmem>>
        %dma_wait3A_554 = tpu.memref_slice %arg8[%run_scoped3A_258, %add3A_40] : memref<20x16384xf32, #tpu.memory_space<hbm>> -> memref<1x32xf32, #tpu.memory_space<hbm>>
        %dma_wait3A_555 = tpu.memref_squeeze %dma_wait3A_554 : memref<1x32xf32, #tpu.memory_space<hbm>> -> memref<32xf32, #tpu.memory_space<hbm>>
        %dma_wait3A_556 = tpu.memref_slice %arg8[%run_scoped3A_258, %add3A_40] : memref<20x16384xf32, #tpu.memory_space<hbm>> -> memref<1x32xf32, #tpu.memory_space<hbm>>
        %dma_wait3A_557 = tpu.memref_squeeze %dma_wait3A_556 : memref<1x32xf32, #tpu.memory_space<hbm>> -> memref<32xf32, #tpu.memory_space<hbm>>
        %dma_wait3A_558 = arith.constant 0 : i32
        %dma_wait3A_559 = tpu.memref_slice %arg22[%run_scoped3A_257, %dma_wait3A_558] : memref<20x32xf32, #tpu.memory_space<vmem>> -> memref<1x32xf32, #tpu.memory_space<vmem>>
        %dma_wait3A_560 = tpu.memref_squeeze %dma_wait3A_559 : memref<1x32xf32, #tpu.memory_space<vmem>> -> memref<32xf32, #tpu.memory_space<vmem>>
        tpu.wait_dma2 semaphore(%run_scoped3A_540 : memref<!tpu.dma_semaphore, #tpu.memory_space<semaphore_mem>>) src(%dma_wait3A_560 : memref<32xf32, #tpu.memory_space<vmem>>) dst(%dma_wait3A_557 : memref<32xf32, #tpu.memory_space<hbm>>)
        tpu.yield
      }) : () -> ()
      %run_scoped3A_259 = arith.constant 8 : i32
      %run_scoped3A_260 = arith.constant 8 : i32
      "tpu.region"() ({
        %run_scoped3A_540 = tpu.sem_alloc : memref<!tpu.dma_semaphore, #tpu.memory_space<semaphore_mem>>
        %dma_start3A_541 = arith.constant 0 : i32
        %dma_start3A_542 = tpu.memref_slice %arg22[%run_scoped3A_259, %dma_start3A_541] : memref<20x32xf32, #tpu.memory_space<vmem>> -> memref<1x32xf32, #tpu.memory_space<vmem>>
        %dma_start3A_543 = tpu.memref_squeeze %dma_start3A_542 : memref<1x32xf32, #tpu.memory_space<vmem>> -> memref<32xf32, #tpu.memory_space<vmem>>
        %dma_start3A_544 = tpu.memref_slice %arg8[%run_scoped3A_260, %add3A_40] : memref<20x16384xf32, #tpu.memory_space<hbm>> -> memref<1x32xf32, #tpu.memory_space<hbm>>
        %dma_start3A_545 = tpu.memref_squeeze %dma_start3A_544 : memref<1x32xf32, #tpu.memory_space<hbm>> -> memref<32xf32, #tpu.memory_space<hbm>>
        %dma_start3A_546 = tpu.memref_slice %arg8[%run_scoped3A_260, %add3A_40] : memref<20x16384xf32, #tpu.memory_space<hbm>> -> memref<1x32xf32, #tpu.memory_space<hbm>>
        %dma_start3A_547 = tpu.memref_squeeze %dma_start3A_546 : memref<1x32xf32, #tpu.memory_space<hbm>> -> memref<32xf32, #tpu.memory_space<hbm>>
        %dma_start3A_548 = arith.constant 0 : i32
        %dma_start3A_549 = tpu.memref_slice %arg22[%run_scoped3A_259, %dma_start3A_548] : memref<20x32xf32, #tpu.memory_space<vmem>> -> memref<1x32xf32, #tpu.memory_space<vmem>>
        %dma_start3A_550 = tpu.memref_squeeze %dma_start3A_549 : memref<1x32xf32, #tpu.memory_space<vmem>> -> memref<32xf32, #tpu.memory_space<vmem>>
        tpu.enqueue_dma source(%dma_start3A_550 : memref<32xf32, #tpu.memory_space<vmem>>) target(%dma_start3A_547 : memref<32xf32, #tpu.memory_space<hbm>>) target_semaphore(%run_scoped3A_540 : memref<!tpu.dma_semaphore, #tpu.memory_space<semaphore_mem>>)
        %dma_wait3A_551 = arith.constant 0 : i32
        %dma_wait3A_552 = tpu.memref_slice %arg22[%run_scoped3A_259, %dma_wait3A_551] : memref<20x32xf32, #tpu.memory_space<vmem>> -> memref<1x32xf32, #tpu.memory_space<vmem>>
        %dma_wait3A_553 = tpu.memref_squeeze %dma_wait3A_552 : memref<1x32xf32, #tpu.memory_space<vmem>> -> memref<32xf32, #tpu.memory_space<vmem>>
        %dma_wait3A_554 = tpu.memref_slice %arg8[%run_scoped3A_260, %add3A_40] : memref<20x16384xf32, #tpu.memory_space<hbm>> -> memref<1x32xf32, #tpu.memory_space<hbm>>
        %dma_wait3A_555 = tpu.memref_squeeze %dma_wait3A_554 : memref<1x32xf32, #tpu.memory_space<hbm>> -> memref<32xf32, #tpu.memory_space<hbm>>
        %dma_wait3A_556 = tpu.memref_slice %arg8[%run_scoped3A_260, %add3A_40] : memref<20x16384xf32, #tpu.memory_space<hbm>> -> memref<1x32xf32, #tpu.memory_space<hbm>>
        %dma_wait3A_557 = tpu.memref_squeeze %dma_wait3A_556 : memref<1x32xf32, #tpu.memory_space<hbm>> -> memref<32xf32, #tpu.memory_space<hbm>>
        %dma_wait3A_558 = arith.constant 0 : i32
        %dma_wait3A_559 = tpu.memref_slice %arg22[%run_scoped3A_259, %dma_wait3A_558] : memref<20x32xf32, #tpu.memory_space<vmem>> -> memref<1x32xf32, #tpu.memory_space<vmem>>
        %dma_wait3A_560 = tpu.memref_squeeze %dma_wait3A_559 : memref<1x32xf32, #tpu.memory_space<vmem>> -> memref<32xf32, #tpu.memory_space<vmem>>
        tpu.wait_dma2 semaphore(%run_scoped3A_540 : memref<!tpu.dma_semaphore, #tpu.memory_space<semaphore_mem>>) src(%dma_wait3A_560 : memref<32xf32, #tpu.memory_space<vmem>>) dst(%dma_wait3A_557 : memref<32xf32, #tpu.memory_space<hbm>>)
        tpu.yield
      }) : () -> ()
      %run_scoped3A_261 = arith.constant 9 : i32
      %run_scoped3A_262 = arith.constant 9 : i32
      "tpu.region"() ({
        %run_scoped3A_540 = tpu.sem_alloc : memref<!tpu.dma_semaphore, #tpu.memory_space<semaphore_mem>>
        %dma_start3A_541 = arith.constant 0 : i32
        %dma_start3A_542 = tpu.memref_slice %arg22[%run_scoped3A_261, %dma_start3A_541] : memref<20x32xf32, #tpu.memory_space<vmem>> -> memref<1x32xf32, #tpu.memory_space<vmem>>
        %dma_start3A_543 = tpu.memref_squeeze %dma_start3A_542 : memref<1x32xf32, #tpu.memory_space<vmem>> -> memref<32xf32, #tpu.memory_space<vmem>>
        %dma_start3A_544 = tpu.memref_slice %arg8[%run_scoped3A_262, %add3A_40] : memref<20x16384xf32, #tpu.memory_space<hbm>> -> memref<1x32xf32, #tpu.memory_space<hbm>>
        %dma_start3A_545 = tpu.memref_squeeze %dma_start3A_544 : memref<1x32xf32, #tpu.memory_space<hbm>> -> memref<32xf32, #tpu.memory_space<hbm>>
        %dma_start3A_546 = tpu.memref_slice %arg8[%run_scoped3A_262, %add3A_40] : memref<20x16384xf32, #tpu.memory_space<hbm>> -> memref<1x32xf32, #tpu.memory_space<hbm>>
        %dma_start3A_547 = tpu.memref_squeeze %dma_start3A_546 : memref<1x32xf32, #tpu.memory_space<hbm>> -> memref<32xf32, #tpu.memory_space<hbm>>
        %dma_start3A_548 = arith.constant 0 : i32
        %dma_start3A_549 = tpu.memref_slice %arg22[%run_scoped3A_261, %dma_start3A_548] : memref<20x32xf32, #tpu.memory_space<vmem>> -> memref<1x32xf32, #tpu.memory_space<vmem>>
        %dma_start3A_550 = tpu.memref_squeeze %dma_start3A_549 : memref<1x32xf32, #tpu.memory_space<vmem>> -> memref<32xf32, #tpu.memory_space<vmem>>
        tpu.enqueue_dma source(%dma_start3A_550 : memref<32xf32, #tpu.memory_space<vmem>>) target(%dma_start3A_547 : memref<32xf32, #tpu.memory_space<hbm>>) target_semaphore(%run_scoped3A_540 : memref<!tpu.dma_semaphore, #tpu.memory_space<semaphore_mem>>)
        %dma_wait3A_551 = arith.constant 0 : i32
        %dma_wait3A_552 = tpu.memref_slice %arg22[%run_scoped3A_261, %dma_wait3A_551] : memref<20x32xf32, #tpu.memory_space<vmem>> -> memref<1x32xf32, #tpu.memory_space<vmem>>
        %dma_wait3A_553 = tpu.memref_squeeze %dma_wait3A_552 : memref<1x32xf32, #tpu.memory_space<vmem>> -> memref<32xf32, #tpu.memory_space<vmem>>
        %dma_wait3A_554 = tpu.memref_slice %arg8[%run_scoped3A_262, %add3A_40] : memref<20x16384xf32, #tpu.memory_space<hbm>> -> memref<1x32xf32, #tpu.memory_space<hbm>>
        %dma_wait3A_555 = tpu.memref_squeeze %dma_wait3A_554 : memref<1x32xf32, #tpu.memory_space<hbm>> -> memref<32xf32, #tpu.memory_space<hbm>>
        %dma_wait3A_556 = tpu.memref_slice %arg8[%run_scoped3A_262, %add3A_40] : memref<20x16384xf32, #tpu.memory_space<hbm>> -> memref<1x32xf32, #tpu.memory_space<hbm>>
        %dma_wait3A_557 = tpu.memref_squeeze %dma_wait3A_556 : memref<1x32xf32, #tpu.memory_space<hbm>> -> memref<32xf32, #tpu.memory_space<hbm>>
        %dma_wait3A_558 = arith.constant 0 : i32
        %dma_wait3A_559 = tpu.memref_slice %arg22[%run_scoped3A_261, %dma_wait3A_558] : memref<20x32xf32, #tpu.memory_space<vmem>> -> memref<1x32xf32, #tpu.memory_space<vmem>>
        %dma_wait3A_560 = tpu.memref_squeeze %dma_wait3A_559 : memref<1x32xf32, #tpu.memory_space<vmem>> -> memref<32xf32, #tpu.memory_space<vmem>>
        tpu.wait_dma2 semaphore(%run_scoped3A_540 : memref<!tpu.dma_semaphore, #tpu.memory_space<semaphore_mem>>) src(%dma_wait3A_560 : memref<32xf32, #tpu.memory_space<vmem>>) dst(%dma_wait3A_557 : memref<32xf32, #tpu.memory_space<hbm>>)
        tpu.yield
      }) : () -> ()
      %run_scoped3A_263 = arith.constant 10 : i32
      %run_scoped3A_264 = arith.constant 10 : i32
      "tpu.region"() ({
        %run_scoped3A_540 = tpu.sem_alloc : memref<!tpu.dma_semaphore, #tpu.memory_space<semaphore_mem>>
        %dma_start3A_541 = arith.constant 0 : i32
        %dma_start3A_542 = tpu.memref_slice %arg22[%run_scoped3A_263, %dma_start3A_541] : memref<20x32xf32, #tpu.memory_space<vmem>> -> memref<1x32xf32, #tpu.memory_space<vmem>>
        %dma_start3A_543 = tpu.memref_squeeze %dma_start3A_542 : memref<1x32xf32, #tpu.memory_space<vmem>> -> memref<32xf32, #tpu.memory_space<vmem>>
        %dma_start3A_544 = tpu.memref_slice %arg8[%run_scoped3A_264, %add3A_40] : memref<20x16384xf32, #tpu.memory_space<hbm>> -> memref<1x32xf32, #tpu.memory_space<hbm>>
        %dma_start3A_545 = tpu.memref_squeeze %dma_start3A_544 : memref<1x32xf32, #tpu.memory_space<hbm>> -> memref<32xf32, #tpu.memory_space<hbm>>
        %dma_start3A_546 = tpu.memref_slice %arg8[%run_scoped3A_264, %add3A_40] : memref<20x16384xf32, #tpu.memory_space<hbm>> -> memref<1x32xf32, #tpu.memory_space<hbm>>
        %dma_start3A_547 = tpu.memref_squeeze %dma_start3A_546 : memref<1x32xf32, #tpu.memory_space<hbm>> -> memref<32xf32, #tpu.memory_space<hbm>>
        %dma_start3A_548 = arith.constant 0 : i32
        %dma_start3A_549 = tpu.memref_slice %arg22[%run_scoped3A_263, %dma_start3A_548] : memref<20x32xf32, #tpu.memory_space<vmem>> -> memref<1x32xf32, #tpu.memory_space<vmem>>
        %dma_start3A_550 = tpu.memref_squeeze %dma_start3A_549 : memref<1x32xf32, #tpu.memory_space<vmem>> -> memref<32xf32, #tpu.memory_space<vmem>>
        tpu.enqueue_dma source(%dma_start3A_550 : memref<32xf32, #tpu.memory_space<vmem>>) target(%dma_start3A_547 : memref<32xf32, #tpu.memory_space<hbm>>) target_semaphore(%run_scoped3A_540 : memref<!tpu.dma_semaphore, #tpu.memory_space<semaphore_mem>>)
        %dma_wait3A_551 = arith.constant 0 : i32
        %dma_wait3A_552 = tpu.memref_slice %arg22[%run_scoped3A_263, %dma_wait3A_551] : memref<20x32xf32, #tpu.memory_space<vmem>> -> memref<1x32xf32, #tpu.memory_space<vmem>>
        %dma_wait3A_553 = tpu.memref_squeeze %dma_wait3A_552 : memref<1x32xf32, #tpu.memory_space<vmem>> -> memref<32xf32, #tpu.memory_space<vmem>>
        %dma_wait3A_554 = tpu.memref_slice %arg8[%run_scoped3A_264, %add3A_40] : memref<20x16384xf32, #tpu.memory_space<hbm>> -> memref<1x32xf32, #tpu.memory_space<hbm>>
        %dma_wait3A_555 = tpu.memref_squeeze %dma_wait3A_554 : memref<1x32xf32, #tpu.memory_space<hbm>> -> memref<32xf32, #tpu.memory_space<hbm>>
        %dma_wait3A_556 = tpu.memref_slice %arg8[%run_scoped3A_264, %add3A_40] : memref<20x16384xf32, #tpu.memory_space<hbm>> -> memref<1x32xf32, #tpu.memory_space<hbm>>
        %dma_wait3A_557 = tpu.memref_squeeze %dma_wait3A_556 : memref<1x32xf32, #tpu.memory_space<hbm>> -> memref<32xf32, #tpu.memory_space<hbm>>
        %dma_wait3A_558 = arith.constant 0 : i32
        %dma_wait3A_559 = tpu.memref_slice %arg22[%run_scoped3A_263, %dma_wait3A_558] : memref<20x32xf32, #tpu.memory_space<vmem>> -> memref<1x32xf32, #tpu.memory_space<vmem>>
        %dma_wait3A_560 = tpu.memref_squeeze %dma_wait3A_559 : memref<1x32xf32, #tpu.memory_space<vmem>> -> memref<32xf32, #tpu.memory_space<vmem>>
        tpu.wait_dma2 semaphore(%run_scoped3A_540 : memref<!tpu.dma_semaphore, #tpu.memory_space<semaphore_mem>>) src(%dma_wait3A_560 : memref<32xf32, #tpu.memory_space<vmem>>) dst(%dma_wait3A_557 : memref<32xf32, #tpu.memory_space<hbm>>)
        tpu.yield
      }) : () -> ()
      %run_scoped3A_265 = arith.constant 11 : i32
      %run_scoped3A_266 = arith.constant 11 : i32
      "tpu.region"() ({
        %run_scoped3A_540 = tpu.sem_alloc : memref<!tpu.dma_semaphore, #tpu.memory_space<semaphore_mem>>
        %dma_start3A_541 = arith.constant 0 : i32
        %dma_start3A_542 = tpu.memref_slice %arg22[%run_scoped3A_265, %dma_start3A_541] : memref<20x32xf32, #tpu.memory_space<vmem>> -> memref<1x32xf32, #tpu.memory_space<vmem>>
        %dma_start3A_543 = tpu.memref_squeeze %dma_start3A_542 : memref<1x32xf32, #tpu.memory_space<vmem>> -> memref<32xf32, #tpu.memory_space<vmem>>
        %dma_start3A_544 = tpu.memref_slice %arg8[%run_scoped3A_266, %add3A_40] : memref<20x16384xf32, #tpu.memory_space<hbm>> -> memref<1x32xf32, #tpu.memory_space<hbm>>
        %dma_start3A_545 = tpu.memref_squeeze %dma_start3A_544 : memref<1x32xf32, #tpu.memory_space<hbm>> -> memref<32xf32, #tpu.memory_space<hbm>>
        %dma_start3A_546 = tpu.memref_slice %arg8[%run_scoped3A_266, %add3A_40] : memref<20x16384xf32, #tpu.memory_space<hbm>> -> memref<1x32xf32, #tpu.memory_space<hbm>>
        %dma_start3A_547 = tpu.memref_squeeze %dma_start3A_546 : memref<1x32xf32, #tpu.memory_space<hbm>> -> memref<32xf32, #tpu.memory_space<hbm>>
        %dma_start3A_548 = arith.constant 0 : i32
        %dma_start3A_549 = tpu.memref_slice %arg22[%run_scoped3A_265, %dma_start3A_548] : memref<20x32xf32, #tpu.memory_space<vmem>> -> memref<1x32xf32, #tpu.memory_space<vmem>>
        %dma_start3A_550 = tpu.memref_squeeze %dma_start3A_549 : memref<1x32xf32, #tpu.memory_space<vmem>> -> memref<32xf32, #tpu.memory_space<vmem>>
        tpu.enqueue_dma source(%dma_start3A_550 : memref<32xf32, #tpu.memory_space<vmem>>) target(%dma_start3A_547 : memref<32xf32, #tpu.memory_space<hbm>>) target_semaphore(%run_scoped3A_540 : memref<!tpu.dma_semaphore, #tpu.memory_space<semaphore_mem>>)
        %dma_wait3A_551 = arith.constant 0 : i32
        %dma_wait3A_552 = tpu.memref_slice %arg22[%run_scoped3A_265, %dma_wait3A_551] : memref<20x32xf32, #tpu.memory_space<vmem>> -> memref<1x32xf32, #tpu.memory_space<vmem>>
        %dma_wait3A_553 = tpu.memref_squeeze %dma_wait3A_552 : memref<1x32xf32, #tpu.memory_space<vmem>> -> memref<32xf32, #tpu.memory_space<vmem>>
        %dma_wait3A_554 = tpu.memref_slice %arg8[%run_scoped3A_266, %add3A_40] : memref<20x16384xf32, #tpu.memory_space<hbm>> -> memref<1x32xf32, #tpu.memory_space<hbm>>
        %dma_wait3A_555 = tpu.memref_squeeze %dma_wait3A_554 : memref<1x32xf32, #tpu.memory_space<hbm>> -> memref<32xf32, #tpu.memory_space<hbm>>
        %dma_wait3A_556 = tpu.memref_slice %arg8[%run_scoped3A_266, %add3A_40] : memref<20x16384xf32, #tpu.memory_space<hbm>> -> memref<1x32xf32, #tpu.memory_space<hbm>>
        %dma_wait3A_557 = tpu.memref_squeeze %dma_wait3A_556 : memref<1x32xf32, #tpu.memory_space<hbm>> -> memref<32xf32, #tpu.memory_space<hbm>>
        %dma_wait3A_558 = arith.constant 0 : i32
        %dma_wait3A_559 = tpu.memref_slice %arg22[%run_scoped3A_265, %dma_wait3A_558] : memref<20x32xf32, #tpu.memory_space<vmem>> -> memref<1x32xf32, #tpu.memory_space<vmem>>
        %dma_wait3A_560 = tpu.memref_squeeze %dma_wait3A_559 : memref<1x32xf32, #tpu.memory_space<vmem>> -> memref<32xf32, #tpu.memory_space<vmem>>
        tpu.wait_dma2 semaphore(%run_scoped3A_540 : memref<!tpu.dma_semaphore, #tpu.memory_space<semaphore_mem>>) src(%dma_wait3A_560 : memref<32xf32, #tpu.memory_space<vmem>>) dst(%dma_wait3A_557 : memref<32xf32, #tpu.memory_space<hbm>>)
        tpu.yield
      }) : () -> ()
      %run_scoped3A_267 = arith.constant 12 : i32
      %run_scoped3A_268 = arith.constant 12 : i32
      "tpu.region"() ({
        %run_scoped3A_540 = tpu.sem_alloc : memref<!tpu.dma_semaphore, #tpu.memory_space<semaphore_mem>>
        %dma_start3A_541 = arith.constant 0 : i32
        %dma_start3A_542 = tpu.memref_slice %arg22[%run_scoped3A_267, %dma_start3A_541] : memref<20x32xf32, #tpu.memory_space<vmem>> -> memref<1x32xf32, #tpu.memory_space<vmem>>
        %dma_start3A_543 = tpu.memref_squeeze %dma_start3A_542 : memref<1x32xf32, #tpu.memory_space<vmem>> -> memref<32xf32, #tpu.memory_space<vmem>>
        %dma_start3A_544 = tpu.memref_slice %arg8[%run_scoped3A_268, %add3A_40] : memref<20x16384xf32, #tpu.memory_space<hbm>> -> memref<1x32xf32, #tpu.memory_space<hbm>>
        %dma_start3A_545 = tpu.memref_squeeze %dma_start3A_544 : memref<1x32xf32, #tpu.memory_space<hbm>> -> memref<32xf32, #tpu.memory_space<hbm>>
        %dma_start3A_546 = tpu.memref_slice %arg8[%run_scoped3A_268, %add3A_40] : memref<20x16384xf32, #tpu.memory_space<hbm>> -> memref<1x32xf32, #tpu.memory_space<hbm>>
        %dma_start3A_547 = tpu.memref_squeeze %dma_start3A_546 : memref<1x32xf32, #tpu.memory_space<hbm>> -> memref<32xf32, #tpu.memory_space<hbm>>
        %dma_start3A_548 = arith.constant 0 : i32
        %dma_start3A_549 = tpu.memref_slice %arg22[%run_scoped3A_267, %dma_start3A_548] : memref<20x32xf32, #tpu.memory_space<vmem>> -> memref<1x32xf32, #tpu.memory_space<vmem>>
        %dma_start3A_550 = tpu.memref_squeeze %dma_start3A_549 : memref<1x32xf32, #tpu.memory_space<vmem>> -> memref<32xf32, #tpu.memory_space<vmem>>
        tpu.enqueue_dma source(%dma_start3A_550 : memref<32xf32, #tpu.memory_space<vmem>>) target(%dma_start3A_547 : memref<32xf32, #tpu.memory_space<hbm>>) target_semaphore(%run_scoped3A_540 : memref<!tpu.dma_semaphore, #tpu.memory_space<semaphore_mem>>)
        %dma_wait3A_551 = arith.constant 0 : i32
        %dma_wait3A_552 = tpu.memref_slice %arg22[%run_scoped3A_267, %dma_wait3A_551] : memref<20x32xf32, #tpu.memory_space<vmem>> -> memref<1x32xf32, #tpu.memory_space<vmem>>
        %dma_wait3A_553 = tpu.memref_squeeze %dma_wait3A_552 : memref<1x32xf32, #tpu.memory_space<vmem>> -> memref<32xf32, #tpu.memory_space<vmem>>
        %dma_wait3A_554 = tpu.memref_slice %arg8[%run_scoped3A_268, %add3A_40] : memref<20x16384xf32, #tpu.memory_space<hbm>> -> memref<1x32xf32, #tpu.memory_space<hbm>>
        %dma_wait3A_555 = tpu.memref_squeeze %dma_wait3A_554 : memref<1x32xf32, #tpu.memory_space<hbm>> -> memref<32xf32, #tpu.memory_space<hbm>>
        %dma_wait3A_556 = tpu.memref_slice %arg8[%run_scoped3A_268, %add3A_40] : memref<20x16384xf32, #tpu.memory_space<hbm>> -> memref<1x32xf32, #tpu.memory_space<hbm>>
        %dma_wait3A_557 = tpu.memref_squeeze %dma_wait3A_556 : memref<1x32xf32, #tpu.memory_space<hbm>> -> memref<32xf32, #tpu.memory_space<hbm>>
        %dma_wait3A_558 = arith.constant 0 : i32
        %dma_wait3A_559 = tpu.memref_slice %arg22[%run_scoped3A_267, %dma_wait3A_558] : memref<20x32xf32, #tpu.memory_space<vmem>> -> memref<1x32xf32, #tpu.memory_space<vmem>>
        %dma_wait3A_560 = tpu.memref_squeeze %dma_wait3A_559 : memref<1x32xf32, #tpu.memory_space<vmem>> -> memref<32xf32, #tpu.memory_space<vmem>>
        tpu.wait_dma2 semaphore(%run_scoped3A_540 : memref<!tpu.dma_semaphore, #tpu.memory_space<semaphore_mem>>) src(%dma_wait3A_560 : memref<32xf32, #tpu.memory_space<vmem>>) dst(%dma_wait3A_557 : memref<32xf32, #tpu.memory_space<hbm>>)
        tpu.yield
      }) : () -> ()
      %run_scoped3A_269 = arith.constant 13 : i32
      %run_scoped3A_270 = arith.constant 13 : i32
      "tpu.region"() ({
        %run_scoped3A_540 = tpu.sem_alloc : memref<!tpu.dma_semaphore, #tpu.memory_space<semaphore_mem>>
        %dma_start3A_541 = arith.constant 0 : i32
        %dma_start3A_542 = tpu.memref_slice %arg22[%run_scoped3A_269, %dma_start3A_541] : memref<20x32xf32, #tpu.memory_space<vmem>> -> memref<1x32xf32, #tpu.memory_space<vmem>>
        %dma_start3A_543 = tpu.memref_squeeze %dma_start3A_542 : memref<1x32xf32, #tpu.memory_space<vmem>> -> memref<32xf32, #tpu.memory_space<vmem>>
        %dma_start3A_544 = tpu.memref_slice %arg8[%run_scoped3A_270, %add3A_40] : memref<20x16384xf32, #tpu.memory_space<hbm>> -> memref<1x32xf32, #tpu.memory_space<hbm>>
        %dma_start3A_545 = tpu.memref_squeeze %dma_start3A_544 : memref<1x32xf32, #tpu.memory_space<hbm>> -> memref<32xf32, #tpu.memory_space<hbm>>
        %dma_start3A_546 = tpu.memref_slice %arg8[%run_scoped3A_270, %add3A_40] : memref<20x16384xf32, #tpu.memory_space<hbm>> -> memref<1x32xf32, #tpu.memory_space<hbm>>
        %dma_start3A_547 = tpu.memref_squeeze %dma_start3A_546 : memref<1x32xf32, #tpu.memory_space<hbm>> -> memref<32xf32, #tpu.memory_space<hbm>>
        %dma_start3A_548 = arith.constant 0 : i32
        %dma_start3A_549 = tpu.memref_slice %arg22[%run_scoped3A_269, %dma_start3A_548] : memref<20x32xf32, #tpu.memory_space<vmem>> -> memref<1x32xf32, #tpu.memory_space<vmem>>
        %dma_start3A_550 = tpu.memref_squeeze %dma_start3A_549 : memref<1x32xf32, #tpu.memory_space<vmem>> -> memref<32xf32, #tpu.memory_space<vmem>>
        tpu.enqueue_dma source(%dma_start3A_550 : memref<32xf32, #tpu.memory_space<vmem>>) target(%dma_start3A_547 : memref<32xf32, #tpu.memory_space<hbm>>) target_semaphore(%run_scoped3A_540 : memref<!tpu.dma_semaphore, #tpu.memory_space<semaphore_mem>>)
        %dma_wait3A_551 = arith.constant 0 : i32
        %dma_wait3A_552 = tpu.memref_slice %arg22[%run_scoped3A_269, %dma_wait3A_551] : memref<20x32xf32, #tpu.memory_space<vmem>> -> memref<1x32xf32, #tpu.memory_space<vmem>>
        %dma_wait3A_553 = tpu.memref_squeeze %dma_wait3A_552 : memref<1x32xf32, #tpu.memory_space<vmem>> -> memref<32xf32, #tpu.memory_space<vmem>>
        %dma_wait3A_554 = tpu.memref_slice %arg8[%run_scoped3A_270, %add3A_40] : memref<20x16384xf32, #tpu.memory_space<hbm>> -> memref<1x32xf32, #tpu.memory_space<hbm>>
        %dma_wait3A_555 = tpu.memref_squeeze %dma_wait3A_554 : memref<1x32xf32, #tpu.memory_space<hbm>> -> memref<32xf32, #tpu.memory_space<hbm>>
        %dma_wait3A_556 = tpu.memref_slice %arg8[%run_scoped3A_270, %add3A_40] : memref<20x16384xf32, #tpu.memory_space<hbm>> -> memref<1x32xf32, #tpu.memory_space<hbm>>
        %dma_wait3A_557 = tpu.memref_squeeze %dma_wait3A_556 : memref<1x32xf32, #tpu.memory_space<hbm>> -> memref<32xf32, #tpu.memory_space<hbm>>
        %dma_wait3A_558 = arith.constant 0 : i32
        %dma_wait3A_559 = tpu.memref_slice %arg22[%run_scoped3A_269, %dma_wait3A_558] : memref<20x32xf32, #tpu.memory_space<vmem>> -> memref<1x32xf32, #tpu.memory_space<vmem>>
        %dma_wait3A_560 = tpu.memref_squeeze %dma_wait3A_559 : memref<1x32xf32, #tpu.memory_space<vmem>> -> memref<32xf32, #tpu.memory_space<vmem>>
        tpu.wait_dma2 semaphore(%run_scoped3A_540 : memref<!tpu.dma_semaphore, #tpu.memory_space<semaphore_mem>>) src(%dma_wait3A_560 : memref<32xf32, #tpu.memory_space<vmem>>) dst(%dma_wait3A_557 : memref<32xf32, #tpu.memory_space<hbm>>)
        tpu.yield
      }) : () -> ()
      %run_scoped3A_271 = arith.constant 14 : i32
      %run_scoped3A_272 = arith.constant 14 : i32
      "tpu.region"() ({
        %run_scoped3A_540 = tpu.sem_alloc : memref<!tpu.dma_semaphore, #tpu.memory_space<semaphore_mem>>
        %dma_start3A_541 = arith.constant 0 : i32
        %dma_start3A_542 = tpu.memref_slice %arg22[%run_scoped3A_271, %dma_start3A_541] : memref<20x32xf32, #tpu.memory_space<vmem>> -> memref<1x32xf32, #tpu.memory_space<vmem>>
        %dma_start3A_543 = tpu.memref_squeeze %dma_start3A_542 : memref<1x32xf32, #tpu.memory_space<vmem>> -> memref<32xf32, #tpu.memory_space<vmem>>
        %dma_start3A_544 = tpu.memref_slice %arg8[%run_scoped3A_272, %add3A_40] : memref<20x16384xf32, #tpu.memory_space<hbm>> -> memref<1x32xf32, #tpu.memory_space<hbm>>
        %dma_start3A_545 = tpu.memref_squeeze %dma_start3A_544 : memref<1x32xf32, #tpu.memory_space<hbm>> -> memref<32xf32, #tpu.memory_space<hbm>>
        %dma_start3A_546 = tpu.memref_slice %arg8[%run_scoped3A_272, %add3A_40] : memref<20x16384xf32, #tpu.memory_space<hbm>> -> memref<1x32xf32, #tpu.memory_space<hbm>>
        %dma_start3A_547 = tpu.memref_squeeze %dma_start3A_546 : memref<1x32xf32, #tpu.memory_space<hbm>> -> memref<32xf32, #tpu.memory_space<hbm>>
        %dma_start3A_548 = arith.constant 0 : i32
        %dma_start3A_549 = tpu.memref_slice %arg22[%run_scoped3A_271, %dma_start3A_548] : memref<20x32xf32, #tpu.memory_space<vmem>> -> memref<1x32xf32, #tpu.memory_space<vmem>>
        %dma_start3A_550 = tpu.memref_squeeze %dma_start3A_549 : memref<1x32xf32, #tpu.memory_space<vmem>> -> memref<32xf32, #tpu.memory_space<vmem>>
        tpu.enqueue_dma source(%dma_start3A_550 : memref<32xf32, #tpu.memory_space<vmem>>) target(%dma_start3A_547 : memref<32xf32, #tpu.memory_space<hbm>>) target_semaphore(%run_scoped3A_540 : memref<!tpu.dma_semaphore, #tpu.memory_space<semaphore_mem>>)
        %dma_wait3A_551 = arith.constant 0 : i32
        %dma_wait3A_552 = tpu.memref_slice %arg22[%run_scoped3A_271, %dma_wait3A_551] : memref<20x32xf32, #tpu.memory_space<vmem>> -> memref<1x32xf32, #tpu.memory_space<vmem>>
        %dma_wait3A_553 = tpu.memref_squeeze %dma_wait3A_552 : memref<1x32xf32, #tpu.memory_space<vmem>> -> memref<32xf32, #tpu.memory_space<vmem>>
        %dma_wait3A_554 = tpu.memref_slice %arg8[%run_scoped3A_272, %add3A_40] : memref<20x16384xf32, #tpu.memory_space<hbm>> -> memref<1x32xf32, #tpu.memory_space<hbm>>
        %dma_wait3A_555 = tpu.memref_squeeze %dma_wait3A_554 : memref<1x32xf32, #tpu.memory_space<hbm>> -> memref<32xf32, #tpu.memory_space<hbm>>
        %dma_wait3A_556 = tpu.memref_slice %arg8[%run_scoped3A_272, %add3A_40] : memref<20x16384xf32, #tpu.memory_space<hbm>> -> memref<1x32xf32, #tpu.memory_space<hbm>>
        %dma_wait3A_557 = tpu.memref_squeeze %dma_wait3A_556 : memref<1x32xf32, #tpu.memory_space<hbm>> -> memref<32xf32, #tpu.memory_space<hbm>>
        %dma_wait3A_558 = arith.constant 0 : i32
        %dma_wait3A_559 = tpu.memref_slice %arg22[%run_scoped3A_271, %dma_wait3A_558] : memref<20x32xf32, #tpu.memory_space<vmem>> -> memref<1x32xf32, #tpu.memory_space<vmem>>
        %dma_wait3A_560 = tpu.memref_squeeze %dma_wait3A_559 : memref<1x32xf32, #tpu.memory_space<vmem>> -> memref<32xf32, #tpu.memory_space<vmem>>
        tpu.wait_dma2 semaphore(%run_scoped3A_540 : memref<!tpu.dma_semaphore, #tpu.memory_space<semaphore_mem>>) src(%dma_wait3A_560 : memref<32xf32, #tpu.memory_space<vmem>>) dst(%dma_wait3A_557 : memref<32xf32, #tpu.memory_space<hbm>>)
        tpu.yield
      }) : () -> ()
      %run_scoped3A_273 = arith.constant 15 : i32
      %run_scoped3A_274 = arith.constant 15 : i32
      "tpu.region"() ({
        %run_scoped3A_540 = tpu.sem_alloc : memref<!tpu.dma_semaphore, #tpu.memory_space<semaphore_mem>>
        %dma_start3A_541 = arith.constant 0 : i32
        %dma_start3A_542 = tpu.memref_slice %arg22[%run_scoped3A_273, %dma_start3A_541] : memref<20x32xf32, #tpu.memory_space<vmem>> -> memref<1x32xf32, #tpu.memory_space<vmem>>
        %dma_start3A_543 = tpu.memref_squeeze %dma_start3A_542 : memref<1x32xf32, #tpu.memory_space<vmem>> -> memref<32xf32, #tpu.memory_space<vmem>>
        %dma_start3A_544 = tpu.memref_slice %arg8[%run_scoped3A_274, %add3A_40] : memref<20x16384xf32, #tpu.memory_space<hbm>> -> memref<1x32xf32, #tpu.memory_space<hbm>>
        %dma_start3A_545 = tpu.memref_squeeze %dma_start3A_544 : memref<1x32xf32, #tpu.memory_space<hbm>> -> memref<32xf32, #tpu.memory_space<hbm>>
        %dma_start3A_546 = tpu.memref_slice %arg8[%run_scoped3A_274, %add3A_40] : memref<20x16384xf32, #tpu.memory_space<hbm>> -> memref<1x32xf32, #tpu.memory_space<hbm>>
        %dma_start3A_547 = tpu.memref_squeeze %dma_start3A_546 : memref<1x32xf32, #tpu.memory_space<hbm>> -> memref<32xf32, #tpu.memory_space<hbm>>
        %dma_start3A_548 = arith.constant 0 : i32
        %dma_start3A_549 = tpu.memref_slice %arg22[%run_scoped3A_273, %dma_start3A_548] : memref<20x32xf32, #tpu.memory_space<vmem>> -> memref<1x32xf32, #tpu.memory_space<vmem>>
        %dma_start3A_550 = tpu.memref_squeeze %dma_start3A_549 : memref<1x32xf32, #tpu.memory_space<vmem>> -> memref<32xf32, #tpu.memory_space<vmem>>
        tpu.enqueue_dma source(%dma_start3A_550 : memref<32xf32, #tpu.memory_space<vmem>>) target(%dma_start3A_547 : memref<32xf32, #tpu.memory_space<hbm>>) target_semaphore(%run_scoped3A_540 : memref<!tpu.dma_semaphore, #tpu.memory_space<semaphore_mem>>)
        %dma_wait3A_551 = arith.constant 0 : i32
        %dma_wait3A_552 = tpu.memref_slice %arg22[%run_scoped3A_273, %dma_wait3A_551] : memref<20x32xf32, #tpu.memory_space<vmem>> -> memref<1x32xf32, #tpu.memory_space<vmem>>
        %dma_wait3A_553 = tpu.memref_squeeze %dma_wait3A_552 : memref<1x32xf32, #tpu.memory_space<vmem>> -> memref<32xf32, #tpu.memory_space<vmem>>
        %dma_wait3A_554 = tpu.memref_slice %arg8[%run_scoped3A_274, %add3A_40] : memref<20x16384xf32, #tpu.memory_space<hbm>> -> memref<1x32xf32, #tpu.memory_space<hbm>>
        %dma_wait3A_555 = tpu.memref_squeeze %dma_wait3A_554 : memref<1x32xf32, #tpu.memory_space<hbm>> -> memref<32xf32, #tpu.memory_space<hbm>>
        %dma_wait3A_556 = tpu.memref_slice %arg8[%run_scoped3A_274, %add3A_40] : memref<20x16384xf32, #tpu.memory_space<hbm>> -> memref<1x32xf32, #tpu.memory_space<hbm>>
        %dma_wait3A_557 = tpu.memref_squeeze %dma_wait3A_556 : memref<1x32xf32, #tpu.memory_space<hbm>> -> memref<32xf32, #tpu.memory_space<hbm>>
        %dma_wait3A_558 = arith.constant 0 : i32
        %dma_wait3A_559 = tpu.memref_slice %arg22[%run_scoped3A_273, %dma_wait3A_558] : memref<20x32xf32, #tpu.memory_space<vmem>> -> memref<1x32xf32, #tpu.memory_space<vmem>>
        %dma_wait3A_560 = tpu.memref_squeeze %dma_wait3A_559 : memref<1x32xf32, #tpu.memory_space<vmem>> -> memref<32xf32, #tpu.memory_space<vmem>>
        tpu.wait_dma2 semaphore(%run_scoped3A_540 : memref<!tpu.dma_semaphore, #tpu.memory_space<semaphore_mem>>) src(%dma_wait3A_560 : memref<32xf32, #tpu.memory_space<vmem>>) dst(%dma_wait3A_557 : memref<32xf32, #tpu.memory_space<hbm>>)
        tpu.yield
      }) : () -> ()
      %run_scoped3A_275 = arith.constant 16 : i32
      %run_scoped3A_276 = arith.constant 16 : i32
      "tpu.region"() ({
        %run_scoped3A_540 = tpu.sem_alloc : memref<!tpu.dma_semaphore, #tpu.memory_space<semaphore_mem>>
        %dma_start3A_541 = arith.constant 0 : i32
        %dma_start3A_542 = tpu.memref_slice %arg22[%run_scoped3A_275, %dma_start3A_541] : memref<20x32xf32, #tpu.memory_space<vmem>> -> memref<1x32xf32, #tpu.memory_space<vmem>>
        %dma_start3A_543 = tpu.memref_squeeze %dma_start3A_542 : memref<1x32xf32, #tpu.memory_space<vmem>> -> memref<32xf32, #tpu.memory_space<vmem>>
        %dma_start3A_544 = tpu.memref_slice %arg8[%run_scoped3A_276, %add3A_40] : memref<20x16384xf32, #tpu.memory_space<hbm>> -> memref<1x32xf32, #tpu.memory_space<hbm>>
        %dma_start3A_545 = tpu.memref_squeeze %dma_start3A_544 : memref<1x32xf32, #tpu.memory_space<hbm>> -> memref<32xf32, #tpu.memory_space<hbm>>
        %dma_start3A_546 = tpu.memref_slice %arg8[%run_scoped3A_276, %add3A_40] : memref<20x16384xf32, #tpu.memory_space<hbm>> -> memref<1x32xf32, #tpu.memory_space<hbm>>
        %dma_start3A_547 = tpu.memref_squeeze %dma_start3A_546 : memref<1x32xf32, #tpu.memory_space<hbm>> -> memref<32xf32, #tpu.memory_space<hbm>>
        %dma_start3A_548 = arith.constant 0 : i32
        %dma_start3A_549 = tpu.memref_slice %arg22[%run_scoped3A_275, %dma_start3A_548] : memref<20x32xf32, #tpu.memory_space<vmem>> -> memref<1x32xf32, #tpu.memory_space<vmem>>
        %dma_start3A_550 = tpu.memref_squeeze %dma_start3A_549 : memref<1x32xf32, #tpu.memory_space<vmem>> -> memref<32xf32, #tpu.memory_space<vmem>>
        tpu.enqueue_dma source(%dma_start3A_550 : memref<32xf32, #tpu.memory_space<vmem>>) target(%dma_start3A_547 : memref<32xf32, #tpu.memory_space<hbm>>) target_semaphore(%run_scoped3A_540 : memref<!tpu.dma_semaphore, #tpu.memory_space<semaphore_mem>>)
        %dma_wait3A_551 = arith.constant 0 : i32
        %dma_wait3A_552 = tpu.memref_slice %arg22[%run_scoped3A_275, %dma_wait3A_551] : memref<20x32xf32, #tpu.memory_space<vmem>> -> memref<1x32xf32, #tpu.memory_space<vmem>>
        %dma_wait3A_553 = tpu.memref_squeeze %dma_wait3A_552 : memref<1x32xf32, #tpu.memory_space<vmem>> -> memref<32xf32, #tpu.memory_space<vmem>>
        %dma_wait3A_554 = tpu.memref_slice %arg8[%run_scoped3A_276, %add3A_40] : memref<20x16384xf32, #tpu.memory_space<hbm>> -> memref<1x32xf32, #tpu.memory_space<hbm>>
        %dma_wait3A_555 = tpu.memref_squeeze %dma_wait3A_554 : memref<1x32xf32, #tpu.memory_space<hbm>> -> memref<32xf32, #tpu.memory_space<hbm>>
        %dma_wait3A_556 = tpu.memref_slice %arg8[%run_scoped3A_276, %add3A_40] : memref<20x16384xf32, #tpu.memory_space<hbm>> -> memref<1x32xf32, #tpu.memory_space<hbm>>
        %dma_wait3A_557 = tpu.memref_squeeze %dma_wait3A_556 : memref<1x32xf32, #tpu.memory_space<hbm>> -> memref<32xf32, #tpu.memory_space<hbm>>
        %dma_wait3A_558 = arith.constant 0 : i32
        %dma_wait3A_559 = tpu.memref_slice %arg22[%run_scoped3A_275, %dma_wait3A_558] : memref<20x32xf32, #tpu.memory_space<vmem>> -> memref<1x32xf32, #tpu.memory_space<vmem>>
        %dma_wait3A_560 = tpu.memref_squeeze %dma_wait3A_559 : memref<1x32xf32, #tpu.memory_space<vmem>> -> memref<32xf32, #tpu.memory_space<vmem>>
        tpu.wait_dma2 semaphore(%run_scoped3A_540 : memref<!tpu.dma_semaphore, #tpu.memory_space<semaphore_mem>>) src(%dma_wait3A_560 : memref<32xf32, #tpu.memory_space<vmem>>) dst(%dma_wait3A_557 : memref<32xf32, #tpu.memory_space<hbm>>)
        tpu.yield
      }) : () -> ()
      %run_scoped3A_277 = arith.constant 17 : i32
      %run_scoped3A_278 = arith.constant 17 : i32
      "tpu.region"() ({
        %run_scoped3A_540 = tpu.sem_alloc : memref<!tpu.dma_semaphore, #tpu.memory_space<semaphore_mem>>
        %dma_start3A_541 = arith.constant 0 : i32
        %dma_start3A_542 = tpu.memref_slice %arg22[%run_scoped3A_277, %dma_start3A_541] : memref<20x32xf32, #tpu.memory_space<vmem>> -> memref<1x32xf32, #tpu.memory_space<vmem>>
        %dma_start3A_543 = tpu.memref_squeeze %dma_start3A_542 : memref<1x32xf32, #tpu.memory_space<vmem>> -> memref<32xf32, #tpu.memory_space<vmem>>
        %dma_start3A_544 = tpu.memref_slice %arg8[%run_scoped3A_278, %add3A_40] : memref<20x16384xf32, #tpu.memory_space<hbm>> -> memref<1x32xf32, #tpu.memory_space<hbm>>
        %dma_start3A_545 = tpu.memref_squeeze %dma_start3A_544 : memref<1x32xf32, #tpu.memory_space<hbm>> -> memref<32xf32, #tpu.memory_space<hbm>>
        %dma_start3A_546 = tpu.memref_slice %arg8[%run_scoped3A_278, %add3A_40] : memref<20x16384xf32, #tpu.memory_space<hbm>> -> memref<1x32xf32, #tpu.memory_space<hbm>>
        %dma_start3A_547 = tpu.memref_squeeze %dma_start3A_546 : memref<1x32xf32, #tpu.memory_space<hbm>> -> memref<32xf32, #tpu.memory_space<hbm>>
        %dma_start3A_548 = arith.constant 0 : i32
        %dma_start3A_549 = tpu.memref_slice %arg22[%run_scoped3A_277, %dma_start3A_548] : memref<20x32xf32, #tpu.memory_space<vmem>> -> memref<1x32xf32, #tpu.memory_space<vmem>>
        %dma_start3A_550 = tpu.memref_squeeze %dma_start3A_549 : memref<1x32xf32, #tpu.memory_space<vmem>> -> memref<32xf32, #tpu.memory_space<vmem>>
        tpu.enqueue_dma source(%dma_start3A_550 : memref<32xf32, #tpu.memory_space<vmem>>) target(%dma_start3A_547 : memref<32xf32, #tpu.memory_space<hbm>>) target_semaphore(%run_scoped3A_540 : memref<!tpu.dma_semaphore, #tpu.memory_space<semaphore_mem>>)
        %dma_wait3A_551 = arith.constant 0 : i32
        %dma_wait3A_552 = tpu.memref_slice %arg22[%run_scoped3A_277, %dma_wait3A_551] : memref<20x32xf32, #tpu.memory_space<vmem>> -> memref<1x32xf32, #tpu.memory_space<vmem>>
        %dma_wait3A_553 = tpu.memref_squeeze %dma_wait3A_552 : memref<1x32xf32, #tpu.memory_space<vmem>> -> memref<32xf32, #tpu.memory_space<vmem>>
        %dma_wait3A_554 = tpu.memref_slice %arg8[%run_scoped3A_278, %add3A_40] : memref<20x16384xf32, #tpu.memory_space<hbm>> -> memref<1x32xf32, #tpu.memory_space<hbm>>
        %dma_wait3A_555 = tpu.memref_squeeze %dma_wait3A_554 : memref<1x32xf32, #tpu.memory_space<hbm>> -> memref<32xf32, #tpu.memory_space<hbm>>
        %dma_wait3A_556 = tpu.memref_slice %arg8[%run_scoped3A_278, %add3A_40] : memref<20x16384xf32, #tpu.memory_space<hbm>> -> memref<1x32xf32, #tpu.memory_space<hbm>>
        %dma_wait3A_557 = tpu.memref_squeeze %dma_wait3A_556 : memref<1x32xf32, #tpu.memory_space<hbm>> -> memref<32xf32, #tpu.memory_space<hbm>>
        %dma_wait3A_558 = arith.constant 0 : i32
        %dma_wait3A_559 = tpu.memref_slice %arg22[%run_scoped3A_277, %dma_wait3A_558] : memref<20x32xf32, #tpu.memory_space<vmem>> -> memref<1x32xf32, #tpu.memory_space<vmem>>
        %dma_wait3A_560 = tpu.memref_squeeze %dma_wait3A_559 : memref<1x32xf32, #tpu.memory_space<vmem>> -> memref<32xf32, #tpu.memory_space<vmem>>
        tpu.wait_dma2 semaphore(%run_scoped3A_540 : memref<!tpu.dma_semaphore, #tpu.memory_space<semaphore_mem>>) src(%dma_wait3A_560 : memref<32xf32, #tpu.memory_space<vmem>>) dst(%dma_wait3A_557 : memref<32xf32, #tpu.memory_space<hbm>>)
        tpu.yield
      }) : () -> ()
      %run_scoped3A_279 = arith.constant 18 : i32
      %run_scoped3A_280 = arith.constant 18 : i32
      "tpu.region"() ({
        %run_scoped3A_540 = tpu.sem_alloc : memref<!tpu.dma_semaphore, #tpu.memory_space<semaphore_mem>>
        %dma_start3A_541 = arith.constant 0 : i32
        %dma_start3A_542 = tpu.memref_slice %arg22[%run_scoped3A_279, %dma_start3A_541] : memref<20x32xf32, #tpu.memory_space<vmem>> -> memref<1x32xf32, #tpu.memory_space<vmem>>
        %dma_start3A_543 = tpu.memref_squeeze %dma_start3A_542 : memref<1x32xf32, #tpu.memory_space<vmem>> -> memref<32xf32, #tpu.memory_space<vmem>>
        %dma_start3A_544 = tpu.memref_slice %arg8[%run_scoped3A_280, %add3A_40] : memref<20x16384xf32, #tpu.memory_space<hbm>> -> memref<1x32xf32, #tpu.memory_space<hbm>>
        %dma_start3A_545 = tpu.memref_squeeze %dma_start3A_544 : memref<1x32xf32, #tpu.memory_space<hbm>> -> memref<32xf32, #tpu.memory_space<hbm>>
        %dma_start3A_546 = tpu.memref_slice %arg8[%run_scoped3A_280, %add3A_40] : memref<20x16384xf32, #tpu.memory_space<hbm>> -> memref<1x32xf32, #tpu.memory_space<hbm>>
        %dma_start3A_547 = tpu.memref_squeeze %dma_start3A_546 : memref<1x32xf32, #tpu.memory_space<hbm>> -> memref<32xf32, #tpu.memory_space<hbm>>
        %dma_start3A_548 = arith.constant 0 : i32
        %dma_start3A_549 = tpu.memref_slice %arg22[%run_scoped3A_279, %dma_start3A_548] : memref<20x32xf32, #tpu.memory_space<vmem>> -> memref<1x32xf32, #tpu.memory_space<vmem>>
        %dma_start3A_550 = tpu.memref_squeeze %dma_start3A_549 : memref<1x32xf32, #tpu.memory_space<vmem>> -> memref<32xf32, #tpu.memory_space<vmem>>
        tpu.enqueue_dma source(%dma_start3A_550 : memref<32xf32, #tpu.memory_space<vmem>>) target(%dma_start3A_547 : memref<32xf32, #tpu.memory_space<hbm>>) target_semaphore(%run_scoped3A_540 : memref<!tpu.dma_semaphore, #tpu.memory_space<semaphore_mem>>)
        %dma_wait3A_551 = arith.constant 0 : i32
        %dma_wait3A_552 = tpu.memref_slice %arg22[%run_scoped3A_279, %dma_wait3A_551] : memref<20x32xf32, #tpu.memory_space<vmem>> -> memref<1x32xf32, #tpu.memory_space<vmem>>
        %dma_wait3A_553 = tpu.memref_squeeze %dma_wait3A_552 : memref<1x32xf32, #tpu.memory_space<vmem>> -> memref<32xf32, #tpu.memory_space<vmem>>
        %dma_wait3A_554 = tpu.memref_slice %arg8[%run_scoped3A_280, %add3A_40] : memref<20x16384xf32, #tpu.memory_space<hbm>> -> memref<1x32xf32, #tpu.memory_space<hbm>>
        %dma_wait3A_555 = tpu.memref_squeeze %dma_wait3A_554 : memref<1x32xf32, #tpu.memory_space<hbm>> -> memref<32xf32, #tpu.memory_space<hbm>>
        %dma_wait3A_556 = tpu.memref_slice %arg8[%run_scoped3A_280, %add3A_40] : memref<20x16384xf32, #tpu.memory_space<hbm>> -> memref<1x32xf32, #tpu.memory_space<hbm>>
        %dma_wait3A_557 = tpu.memref_squeeze %dma_wait3A_556 : memref<1x32xf32, #tpu.memory_space<hbm>> -> memref<32xf32, #tpu.memory_space<hbm>>
        %dma_wait3A_558 = arith.constant 0 : i32
        %dma_wait3A_559 = tpu.memref_slice %arg22[%run_scoped3A_279, %dma_wait3A_558] : memref<20x32xf32, #tpu.memory_space<vmem>> -> memref<1x32xf32, #tpu.memory_space<vmem>>
        %dma_wait3A_560 = tpu.memref_squeeze %dma_wait3A_559 : memref<1x32xf32, #tpu.memory_space<vmem>> -> memref<32xf32, #tpu.memory_space<vmem>>
        tpu.wait_dma2 semaphore(%run_scoped3A_540 : memref<!tpu.dma_semaphore, #tpu.memory_space<semaphore_mem>>) src(%dma_wait3A_560 : memref<32xf32, #tpu.memory_space<vmem>>) dst(%dma_wait3A_557 : memref<32xf32, #tpu.memory_space<hbm>>)
        tpu.yield
      }) : () -> ()
      %run_scoped3A_281 = arith.constant 19 : i32
      %run_scoped3A_282 = arith.constant 19 : i32
      "tpu.region"() ({
        %run_scoped3A_540 = tpu.sem_alloc : memref<!tpu.dma_semaphore, #tpu.memory_space<semaphore_mem>>
        %dma_start3A_541 = arith.constant 0 : i32
        %dma_start3A_542 = tpu.memref_slice %arg22[%run_scoped3A_281, %dma_start3A_541] : memref<20x32xf32, #tpu.memory_space<vmem>> -> memref<1x32xf32, #tpu.memory_space<vmem>>
        %dma_start3A_543 = tpu.memref_squeeze %dma_start3A_542 : memref<1x32xf32, #tpu.memory_space<vmem>> -> memref<32xf32, #tpu.memory_space<vmem>>
        %dma_start3A_544 = tpu.memref_slice %arg8[%run_scoped3A_282, %add3A_40] : memref<20x16384xf32, #tpu.memory_space<hbm>> -> memref<1x32xf32, #tpu.memory_space<hbm>>
        %dma_start3A_545 = tpu.memref_squeeze %dma_start3A_544 : memref<1x32xf32, #tpu.memory_space<hbm>> -> memref<32xf32, #tpu.memory_space<hbm>>
        %dma_start3A_546 = tpu.memref_slice %arg8[%run_scoped3A_282, %add3A_40] : memref<20x16384xf32, #tpu.memory_space<hbm>> -> memref<1x32xf32, #tpu.memory_space<hbm>>
        %dma_start3A_547 = tpu.memref_squeeze %dma_start3A_546 : memref<1x32xf32, #tpu.memory_space<hbm>> -> memref<32xf32, #tpu.memory_space<hbm>>
        %dma_start3A_548 = arith.constant 0 : i32
        %dma_start3A_549 = tpu.memref_slice %arg22[%run_scoped3A_281, %dma_start3A_548] : memref<20x32xf32, #tpu.memory_space<vmem>> -> memref<1x32xf32, #tpu.memory_space<vmem>>
        %dma_start3A_550 = tpu.memref_squeeze %dma_start3A_549 : memref<1x32xf32, #tpu.memory_space<vmem>> -> memref<32xf32, #tpu.memory_space<vmem>>
        tpu.enqueue_dma source(%dma_start3A_550 : memref<32xf32, #tpu.memory_space<vmem>>) target(%dma_start3A_547 : memref<32xf32, #tpu.memory_space<hbm>>) target_semaphore(%run_scoped3A_540 : memref<!tpu.dma_semaphore, #tpu.memory_space<semaphore_mem>>)
        %dma_wait3A_551 = arith.constant 0 : i32
        %dma_wait3A_552 = tpu.memref_slice %arg22[%run_scoped3A_281, %dma_wait3A_551] : memref<20x32xf32, #tpu.memory_space<vmem>> -> memref<1x32xf32, #tpu.memory_space<vmem>>
        %dma_wait3A_553 = tpu.memref_squeeze %dma_wait3A_552 : memref<1x32xf32, #tpu.memory_space<vmem>> -> memref<32xf32, #tpu.memory_space<vmem>>
        %dma_wait3A_554 = tpu.memref_slice %arg8[%run_scoped3A_282, %add3A_40] : memref<20x16384xf32, #tpu.memory_space<hbm>> -> memref<1x32xf32, #tpu.memory_space<hbm>>
        %dma_wait3A_555 = tpu.memref_squeeze %dma_wait3A_554 : memref<1x32xf32, #tpu.memory_space<hbm>> -> memref<32xf32, #tpu.memory_space<hbm>>
        %dma_wait3A_556 = tpu.memref_slice %arg8[%run_scoped3A_282, %add3A_40] : memref<20x16384xf32, #tpu.memory_space<hbm>> -> memref<1x32xf32, #tpu.memory_space<hbm>>
        %dma_wait3A_557 = tpu.memref_squeeze %dma_wait3A_556 : memref<1x32xf32, #tpu.memory_space<hbm>> -> memref<32xf32, #tpu.memory_space<hbm>>
        %dma_wait3A_558 = arith.constant 0 : i32
        %dma_wait3A_559 = tpu.memref_slice %arg22[%run_scoped3A_281, %dma_wait3A_558] : memref<20x32xf32, #tpu.memory_space<vmem>> -> memref<1x32xf32, #tpu.memory_space<vmem>>
        %dma_wait3A_560 = tpu.memref_squeeze %dma_wait3A_559 : memref<1x32xf32, #tpu.memory_space<vmem>> -> memref<32xf32, #tpu.memory_space<vmem>>
        tpu.wait_dma2 semaphore(%run_scoped3A_540 : memref<!tpu.dma_semaphore, #tpu.memory_space<semaphore_mem>>) src(%dma_wait3A_560 : memref<32xf32, #tpu.memory_space<vmem>>) dst(%dma_wait3A_557 : memref<32xf32, #tpu.memory_space<hbm>>)
        tpu.yield
      }) : () -> ()
      %mul3A_283 = arith.constant 2 : i32
      %mul3A_284 = arith.muli %mul3A_283, %scan3A_33 : i32
      %add3A_285 = arith.constant 1 : i32
      %add3A_286 = arith.addi %mul3A_284, %add3A_285 : i32
      %mul3A_287 = arith.constant 32 : i32
      %mul3A_288 = arith.muli %add3A_286, %mul3A_287 : i32
      %add3A_289 = arith.addi %mul3A_2, %mul3A_288 : i32
      %dma_wait3A_290 = arith.constant 0 : i32
      %dma_wait3A_291 = arith.constant 0 : i32
      %dma_wait3A_292 = tpu.memref_slice %arg5[%dma_wait3A_290, %dma_wait3A_291] : memref<1000000x64xf32, #tpu.memory_space<hbm>> -> memref<1000000x64xf32, #tpu.memory_space<hbm>>
      tpu.wait_indirect_dma semaphore(%arg24 : memref<!tpu.dma_semaphore, #tpu.memory_space<semaphore_mem>>) src(%dma_wait3A_292 : memref<1000000x64xf32, #tpu.memory_space<hbm>>) dst(%arg16 : memref<32x64xf32, #tpu.memory_space<vmem>>)
      %dma_wait3A_293 = arith.constant 0 : i32
      %dma_wait3A_294 = arith.constant 0 : i32
      %dma_wait3A_295 = tpu.memref_slice %arg6[%dma_wait3A_293, %dma_wait3A_294] : memref<1000000x64xf32, #tpu.memory_space<hbm>> -> memref<1000000x64xf32, #tpu.memory_space<hbm>>
      tpu.wait_indirect_dma semaphore(%arg26 : memref<!tpu.dma_semaphore, #tpu.memory_space<semaphore_mem>>) src(%dma_wait3A_295 : memref<1000000x64xf32, #tpu.memory_space<hbm>>) dst(%arg18 : memref<32x64xf32, #tpu.memory_space<vmem>>)
      %dma_wait3A_296 = arith.constant 0 : i32
      %dma_wait3A_297 = arith.constant 0 : i32
      %dma_wait3A_298 = tpu.memref_slice %arg6[%dma_wait3A_296, %dma_wait3A_297] : memref<1000000x64xf32, #tpu.memory_space<hbm>> -> memref<1000000x64xf32, #tpu.memory_space<hbm>>
      tpu.wait_indirect_dma semaphore(%arg28 : memref<!tpu.dma_semaphore, #tpu.memory_space<semaphore_mem>>) src(%dma_wait3A_298 : memref<1000000x64xf32, #tpu.memory_space<hbm>>) dst(%arg20 : memref<640x64xf32, #tpu.memory_space<vmem>>)
      %iota3A_299 = tpu.iota {dimensions = array<i32: 0>} : vector<16xi32>
      %add3A_300 = arith.constant 0 : i32
      %add3A_301 = vector.broadcast %add3A_300 : i32 to vector<16xi32>
      %add3A_302 = arith.addi %iota3A_299, %add3A_301 : vector<16xi32>
      %mul3A_303 = arith.constant 20 : i32
      %mul3A_304 = vector.broadcast %mul3A_303 : i32 to vector<16xi32>
      %mul3A_305 = arith.muli %add3A_302, %mul3A_304 : vector<16xi32>
      %broadcast_in_dim3A_306 = arith.constant 0.000000e+00 : f32
      %broadcast_in_dim3A_307 = vector.broadcast %broadcast_in_dim3A_306 : f32 to vector<16xf32>
      %scan3A_308 = arith.constant 0 : i32
      %scan3A_309 = arith.constant 64 : i32
      %scan3A_310 = arith.addi %scan3A_308, %scan3A_309 : i32
      %scan3A_311 = arith.constant 2 : i32
      %scan3A_312:21 = scf.for %scan3A_540 = %scan3A_308 to %scan3A_310 step %scan3A_311 iter_args(%scan3A_541 = %broadcast_in_dim3A_307, %scan3A_542 = %broadcast_in_dim3A_307, %scan3A_543 = %broadcast_in_dim3A_307, %scan3A_544 = %broadcast_in_dim3A_307, %scan3A_545 = %broadcast_in_dim3A_307, %scan3A_546 = %broadcast_in_dim3A_307, %scan3A_547 = %broadcast_in_dim3A_307, %scan3A_548 = %broadcast_in_dim3A_307, %scan3A_549 = %broadcast_in_dim3A_307, %scan3A_550 = %broadcast_in_dim3A_307, %scan3A_551 = %broadcast_in_dim3A_307, %scan3A_552 = %broadcast_in_dim3A_307, %scan3A_553 = %broadcast_in_dim3A_307, %scan3A_554 = %broadcast_in_dim3A_307, %scan3A_555 = %broadcast_in_dim3A_307, %scan3A_556 = %broadcast_in_dim3A_307, %scan3A_557 = %broadcast_in_dim3A_307, %scan3A_558 = %broadcast_in_dim3A_307, %scan3A_559 = %broadcast_in_dim3A_307, %scan3A_560 = %broadcast_in_dim3A_307, %scan3A_561 = %broadcast_in_dim3A_307) -> (vector<16xf32>, vector<16xf32>, vector<16xf32>, vector<16xf32>, vector<16xf32>, vector<16xf32>, vector<16xf32>, vector<16xf32>, vector<16xf32>, vector<16xf32>, vector<16xf32>, vector<16xf32>, vector<16xf32>, vector<16xf32>, vector<16xf32>, vector<16xf32>, vector<16xf32>, vector<16xf32>, vector<16xf32>, vector<16xf32>, vector<16xf32>)  : i32 {
        %iota3A_562 = tpu.iota {dimensions = array<i32: 0>} : vector<16xi32>
        %add3A_563 = vector.broadcast %scan3A_540 : i32 to vector<16xi32>
        %add3A_564 = arith.addi %iota3A_562, %add3A_563 : vector<16xi32>
        %and3A = arith.constant 63 : i32
        %and3A_565 = vector.broadcast %and3A : i32 to vector<16xi32>
        %and3A_566 = arith.andi %add3A_564, %and3A_565 : vector<16xi32>
        %gather3A = tpu.vector_load_idx %arg16[%add3A_302, %and3A_566] : memref<32x64xf32, #tpu.memory_space<vmem>>[vector<16xi32>, vector<16xi32>], vector<16xf32>,
        %gather3A_567 = tpu.vector_load_idx %arg18[%add3A_302, %and3A_566] : memref<32x64xf32, #tpu.memory_space<vmem>>[vector<16xi32>, vector<16xi32>], vector<16xf32>,
        %mul3A_568 = arith.mulf %gather3A, %gather3A_567 : vector<16xf32>
        %add3A_569 = arith.addf %scan3A_541, %mul3A_568 : vector<16xf32>
        %add3A_570 = arith.constant 0 : i32
        %add3A_571 = vector.broadcast %add3A_570 : i32 to vector<16xi32>
        %add3A_572 = arith.addi %mul3A_305, %add3A_571 : vector<16xi32>
        %gather3A_573 = tpu.vector_load_idx %arg20[%add3A_572, %and3A_566] : memref<640x64xf32, #tpu.memory_space<vmem>>[vector<16xi32>, vector<16xi32>], vector<16xf32>,
        %mul3A_574 = arith.mulf %gather3A, %gather3A_573 : vector<16xf32>
        %add3A_575 = arith.addf %scan3A_542, %mul3A_574 : vector<16xf32>
        %add3A_576 = arith.constant 1 : i32
        %add3A_577 = vector.broadcast %add3A_576 : i32 to vector<16xi32>
        %add3A_578 = arith.addi %mul3A_305, %add3A_577 : vector<16xi32>
        %gather3A_579 = tpu.vector_load_idx %arg20[%add3A_578, %and3A_566] : memref<640x64xf32, #tpu.memory_space<vmem>>[vector<16xi32>, vector<16xi32>], vector<16xf32>,
        %mul3A_580 = arith.mulf %gather3A, %gather3A_579 : vector<16xf32>
        %add3A_581 = arith.addf %scan3A_543, %mul3A_580 : vector<16xf32>
        %add3A_582 = arith.constant 2 : i32
        %add3A_583 = vector.broadcast %add3A_582 : i32 to vector<16xi32>
        %add3A_584 = arith.addi %mul3A_305, %add3A_583 : vector<16xi32>
        %gather3A_585 = tpu.vector_load_idx %arg20[%add3A_584, %and3A_566] : memref<640x64xf32, #tpu.memory_space<vmem>>[vector<16xi32>, vector<16xi32>], vector<16xf32>,
        %mul3A_586 = arith.mulf %gather3A, %gather3A_585 : vector<16xf32>
        %add3A_587 = arith.addf %scan3A_544, %mul3A_586 : vector<16xf32>
        %add3A_588 = arith.constant 3 : i32
        %add3A_589 = vector.broadcast %add3A_588 : i32 to vector<16xi32>
        %add3A_590 = arith.addi %mul3A_305, %add3A_589 : vector<16xi32>
        %gather3A_591 = tpu.vector_load_idx %arg20[%add3A_590, %and3A_566] : memref<640x64xf32, #tpu.memory_space<vmem>>[vector<16xi32>, vector<16xi32>], vector<16xf32>,
        %mul3A_592 = arith.mulf %gather3A, %gather3A_591 : vector<16xf32>
        %add3A_593 = arith.addf %scan3A_545, %mul3A_592 : vector<16xf32>
        %add3A_594 = arith.constant 4 : i32
        %add3A_595 = vector.broadcast %add3A_594 : i32 to vector<16xi32>
        %add3A_596 = arith.addi %mul3A_305, %add3A_595 : vector<16xi32>
        %gather3A_597 = tpu.vector_load_idx %arg20[%add3A_596, %and3A_566] : memref<640x64xf32, #tpu.memory_space<vmem>>[vector<16xi32>, vector<16xi32>], vector<16xf32>,
        %mul3A_598 = arith.mulf %gather3A, %gather3A_597 : vector<16xf32>
        %add3A_599 = arith.addf %scan3A_546, %mul3A_598 : vector<16xf32>
        %add3A_600 = arith.constant 5 : i32
        %add3A_601 = vector.broadcast %add3A_600 : i32 to vector<16xi32>
        %add3A_602 = arith.addi %mul3A_305, %add3A_601 : vector<16xi32>
        %gather3A_603 = tpu.vector_load_idx %arg20[%add3A_602, %and3A_566] : memref<640x64xf32, #tpu.memory_space<vmem>>[vector<16xi32>, vector<16xi32>], vector<16xf32>,
        %mul3A_604 = arith.mulf %gather3A, %gather3A_603 : vector<16xf32>
        %add3A_605 = arith.addf %scan3A_547, %mul3A_604 : vector<16xf32>
        %add3A_606 = arith.constant 6 : i32
        %add3A_607 = vector.broadcast %add3A_606 : i32 to vector<16xi32>
        %add3A_608 = arith.addi %mul3A_305, %add3A_607 : vector<16xi32>
        %gather3A_609 = tpu.vector_load_idx %arg20[%add3A_608, %and3A_566] : memref<640x64xf32, #tpu.memory_space<vmem>>[vector<16xi32>, vector<16xi32>], vector<16xf32>,
        %mul3A_610 = arith.mulf %gather3A, %gather3A_609 : vector<16xf32>
        %add3A_611 = arith.addf %scan3A_548, %mul3A_610 : vector<16xf32>
        %add3A_612 = arith.constant 7 : i32
        %add3A_613 = vector.broadcast %add3A_612 : i32 to vector<16xi32>
        %add3A_614 = arith.addi %mul3A_305, %add3A_613 : vector<16xi32>
        %gather3A_615 = tpu.vector_load_idx %arg20[%add3A_614, %and3A_566] : memref<640x64xf32, #tpu.memory_space<vmem>>[vector<16xi32>, vector<16xi32>], vector<16xf32>,
        %mul3A_616 = arith.mulf %gather3A, %gather3A_615 : vector<16xf32>
        %add3A_617 = arith.addf %scan3A_549, %mul3A_616 : vector<16xf32>
        %add3A_618 = arith.constant 8 : i32
        %add3A_619 = vector.broadcast %add3A_618 : i32 to vector<16xi32>
        %add3A_620 = arith.addi %mul3A_305, %add3A_619 : vector<16xi32>
        %gather3A_621 = tpu.vector_load_idx %arg20[%add3A_620, %and3A_566] : memref<640x64xf32, #tpu.memory_space<vmem>>[vector<16xi32>, vector<16xi32>], vector<16xf32>,
        %mul3A_622 = arith.mulf %gather3A, %gather3A_621 : vector<16xf32>
        %add3A_623 = arith.addf %scan3A_550, %mul3A_622 : vector<16xf32>
        %add3A_624 = arith.constant 9 : i32
        %add3A_625 = vector.broadcast %add3A_624 : i32 to vector<16xi32>
        %add3A_626 = arith.addi %mul3A_305, %add3A_625 : vector<16xi32>
        %gather3A_627 = tpu.vector_load_idx %arg20[%add3A_626, %and3A_566] : memref<640x64xf32, #tpu.memory_space<vmem>>[vector<16xi32>, vector<16xi32>], vector<16xf32>,
        %mul3A_628 = arith.mulf %gather3A, %gather3A_627 : vector<16xf32>
        %add3A_629 = arith.addf %scan3A_551, %mul3A_628 : vector<16xf32>
        %add3A_630 = arith.constant 10 : i32
        %add3A_631 = vector.broadcast %add3A_630 : i32 to vector<16xi32>
        %add3A_632 = arith.addi %mul3A_305, %add3A_631 : vector<16xi32>
        %gather3A_633 = tpu.vector_load_idx %arg20[%add3A_632, %and3A_566] : memref<640x64xf32, #tpu.memory_space<vmem>>[vector<16xi32>, vector<16xi32>], vector<16xf32>,
        %mul3A_634 = arith.mulf %gather3A, %gather3A_633 : vector<16xf32>
        %add3A_635 = arith.addf %scan3A_552, %mul3A_634 : vector<16xf32>
        %add3A_636 = arith.constant 11 : i32
        %add3A_637 = vector.broadcast %add3A_636 : i32 to vector<16xi32>
        %add3A_638 = arith.addi %mul3A_305, %add3A_637 : vector<16xi32>
        %gather3A_639 = tpu.vector_load_idx %arg20[%add3A_638, %and3A_566] : memref<640x64xf32, #tpu.memory_space<vmem>>[vector<16xi32>, vector<16xi32>], vector<16xf32>,
        %mul3A_640 = arith.mulf %gather3A, %gather3A_639 : vector<16xf32>
        %add3A_641 = arith.addf %scan3A_553, %mul3A_640 : vector<16xf32>
        %add3A_642 = arith.constant 12 : i32
        %add3A_643 = vector.broadcast %add3A_642 : i32 to vector<16xi32>
        %add3A_644 = arith.addi %mul3A_305, %add3A_643 : vector<16xi32>
        %gather3A_645 = tpu.vector_load_idx %arg20[%add3A_644, %and3A_566] : memref<640x64xf32, #tpu.memory_space<vmem>>[vector<16xi32>, vector<16xi32>], vector<16xf32>,
        %mul3A_646 = arith.mulf %gather3A, %gather3A_645 : vector<16xf32>
        %add3A_647 = arith.addf %scan3A_554, %mul3A_646 : vector<16xf32>
        %add3A_648 = arith.constant 13 : i32
        %add3A_649 = vector.broadcast %add3A_648 : i32 to vector<16xi32>
        %add3A_650 = arith.addi %mul3A_305, %add3A_649 : vector<16xi32>
        %gather3A_651 = tpu.vector_load_idx %arg20[%add3A_650, %and3A_566] : memref<640x64xf32, #tpu.memory_space<vmem>>[vector<16xi32>, vector<16xi32>], vector<16xf32>,
        %mul3A_652 = arith.mulf %gather3A, %gather3A_651 : vector<16xf32>
        %add3A_653 = arith.addf %scan3A_555, %mul3A_652 : vector<16xf32>
        %add3A_654 = arith.constant 14 : i32
        %add3A_655 = vector.broadcast %add3A_654 : i32 to vector<16xi32>
        %add3A_656 = arith.addi %mul3A_305, %add3A_655 : vector<16xi32>
        %gather3A_657 = tpu.vector_load_idx %arg20[%add3A_656, %and3A_566] : memref<640x64xf32, #tpu.memory_space<vmem>>[vector<16xi32>, vector<16xi32>], vector<16xf32>,
        %mul3A_658 = arith.mulf %gather3A, %gather3A_657 : vector<16xf32>
        %add3A_659 = arith.addf %scan3A_556, %mul3A_658 : vector<16xf32>
        %add3A_660 = arith.constant 15 : i32
        %add3A_661 = vector.broadcast %add3A_660 : i32 to vector<16xi32>
        %add3A_662 = arith.addi %mul3A_305, %add3A_661 : vector<16xi32>
        %gather3A_663 = tpu.vector_load_idx %arg20[%add3A_662, %and3A_566] : memref<640x64xf32, #tpu.memory_space<vmem>>[vector<16xi32>, vector<16xi32>], vector<16xf32>,
        %mul3A_664 = arith.mulf %gather3A, %gather3A_663 : vector<16xf32>
        %add3A_665 = arith.addf %scan3A_557, %mul3A_664 : vector<16xf32>
        %add3A_666 = arith.constant 16 : i32
        %add3A_667 = vector.broadcast %add3A_666 : i32 to vector<16xi32>
        %add3A_668 = arith.addi %mul3A_305, %add3A_667 : vector<16xi32>
        %gather3A_669 = tpu.vector_load_idx %arg20[%add3A_668, %and3A_566] : memref<640x64xf32, #tpu.memory_space<vmem>>[vector<16xi32>, vector<16xi32>], vector<16xf32>,
        %mul3A_670 = arith.mulf %gather3A, %gather3A_669 : vector<16xf32>
        %add3A_671 = arith.addf %scan3A_558, %mul3A_670 : vector<16xf32>
        %add3A_672 = arith.constant 17 : i32
        %add3A_673 = vector.broadcast %add3A_672 : i32 to vector<16xi32>
        %add3A_674 = arith.addi %mul3A_305, %add3A_673 : vector<16xi32>
        %gather3A_675 = tpu.vector_load_idx %arg20[%add3A_674, %and3A_566] : memref<640x64xf32, #tpu.memory_space<vmem>>[vector<16xi32>, vector<16xi32>], vector<16xf32>,
        %mul3A_676 = arith.mulf %gather3A, %gather3A_675 : vector<16xf32>
        %add3A_677 = arith.addf %scan3A_559, %mul3A_676 : vector<16xf32>
        %add3A_678 = arith.constant 18 : i32
        %add3A_679 = vector.broadcast %add3A_678 : i32 to vector<16xi32>
        %add3A_680 = arith.addi %mul3A_305, %add3A_679 : vector<16xi32>
        %gather3A_681 = tpu.vector_load_idx %arg20[%add3A_680, %and3A_566] : memref<640x64xf32, #tpu.memory_space<vmem>>[vector<16xi32>, vector<16xi32>], vector<16xf32>,
        %mul3A_682 = arith.mulf %gather3A, %gather3A_681 : vector<16xf32>
        %add3A_683 = arith.addf %scan3A_560, %mul3A_682 : vector<16xf32>
        %add3A_684 = arith.constant 19 : i32
        %add3A_685 = vector.broadcast %add3A_684 : i32 to vector<16xi32>
        %add3A_686 = arith.addi %mul3A_305, %add3A_685 : vector<16xi32>
        %gather3A_687 = tpu.vector_load_idx %arg20[%add3A_686, %and3A_566] : memref<640x64xf32, #tpu.memory_space<vmem>>[vector<16xi32>, vector<16xi32>], vector<16xf32>,
        %mul3A_688 = arith.mulf %gather3A, %gather3A_687 : vector<16xf32>
        %add3A_689 = arith.addf %scan3A_561, %mul3A_688 : vector<16xf32>
        %scan3A_690 = arith.constant 1 : i32
        %scan3A_691 = arith.addi %scan3A_540, %scan3A_690 : i32
        %iota3A_692 = tpu.iota {dimensions = array<i32: 0>} : vector<16xi32>
        %add3A_693 = vector.broadcast %scan3A_691 : i32 to vector<16xi32>
        %add3A_694 = arith.addi %iota3A_692, %add3A_693 : vector<16xi32>
        %and3A_695 = arith.constant 63 : i32
        %and3A_696 = vector.broadcast %and3A_695 : i32 to vector<16xi32>
        %and3A_697 = arith.andi %add3A_694, %and3A_696 : vector<16xi32>
        %gather3A_698 = tpu.vector_load_idx %arg16[%add3A_302, %and3A_697] : memref<32x64xf32, #tpu.memory_space<vmem>>[vector<16xi32>, vector<16xi32>], vector<16xf32>,
        %gather3A_699 = tpu.vector_load_idx %arg18[%add3A_302, %and3A_697] : memref<32x64xf32, #tpu.memory_space<vmem>>[vector<16xi32>, vector<16xi32>], vector<16xf32>,
        %mul3A_700 = arith.mulf %gather3A_698, %gather3A_699 : vector<16xf32>
        %add3A_701 = arith.addf %add3A_569, %mul3A_700 : vector<16xf32>
        %add3A_702 = arith.constant 0 : i32
        %add3A_703 = vector.broadcast %add3A_702 : i32 to vector<16xi32>
        %add3A_704 = arith.addi %mul3A_305, %add3A_703 : vector<16xi32>
        %gather3A_705 = tpu.vector_load_idx %arg20[%add3A_704, %and3A_697] : memref<640x64xf32, #tpu.memory_space<vmem>>[vector<16xi32>, vector<16xi32>], vector<16xf32>,
        %mul3A_706 = arith.mulf %gather3A_698, %gather3A_705 : vector<16xf32>
        %add3A_707 = arith.addf %add3A_575, %mul3A_706 : vector<16xf32>
        %add3A_708 = arith.constant 1 : i32
        %add3A_709 = vector.broadcast %add3A_708 : i32 to vector<16xi32>
        %add3A_710 = arith.addi %mul3A_305, %add3A_709 : vector<16xi32>
        %gather3A_711 = tpu.vector_load_idx %arg20[%add3A_710, %and3A_697] : memref<640x64xf32, #tpu.memory_space<vmem>>[vector<16xi32>, vector<16xi32>], vector<16xf32>,
        %mul3A_712 = arith.mulf %gather3A_698, %gather3A_711 : vector<16xf32>
        %add3A_713 = arith.addf %add3A_581, %mul3A_712 : vector<16xf32>
        %add3A_714 = arith.constant 2 : i32
        %add3A_715 = vector.broadcast %add3A_714 : i32 to vector<16xi32>
        %add3A_716 = arith.addi %mul3A_305, %add3A_715 : vector<16xi32>
        %gather3A_717 = tpu.vector_load_idx %arg20[%add3A_716, %and3A_697] : memref<640x64xf32, #tpu.memory_space<vmem>>[vector<16xi32>, vector<16xi32>], vector<16xf32>,
        %mul3A_718 = arith.mulf %gather3A_698, %gather3A_717 : vector<16xf32>
        %add3A_719 = arith.addf %add3A_587, %mul3A_718 : vector<16xf32>
        %add3A_720 = arith.constant 3 : i32
        %add3A_721 = vector.broadcast %add3A_720 : i32 to vector<16xi32>
        %add3A_722 = arith.addi %mul3A_305, %add3A_721 : vector<16xi32>
        %gather3A_723 = tpu.vector_load_idx %arg20[%add3A_722, %and3A_697] : memref<640x64xf32, #tpu.memory_space<vmem>>[vector<16xi32>, vector<16xi32>], vector<16xf32>,
        %mul3A_724 = arith.mulf %gather3A_698, %gather3A_723 : vector<16xf32>
        %add3A_725 = arith.addf %add3A_593, %mul3A_724 : vector<16xf32>
        %add3A_726 = arith.constant 4 : i32
        %add3A_727 = vector.broadcast %add3A_726 : i32 to vector<16xi32>
        %add3A_728 = arith.addi %mul3A_305, %add3A_727 : vector<16xi32>
        %gather3A_729 = tpu.vector_load_idx %arg20[%add3A_728, %and3A_697] : memref<640x64xf32, #tpu.memory_space<vmem>>[vector<16xi32>, vector<16xi32>], vector<16xf32>,
        %mul3A_730 = arith.mulf %gather3A_698, %gather3A_729 : vector<16xf32>
        %add3A_731 = arith.addf %add3A_599, %mul3A_730 : vector<16xf32>
        %add3A_732 = arith.constant 5 : i32
        %add3A_733 = vector.broadcast %add3A_732 : i32 to vector<16xi32>
        %add3A_734 = arith.addi %mul3A_305, %add3A_733 : vector<16xi32>
        %gather3A_735 = tpu.vector_load_idx %arg20[%add3A_734, %and3A_697] : memref<640x64xf32, #tpu.memory_space<vmem>>[vector<16xi32>, vector<16xi32>], vector<16xf32>,
        %mul3A_736 = arith.mulf %gather3A_698, %gather3A_735 : vector<16xf32>
        %add3A_737 = arith.addf %add3A_605, %mul3A_736 : vector<16xf32>
        %add3A_738 = arith.constant 6 : i32
        %add3A_739 = vector.broadcast %add3A_738 : i32 to vector<16xi32>
        %add3A_740 = arith.addi %mul3A_305, %add3A_739 : vector<16xi32>
        %gather3A_741 = tpu.vector_load_idx %arg20[%add3A_740, %and3A_697] : memref<640x64xf32, #tpu.memory_space<vmem>>[vector<16xi32>, vector<16xi32>], vector<16xf32>,
        %mul3A_742 = arith.mulf %gather3A_698, %gather3A_741 : vector<16xf32>
        %add3A_743 = arith.addf %add3A_611, %mul3A_742 : vector<16xf32>
        %add3A_744 = arith.constant 7 : i32
        %add3A_745 = vector.broadcast %add3A_744 : i32 to vector<16xi32>
        %add3A_746 = arith.addi %mul3A_305, %add3A_745 : vector<16xi32>
        %gather3A_747 = tpu.vector_load_idx %arg20[%add3A_746, %and3A_697] : memref<640x64xf32, #tpu.memory_space<vmem>>[vector<16xi32>, vector<16xi32>], vector<16xf32>,
        %mul3A_748 = arith.mulf %gather3A_698, %gather3A_747 : vector<16xf32>
        %add3A_749 = arith.addf %add3A_617, %mul3A_748 : vector<16xf32>
        %add3A_750 = arith.constant 8 : i32
        %add3A_751 = vector.broadcast %add3A_750 : i32 to vector<16xi32>
        %add3A_752 = arith.addi %mul3A_305, %add3A_751 : vector<16xi32>
        %gather3A_753 = tpu.vector_load_idx %arg20[%add3A_752, %and3A_697] : memref<640x64xf32, #tpu.memory_space<vmem>>[vector<16xi32>, vector<16xi32>], vector<16xf32>,
        %mul3A_754 = arith.mulf %gather3A_698, %gather3A_753 : vector<16xf32>
        %add3A_755 = arith.addf %add3A_623, %mul3A_754 : vector<16xf32>
        %add3A_756 = arith.constant 9 : i32
        %add3A_757 = vector.broadcast %add3A_756 : i32 to vector<16xi32>
        %add3A_758 = arith.addi %mul3A_305, %add3A_757 : vector<16xi32>
        %gather3A_759 = tpu.vector_load_idx %arg20[%add3A_758, %and3A_697] : memref<640x64xf32, #tpu.memory_space<vmem>>[vector<16xi32>, vector<16xi32>], vector<16xf32>,
        %mul3A_760 = arith.mulf %gather3A_698, %gather3A_759 : vector<16xf32>
        %add3A_761 = arith.addf %add3A_629, %mul3A_760 : vector<16xf32>
        %add3A_762 = arith.constant 10 : i32
        %add3A_763 = vector.broadcast %add3A_762 : i32 to vector<16xi32>
        %add3A_764 = arith.addi %mul3A_305, %add3A_763 : vector<16xi32>
        %gather3A_765 = tpu.vector_load_idx %arg20[%add3A_764, %and3A_697] : memref<640x64xf32, #tpu.memory_space<vmem>>[vector<16xi32>, vector<16xi32>], vector<16xf32>,
        %mul3A_766 = arith.mulf %gather3A_698, %gather3A_765 : vector<16xf32>
        %add3A_767 = arith.addf %add3A_635, %mul3A_766 : vector<16xf32>
        %add3A_768 = arith.constant 11 : i32
        %add3A_769 = vector.broadcast %add3A_768 : i32 to vector<16xi32>
        %add3A_770 = arith.addi %mul3A_305, %add3A_769 : vector<16xi32>
        %gather3A_771 = tpu.vector_load_idx %arg20[%add3A_770, %and3A_697] : memref<640x64xf32, #tpu.memory_space<vmem>>[vector<16xi32>, vector<16xi32>], vector<16xf32>,
        %mul3A_772 = arith.mulf %gather3A_698, %gather3A_771 : vector<16xf32>
        %add3A_773 = arith.addf %add3A_641, %mul3A_772 : vector<16xf32>
        %add3A_774 = arith.constant 12 : i32
        %add3A_775 = vector.broadcast %add3A_774 : i32 to vector<16xi32>
        %add3A_776 = arith.addi %mul3A_305, %add3A_775 : vector<16xi32>
        %gather3A_777 = tpu.vector_load_idx %arg20[%add3A_776, %and3A_697] : memref<640x64xf32, #tpu.memory_space<vmem>>[vector<16xi32>, vector<16xi32>], vector<16xf32>,
        %mul3A_778 = arith.mulf %gather3A_698, %gather3A_777 : vector<16xf32>
        %add3A_779 = arith.addf %add3A_647, %mul3A_778 : vector<16xf32>
        %add3A_780 = arith.constant 13 : i32
        %add3A_781 = vector.broadcast %add3A_780 : i32 to vector<16xi32>
        %add3A_782 = arith.addi %mul3A_305, %add3A_781 : vector<16xi32>
        %gather3A_783 = tpu.vector_load_idx %arg20[%add3A_782, %and3A_697] : memref<640x64xf32, #tpu.memory_space<vmem>>[vector<16xi32>, vector<16xi32>], vector<16xf32>,
        %mul3A_784 = arith.mulf %gather3A_698, %gather3A_783 : vector<16xf32>
        %add3A_785 = arith.addf %add3A_653, %mul3A_784 : vector<16xf32>
        %add3A_786 = arith.constant 14 : i32
        %add3A_787 = vector.broadcast %add3A_786 : i32 to vector<16xi32>
        %add3A_788 = arith.addi %mul3A_305, %add3A_787 : vector<16xi32>
        %gather3A_789 = tpu.vector_load_idx %arg20[%add3A_788, %and3A_697] : memref<640x64xf32, #tpu.memory_space<vmem>>[vector<16xi32>, vector<16xi32>], vector<16xf32>,
        %mul3A_790 = arith.mulf %gather3A_698, %gather3A_789 : vector<16xf32>
        %add3A_791 = arith.addf %add3A_659, %mul3A_790 : vector<16xf32>
        %add3A_792 = arith.constant 15 : i32
        %add3A_793 = vector.broadcast %add3A_792 : i32 to vector<16xi32>
        %add3A_794 = arith.addi %mul3A_305, %add3A_793 : vector<16xi32>
        %gather3A_795 = tpu.vector_load_idx %arg20[%add3A_794, %and3A_697] : memref<640x64xf32, #tpu.memory_space<vmem>>[vector<16xi32>, vector<16xi32>], vector<16xf32>,
        %mul3A_796 = arith.mulf %gather3A_698, %gather3A_795 : vector<16xf32>
        %add3A_797 = arith.addf %add3A_665, %mul3A_796 : vector<16xf32>
        %add3A_798 = arith.constant 16 : i32
        %add3A_799 = vector.broadcast %add3A_798 : i32 to vector<16xi32>
        %add3A_800 = arith.addi %mul3A_305, %add3A_799 : vector<16xi32>
        %gather3A_801 = tpu.vector_load_idx %arg20[%add3A_800, %and3A_697] : memref<640x64xf32, #tpu.memory_space<vmem>>[vector<16xi32>, vector<16xi32>], vector<16xf32>,
        %mul3A_802 = arith.mulf %gather3A_698, %gather3A_801 : vector<16xf32>
        %add3A_803 = arith.addf %add3A_671, %mul3A_802 : vector<16xf32>
        %add3A_804 = arith.constant 17 : i32
        %add3A_805 = vector.broadcast %add3A_804 : i32 to vector<16xi32>
        %add3A_806 = arith.addi %mul3A_305, %add3A_805 : vector<16xi32>
        %gather3A_807 = tpu.vector_load_idx %arg20[%add3A_806, %and3A_697] : memref<640x64xf32, #tpu.memory_space<vmem>>[vector<16xi32>, vector<16xi32>], vector<16xf32>,
        %mul3A_808 = arith.mulf %gather3A_698, %gather3A_807 : vector<16xf32>
        %add3A_809 = arith.addf %add3A_677, %mul3A_808 : vector<16xf32>
        %add3A_810 = arith.constant 18 : i32
        %add3A_811 = vector.broadcast %add3A_810 : i32 to vector<16xi32>
        %add3A_812 = arith.addi %mul3A_305, %add3A_811 : vector<16xi32>
        %gather3A_813 = tpu.vector_load_idx %arg20[%add3A_812, %and3A_697] : memref<640x64xf32, #tpu.memory_space<vmem>>[vector<16xi32>, vector<16xi32>], vector<16xf32>,
        %mul3A_814 = arith.mulf %gather3A_698, %gather3A_813 : vector<16xf32>
        %add3A_815 = arith.addf %add3A_683, %mul3A_814 : vector<16xf32>
        %add3A_816 = arith.constant 19 : i32
        %add3A_817 = vector.broadcast %add3A_816 : i32 to vector<16xi32>
        %add3A_818 = arith.addi %mul3A_305, %add3A_817 : vector<16xi32>
        %gather3A_819 = tpu.vector_load_idx %arg20[%add3A_818, %and3A_697] : memref<640x64xf32, #tpu.memory_space<vmem>>[vector<16xi32>, vector<16xi32>], vector<16xf32>,
        %mul3A_820 = arith.mulf %gather3A_698, %gather3A_819 : vector<16xf32>
        %add3A_821 = arith.addf %add3A_689, %mul3A_820 : vector<16xf32>
        scf.yield %add3A_701, %add3A_707, %add3A_713, %add3A_719, %add3A_725, %add3A_731, %add3A_737, %add3A_743, %add3A_749, %add3A_755, %add3A_761, %add3A_767, %add3A_773, %add3A_779, %add3A_785, %add3A_791, %add3A_797, %add3A_803, %add3A_809, %add3A_815, %add3A_821 : vector<16xf32>, vector<16xf32>, vector<16xf32>, vector<16xf32>, vector<16xf32>, vector<16xf32>, vector<16xf32>, vector<16xf32>, vector<16xf32>, vector<16xf32>, vector<16xf32>, vector<16xf32>, vector<16xf32>, vector<16xf32>, vector<16xf32>, vector<16xf32>, vector<16xf32>, vector<16xf32>, vector<16xf32>, vector<16xf32>, vector<16xf32>
      }
      %scan3A_313 = arith.constant 64 : i32
      %swap3A_314 = arith.constant 0 : index
      %swap3A_315 = tpu.vector_load %arg21[%swap3A_314] {strides = array<i32>} : memref<32xf32, #tpu.memory_space<vmem>>, vector<16xf32>,
      tpu.vector_store %arg21[%swap3A_314], %scan3A_312#0 {strides = array<i32>} : memref<32xf32, #tpu.memory_space<vmem>>, vector<16xf32>,
      %swap3A_316 = arith.constant 0 : i32
      %swap3A_317 = arith.index_cast %swap3A_316 : i32 to index
      %swap3A_318 = arith.constant 0 : index
      %swap3A_319 = tpu.vector_load %arg22[%swap3A_317, %swap3A_318] {strides = array<i32>} : memref<20x32xf32, #tpu.memory_space<vmem>>, vector<16xf32>,
      tpu.vector_store %arg22[%swap3A_317, %swap3A_318], %scan3A_312#1 {strides = array<i32>} : memref<20x32xf32, #tpu.memory_space<vmem>>, vector<16xf32>,
      %swap3A_320 = arith.constant 1 : i32
      %swap3A_321 = arith.index_cast %swap3A_320 : i32 to index
      %swap3A_322 = arith.constant 0 : index
      %swap3A_323 = tpu.vector_load %arg22[%swap3A_321, %swap3A_322] {strides = array<i32>} : memref<20x32xf32, #tpu.memory_space<vmem>>, vector<16xf32>,
      tpu.vector_store %arg22[%swap3A_321, %swap3A_322], %scan3A_312#2 {strides = array<i32>} : memref<20x32xf32, #tpu.memory_space<vmem>>, vector<16xf32>,
      %swap3A_324 = arith.constant 2 : i32
      %swap3A_325 = arith.index_cast %swap3A_324 : i32 to index
      %swap3A_326 = arith.constant 0 : index
      %swap3A_327 = tpu.vector_load %arg22[%swap3A_325, %swap3A_326] {strides = array<i32>} : memref<20x32xf32, #tpu.memory_space<vmem>>, vector<16xf32>,
      tpu.vector_store %arg22[%swap3A_325, %swap3A_326], %scan3A_312#3 {strides = array<i32>} : memref<20x32xf32, #tpu.memory_space<vmem>>, vector<16xf32>,
      %swap3A_328 = arith.constant 3 : i32
      %swap3A_329 = arith.index_cast %swap3A_328 : i32 to index
      %swap3A_330 = arith.constant 0 : index
      %swap3A_331 = tpu.vector_load %arg22[%swap3A_329, %swap3A_330] {strides = array<i32>} : memref<20x32xf32, #tpu.memory_space<vmem>>, vector<16xf32>,
      tpu.vector_store %arg22[%swap3A_329, %swap3A_330], %scan3A_312#4 {strides = array<i32>} : memref<20x32xf32, #tpu.memory_space<vmem>>, vector<16xf32>,
      %swap3A_332 = arith.constant 4 : i32
      %swap3A_333 = arith.index_cast %swap3A_332 : i32 to index
      %swap3A_334 = arith.constant 0 : index
      %swap3A_335 = tpu.vector_load %arg22[%swap3A_333, %swap3A_334] {strides = array<i32>} : memref<20x32xf32, #tpu.memory_space<vmem>>, vector<16xf32>,
      tpu.vector_store %arg22[%swap3A_333, %swap3A_334], %scan3A_312#5 {strides = array<i32>} : memref<20x32xf32, #tpu.memory_space<vmem>>, vector<16xf32>,
      %swap3A_336 = arith.constant 5 : i32
      %swap3A_337 = arith.index_cast %swap3A_336 : i32 to index
      %swap3A_338 = arith.constant 0 : index
      %swap3A_339 = tpu.vector_load %arg22[%swap3A_337, %swap3A_338] {strides = array<i32>} : memref<20x32xf32, #tpu.memory_space<vmem>>, vector<16xf32>,
      tpu.vector_store %arg22[%swap3A_337, %swap3A_338], %scan3A_312#6 {strides = array<i32>} : memref<20x32xf32, #tpu.memory_space<vmem>>, vector<16xf32>,
      %swap3A_340 = arith.constant 6 : i32
      %swap3A_341 = arith.index_cast %swap3A_340 : i32 to index
      %swap3A_342 = arith.constant 0 : index
      %swap3A_343 = tpu.vector_load %arg22[%swap3A_341, %swap3A_342] {strides = array<i32>} : memref<20x32xf32, #tpu.memory_space<vmem>>, vector<16xf32>,
      tpu.vector_store %arg22[%swap3A_341, %swap3A_342], %scan3A_312#7 {strides = array<i32>} : memref<20x32xf32, #tpu.memory_space<vmem>>, vector<16xf32>,
      %swap3A_344 = arith.constant 7 : i32
      %swap3A_345 = arith.index_cast %swap3A_344 : i32 to index
      %swap3A_346 = arith.constant 0 : index
      %swap3A_347 = tpu.vector_load %arg22[%swap3A_345, %swap3A_346] {strides = array<i32>} : memref<20x32xf32, #tpu.memory_space<vmem>>, vector<16xf32>,
      tpu.vector_store %arg22[%swap3A_345, %swap3A_346], %scan3A_312#8 {strides = array<i32>} : memref<20x32xf32, #tpu.memory_space<vmem>>, vector<16xf32>,
      %swap3A_348 = arith.constant 8 : i32
      %swap3A_349 = arith.index_cast %swap3A_348 : i32 to index
      %swap3A_350 = arith.constant 0 : index
      %swap3A_351 = tpu.vector_load %arg22[%swap3A_349, %swap3A_350] {strides = array<i32>} : memref<20x32xf32, #tpu.memory_space<vmem>>, vector<16xf32>,
      tpu.vector_store %arg22[%swap3A_349, %swap3A_350], %scan3A_312#9 {strides = array<i32>} : memref<20x32xf32, #tpu.memory_space<vmem>>, vector<16xf32>,
      %swap3A_352 = arith.constant 9 : i32
      %swap3A_353 = arith.index_cast %swap3A_352 : i32 to index
      %swap3A_354 = arith.constant 0 : index
      %swap3A_355 = tpu.vector_load %arg22[%swap3A_353, %swap3A_354] {strides = array<i32>} : memref<20x32xf32, #tpu.memory_space<vmem>>, vector<16xf32>,
      tpu.vector_store %arg22[%swap3A_353, %swap3A_354], %scan3A_312#10 {strides = array<i32>} : memref<20x32xf32, #tpu.memory_space<vmem>>, vector<16xf32>,
      %swap3A_356 = arith.constant 10 : i32
      %swap3A_357 = arith.index_cast %swap3A_356 : i32 to index
      %swap3A_358 = arith.constant 0 : index
      %swap3A_359 = tpu.vector_load %arg22[%swap3A_357, %swap3A_358] {strides = array<i32>} : memref<20x32xf32, #tpu.memory_space<vmem>>, vector<16xf32>,
      tpu.vector_store %arg22[%swap3A_357, %swap3A_358], %scan3A_312#11 {strides = array<i32>} : memref<20x32xf32, #tpu.memory_space<vmem>>, vector<16xf32>,
      %swap3A_360 = arith.constant 11 : i32
      %swap3A_361 = arith.index_cast %swap3A_360 : i32 to index
      %swap3A_362 = arith.constant 0 : index
      %swap3A_363 = tpu.vector_load %arg22[%swap3A_361, %swap3A_362] {strides = array<i32>} : memref<20x32xf32, #tpu.memory_space<vmem>>, vector<16xf32>,
      tpu.vector_store %arg22[%swap3A_361, %swap3A_362], %scan3A_312#12 {strides = array<i32>} : memref<20x32xf32, #tpu.memory_space<vmem>>, vector<16xf32>,
      %swap3A_364 = arith.constant 12 : i32
      %swap3A_365 = arith.index_cast %swap3A_364 : i32 to index
      %swap3A_366 = arith.constant 0 : index
      %swap3A_367 = tpu.vector_load %arg22[%swap3A_365, %swap3A_366] {strides = array<i32>} : memref<20x32xf32, #tpu.memory_space<vmem>>, vector<16xf32>,
      tpu.vector_store %arg22[%swap3A_365, %swap3A_366], %scan3A_312#13 {strides = array<i32>} : memref<20x32xf32, #tpu.memory_space<vmem>>, vector<16xf32>,
      %swap3A_368 = arith.constant 13 : i32
      %swap3A_369 = arith.index_cast %swap3A_368 : i32 to index
      %swap3A_370 = arith.constant 0 : index
      %swap3A_371 = tpu.vector_load %arg22[%swap3A_369, %swap3A_370] {strides = array<i32>} : memref<20x32xf32, #tpu.memory_space<vmem>>, vector<16xf32>,
      tpu.vector_store %arg22[%swap3A_369, %swap3A_370], %scan3A_312#14 {strides = array<i32>} : memref<20x32xf32, #tpu.memory_space<vmem>>, vector<16xf32>,
      %swap3A_372 = arith.constant 14 : i32
      %swap3A_373 = arith.index_cast %swap3A_372 : i32 to index
      %swap3A_374 = arith.constant 0 : index
      %swap3A_375 = tpu.vector_load %arg22[%swap3A_373, %swap3A_374] {strides = array<i32>} : memref<20x32xf32, #tpu.memory_space<vmem>>, vector<16xf32>,
      tpu.vector_store %arg22[%swap3A_373, %swap3A_374], %scan3A_312#15 {strides = array<i32>} : memref<20x32xf32, #tpu.memory_space<vmem>>, vector<16xf32>,
      %swap3A_376 = arith.constant 15 : i32
      %swap3A_377 = arith.index_cast %swap3A_376 : i32 to index
      %swap3A_378 = arith.constant 0 : index
      %swap3A_379 = tpu.vector_load %arg22[%swap3A_377, %swap3A_378] {strides = array<i32>} : memref<20x32xf32, #tpu.memory_space<vmem>>, vector<16xf32>,
      tpu.vector_store %arg22[%swap3A_377, %swap3A_378], %scan3A_312#16 {strides = array<i32>} : memref<20x32xf32, #tpu.memory_space<vmem>>, vector<16xf32>,
      %swap3A_380 = arith.constant 16 : i32
      %swap3A_381 = arith.index_cast %swap3A_380 : i32 to index
      %swap3A_382 = arith.constant 0 : index
      %swap3A_383 = tpu.vector_load %arg22[%swap3A_381, %swap3A_382] {strides = array<i32>} : memref<20x32xf32, #tpu.memory_space<vmem>>, vector<16xf32>,
      tpu.vector_store %arg22[%swap3A_381, %swap3A_382], %scan3A_312#17 {strides = array<i32>} : memref<20x32xf32, #tpu.memory_space<vmem>>, vector<16xf32>,
      %swap3A_384 = arith.constant 17 : i32
      %swap3A_385 = arith.index_cast %swap3A_384 : i32 to index
      %swap3A_386 = arith.constant 0 : index
      %swap3A_387 = tpu.vector_load %arg22[%swap3A_385, %swap3A_386] {strides = array<i32>} : memref<20x32xf32, #tpu.memory_space<vmem>>, vector<16xf32>,
      tpu.vector_store %arg22[%swap3A_385, %swap3A_386], %scan3A_312#18 {strides = array<i32>} : memref<20x32xf32, #tpu.memory_space<vmem>>, vector<16xf32>,
      %swap3A_388 = arith.constant 18 : i32
      %swap3A_389 = arith.index_cast %swap3A_388 : i32 to index
      %swap3A_390 = arith.constant 0 : index
      %swap3A_391 = tpu.vector_load %arg22[%swap3A_389, %swap3A_390] {strides = array<i32>} : memref<20x32xf32, #tpu.memory_space<vmem>>, vector<16xf32>,
      tpu.vector_store %arg22[%swap3A_389, %swap3A_390], %scan3A_312#19 {strides = array<i32>} : memref<20x32xf32, #tpu.memory_space<vmem>>, vector<16xf32>,
      %swap3A_392 = arith.constant 19 : i32
      %swap3A_393 = arith.index_cast %swap3A_392 : i32 to index
      %swap3A_394 = arith.constant 0 : index
      %swap3A_395 = tpu.vector_load %arg22[%swap3A_393, %swap3A_394] {strides = array<i32>} : memref<20x32xf32, #tpu.memory_space<vmem>>, vector<16xf32>,
      tpu.vector_store %arg22[%swap3A_393, %swap3A_394], %scan3A_312#20 {strides = array<i32>} : memref<20x32xf32, #tpu.memory_space<vmem>>, vector<16xf32>,
      %iota3A_396 = tpu.iota {dimensions = array<i32: 0>} : vector<16xi32>
      %add3A_397 = arith.constant 16 : i32
      %add3A_398 = vector.broadcast %add3A_397 : i32 to vector<16xi32>
      %add3A_399 = arith.addi %iota3A_396, %add3A_398 : vector<16xi32>
      %mul3A_400 = arith.constant 20 : i32
      %mul3A_401 = vector.broadcast %mul3A_400 : i32 to vector<16xi32>
      %mul3A_402 = arith.muli %add3A_399, %mul3A_401 : vector<16xi32>
      %broadcast_in_dim3A_403 = arith.constant 0.000000e+00 : f32
      %broadcast_in_dim3A_404 = vector.broadcast %broadcast_in_dim3A_403 : f32 to vector<16xf32>
      %scan3A_405 = arith.constant 0 : i32
      %scan3A_406 = arith.constant 64 : i32
      %scan3A_407 = arith.addi %scan3A_405, %scan3A_406 : i32
      %scan3A_408 = arith.constant 2 : i32
      %scan3A_409:21 = scf.for %scan3A_540 = %scan3A_405 to %scan3A_407 step %scan3A_408 iter_args(%scan3A_541 = %broadcast_in_dim3A_404, %scan3A_542 = %broadcast_in_dim3A_404, %scan3A_543 = %broadcast_in_dim3A_404, %scan3A_544 = %broadcast_in_dim3A_404, %scan3A_545 = %broadcast_in_dim3A_404, %scan3A_546 = %broadcast_in_dim3A_404, %scan3A_547 = %broadcast_in_dim3A_404, %scan3A_548 = %broadcast_in_dim3A_404, %scan3A_549 = %broadcast_in_dim3A_404, %scan3A_550 = %broadcast_in_dim3A_404, %scan3A_551 = %broadcast_in_dim3A_404, %scan3A_552 = %broadcast_in_dim3A_404, %scan3A_553 = %broadcast_in_dim3A_404, %scan3A_554 = %broadcast_in_dim3A_404, %scan3A_555 = %broadcast_in_dim3A_404, %scan3A_556 = %broadcast_in_dim3A_404, %scan3A_557 = %broadcast_in_dim3A_404, %scan3A_558 = %broadcast_in_dim3A_404, %scan3A_559 = %broadcast_in_dim3A_404, %scan3A_560 = %broadcast_in_dim3A_404, %scan3A_561 = %broadcast_in_dim3A_404) -> (vector<16xf32>, vector<16xf32>, vector<16xf32>, vector<16xf32>, vector<16xf32>, vector<16xf32>, vector<16xf32>, vector<16xf32>, vector<16xf32>, vector<16xf32>, vector<16xf32>, vector<16xf32>, vector<16xf32>, vector<16xf32>, vector<16xf32>, vector<16xf32>, vector<16xf32>, vector<16xf32>, vector<16xf32>, vector<16xf32>, vector<16xf32>)  : i32 {
        %iota3A_562 = tpu.iota {dimensions = array<i32: 0>} : vector<16xi32>
        %add3A_563 = vector.broadcast %scan3A_540 : i32 to vector<16xi32>
        %add3A_564 = arith.addi %iota3A_562, %add3A_563 : vector<16xi32>
        %and3A = arith.constant 63 : i32
        %and3A_565 = vector.broadcast %and3A : i32 to vector<16xi32>
        %and3A_566 = arith.andi %add3A_564, %and3A_565 : vector<16xi32>
        %gather3A = tpu.vector_load_idx %arg16[%add3A_399, %and3A_566] : memref<32x64xf32, #tpu.memory_space<vmem>>[vector<16xi32>, vector<16xi32>], vector<16xf32>,
        %gather3A_567 = tpu.vector_load_idx %arg18[%add3A_399, %and3A_566] : memref<32x64xf32, #tpu.memory_space<vmem>>[vector<16xi32>, vector<16xi32>], vector<16xf32>,
        %mul3A_568 = arith.mulf %gather3A, %gather3A_567 : vector<16xf32>
        %add3A_569 = arith.addf %scan3A_541, %mul3A_568 : vector<16xf32>
        %add3A_570 = arith.constant 0 : i32
        %add3A_571 = vector.broadcast %add3A_570 : i32 to vector<16xi32>
        %add3A_572 = arith.addi %mul3A_402, %add3A_571 : vector<16xi32>
        %gather3A_573 = tpu.vector_load_idx %arg20[%add3A_572, %and3A_566] : memref<640x64xf32, #tpu.memory_space<vmem>>[vector<16xi32>, vector<16xi32>], vector<16xf32>,
        %mul3A_574 = arith.mulf %gather3A, %gather3A_573 : vector<16xf32>
        %add3A_575 = arith.addf %scan3A_542, %mul3A_574 : vector<16xf32>
        %add3A_576 = arith.constant 1 : i32
        %add3A_577 = vector.broadcast %add3A_576 : i32 to vector<16xi32>
        %add3A_578 = arith.addi %mul3A_402, %add3A_577 : vector<16xi32>
        %gather3A_579 = tpu.vector_load_idx %arg20[%add3A_578, %and3A_566] : memref<640x64xf32, #tpu.memory_space<vmem>>[vector<16xi32>, vector<16xi32>], vector<16xf32>,
        %mul3A_580 = arith.mulf %gather3A, %gather3A_579 : vector<16xf32>
        %add3A_581 = arith.addf %scan3A_543, %mul3A_580 : vector<16xf32>
        %add3A_582 = arith.constant 2 : i32
        %add3A_583 = vector.broadcast %add3A_582 : i32 to vector<16xi32>
        %add3A_584 = arith.addi %mul3A_402, %add3A_583 : vector<16xi32>
        %gather3A_585 = tpu.vector_load_idx %arg20[%add3A_584, %and3A_566] : memref<640x64xf32, #tpu.memory_space<vmem>>[vector<16xi32>, vector<16xi32>], vector<16xf32>,
        %mul3A_586 = arith.mulf %gather3A, %gather3A_585 : vector<16xf32>
        %add3A_587 = arith.addf %scan3A_544, %mul3A_586 : vector<16xf32>
        %add3A_588 = arith.constant 3 : i32
        %add3A_589 = vector.broadcast %add3A_588 : i32 to vector<16xi32>
        %add3A_590 = arith.addi %mul3A_402, %add3A_589 : vector<16xi32>
        %gather3A_591 = tpu.vector_load_idx %arg20[%add3A_590, %and3A_566] : memref<640x64xf32, #tpu.memory_space<vmem>>[vector<16xi32>, vector<16xi32>], vector<16xf32>,
        %mul3A_592 = arith.mulf %gather3A, %gather3A_591 : vector<16xf32>
        %add3A_593 = arith.addf %scan3A_545, %mul3A_592 : vector<16xf32>
        %add3A_594 = arith.constant 4 : i32
        %add3A_595 = vector.broadcast %add3A_594 : i32 to vector<16xi32>
        %add3A_596 = arith.addi %mul3A_402, %add3A_595 : vector<16xi32>
        %gather3A_597 = tpu.vector_load_idx %arg20[%add3A_596, %and3A_566] : memref<640x64xf32, #tpu.memory_space<vmem>>[vector<16xi32>, vector<16xi32>], vector<16xf32>,
        %mul3A_598 = arith.mulf %gather3A, %gather3A_597 : vector<16xf32>
        %add3A_599 = arith.addf %scan3A_546, %mul3A_598 : vector<16xf32>
        %add3A_600 = arith.constant 5 : i32
        %add3A_601 = vector.broadcast %add3A_600 : i32 to vector<16xi32>
        %add3A_602 = arith.addi %mul3A_402, %add3A_601 : vector<16xi32>
        %gather3A_603 = tpu.vector_load_idx %arg20[%add3A_602, %and3A_566] : memref<640x64xf32, #tpu.memory_space<vmem>>[vector<16xi32>, vector<16xi32>], vector<16xf32>,
        %mul3A_604 = arith.mulf %gather3A, %gather3A_603 : vector<16xf32>
        %add3A_605 = arith.addf %scan3A_547, %mul3A_604 : vector<16xf32>
        %add3A_606 = arith.constant 6 : i32
        %add3A_607 = vector.broadcast %add3A_606 : i32 to vector<16xi32>
        %add3A_608 = arith.addi %mul3A_402, %add3A_607 : vector<16xi32>
        %gather3A_609 = tpu.vector_load_idx %arg20[%add3A_608, %and3A_566] : memref<640x64xf32, #tpu.memory_space<vmem>>[vector<16xi32>, vector<16xi32>], vector<16xf32>,
        %mul3A_610 = arith.mulf %gather3A, %gather3A_609 : vector<16xf32>
        %add3A_611 = arith.addf %scan3A_548, %mul3A_610 : vector<16xf32>
        %add3A_612 = arith.constant 7 : i32
        %add3A_613 = vector.broadcast %add3A_612 : i32 to vector<16xi32>
        %add3A_614 = arith.addi %mul3A_402, %add3A_613 : vector<16xi32>
        %gather3A_615 = tpu.vector_load_idx %arg20[%add3A_614, %and3A_566] : memref<640x64xf32, #tpu.memory_space<vmem>>[vector<16xi32>, vector<16xi32>], vector<16xf32>,
        %mul3A_616 = arith.mulf %gather3A, %gather3A_615 : vector<16xf32>
        %add3A_617 = arith.addf %scan3A_549, %mul3A_616 : vector<16xf32>
        %add3A_618 = arith.constant 8 : i32
        %add3A_619 = vector.broadcast %add3A_618 : i32 to vector<16xi32>
        %add3A_620 = arith.addi %mul3A_402, %add3A_619 : vector<16xi32>
        %gather3A_621 = tpu.vector_load_idx %arg20[%add3A_620, %and3A_566] : memref<640x64xf32, #tpu.memory_space<vmem>>[vector<16xi32>, vector<16xi32>], vector<16xf32>,
        %mul3A_622 = arith.mulf %gather3A, %gather3A_621 : vector<16xf32>
        %add3A_623 = arith.addf %scan3A_550, %mul3A_622 : vector<16xf32>
        %add3A_624 = arith.constant 9 : i32
        %add3A_625 = vector.broadcast %add3A_624 : i32 to vector<16xi32>
        %add3A_626 = arith.addi %mul3A_402, %add3A_625 : vector<16xi32>
        %gather3A_627 = tpu.vector_load_idx %arg20[%add3A_626, %and3A_566] : memref<640x64xf32, #tpu.memory_space<vmem>>[vector<16xi32>, vector<16xi32>], vector<16xf32>,
        %mul3A_628 = arith.mulf %gather3A, %gather3A_627 : vector<16xf32>
        %add3A_629 = arith.addf %scan3A_551, %mul3A_628 : vector<16xf32>
        %add3A_630 = arith.constant 10 : i32
        %add3A_631 = vector.broadcast %add3A_630 : i32 to vector<16xi32>
        %add3A_632 = arith.addi %mul3A_402, %add3A_631 : vector<16xi32>
        %gather3A_633 = tpu.vector_load_idx %arg20[%add3A_632, %and3A_566] : memref<640x64xf32, #tpu.memory_space<vmem>>[vector<16xi32>, vector<16xi32>], vector<16xf32>,
        %mul3A_634 = arith.mulf %gather3A, %gather3A_633 : vector<16xf32>
        %add3A_635 = arith.addf %scan3A_552, %mul3A_634 : vector<16xf32>
        %add3A_636 = arith.constant 11 : i32
        %add3A_637 = vector.broadcast %add3A_636 : i32 to vector<16xi32>
        %add3A_638 = arith.addi %mul3A_402, %add3A_637 : vector<16xi32>
        %gather3A_639 = tpu.vector_load_idx %arg20[%add3A_638, %and3A_566] : memref<640x64xf32, #tpu.memory_space<vmem>>[vector<16xi32>, vector<16xi32>], vector<16xf32>,
        %mul3A_640 = arith.mulf %gather3A, %gather3A_639 : vector<16xf32>
        %add3A_641 = arith.addf %scan3A_553, %mul3A_640 : vector<16xf32>
        %add3A_642 = arith.constant 12 : i32
        %add3A_643 = vector.broadcast %add3A_642 : i32 to vector<16xi32>
        %add3A_644 = arith.addi %mul3A_402, %add3A_643 : vector<16xi32>
        %gather3A_645 = tpu.vector_load_idx %arg20[%add3A_644, %and3A_566] : memref<640x64xf32, #tpu.memory_space<vmem>>[vector<16xi32>, vector<16xi32>], vector<16xf32>,
        %mul3A_646 = arith.mulf %gather3A, %gather3A_645 : vector<16xf32>
        %add3A_647 = arith.addf %scan3A_554, %mul3A_646 : vector<16xf32>
        %add3A_648 = arith.constant 13 : i32
        %add3A_649 = vector.broadcast %add3A_648 : i32 to vector<16xi32>
        %add3A_650 = arith.addi %mul3A_402, %add3A_649 : vector<16xi32>
        %gather3A_651 = tpu.vector_load_idx %arg20[%add3A_650, %and3A_566] : memref<640x64xf32, #tpu.memory_space<vmem>>[vector<16xi32>, vector<16xi32>], vector<16xf32>,
        %mul3A_652 = arith.mulf %gather3A, %gather3A_651 : vector<16xf32>
        %add3A_653 = arith.addf %scan3A_555, %mul3A_652 : vector<16xf32>
        %add3A_654 = arith.constant 14 : i32
        %add3A_655 = vector.broadcast %add3A_654 : i32 to vector<16xi32>
        %add3A_656 = arith.addi %mul3A_402, %add3A_655 : vector<16xi32>
        %gather3A_657 = tpu.vector_load_idx %arg20[%add3A_656, %and3A_566] : memref<640x64xf32, #tpu.memory_space<vmem>>[vector<16xi32>, vector<16xi32>], vector<16xf32>,
        %mul3A_658 = arith.mulf %gather3A, %gather3A_657 : vector<16xf32>
        %add3A_659 = arith.addf %scan3A_556, %mul3A_658 : vector<16xf32>
        %add3A_660 = arith.constant 15 : i32
        %add3A_661 = vector.broadcast %add3A_660 : i32 to vector<16xi32>
        %add3A_662 = arith.addi %mul3A_402, %add3A_661 : vector<16xi32>
        %gather3A_663 = tpu.vector_load_idx %arg20[%add3A_662, %and3A_566] : memref<640x64xf32, #tpu.memory_space<vmem>>[vector<16xi32>, vector<16xi32>], vector<16xf32>,
        %mul3A_664 = arith.mulf %gather3A, %gather3A_663 : vector<16xf32>
        %add3A_665 = arith.addf %scan3A_557, %mul3A_664 : vector<16xf32>
        %add3A_666 = arith.constant 16 : i32
        %add3A_667 = vector.broadcast %add3A_666 : i32 to vector<16xi32>
        %add3A_668 = arith.addi %mul3A_402, %add3A_667 : vector<16xi32>
        %gather3A_669 = tpu.vector_load_idx %arg20[%add3A_668, %and3A_566] : memref<640x64xf32, #tpu.memory_space<vmem>>[vector<16xi32>, vector<16xi32>], vector<16xf32>,
        %mul3A_670 = arith.mulf %gather3A, %gather3A_669 : vector<16xf32>
        %add3A_671 = arith.addf %scan3A_558, %mul3A_670 : vector<16xf32>
        %add3A_672 = arith.constant 17 : i32
        %add3A_673 = vector.broadcast %add3A_672 : i32 to vector<16xi32>
        %add3A_674 = arith.addi %mul3A_402, %add3A_673 : vector<16xi32>
        %gather3A_675 = tpu.vector_load_idx %arg20[%add3A_674, %and3A_566] : memref<640x64xf32, #tpu.memory_space<vmem>>[vector<16xi32>, vector<16xi32>], vector<16xf32>,
        %mul3A_676 = arith.mulf %gather3A, %gather3A_675 : vector<16xf32>
        %add3A_677 = arith.addf %scan3A_559, %mul3A_676 : vector<16xf32>
        %add3A_678 = arith.constant 18 : i32
        %add3A_679 = vector.broadcast %add3A_678 : i32 to vector<16xi32>
        %add3A_680 = arith.addi %mul3A_402, %add3A_679 : vector<16xi32>
        %gather3A_681 = tpu.vector_load_idx %arg20[%add3A_680, %and3A_566] : memref<640x64xf32, #tpu.memory_space<vmem>>[vector<16xi32>, vector<16xi32>], vector<16xf32>,
        %mul3A_682 = arith.mulf %gather3A, %gather3A_681 : vector<16xf32>
        %add3A_683 = arith.addf %scan3A_560, %mul3A_682 : vector<16xf32>
        %add3A_684 = arith.constant 19 : i32
        %add3A_685 = vector.broadcast %add3A_684 : i32 to vector<16xi32>
        %add3A_686 = arith.addi %mul3A_402, %add3A_685 : vector<16xi32>
        %gather3A_687 = tpu.vector_load_idx %arg20[%add3A_686, %and3A_566] : memref<640x64xf32, #tpu.memory_space<vmem>>[vector<16xi32>, vector<16xi32>], vector<16xf32>,
        %mul3A_688 = arith.mulf %gather3A, %gather3A_687 : vector<16xf32>
        %add3A_689 = arith.addf %scan3A_561, %mul3A_688 : vector<16xf32>
        %scan3A_690 = arith.constant 1 : i32
        %scan3A_691 = arith.addi %scan3A_540, %scan3A_690 : i32
        %iota3A_692 = tpu.iota {dimensions = array<i32: 0>} : vector<16xi32>
        %add3A_693 = vector.broadcast %scan3A_691 : i32 to vector<16xi32>
        %add3A_694 = arith.addi %iota3A_692, %add3A_693 : vector<16xi32>
        %and3A_695 = arith.constant 63 : i32
        %and3A_696 = vector.broadcast %and3A_695 : i32 to vector<16xi32>
        %and3A_697 = arith.andi %add3A_694, %and3A_696 : vector<16xi32>
        %gather3A_698 = tpu.vector_load_idx %arg16[%add3A_399, %and3A_697] : memref<32x64xf32, #tpu.memory_space<vmem>>[vector<16xi32>, vector<16xi32>], vector<16xf32>,
        %gather3A_699 = tpu.vector_load_idx %arg18[%add3A_399, %and3A_697] : memref<32x64xf32, #tpu.memory_space<vmem>>[vector<16xi32>, vector<16xi32>], vector<16xf32>,
        %mul3A_700 = arith.mulf %gather3A_698, %gather3A_699 : vector<16xf32>
        %add3A_701 = arith.addf %add3A_569, %mul3A_700 : vector<16xf32>
        %add3A_702 = arith.constant 0 : i32
        %add3A_703 = vector.broadcast %add3A_702 : i32 to vector<16xi32>
        %add3A_704 = arith.addi %mul3A_402, %add3A_703 : vector<16xi32>
        %gather3A_705 = tpu.vector_load_idx %arg20[%add3A_704, %and3A_697] : memref<640x64xf32, #tpu.memory_space<vmem>>[vector<16xi32>, vector<16xi32>], vector<16xf32>,
        %mul3A_706 = arith.mulf %gather3A_698, %gather3A_705 : vector<16xf32>
        %add3A_707 = arith.addf %add3A_575, %mul3A_706 : vector<16xf32>
        %add3A_708 = arith.constant 1 : i32
        %add3A_709 = vector.broadcast %add3A_708 : i32 to vector<16xi32>
        %add3A_710 = arith.addi %mul3A_402, %add3A_709 : vector<16xi32>
        %gather3A_711 = tpu.vector_load_idx %arg20[%add3A_710, %and3A_697] : memref<640x64xf32, #tpu.memory_space<vmem>>[vector<16xi32>, vector<16xi32>], vector<16xf32>,
        %mul3A_712 = arith.mulf %gather3A_698, %gather3A_711 : vector<16xf32>
        %add3A_713 = arith.addf %add3A_581, %mul3A_712 : vector<16xf32>
        %add3A_714 = arith.constant 2 : i32
        %add3A_715 = vector.broadcast %add3A_714 : i32 to vector<16xi32>
        %add3A_716 = arith.addi %mul3A_402, %add3A_715 : vector<16xi32>
        %gather3A_717 = tpu.vector_load_idx %arg20[%add3A_716, %and3A_697] : memref<640x64xf32, #tpu.memory_space<vmem>>[vector<16xi32>, vector<16xi32>], vector<16xf32>,
        %mul3A_718 = arith.mulf %gather3A_698, %gather3A_717 : vector<16xf32>
        %add3A_719 = arith.addf %add3A_587, %mul3A_718 : vector<16xf32>
        %add3A_720 = arith.constant 3 : i32
        %add3A_721 = vector.broadcast %add3A_720 : i32 to vector<16xi32>
        %add3A_722 = arith.addi %mul3A_402, %add3A_721 : vector<16xi32>
        %gather3A_723 = tpu.vector_load_idx %arg20[%add3A_722, %and3A_697] : memref<640x64xf32, #tpu.memory_space<vmem>>[vector<16xi32>, vector<16xi32>], vector<16xf32>,
        %mul3A_724 = arith.mulf %gather3A_698, %gather3A_723 : vector<16xf32>
        %add3A_725 = arith.addf %add3A_593, %mul3A_724 : vector<16xf32>
        %add3A_726 = arith.constant 4 : i32
        %add3A_727 = vector.broadcast %add3A_726 : i32 to vector<16xi32>
        %add3A_728 = arith.addi %mul3A_402, %add3A_727 : vector<16xi32>
        %gather3A_729 = tpu.vector_load_idx %arg20[%add3A_728, %and3A_697] : memref<640x64xf32, #tpu.memory_space<vmem>>[vector<16xi32>, vector<16xi32>], vector<16xf32>,
        %mul3A_730 = arith.mulf %gather3A_698, %gather3A_729 : vector<16xf32>
        %add3A_731 = arith.addf %add3A_599, %mul3A_730 : vector<16xf32>
        %add3A_732 = arith.constant 5 : i32
        %add3A_733 = vector.broadcast %add3A_732 : i32 to vector<16xi32>
        %add3A_734 = arith.addi %mul3A_402, %add3A_733 : vector<16xi32>
        %gather3A_735 = tpu.vector_load_idx %arg20[%add3A_734, %and3A_697] : memref<640x64xf32, #tpu.memory_space<vmem>>[vector<16xi32>, vector<16xi32>], vector<16xf32>,
        %mul3A_736 = arith.mulf %gather3A_698, %gather3A_735 : vector<16xf32>
        %add3A_737 = arith.addf %add3A_605, %mul3A_736 : vector<16xf32>
        %add3A_738 = arith.constant 6 : i32
        %add3A_739 = vector.broadcast %add3A_738 : i32 to vector<16xi32>
        %add3A_740 = arith.addi %mul3A_402, %add3A_739 : vector<16xi32>
        %gather3A_741 = tpu.vector_load_idx %arg20[%add3A_740, %and3A_697] : memref<640x64xf32, #tpu.memory_space<vmem>>[vector<16xi32>, vector<16xi32>], vector<16xf32>,
        %mul3A_742 = arith.mulf %gather3A_698, %gather3A_741 : vector<16xf32>
        %add3A_743 = arith.addf %add3A_611, %mul3A_742 : vector<16xf32>
        %add3A_744 = arith.constant 7 : i32
        %add3A_745 = vector.broadcast %add3A_744 : i32 to vector<16xi32>
        %add3A_746 = arith.addi %mul3A_402, %add3A_745 : vector<16xi32>
        %gather3A_747 = tpu.vector_load_idx %arg20[%add3A_746, %and3A_697] : memref<640x64xf32, #tpu.memory_space<vmem>>[vector<16xi32>, vector<16xi32>], vector<16xf32>,
        %mul3A_748 = arith.mulf %gather3A_698, %gather3A_747 : vector<16xf32>
        %add3A_749 = arith.addf %add3A_617, %mul3A_748 : vector<16xf32>
        %add3A_750 = arith.constant 8 : i32
        %add3A_751 = vector.broadcast %add3A_750 : i32 to vector<16xi32>
        %add3A_752 = arith.addi %mul3A_402, %add3A_751 : vector<16xi32>
        %gather3A_753 = tpu.vector_load_idx %arg20[%add3A_752, %and3A_697] : memref<640x64xf32, #tpu.memory_space<vmem>>[vector<16xi32>, vector<16xi32>], vector<16xf32>,
        %mul3A_754 = arith.mulf %gather3A_698, %gather3A_753 : vector<16xf32>
        %add3A_755 = arith.addf %add3A_623, %mul3A_754 : vector<16xf32>
        %add3A_756 = arith.constant 9 : i32
        %add3A_757 = vector.broadcast %add3A_756 : i32 to vector<16xi32>
        %add3A_758 = arith.addi %mul3A_402, %add3A_757 : vector<16xi32>
        %gather3A_759 = tpu.vector_load_idx %arg20[%add3A_758, %and3A_697] : memref<640x64xf32, #tpu.memory_space<vmem>>[vector<16xi32>, vector<16xi32>], vector<16xf32>,
        %mul3A_760 = arith.mulf %gather3A_698, %gather3A_759 : vector<16xf32>
        %add3A_761 = arith.addf %add3A_629, %mul3A_760 : vector<16xf32>
        %add3A_762 = arith.constant 10 : i32
        %add3A_763 = vector.broadcast %add3A_762 : i32 to vector<16xi32>
        %add3A_764 = arith.addi %mul3A_402, %add3A_763 : vector<16xi32>
        %gather3A_765 = tpu.vector_load_idx %arg20[%add3A_764, %and3A_697] : memref<640x64xf32, #tpu.memory_space<vmem>>[vector<16xi32>, vector<16xi32>], vector<16xf32>,
        %mul3A_766 = arith.mulf %gather3A_698, %gather3A_765 : vector<16xf32>
        %add3A_767 = arith.addf %add3A_635, %mul3A_766 : vector<16xf32>
        %add3A_768 = arith.constant 11 : i32
        %add3A_769 = vector.broadcast %add3A_768 : i32 to vector<16xi32>
        %add3A_770 = arith.addi %mul3A_402, %add3A_769 : vector<16xi32>
        %gather3A_771 = tpu.vector_load_idx %arg20[%add3A_770, %and3A_697] : memref<640x64xf32, #tpu.memory_space<vmem>>[vector<16xi32>, vector<16xi32>], vector<16xf32>,
        %mul3A_772 = arith.mulf %gather3A_698, %gather3A_771 : vector<16xf32>
        %add3A_773 = arith.addf %add3A_641, %mul3A_772 : vector<16xf32>
        %add3A_774 = arith.constant 12 : i32
        %add3A_775 = vector.broadcast %add3A_774 : i32 to vector<16xi32>
        %add3A_776 = arith.addi %mul3A_402, %add3A_775 : vector<16xi32>
        %gather3A_777 = tpu.vector_load_idx %arg20[%add3A_776, %and3A_697] : memref<640x64xf32, #tpu.memory_space<vmem>>[vector<16xi32>, vector<16xi32>], vector<16xf32>,
        %mul3A_778 = arith.mulf %gather3A_698, %gather3A_777 : vector<16xf32>
        %add3A_779 = arith.addf %add3A_647, %mul3A_778 : vector<16xf32>
        %add3A_780 = arith.constant 13 : i32
        %add3A_781 = vector.broadcast %add3A_780 : i32 to vector<16xi32>
        %add3A_782 = arith.addi %mul3A_402, %add3A_781 : vector<16xi32>
        %gather3A_783 = tpu.vector_load_idx %arg20[%add3A_782, %and3A_697] : memref<640x64xf32, #tpu.memory_space<vmem>>[vector<16xi32>, vector<16xi32>], vector<16xf32>,
        %mul3A_784 = arith.mulf %gather3A_698, %gather3A_783 : vector<16xf32>
        %add3A_785 = arith.addf %add3A_653, %mul3A_784 : vector<16xf32>
        %add3A_786 = arith.constant 14 : i32
        %add3A_787 = vector.broadcast %add3A_786 : i32 to vector<16xi32>
        %add3A_788 = arith.addi %mul3A_402, %add3A_787 : vector<16xi32>
        %gather3A_789 = tpu.vector_load_idx %arg20[%add3A_788, %and3A_697] : memref<640x64xf32, #tpu.memory_space<vmem>>[vector<16xi32>, vector<16xi32>], vector<16xf32>,
        %mul3A_790 = arith.mulf %gather3A_698, %gather3A_789 : vector<16xf32>
        %add3A_791 = arith.addf %add3A_659, %mul3A_790 : vector<16xf32>
        %add3A_792 = arith.constant 15 : i32
        %add3A_793 = vector.broadcast %add3A_792 : i32 to vector<16xi32>
        %add3A_794 = arith.addi %mul3A_402, %add3A_793 : vector<16xi32>
        %gather3A_795 = tpu.vector_load_idx %arg20[%add3A_794, %and3A_697] : memref<640x64xf32, #tpu.memory_space<vmem>>[vector<16xi32>, vector<16xi32>], vector<16xf32>,
        %mul3A_796 = arith.mulf %gather3A_698, %gather3A_795 : vector<16xf32>
        %add3A_797 = arith.addf %add3A_665, %mul3A_796 : vector<16xf32>
        %add3A_798 = arith.constant 16 : i32
        %add3A_799 = vector.broadcast %add3A_798 : i32 to vector<16xi32>
        %add3A_800 = arith.addi %mul3A_402, %add3A_799 : vector<16xi32>
        %gather3A_801 = tpu.vector_load_idx %arg20[%add3A_800, %and3A_697] : memref<640x64xf32, #tpu.memory_space<vmem>>[vector<16xi32>, vector<16xi32>], vector<16xf32>,
        %mul3A_802 = arith.mulf %gather3A_698, %gather3A_801 : vector<16xf32>
        %add3A_803 = arith.addf %add3A_671, %mul3A_802 : vector<16xf32>
        %add3A_804 = arith.constant 17 : i32
        %add3A_805 = vector.broadcast %add3A_804 : i32 to vector<16xi32>
        %add3A_806 = arith.addi %mul3A_402, %add3A_805 : vector<16xi32>
        %gather3A_807 = tpu.vector_load_idx %arg20[%add3A_806, %and3A_697] : memref<640x64xf32, #tpu.memory_space<vmem>>[vector<16xi32>, vector<16xi32>], vector<16xf32>,
        %mul3A_808 = arith.mulf %gather3A_698, %gather3A_807 : vector<16xf32>
        %add3A_809 = arith.addf %add3A_677, %mul3A_808 : vector<16xf32>
        %add3A_810 = arith.constant 18 : i32
        %add3A_811 = vector.broadcast %add3A_810 : i32 to vector<16xi32>
        %add3A_812 = arith.addi %mul3A_402, %add3A_811 : vector<16xi32>
        %gather3A_813 = tpu.vector_load_idx %arg20[%add3A_812, %and3A_697] : memref<640x64xf32, #tpu.memory_space<vmem>>[vector<16xi32>, vector<16xi32>], vector<16xf32>,
        %mul3A_814 = arith.mulf %gather3A_698, %gather3A_813 : vector<16xf32>
        %add3A_815 = arith.addf %add3A_683, %mul3A_814 : vector<16xf32>
        %add3A_816 = arith.constant 19 : i32
        %add3A_817 = vector.broadcast %add3A_816 : i32 to vector<16xi32>
        %add3A_818 = arith.addi %mul3A_402, %add3A_817 : vector<16xi32>
        %gather3A_819 = tpu.vector_load_idx %arg20[%add3A_818, %and3A_697] : memref<640x64xf32, #tpu.memory_space<vmem>>[vector<16xi32>, vector<16xi32>], vector<16xf32>,
        %mul3A_820 = arith.mulf %gather3A_698, %gather3A_819 : vector<16xf32>
        %add3A_821 = arith.addf %add3A_689, %mul3A_820 : vector<16xf32>
        scf.yield %add3A_701, %add3A_707, %add3A_713, %add3A_719, %add3A_725, %add3A_731, %add3A_737, %add3A_743, %add3A_749, %add3A_755, %add3A_761, %add3A_767, %add3A_773, %add3A_779, %add3A_785, %add3A_791, %add3A_797, %add3A_803, %add3A_809, %add3A_815, %add3A_821 : vector<16xf32>, vector<16xf32>, vector<16xf32>, vector<16xf32>, vector<16xf32>, vector<16xf32>, vector<16xf32>, vector<16xf32>, vector<16xf32>, vector<16xf32>, vector<16xf32>, vector<16xf32>, vector<16xf32>, vector<16xf32>, vector<16xf32>, vector<16xf32>, vector<16xf32>, vector<16xf32>, vector<16xf32>, vector<16xf32>, vector<16xf32>
      }
      %scan3A_410 = arith.constant 64 : i32
      %swap3A_411 = arith.constant 16 : index
      %swap3A_412 = tpu.vector_load %arg21[%swap3A_411] {strides = array<i32>} : memref<32xf32, #tpu.memory_space<vmem>>, vector<16xf32>,
      tpu.vector_store %arg21[%swap3A_411], %scan3A_409#0 {strides = array<i32>} : memref<32xf32, #tpu.memory_space<vmem>>, vector<16xf32>,
      %swap3A_413 = arith.constant 0 : i32
      %swap3A_414 = arith.index_cast %swap3A_413 : i32 to index
      %swap3A_415 = arith.constant 16 : index
      %swap3A_416 = tpu.vector_load %arg22[%swap3A_414, %swap3A_415] {strides = array<i32>} : memref<20x32xf32, #tpu.memory_space<vmem>>, vector<16xf32>,
      tpu.vector_store %arg22[%swap3A_414, %swap3A_415], %scan3A_409#1 {strides = array<i32>} : memref<20x32xf32, #tpu.memory_space<vmem>>, vector<16xf32>,
      %swap3A_417 = arith.constant 1 : i32
      %swap3A_418 = arith.index_cast %swap3A_417 : i32 to index
      %swap3A_419 = arith.constant 16 : index
      %swap3A_420 = tpu.vector_load %arg22[%swap3A_418, %swap3A_419] {strides = array<i32>} : memref<20x32xf32, #tpu.memory_space<vmem>>, vector<16xf32>,
      tpu.vector_store %arg22[%swap3A_418, %swap3A_419], %scan3A_409#2 {strides = array<i32>} : memref<20x32xf32, #tpu.memory_space<vmem>>, vector<16xf32>,
      %swap3A_421 = arith.constant 2 : i32
      %swap3A_422 = arith.index_cast %swap3A_421 : i32 to index
      %swap3A_423 = arith.constant 16 : index
      %swap3A_424 = tpu.vector_load %arg22[%swap3A_422, %swap3A_423] {strides = array<i32>} : memref<20x32xf32, #tpu.memory_space<vmem>>, vector<16xf32>,
      tpu.vector_store %arg22[%swap3A_422, %swap3A_423], %scan3A_409#3 {strides = array<i32>} : memref<20x32xf32, #tpu.memory_space<vmem>>, vector<16xf32>,
      %swap3A_425 = arith.constant 3 : i32
      %swap3A_426 = arith.index_cast %swap3A_425 : i32 to index
      %swap3A_427 = arith.constant 16 : index
      %swap3A_428 = tpu.vector_load %arg22[%swap3A_426, %swap3A_427] {strides = array<i32>} : memref<20x32xf32, #tpu.memory_space<vmem>>, vector<16xf32>,
      tpu.vector_store %arg22[%swap3A_426, %swap3A_427], %scan3A_409#4 {strides = array<i32>} : memref<20x32xf32, #tpu.memory_space<vmem>>, vector<16xf32>,
      %swap3A_429 = arith.constant 4 : i32
      %swap3A_430 = arith.index_cast %swap3A_429 : i32 to index
      %swap3A_431 = arith.constant 16 : index
      %swap3A_432 = tpu.vector_load %arg22[%swap3A_430, %swap3A_431] {strides = array<i32>} : memref<20x32xf32, #tpu.memory_space<vmem>>, vector<16xf32>,
      tpu.vector_store %arg22[%swap3A_430, %swap3A_431], %scan3A_409#5 {strides = array<i32>} : memref<20x32xf32, #tpu.memory_space<vmem>>, vector<16xf32>,
      %swap3A_433 = arith.constant 5 : i32
      %swap3A_434 = arith.index_cast %swap3A_433 : i32 to index
      %swap3A_435 = arith.constant 16 : index
      %swap3A_436 = tpu.vector_load %arg22[%swap3A_434, %swap3A_435] {strides = array<i32>} : memref<20x32xf32, #tpu.memory_space<vmem>>, vector<16xf32>,
      tpu.vector_store %arg22[%swap3A_434, %swap3A_435], %scan3A_409#6 {strides = array<i32>} : memref<20x32xf32, #tpu.memory_space<vmem>>, vector<16xf32>,
      %swap3A_437 = arith.constant 6 : i32
      %swap3A_438 = arith.index_cast %swap3A_437 : i32 to index
      %swap3A_439 = arith.constant 16 : index
      %swap3A_440 = tpu.vector_load %arg22[%swap3A_438, %swap3A_439] {strides = array<i32>} : memref<20x32xf32, #tpu.memory_space<vmem>>, vector<16xf32>,
      tpu.vector_store %arg22[%swap3A_438, %swap3A_439], %scan3A_409#7 {strides = array<i32>} : memref<20x32xf32, #tpu.memory_space<vmem>>, vector<16xf32>,
      %swap3A_441 = arith.constant 7 : i32
      %swap3A_442 = arith.index_cast %swap3A_441 : i32 to index
      %swap3A_443 = arith.constant 16 : index
      %swap3A_444 = tpu.vector_load %arg22[%swap3A_442, %swap3A_443] {strides = array<i32>} : memref<20x32xf32, #tpu.memory_space<vmem>>, vector<16xf32>,
      tpu.vector_store %arg22[%swap3A_442, %swap3A_443], %scan3A_409#8 {strides = array<i32>} : memref<20x32xf32, #tpu.memory_space<vmem>>, vector<16xf32>,
      %swap3A_445 = arith.constant 8 : i32
      %swap3A_446 = arith.index_cast %swap3A_445 : i32 to index
      %swap3A_447 = arith.constant 16 : index
      %swap3A_448 = tpu.vector_load %arg22[%swap3A_446, %swap3A_447] {strides = array<i32>} : memref<20x32xf32, #tpu.memory_space<vmem>>, vector<16xf32>,
      tpu.vector_store %arg22[%swap3A_446, %swap3A_447], %scan3A_409#9 {strides = array<i32>} : memref<20x32xf32, #tpu.memory_space<vmem>>, vector<16xf32>,
      %swap3A_449 = arith.constant 9 : i32
      %swap3A_450 = arith.index_cast %swap3A_449 : i32 to index
      %swap3A_451 = arith.constant 16 : index
      %swap3A_452 = tpu.vector_load %arg22[%swap3A_450, %swap3A_451] {strides = array<i32>} : memref<20x32xf32, #tpu.memory_space<vmem>>, vector<16xf32>,
      tpu.vector_store %arg22[%swap3A_450, %swap3A_451], %scan3A_409#10 {strides = array<i32>} : memref<20x32xf32, #tpu.memory_space<vmem>>, vector<16xf32>,
      %swap3A_453 = arith.constant 10 : i32
      %swap3A_454 = arith.index_cast %swap3A_453 : i32 to index
      %swap3A_455 = arith.constant 16 : index
      %swap3A_456 = tpu.vector_load %arg22[%swap3A_454, %swap3A_455] {strides = array<i32>} : memref<20x32xf32, #tpu.memory_space<vmem>>, vector<16xf32>,
      tpu.vector_store %arg22[%swap3A_454, %swap3A_455], %scan3A_409#11 {strides = array<i32>} : memref<20x32xf32, #tpu.memory_space<vmem>>, vector<16xf32>,
      %swap3A_457 = arith.constant 11 : i32
      %swap3A_458 = arith.index_cast %swap3A_457 : i32 to index
      %swap3A_459 = arith.constant 16 : index
      %swap3A_460 = tpu.vector_load %arg22[%swap3A_458, %swap3A_459] {strides = array<i32>} : memref<20x32xf32, #tpu.memory_space<vmem>>, vector<16xf32>,
      tpu.vector_store %arg22[%swap3A_458, %swap3A_459], %scan3A_409#12 {strides = array<i32>} : memref<20x32xf32, #tpu.memory_space<vmem>>, vector<16xf32>,
      %swap3A_461 = arith.constant 12 : i32
      %swap3A_462 = arith.index_cast %swap3A_461 : i32 to index
      %swap3A_463 = arith.constant 16 : index
      %swap3A_464 = tpu.vector_load %arg22[%swap3A_462, %swap3A_463] {strides = array<i32>} : memref<20x32xf32, #tpu.memory_space<vmem>>, vector<16xf32>,
      tpu.vector_store %arg22[%swap3A_462, %swap3A_463], %scan3A_409#13 {strides = array<i32>} : memref<20x32xf32, #tpu.memory_space<vmem>>, vector<16xf32>,
      %swap3A_465 = arith.constant 13 : i32
      %swap3A_466 = arith.index_cast %swap3A_465 : i32 to index
      %swap3A_467 = arith.constant 16 : index
      %swap3A_468 = tpu.vector_load %arg22[%swap3A_466, %swap3A_467] {strides = array<i32>} : memref<20x32xf32, #tpu.memory_space<vmem>>, vector<16xf32>,
      tpu.vector_store %arg22[%swap3A_466, %swap3A_467], %scan3A_409#14 {strides = array<i32>} : memref<20x32xf32, #tpu.memory_space<vmem>>, vector<16xf32>,
      %swap3A_469 = arith.constant 14 : i32
      %swap3A_470 = arith.index_cast %swap3A_469 : i32 to index
      %swap3A_471 = arith.constant 16 : index
      %swap3A_472 = tpu.vector_load %arg22[%swap3A_470, %swap3A_471] {strides = array<i32>} : memref<20x32xf32, #tpu.memory_space<vmem>>, vector<16xf32>,
      tpu.vector_store %arg22[%swap3A_470, %swap3A_471], %scan3A_409#15 {strides = array<i32>} : memref<20x32xf32, #tpu.memory_space<vmem>>, vector<16xf32>,
      %swap3A_473 = arith.constant 15 : i32
      %swap3A_474 = arith.index_cast %swap3A_473 : i32 to index
      %swap3A_475 = arith.constant 16 : index
      %swap3A_476 = tpu.vector_load %arg22[%swap3A_474, %swap3A_475] {strides = array<i32>} : memref<20x32xf32, #tpu.memory_space<vmem>>, vector<16xf32>,
      tpu.vector_store %arg22[%swap3A_474, %swap3A_475], %scan3A_409#16 {strides = array<i32>} : memref<20x32xf32, #tpu.memory_space<vmem>>, vector<16xf32>,
      %swap3A_477 = arith.constant 16 : i32
      %swap3A_478 = arith.index_cast %swap3A_477 : i32 to index
      %swap3A_479 = arith.constant 16 : index
      %swap3A_480 = tpu.vector_load %arg22[%swap3A_478, %swap3A_479] {strides = array<i32>} : memref<20x32xf32, #tpu.memory_space<vmem>>, vector<16xf32>,
      tpu.vector_store %arg22[%swap3A_478, %swap3A_479], %scan3A_409#17 {strides = array<i32>} : memref<20x32xf32, #tpu.memory_space<vmem>>, vector<16xf32>,
      %swap3A_481 = arith.constant 17 : i32
      %swap3A_482 = arith.index_cast %swap3A_481 : i32 to index
      %swap3A_483 = arith.constant 16 : index
      %swap3A_484 = tpu.vector_load %arg22[%swap3A_482, %swap3A_483] {strides = array<i32>} : memref<20x32xf32, #tpu.memory_space<vmem>>, vector<16xf32>,
      tpu.vector_store %arg22[%swap3A_482, %swap3A_483], %scan3A_409#18 {strides = array<i32>} : memref<20x32xf32, #tpu.memory_space<vmem>>, vector<16xf32>,
      %swap3A_485 = arith.constant 18 : i32
      %swap3A_486 = arith.index_cast %swap3A_485 : i32 to index
      %swap3A_487 = arith.constant 16 : index
      %swap3A_488 = tpu.vector_load %arg22[%swap3A_486, %swap3A_487] {strides = array<i32>} : memref<20x32xf32, #tpu.memory_space<vmem>>, vector<16xf32>,
      tpu.vector_store %arg22[%swap3A_486, %swap3A_487], %scan3A_409#19 {strides = array<i32>} : memref<20x32xf32, #tpu.memory_space<vmem>>, vector<16xf32>,
      %swap3A_489 = arith.constant 19 : i32
      %swap3A_490 = arith.index_cast %swap3A_489 : i32 to index
      %swap3A_491 = arith.constant 16 : index
      %swap3A_492 = tpu.vector_load %arg22[%swap3A_490, %swap3A_491] {strides = array<i32>} : memref<20x32xf32, #tpu.memory_space<vmem>>, vector<16xf32>,
      tpu.vector_store %arg22[%swap3A_490, %swap3A_491], %scan3A_409#20 {strides = array<i32>} : memref<20x32xf32, #tpu.memory_space<vmem>>, vector<16xf32>,
      %add3A_493 = arith.constant 2 : i32
      %add3A_494 = arith.addi %add3A_286, %add3A_493 : i32
      %lt3A_495 = arith.constant 16 : i32
      %lt3A_496 = arith.cmpi slt, %add3A_494, %lt3A_495 : i32
      %convert_element_type3A_497 = arith.extui %lt3A_496 : i1 to i32
      %cond3A_498 = arith.constant 0 : i32
      %cond3A_499 = arith.cmpi ne, %convert_element_type3A_497, %cond3A_498 : i32
      scf.if %cond3A_499 {
        %mul3A_540 = arith.constant 32 : i32
        %mul3A_541 = arith.muli %add3A_494, %mul3A_540 : i32
        %add3A_542 = arith.addi %mul3A_2, %mul3A_541 : i32
        "tpu.region"() ({
          %run_scoped3A_554 = tpu.sem_alloc : memref<!tpu.dma_semaphore, #tpu.memory_space<semaphore_mem>>
          %dma_start3A_555 = tpu.memref_slice %arg2[%add3A_542] : memref<16384xi32, #tpu.memory_space<hbm>> -> memref<32xi32, #tpu.memory_space<hbm>>
          %dma_start3A_556 = tpu.memref_slice %arg2[%add3A_542] : memref<16384xi32, #tpu.memory_space<hbm>> -> memref<32xi32, #tpu.memory_space<hbm>>
          tpu.enqueue_dma source(%dma_start3A_556 : memref<32xi32, #tpu.memory_space<hbm>>) target(%arg10 : memref<32xi32, #tpu.memory_space<vmem>>) target_semaphore(%run_scoped3A_554 : memref<!tpu.dma_semaphore, #tpu.memory_space<semaphore_mem>>)
          %dma_wait3A_557 = tpu.memref_slice %arg2[%add3A_542] : memref<16384xi32, #tpu.memory_space<hbm>> -> memref<32xi32, #tpu.memory_space<hbm>>
          %dma_wait3A_558 = tpu.memref_slice %arg2[%add3A_542] : memref<16384xi32, #tpu.memory_space<hbm>> -> memref<32xi32, #tpu.memory_space<hbm>>
          tpu.wait_dma2 semaphore(%run_scoped3A_554 : memref<!tpu.dma_semaphore, #tpu.memory_space<semaphore_mem>>) src(%dma_wait3A_558 : memref<32xi32, #tpu.memory_space<hbm>>) dst(%arg10 : memref<32xi32, #tpu.memory_space<vmem>>)
          tpu.yield
        }) : () -> ()
        "tpu.region"() ({
          %run_scoped3A_554 = tpu.sem_alloc : memref<!tpu.dma_semaphore, #tpu.memory_space<semaphore_mem>>
          %dma_start3A_555 = tpu.memref_slice %arg3[%add3A_542] : memref<16384xi32, #tpu.memory_space<hbm>> -> memref<32xi32, #tpu.memory_space<hbm>>
          %dma_start3A_556 = tpu.memref_slice %arg3[%add3A_542] : memref<16384xi32, #tpu.memory_space<hbm>> -> memref<32xi32, #tpu.memory_space<hbm>>
          tpu.enqueue_dma source(%dma_start3A_556 : memref<32xi32, #tpu.memory_space<hbm>>) target(%arg12 : memref<32xi32, #tpu.memory_space<vmem>>) target_semaphore(%run_scoped3A_554 : memref<!tpu.dma_semaphore, #tpu.memory_space<semaphore_mem>>)
          %dma_wait3A_557 = tpu.memref_slice %arg3[%add3A_542] : memref<16384xi32, #tpu.memory_space<hbm>> -> memref<32xi32, #tpu.memory_space<hbm>>
          %dma_wait3A_558 = tpu.memref_slice %arg3[%add3A_542] : memref<16384xi32, #tpu.memory_space<hbm>> -> memref<32xi32, #tpu.memory_space<hbm>>
          tpu.wait_dma2 semaphore(%run_scoped3A_554 : memref<!tpu.dma_semaphore, #tpu.memory_space<semaphore_mem>>) src(%dma_wait3A_558 : memref<32xi32, #tpu.memory_space<hbm>>) dst(%arg12 : memref<32xi32, #tpu.memory_space<vmem>>)
          tpu.yield
        }) : () -> ()
        %mul3A_543 = arith.constant 20 : i32
        %mul3A_544 = arith.muli %add3A_542, %mul3A_543 : i32
        "tpu.region"() ({
          %run_scoped3A_554 = tpu.sem_alloc : memref<!tpu.dma_semaphore, #tpu.memory_space<semaphore_mem>>
          %dma_start3A_555 = tpu.memref_slice %arg4[%mul3A_544] : memref<327680xi32, #tpu.memory_space<hbm>> -> memref<640xi32, #tpu.memory_space<hbm>>
          %dma_start3A_556 = tpu.memref_slice %arg4[%mul3A_544] : memref<327680xi32, #tpu.memory_space<hbm>> -> memref<640xi32, #tpu.memory_space<hbm>>
          tpu.enqueue_dma source(%dma_start3A_556 : memref<640xi32, #tpu.memory_space<hbm>>) target(%arg14 : memref<640xi32, #tpu.memory_space<vmem>>) target_semaphore(%run_scoped3A_554 : memref<!tpu.dma_semaphore, #tpu.memory_space<semaphore_mem>>)
          %dma_wait3A_557 = tpu.memref_slice %arg4[%mul3A_544] : memref<327680xi32, #tpu.memory_space<hbm>> -> memref<640xi32, #tpu.memory_space<hbm>>
          %dma_wait3A_558 = tpu.memref_slice %arg4[%mul3A_544] : memref<327680xi32, #tpu.memory_space<hbm>> -> memref<640xi32, #tpu.memory_space<hbm>>
          tpu.wait_dma2 semaphore(%run_scoped3A_554 : memref<!tpu.dma_semaphore, #tpu.memory_space<semaphore_mem>>) src(%dma_wait3A_558 : memref<640xi32, #tpu.memory_space<hbm>>) dst(%arg14 : memref<640xi32, #tpu.memory_space<vmem>>)
          tpu.yield
        }) : () -> ()
        %dma_start3A_545 = arith.constant 0 : i32
        %dma_start3A_546 = arith.constant 0 : i32
        %dma_start3A_547 = tpu.memref_slice %arg5[%dma_start3A_545, %dma_start3A_546] : memref<1000000x64xf32, #tpu.memory_space<hbm>> -> memref<1000000x64xf32, #tpu.memory_space<hbm>>
        tpu.enqueue_indirect_dma source(%dma_start3A_547 : memref<1000000x64xf32, #tpu.memory_space<hbm>>) target(%arg16 : memref<32x64xf32, #tpu.memory_space<vmem>>) offsets(%arg10 : memref<32xi32, #tpu.memory_space<vmem>>) semaphore(%arg24 : memref<!tpu.dma_semaphore, #tpu.memory_space<semaphore_mem>>)
        %dma_start3A_548 = arith.constant 0 : i32
        %dma_start3A_549 = arith.constant 0 : i32
        %dma_start3A_550 = tpu.memref_slice %arg6[%dma_start3A_548, %dma_start3A_549] : memref<1000000x64xf32, #tpu.memory_space<hbm>> -> memref<1000000x64xf32, #tpu.memory_space<hbm>>
        tpu.enqueue_indirect_dma source(%dma_start3A_550 : memref<1000000x64xf32, #tpu.memory_space<hbm>>) target(%arg18 : memref<32x64xf32, #tpu.memory_space<vmem>>) offsets(%arg12 : memref<32xi32, #tpu.memory_space<vmem>>) semaphore(%arg26 : memref<!tpu.dma_semaphore, #tpu.memory_space<semaphore_mem>>)
        %dma_start3A_551 = arith.constant 0 : i32
        %dma_start3A_552 = arith.constant 0 : i32
        %dma_start3A_553 = tpu.memref_slice %arg6[%dma_start3A_551, %dma_start3A_552] : memref<1000000x64xf32, #tpu.memory_space<hbm>> -> memref<1000000x64xf32, #tpu.memory_space<hbm>>
        tpu.enqueue_indirect_dma source(%dma_start3A_553 : memref<1000000x64xf32, #tpu.memory_space<hbm>>) target(%arg20 : memref<640x64xf32, #tpu.memory_space<vmem>>) offsets(%arg14 : memref<640xi32, #tpu.memory_space<vmem>>) semaphore(%arg28 : memref<!tpu.dma_semaphore, #tpu.memory_space<semaphore_mem>>)
      } else {
      }
      "tpu.region"() ({
        %run_scoped3A_540 = tpu.sem_alloc : memref<!tpu.dma_semaphore, #tpu.memory_space<semaphore_mem>>
        %dma_start3A_541 = tpu.memref_slice %arg7[%add3A_289] : memref<16384xf32, #tpu.memory_space<hbm>> -> memref<32xf32, #tpu.memory_space<hbm>>
        %dma_start3A_542 = tpu.memref_slice %arg7[%add3A_289] : memref<16384xf32, #tpu.memory_space<hbm>> -> memref<32xf32, #tpu.memory_space<hbm>>
        tpu.enqueue_dma source(%arg21 : memref<32xf32, #tpu.memory_space<vmem>>) target(%dma_start3A_542 : memref<32xf32, #tpu.memory_space<hbm>>) target_semaphore(%run_scoped3A_540 : memref<!tpu.dma_semaphore, #tpu.memory_space<semaphore_mem>>)
        %dma_wait3A_543 = tpu.memref_slice %arg7[%add3A_289] : memref<16384xf32, #tpu.memory_space<hbm>> -> memref<32xf32, #tpu.memory_space<hbm>>
        %dma_wait3A_544 = tpu.memref_slice %arg7[%add3A_289] : memref<16384xf32, #tpu.memory_space<hbm>> -> memref<32xf32, #tpu.memory_space<hbm>>
        tpu.wait_dma2 semaphore(%run_scoped3A_540 : memref<!tpu.dma_semaphore, #tpu.memory_space<semaphore_mem>>) src(%arg21 : memref<32xf32, #tpu.memory_space<vmem>>) dst(%dma_wait3A_544 : memref<32xf32, #tpu.memory_space<hbm>>)
        tpu.yield
      }) : () -> ()
      %run_scoped3A_500 = arith.constant 0 : i32
      %run_scoped3A_501 = arith.constant 0 : i32
      "tpu.region"() ({
        %run_scoped3A_540 = tpu.sem_alloc : memref<!tpu.dma_semaphore, #tpu.memory_space<semaphore_mem>>
        %dma_start3A_541 = arith.constant 0 : i32
        %dma_start3A_542 = tpu.memref_slice %arg22[%run_scoped3A_500, %dma_start3A_541] : memref<20x32xf32, #tpu.memory_space<vmem>> -> memref<1x32xf32, #tpu.memory_space<vmem>>
        %dma_start3A_543 = tpu.memref_squeeze %dma_start3A_542 : memref<1x32xf32, #tpu.memory_space<vmem>> -> memref<32xf32, #tpu.memory_space<vmem>>
        %dma_start3A_544 = tpu.memref_slice %arg8[%run_scoped3A_501, %add3A_289] : memref<20x16384xf32, #tpu.memory_space<hbm>> -> memref<1x32xf32, #tpu.memory_space<hbm>>
        %dma_start3A_545 = tpu.memref_squeeze %dma_start3A_544 : memref<1x32xf32, #tpu.memory_space<hbm>> -> memref<32xf32, #tpu.memory_space<hbm>>
        %dma_start3A_546 = tpu.memref_slice %arg8[%run_scoped3A_501, %add3A_289] : memref<20x16384xf32, #tpu.memory_space<hbm>> -> memref<1x32xf32, #tpu.memory_space<hbm>>
        %dma_start3A_547 = tpu.memref_squeeze %dma_start3A_546 : memref<1x32xf32, #tpu.memory_space<hbm>> -> memref<32xf32, #tpu.memory_space<hbm>>
        %dma_start3A_548 = arith.constant 0 : i32
        %dma_start3A_549 = tpu.memref_slice %arg22[%run_scoped3A_500, %dma_start3A_548] : memref<20x32xf32, #tpu.memory_space<vmem>> -> memref<1x32xf32, #tpu.memory_space<vmem>>
        %dma_start3A_550 = tpu.memref_squeeze %dma_start3A_549 : memref<1x32xf32, #tpu.memory_space<vmem>> -> memref<32xf32, #tpu.memory_space<vmem>>
        tpu.enqueue_dma source(%dma_start3A_550 : memref<32xf32, #tpu.memory_space<vmem>>) target(%dma_start3A_547 : memref<32xf32, #tpu.memory_space<hbm>>) target_semaphore(%run_scoped3A_540 : memref<!tpu.dma_semaphore, #tpu.memory_space<semaphore_mem>>)
        %dma_wait3A_551 = arith.constant 0 : i32
        %dma_wait3A_552 = tpu.memref_slice %arg22[%run_scoped3A_500, %dma_wait3A_551] : memref<20x32xf32, #tpu.memory_space<vmem>> -> memref<1x32xf32, #tpu.memory_space<vmem>>
        %dma_wait3A_553 = tpu.memref_squeeze %dma_wait3A_552 : memref<1x32xf32, #tpu.memory_space<vmem>> -> memref<32xf32, #tpu.memory_space<vmem>>
        %dma_wait3A_554 = tpu.memref_slice %arg8[%run_scoped3A_501, %add3A_289] : memref<20x16384xf32, #tpu.memory_space<hbm>> -> memref<1x32xf32, #tpu.memory_space<hbm>>
        %dma_wait3A_555 = tpu.memref_squeeze %dma_wait3A_554 : memref<1x32xf32, #tpu.memory_space<hbm>> -> memref<32xf32, #tpu.memory_space<hbm>>
        %dma_wait3A_556 = tpu.memref_slice %arg8[%run_scoped3A_501, %add3A_289] : memref<20x16384xf32, #tpu.memory_space<hbm>> -> memref<1x32xf32, #tpu.memory_space<hbm>>
        %dma_wait3A_557 = tpu.memref_squeeze %dma_wait3A_556 : memref<1x32xf32, #tpu.memory_space<hbm>> -> memref<32xf32, #tpu.memory_space<hbm>>
        %dma_wait3A_558 = arith.constant 0 : i32
        %dma_wait3A_559 = tpu.memref_slice %arg22[%run_scoped3A_500, %dma_wait3A_558] : memref<20x32xf32, #tpu.memory_space<vmem>> -> memref<1x32xf32, #tpu.memory_space<vmem>>
        %dma_wait3A_560 = tpu.memref_squeeze %dma_wait3A_559 : memref<1x32xf32, #tpu.memory_space<vmem>> -> memref<32xf32, #tpu.memory_space<vmem>>
        tpu.wait_dma2 semaphore(%run_scoped3A_540 : memref<!tpu.dma_semaphore, #tpu.memory_space<semaphore_mem>>) src(%dma_wait3A_560 : memref<32xf32, #tpu.memory_space<vmem>>) dst(%dma_wait3A_557 : memref<32xf32, #tpu.memory_space<hbm>>)
        tpu.yield
      }) : () -> ()
      %run_scoped3A_502 = arith.constant 1 : i32
      %run_scoped3A_503 = arith.constant 1 : i32
      "tpu.region"() ({
        %run_scoped3A_540 = tpu.sem_alloc : memref<!tpu.dma_semaphore, #tpu.memory_space<semaphore_mem>>
        %dma_start3A_541 = arith.constant 0 : i32
        %dma_start3A_542 = tpu.memref_slice %arg22[%run_scoped3A_502, %dma_start3A_541] : memref<20x32xf32, #tpu.memory_space<vmem>> -> memref<1x32xf32, #tpu.memory_space<vmem>>
        %dma_start3A_543 = tpu.memref_squeeze %dma_start3A_542 : memref<1x32xf32, #tpu.memory_space<vmem>> -> memref<32xf32, #tpu.memory_space<vmem>>
        %dma_start3A_544 = tpu.memref_slice %arg8[%run_scoped3A_503, %add3A_289] : memref<20x16384xf32, #tpu.memory_space<hbm>> -> memref<1x32xf32, #tpu.memory_space<hbm>>
        %dma_start3A_545 = tpu.memref_squeeze %dma_start3A_544 : memref<1x32xf32, #tpu.memory_space<hbm>> -> memref<32xf32, #tpu.memory_space<hbm>>
        %dma_start3A_546 = tpu.memref_slice %arg8[%run_scoped3A_503, %add3A_289] : memref<20x16384xf32, #tpu.memory_space<hbm>> -> memref<1x32xf32, #tpu.memory_space<hbm>>
        %dma_start3A_547 = tpu.memref_squeeze %dma_start3A_546 : memref<1x32xf32, #tpu.memory_space<hbm>> -> memref<32xf32, #tpu.memory_space<hbm>>
        %dma_start3A_548 = arith.constant 0 : i32
        %dma_start3A_549 = tpu.memref_slice %arg22[%run_scoped3A_502, %dma_start3A_548] : memref<20x32xf32, #tpu.memory_space<vmem>> -> memref<1x32xf32, #tpu.memory_space<vmem>>
        %dma_start3A_550 = tpu.memref_squeeze %dma_start3A_549 : memref<1x32xf32, #tpu.memory_space<vmem>> -> memref<32xf32, #tpu.memory_space<vmem>>
        tpu.enqueue_dma source(%dma_start3A_550 : memref<32xf32, #tpu.memory_space<vmem>>) target(%dma_start3A_547 : memref<32xf32, #tpu.memory_space<hbm>>) target_semaphore(%run_scoped3A_540 : memref<!tpu.dma_semaphore, #tpu.memory_space<semaphore_mem>>)
        %dma_wait3A_551 = arith.constant 0 : i32
        %dma_wait3A_552 = tpu.memref_slice %arg22[%run_scoped3A_502, %dma_wait3A_551] : memref<20x32xf32, #tpu.memory_space<vmem>> -> memref<1x32xf32, #tpu.memory_space<vmem>>
        %dma_wait3A_553 = tpu.memref_squeeze %dma_wait3A_552 : memref<1x32xf32, #tpu.memory_space<vmem>> -> memref<32xf32, #tpu.memory_space<vmem>>
        %dma_wait3A_554 = tpu.memref_slice %arg8[%run_scoped3A_503, %add3A_289] : memref<20x16384xf32, #tpu.memory_space<hbm>> -> memref<1x32xf32, #tpu.memory_space<hbm>>
        %dma_wait3A_555 = tpu.memref_squeeze %dma_wait3A_554 : memref<1x32xf32, #tpu.memory_space<hbm>> -> memref<32xf32, #tpu.memory_space<hbm>>
        %dma_wait3A_556 = tpu.memref_slice %arg8[%run_scoped3A_503, %add3A_289] : memref<20x16384xf32, #tpu.memory_space<hbm>> -> memref<1x32xf32, #tpu.memory_space<hbm>>
        %dma_wait3A_557 = tpu.memref_squeeze %dma_wait3A_556 : memref<1x32xf32, #tpu.memory_space<hbm>> -> memref<32xf32, #tpu.memory_space<hbm>>
        %dma_wait3A_558 = arith.constant 0 : i32
        %dma_wait3A_559 = tpu.memref_slice %arg22[%run_scoped3A_502, %dma_wait3A_558] : memref<20x32xf32, #tpu.memory_space<vmem>> -> memref<1x32xf32, #tpu.memory_space<vmem>>
        %dma_wait3A_560 = tpu.memref_squeeze %dma_wait3A_559 : memref<1x32xf32, #tpu.memory_space<vmem>> -> memref<32xf32, #tpu.memory_space<vmem>>
        tpu.wait_dma2 semaphore(%run_scoped3A_540 : memref<!tpu.dma_semaphore, #tpu.memory_space<semaphore_mem>>) src(%dma_wait3A_560 : memref<32xf32, #tpu.memory_space<vmem>>) dst(%dma_wait3A_557 : memref<32xf32, #tpu.memory_space<hbm>>)
        tpu.yield
      }) : () -> ()
      %run_scoped3A_504 = arith.constant 2 : i32
      %run_scoped3A_505 = arith.constant 2 : i32
      "tpu.region"() ({
        %run_scoped3A_540 = tpu.sem_alloc : memref<!tpu.dma_semaphore, #tpu.memory_space<semaphore_mem>>
        %dma_start3A_541 = arith.constant 0 : i32
        %dma_start3A_542 = tpu.memref_slice %arg22[%run_scoped3A_504, %dma_start3A_541] : memref<20x32xf32, #tpu.memory_space<vmem>> -> memref<1x32xf32, #tpu.memory_space<vmem>>
        %dma_start3A_543 = tpu.memref_squeeze %dma_start3A_542 : memref<1x32xf32, #tpu.memory_space<vmem>> -> memref<32xf32, #tpu.memory_space<vmem>>
        %dma_start3A_544 = tpu.memref_slice %arg8[%run_scoped3A_505, %add3A_289] : memref<20x16384xf32, #tpu.memory_space<hbm>> -> memref<1x32xf32, #tpu.memory_space<hbm>>
        %dma_start3A_545 = tpu.memref_squeeze %dma_start3A_544 : memref<1x32xf32, #tpu.memory_space<hbm>> -> memref<32xf32, #tpu.memory_space<hbm>>
        %dma_start3A_546 = tpu.memref_slice %arg8[%run_scoped3A_505, %add3A_289] : memref<20x16384xf32, #tpu.memory_space<hbm>> -> memref<1x32xf32, #tpu.memory_space<hbm>>
        %dma_start3A_547 = tpu.memref_squeeze %dma_start3A_546 : memref<1x32xf32, #tpu.memory_space<hbm>> -> memref<32xf32, #tpu.memory_space<hbm>>
        %dma_start3A_548 = arith.constant 0 : i32
        %dma_start3A_549 = tpu.memref_slice %arg22[%run_scoped3A_504, %dma_start3A_548] : memref<20x32xf32, #tpu.memory_space<vmem>> -> memref<1x32xf32, #tpu.memory_space<vmem>>
        %dma_start3A_550 = tpu.memref_squeeze %dma_start3A_549 : memref<1x32xf32, #tpu.memory_space<vmem>> -> memref<32xf32, #tpu.memory_space<vmem>>
        tpu.enqueue_dma source(%dma_start3A_550 : memref<32xf32, #tpu.memory_space<vmem>>) target(%dma_start3A_547 : memref<32xf32, #tpu.memory_space<hbm>>) target_semaphore(%run_scoped3A_540 : memref<!tpu.dma_semaphore, #tpu.memory_space<semaphore_mem>>)
        %dma_wait3A_551 = arith.constant 0 : i32
        %dma_wait3A_552 = tpu.memref_slice %arg22[%run_scoped3A_504, %dma_wait3A_551] : memref<20x32xf32, #tpu.memory_space<vmem>> -> memref<1x32xf32, #tpu.memory_space<vmem>>
        %dma_wait3A_553 = tpu.memref_squeeze %dma_wait3A_552 : memref<1x32xf32, #tpu.memory_space<vmem>> -> memref<32xf32, #tpu.memory_space<vmem>>
        %dma_wait3A_554 = tpu.memref_slice %arg8[%run_scoped3A_505, %add3A_289] : memref<20x16384xf32, #tpu.memory_space<hbm>> -> memref<1x32xf32, #tpu.memory_space<hbm>>
        %dma_wait3A_555 = tpu.memref_squeeze %dma_wait3A_554 : memref<1x32xf32, #tpu.memory_space<hbm>> -> memref<32xf32, #tpu.memory_space<hbm>>
        %dma_wait3A_556 = tpu.memref_slice %arg8[%run_scoped3A_505, %add3A_289] : memref<20x16384xf32, #tpu.memory_space<hbm>> -> memref<1x32xf32, #tpu.memory_space<hbm>>
        %dma_wait3A_557 = tpu.memref_squeeze %dma_wait3A_556 : memref<1x32xf32, #tpu.memory_space<hbm>> -> memref<32xf32, #tpu.memory_space<hbm>>
        %dma_wait3A_558 = arith.constant 0 : i32
        %dma_wait3A_559 = tpu.memref_slice %arg22[%run_scoped3A_504, %dma_wait3A_558] : memref<20x32xf32, #tpu.memory_space<vmem>> -> memref<1x32xf32, #tpu.memory_space<vmem>>
        %dma_wait3A_560 = tpu.memref_squeeze %dma_wait3A_559 : memref<1x32xf32, #tpu.memory_space<vmem>> -> memref<32xf32, #tpu.memory_space<vmem>>
        tpu.wait_dma2 semaphore(%run_scoped3A_540 : memref<!tpu.dma_semaphore, #tpu.memory_space<semaphore_mem>>) src(%dma_wait3A_560 : memref<32xf32, #tpu.memory_space<vmem>>) dst(%dma_wait3A_557 : memref<32xf32, #tpu.memory_space<hbm>>)
        tpu.yield
      }) : () -> ()
      %run_scoped3A_506 = arith.constant 3 : i32
      %run_scoped3A_507 = arith.constant 3 : i32
      "tpu.region"() ({
        %run_scoped3A_540 = tpu.sem_alloc : memref<!tpu.dma_semaphore, #tpu.memory_space<semaphore_mem>>
        %dma_start3A_541 = arith.constant 0 : i32
        %dma_start3A_542 = tpu.memref_slice %arg22[%run_scoped3A_506, %dma_start3A_541] : memref<20x32xf32, #tpu.memory_space<vmem>> -> memref<1x32xf32, #tpu.memory_space<vmem>>
        %dma_start3A_543 = tpu.memref_squeeze %dma_start3A_542 : memref<1x32xf32, #tpu.memory_space<vmem>> -> memref<32xf32, #tpu.memory_space<vmem>>
        %dma_start3A_544 = tpu.memref_slice %arg8[%run_scoped3A_507, %add3A_289] : memref<20x16384xf32, #tpu.memory_space<hbm>> -> memref<1x32xf32, #tpu.memory_space<hbm>>
        %dma_start3A_545 = tpu.memref_squeeze %dma_start3A_544 : memref<1x32xf32, #tpu.memory_space<hbm>> -> memref<32xf32, #tpu.memory_space<hbm>>
        %dma_start3A_546 = tpu.memref_slice %arg8[%run_scoped3A_507, %add3A_289] : memref<20x16384xf32, #tpu.memory_space<hbm>> -> memref<1x32xf32, #tpu.memory_space<hbm>>
        %dma_start3A_547 = tpu.memref_squeeze %dma_start3A_546 : memref<1x32xf32, #tpu.memory_space<hbm>> -> memref<32xf32, #tpu.memory_space<hbm>>
        %dma_start3A_548 = arith.constant 0 : i32
        %dma_start3A_549 = tpu.memref_slice %arg22[%run_scoped3A_506, %dma_start3A_548] : memref<20x32xf32, #tpu.memory_space<vmem>> -> memref<1x32xf32, #tpu.memory_space<vmem>>
        %dma_start3A_550 = tpu.memref_squeeze %dma_start3A_549 : memref<1x32xf32, #tpu.memory_space<vmem>> -> memref<32xf32, #tpu.memory_space<vmem>>
        tpu.enqueue_dma source(%dma_start3A_550 : memref<32xf32, #tpu.memory_space<vmem>>) target(%dma_start3A_547 : memref<32xf32, #tpu.memory_space<hbm>>) target_semaphore(%run_scoped3A_540 : memref<!tpu.dma_semaphore, #tpu.memory_space<semaphore_mem>>)
        %dma_wait3A_551 = arith.constant 0 : i32
        %dma_wait3A_552 = tpu.memref_slice %arg22[%run_scoped3A_506, %dma_wait3A_551] : memref<20x32xf32, #tpu.memory_space<vmem>> -> memref<1x32xf32, #tpu.memory_space<vmem>>
        %dma_wait3A_553 = tpu.memref_squeeze %dma_wait3A_552 : memref<1x32xf32, #tpu.memory_space<vmem>> -> memref<32xf32, #tpu.memory_space<vmem>>
        %dma_wait3A_554 = tpu.memref_slice %arg8[%run_scoped3A_507, %add3A_289] : memref<20x16384xf32, #tpu.memory_space<hbm>> -> memref<1x32xf32, #tpu.memory_space<hbm>>
        %dma_wait3A_555 = tpu.memref_squeeze %dma_wait3A_554 : memref<1x32xf32, #tpu.memory_space<hbm>> -> memref<32xf32, #tpu.memory_space<hbm>>
        %dma_wait3A_556 = tpu.memref_slice %arg8[%run_scoped3A_507, %add3A_289] : memref<20x16384xf32, #tpu.memory_space<hbm>> -> memref<1x32xf32, #tpu.memory_space<hbm>>
        %dma_wait3A_557 = tpu.memref_squeeze %dma_wait3A_556 : memref<1x32xf32, #tpu.memory_space<hbm>> -> memref<32xf32, #tpu.memory_space<hbm>>
        %dma_wait3A_558 = arith.constant 0 : i32
        %dma_wait3A_559 = tpu.memref_slice %arg22[%run_scoped3A_506, %dma_wait3A_558] : memref<20x32xf32, #tpu.memory_space<vmem>> -> memref<1x32xf32, #tpu.memory_space<vmem>>
        %dma_wait3A_560 = tpu.memref_squeeze %dma_wait3A_559 : memref<1x32xf32, #tpu.memory_space<vmem>> -> memref<32xf32, #tpu.memory_space<vmem>>
        tpu.wait_dma2 semaphore(%run_scoped3A_540 : memref<!tpu.dma_semaphore, #tpu.memory_space<semaphore_mem>>) src(%dma_wait3A_560 : memref<32xf32, #tpu.memory_space<vmem>>) dst(%dma_wait3A_557 : memref<32xf32, #tpu.memory_space<hbm>>)
        tpu.yield
      }) : () -> ()
      %run_scoped3A_508 = arith.constant 4 : i32
      %run_scoped3A_509 = arith.constant 4 : i32
      "tpu.region"() ({
        %run_scoped3A_540 = tpu.sem_alloc : memref<!tpu.dma_semaphore, #tpu.memory_space<semaphore_mem>>
        %dma_start3A_541 = arith.constant 0 : i32
        %dma_start3A_542 = tpu.memref_slice %arg22[%run_scoped3A_508, %dma_start3A_541] : memref<20x32xf32, #tpu.memory_space<vmem>> -> memref<1x32xf32, #tpu.memory_space<vmem>>
        %dma_start3A_543 = tpu.memref_squeeze %dma_start3A_542 : memref<1x32xf32, #tpu.memory_space<vmem>> -> memref<32xf32, #tpu.memory_space<vmem>>
        %dma_start3A_544 = tpu.memref_slice %arg8[%run_scoped3A_509, %add3A_289] : memref<20x16384xf32, #tpu.memory_space<hbm>> -> memref<1x32xf32, #tpu.memory_space<hbm>>
        %dma_start3A_545 = tpu.memref_squeeze %dma_start3A_544 : memref<1x32xf32, #tpu.memory_space<hbm>> -> memref<32xf32, #tpu.memory_space<hbm>>
        %dma_start3A_546 = tpu.memref_slice %arg8[%run_scoped3A_509, %add3A_289] : memref<20x16384xf32, #tpu.memory_space<hbm>> -> memref<1x32xf32, #tpu.memory_space<hbm>>
        %dma_start3A_547 = tpu.memref_squeeze %dma_start3A_546 : memref<1x32xf32, #tpu.memory_space<hbm>> -> memref<32xf32, #tpu.memory_space<hbm>>
        %dma_start3A_548 = arith.constant 0 : i32
        %dma_start3A_549 = tpu.memref_slice %arg22[%run_scoped3A_508, %dma_start3A_548] : memref<20x32xf32, #tpu.memory_space<vmem>> -> memref<1x32xf32, #tpu.memory_space<vmem>>
        %dma_start3A_550 = tpu.memref_squeeze %dma_start3A_549 : memref<1x32xf32, #tpu.memory_space<vmem>> -> memref<32xf32, #tpu.memory_space<vmem>>
        tpu.enqueue_dma source(%dma_start3A_550 : memref<32xf32, #tpu.memory_space<vmem>>) target(%dma_start3A_547 : memref<32xf32, #tpu.memory_space<hbm>>) target_semaphore(%run_scoped3A_540 : memref<!tpu.dma_semaphore, #tpu.memory_space<semaphore_mem>>)
        %dma_wait3A_551 = arith.constant 0 : i32
        %dma_wait3A_552 = tpu.memref_slice %arg22[%run_scoped3A_508, %dma_wait3A_551] : memref<20x32xf32, #tpu.memory_space<vmem>> -> memref<1x32xf32, #tpu.memory_space<vmem>>
        %dma_wait3A_553 = tpu.memref_squeeze %dma_wait3A_552 : memref<1x32xf32, #tpu.memory_space<vmem>> -> memref<32xf32, #tpu.memory_space<vmem>>
        %dma_wait3A_554 = tpu.memref_slice %arg8[%run_scoped3A_509, %add3A_289] : memref<20x16384xf32, #tpu.memory_space<hbm>> -> memref<1x32xf32, #tpu.memory_space<hbm>>
        %dma_wait3A_555 = tpu.memref_squeeze %dma_wait3A_554 : memref<1x32xf32, #tpu.memory_space<hbm>> -> memref<32xf32, #tpu.memory_space<hbm>>
        %dma_wait3A_556 = tpu.memref_slice %arg8[%run_scoped3A_509, %add3A_289] : memref<20x16384xf32, #tpu.memory_space<hbm>> -> memref<1x32xf32, #tpu.memory_space<hbm>>
        %dma_wait3A_557 = tpu.memref_squeeze %dma_wait3A_556 : memref<1x32xf32, #tpu.memory_space<hbm>> -> memref<32xf32, #tpu.memory_space<hbm>>
        %dma_wait3A_558 = arith.constant 0 : i32
        %dma_wait3A_559 = tpu.memref_slice %arg22[%run_scoped3A_508, %dma_wait3A_558] : memref<20x32xf32, #tpu.memory_space<vmem>> -> memref<1x32xf32, #tpu.memory_space<vmem>>
        %dma_wait3A_560 = tpu.memref_squeeze %dma_wait3A_559 : memref<1x32xf32, #tpu.memory_space<vmem>> -> memref<32xf32, #tpu.memory_space<vmem>>
        tpu.wait_dma2 semaphore(%run_scoped3A_540 : memref<!tpu.dma_semaphore, #tpu.memory_space<semaphore_mem>>) src(%dma_wait3A_560 : memref<32xf32, #tpu.memory_space<vmem>>) dst(%dma_wait3A_557 : memref<32xf32, #tpu.memory_space<hbm>>)
        tpu.yield
      }) : () -> ()
      %run_scoped3A_510 = arith.constant 5 : i32
      %run_scoped3A_511 = arith.constant 5 : i32
      "tpu.region"() ({
        %run_scoped3A_540 = tpu.sem_alloc : memref<!tpu.dma_semaphore, #tpu.memory_space<semaphore_mem>>
        %dma_start3A_541 = arith.constant 0 : i32
        %dma_start3A_542 = tpu.memref_slice %arg22[%run_scoped3A_510, %dma_start3A_541] : memref<20x32xf32, #tpu.memory_space<vmem>> -> memref<1x32xf32, #tpu.memory_space<vmem>>
        %dma_start3A_543 = tpu.memref_squeeze %dma_start3A_542 : memref<1x32xf32, #tpu.memory_space<vmem>> -> memref<32xf32, #tpu.memory_space<vmem>>
        %dma_start3A_544 = tpu.memref_slice %arg8[%run_scoped3A_511, %add3A_289] : memref<20x16384xf32, #tpu.memory_space<hbm>> -> memref<1x32xf32, #tpu.memory_space<hbm>>
        %dma_start3A_545 = tpu.memref_squeeze %dma_start3A_544 : memref<1x32xf32, #tpu.memory_space<hbm>> -> memref<32xf32, #tpu.memory_space<hbm>>
        %dma_start3A_546 = tpu.memref_slice %arg8[%run_scoped3A_511, %add3A_289] : memref<20x16384xf32, #tpu.memory_space<hbm>> -> memref<1x32xf32, #tpu.memory_space<hbm>>
        %dma_start3A_547 = tpu.memref_squeeze %dma_start3A_546 : memref<1x32xf32, #tpu.memory_space<hbm>> -> memref<32xf32, #tpu.memory_space<hbm>>
        %dma_start3A_548 = arith.constant 0 : i32
        %dma_start3A_549 = tpu.memref_slice %arg22[%run_scoped3A_510, %dma_start3A_548] : memref<20x32xf32, #tpu.memory_space<vmem>> -> memref<1x32xf32, #tpu.memory_space<vmem>>
        %dma_start3A_550 = tpu.memref_squeeze %dma_start3A_549 : memref<1x32xf32, #tpu.memory_space<vmem>> -> memref<32xf32, #tpu.memory_space<vmem>>
        tpu.enqueue_dma source(%dma_start3A_550 : memref<32xf32, #tpu.memory_space<vmem>>) target(%dma_start3A_547 : memref<32xf32, #tpu.memory_space<hbm>>) target_semaphore(%run_scoped3A_540 : memref<!tpu.dma_semaphore, #tpu.memory_space<semaphore_mem>>)
        %dma_wait3A_551 = arith.constant 0 : i32
        %dma_wait3A_552 = tpu.memref_slice %arg22[%run_scoped3A_510, %dma_wait3A_551] : memref<20x32xf32, #tpu.memory_space<vmem>> -> memref<1x32xf32, #tpu.memory_space<vmem>>
        %dma_wait3A_553 = tpu.memref_squeeze %dma_wait3A_552 : memref<1x32xf32, #tpu.memory_space<vmem>> -> memref<32xf32, #tpu.memory_space<vmem>>
        %dma_wait3A_554 = tpu.memref_slice %arg8[%run_scoped3A_511, %add3A_289] : memref<20x16384xf32, #tpu.memory_space<hbm>> -> memref<1x32xf32, #tpu.memory_space<hbm>>
        %dma_wait3A_555 = tpu.memref_squeeze %dma_wait3A_554 : memref<1x32xf32, #tpu.memory_space<hbm>> -> memref<32xf32, #tpu.memory_space<hbm>>
        %dma_wait3A_556 = tpu.memref_slice %arg8[%run_scoped3A_511, %add3A_289] : memref<20x16384xf32, #tpu.memory_space<hbm>> -> memref<1x32xf32, #tpu.memory_space<hbm>>
        %dma_wait3A_557 = tpu.memref_squeeze %dma_wait3A_556 : memref<1x32xf32, #tpu.memory_space<hbm>> -> memref<32xf32, #tpu.memory_space<hbm>>
        %dma_wait3A_558 = arith.constant 0 : i32
        %dma_wait3A_559 = tpu.memref_slice %arg22[%run_scoped3A_510, %dma_wait3A_558] : memref<20x32xf32, #tpu.memory_space<vmem>> -> memref<1x32xf32, #tpu.memory_space<vmem>>
        %dma_wait3A_560 = tpu.memref_squeeze %dma_wait3A_559 : memref<1x32xf32, #tpu.memory_space<vmem>> -> memref<32xf32, #tpu.memory_space<vmem>>
        tpu.wait_dma2 semaphore(%run_scoped3A_540 : memref<!tpu.dma_semaphore, #tpu.memory_space<semaphore_mem>>) src(%dma_wait3A_560 : memref<32xf32, #tpu.memory_space<vmem>>) dst(%dma_wait3A_557 : memref<32xf32, #tpu.memory_space<hbm>>)
        tpu.yield
      }) : () -> ()
      %run_scoped3A_512 = arith.constant 6 : i32
      %run_scoped3A_513 = arith.constant 6 : i32
      "tpu.region"() ({
        %run_scoped3A_540 = tpu.sem_alloc : memref<!tpu.dma_semaphore, #tpu.memory_space<semaphore_mem>>
        %dma_start3A_541 = arith.constant 0 : i32
        %dma_start3A_542 = tpu.memref_slice %arg22[%run_scoped3A_512, %dma_start3A_541] : memref<20x32xf32, #tpu.memory_space<vmem>> -> memref<1x32xf32, #tpu.memory_space<vmem>>
        %dma_start3A_543 = tpu.memref_squeeze %dma_start3A_542 : memref<1x32xf32, #tpu.memory_space<vmem>> -> memref<32xf32, #tpu.memory_space<vmem>>
        %dma_start3A_544 = tpu.memref_slice %arg8[%run_scoped3A_513, %add3A_289] : memref<20x16384xf32, #tpu.memory_space<hbm>> -> memref<1x32xf32, #tpu.memory_space<hbm>>
        %dma_start3A_545 = tpu.memref_squeeze %dma_start3A_544 : memref<1x32xf32, #tpu.memory_space<hbm>> -> memref<32xf32, #tpu.memory_space<hbm>>
        %dma_start3A_546 = tpu.memref_slice %arg8[%run_scoped3A_513, %add3A_289] : memref<20x16384xf32, #tpu.memory_space<hbm>> -> memref<1x32xf32, #tpu.memory_space<hbm>>
        %dma_start3A_547 = tpu.memref_squeeze %dma_start3A_546 : memref<1x32xf32, #tpu.memory_space<hbm>> -> memref<32xf32, #tpu.memory_space<hbm>>
        %dma_start3A_548 = arith.constant 0 : i32
        %dma_start3A_549 = tpu.memref_slice %arg22[%run_scoped3A_512, %dma_start3A_548] : memref<20x32xf32, #tpu.memory_space<vmem>> -> memref<1x32xf32, #tpu.memory_space<vmem>>
        %dma_start3A_550 = tpu.memref_squeeze %dma_start3A_549 : memref<1x32xf32, #tpu.memory_space<vmem>> -> memref<32xf32, #tpu.memory_space<vmem>>
        tpu.enqueue_dma source(%dma_start3A_550 : memref<32xf32, #tpu.memory_space<vmem>>) target(%dma_start3A_547 : memref<32xf32, #tpu.memory_space<hbm>>) target_semaphore(%run_scoped3A_540 : memref<!tpu.dma_semaphore, #tpu.memory_space<semaphore_mem>>)
        %dma_wait3A_551 = arith.constant 0 : i32
        %dma_wait3A_552 = tpu.memref_slice %arg22[%run_scoped3A_512, %dma_wait3A_551] : memref<20x32xf32, #tpu.memory_space<vmem>> -> memref<1x32xf32, #tpu.memory_space<vmem>>
        %dma_wait3A_553 = tpu.memref_squeeze %dma_wait3A_552 : memref<1x32xf32, #tpu.memory_space<vmem>> -> memref<32xf32, #tpu.memory_space<vmem>>
        %dma_wait3A_554 = tpu.memref_slice %arg8[%run_scoped3A_513, %add3A_289] : memref<20x16384xf32, #tpu.memory_space<hbm>> -> memref<1x32xf32, #tpu.memory_space<hbm>>
        %dma_wait3A_555 = tpu.memref_squeeze %dma_wait3A_554 : memref<1x32xf32, #tpu.memory_space<hbm>> -> memref<32xf32, #tpu.memory_space<hbm>>
        %dma_wait3A_556 = tpu.memref_slice %arg8[%run_scoped3A_513, %add3A_289] : memref<20x16384xf32, #tpu.memory_space<hbm>> -> memref<1x32xf32, #tpu.memory_space<hbm>>
        %dma_wait3A_557 = tpu.memref_squeeze %dma_wait3A_556 : memref<1x32xf32, #tpu.memory_space<hbm>> -> memref<32xf32, #tpu.memory_space<hbm>>
        %dma_wait3A_558 = arith.constant 0 : i32
        %dma_wait3A_559 = tpu.memref_slice %arg22[%run_scoped3A_512, %dma_wait3A_558] : memref<20x32xf32, #tpu.memory_space<vmem>> -> memref<1x32xf32, #tpu.memory_space<vmem>>
        %dma_wait3A_560 = tpu.memref_squeeze %dma_wait3A_559 : memref<1x32xf32, #tpu.memory_space<vmem>> -> memref<32xf32, #tpu.memory_space<vmem>>
        tpu.wait_dma2 semaphore(%run_scoped3A_540 : memref<!tpu.dma_semaphore, #tpu.memory_space<semaphore_mem>>) src(%dma_wait3A_560 : memref<32xf32, #tpu.memory_space<vmem>>) dst(%dma_wait3A_557 : memref<32xf32, #tpu.memory_space<hbm>>)
        tpu.yield
      }) : () -> ()
      %run_scoped3A_514 = arith.constant 7 : i32
      %run_scoped3A_515 = arith.constant 7 : i32
      "tpu.region"() ({
        %run_scoped3A_540 = tpu.sem_alloc : memref<!tpu.dma_semaphore, #tpu.memory_space<semaphore_mem>>
        %dma_start3A_541 = arith.constant 0 : i32
        %dma_start3A_542 = tpu.memref_slice %arg22[%run_scoped3A_514, %dma_start3A_541] : memref<20x32xf32, #tpu.memory_space<vmem>> -> memref<1x32xf32, #tpu.memory_space<vmem>>
        %dma_start3A_543 = tpu.memref_squeeze %dma_start3A_542 : memref<1x32xf32, #tpu.memory_space<vmem>> -> memref<32xf32, #tpu.memory_space<vmem>>
        %dma_start3A_544 = tpu.memref_slice %arg8[%run_scoped3A_515, %add3A_289] : memref<20x16384xf32, #tpu.memory_space<hbm>> -> memref<1x32xf32, #tpu.memory_space<hbm>>
        %dma_start3A_545 = tpu.memref_squeeze %dma_start3A_544 : memref<1x32xf32, #tpu.memory_space<hbm>> -> memref<32xf32, #tpu.memory_space<hbm>>
        %dma_start3A_546 = tpu.memref_slice %arg8[%run_scoped3A_515, %add3A_289] : memref<20x16384xf32, #tpu.memory_space<hbm>> -> memref<1x32xf32, #tpu.memory_space<hbm>>
        %dma_start3A_547 = tpu.memref_squeeze %dma_start3A_546 : memref<1x32xf32, #tpu.memory_space<hbm>> -> memref<32xf32, #tpu.memory_space<hbm>>
        %dma_start3A_548 = arith.constant 0 : i32
        %dma_start3A_549 = tpu.memref_slice %arg22[%run_scoped3A_514, %dma_start3A_548] : memref<20x32xf32, #tpu.memory_space<vmem>> -> memref<1x32xf32, #tpu.memory_space<vmem>>
        %dma_start3A_550 = tpu.memref_squeeze %dma_start3A_549 : memref<1x32xf32, #tpu.memory_space<vmem>> -> memref<32xf32, #tpu.memory_space<vmem>>
        tpu.enqueue_dma source(%dma_start3A_550 : memref<32xf32, #tpu.memory_space<vmem>>) target(%dma_start3A_547 : memref<32xf32, #tpu.memory_space<hbm>>) target_semaphore(%run_scoped3A_540 : memref<!tpu.dma_semaphore, #tpu.memory_space<semaphore_mem>>)
        %dma_wait3A_551 = arith.constant 0 : i32
        %dma_wait3A_552 = tpu.memref_slice %arg22[%run_scoped3A_514, %dma_wait3A_551] : memref<20x32xf32, #tpu.memory_space<vmem>> -> memref<1x32xf32, #tpu.memory_space<vmem>>
        %dma_wait3A_553 = tpu.memref_squeeze %dma_wait3A_552 : memref<1x32xf32, #tpu.memory_space<vmem>> -> memref<32xf32, #tpu.memory_space<vmem>>
        %dma_wait3A_554 = tpu.memref_slice %arg8[%run_scoped3A_515, %add3A_289] : memref<20x16384xf32, #tpu.memory_space<hbm>> -> memref<1x32xf32, #tpu.memory_space<hbm>>
        %dma_wait3A_555 = tpu.memref_squeeze %dma_wait3A_554 : memref<1x32xf32, #tpu.memory_space<hbm>> -> memref<32xf32, #tpu.memory_space<hbm>>
        %dma_wait3A_556 = tpu.memref_slice %arg8[%run_scoped3A_515, %add3A_289] : memref<20x16384xf32, #tpu.memory_space<hbm>> -> memref<1x32xf32, #tpu.memory_space<hbm>>
        %dma_wait3A_557 = tpu.memref_squeeze %dma_wait3A_556 : memref<1x32xf32, #tpu.memory_space<hbm>> -> memref<32xf32, #tpu.memory_space<hbm>>
        %dma_wait3A_558 = arith.constant 0 : i32
        %dma_wait3A_559 = tpu.memref_slice %arg22[%run_scoped3A_514, %dma_wait3A_558] : memref<20x32xf32, #tpu.memory_space<vmem>> -> memref<1x32xf32, #tpu.memory_space<vmem>>
        %dma_wait3A_560 = tpu.memref_squeeze %dma_wait3A_559 : memref<1x32xf32, #tpu.memory_space<vmem>> -> memref<32xf32, #tpu.memory_space<vmem>>
        tpu.wait_dma2 semaphore(%run_scoped3A_540 : memref<!tpu.dma_semaphore, #tpu.memory_space<semaphore_mem>>) src(%dma_wait3A_560 : memref<32xf32, #tpu.memory_space<vmem>>) dst(%dma_wait3A_557 : memref<32xf32, #tpu.memory_space<hbm>>)
        tpu.yield
      }) : () -> ()
      %run_scoped3A_516 = arith.constant 8 : i32
      %run_scoped3A_517 = arith.constant 8 : i32
      "tpu.region"() ({
        %run_scoped3A_540 = tpu.sem_alloc : memref<!tpu.dma_semaphore, #tpu.memory_space<semaphore_mem>>
        %dma_start3A_541 = arith.constant 0 : i32
        %dma_start3A_542 = tpu.memref_slice %arg22[%run_scoped3A_516, %dma_start3A_541] : memref<20x32xf32, #tpu.memory_space<vmem>> -> memref<1x32xf32, #tpu.memory_space<vmem>>
        %dma_start3A_543 = tpu.memref_squeeze %dma_start3A_542 : memref<1x32xf32, #tpu.memory_space<vmem>> -> memref<32xf32, #tpu.memory_space<vmem>>
        %dma_start3A_544 = tpu.memref_slice %arg8[%run_scoped3A_517, %add3A_289] : memref<20x16384xf32, #tpu.memory_space<hbm>> -> memref<1x32xf32, #tpu.memory_space<hbm>>
        %dma_start3A_545 = tpu.memref_squeeze %dma_start3A_544 : memref<1x32xf32, #tpu.memory_space<hbm>> -> memref<32xf32, #tpu.memory_space<hbm>>
        %dma_start3A_546 = tpu.memref_slice %arg8[%run_scoped3A_517, %add3A_289] : memref<20x16384xf32, #tpu.memory_space<hbm>> -> memref<1x32xf32, #tpu.memory_space<hbm>>
        %dma_start3A_547 = tpu.memref_squeeze %dma_start3A_546 : memref<1x32xf32, #tpu.memory_space<hbm>> -> memref<32xf32, #tpu.memory_space<hbm>>
        %dma_start3A_548 = arith.constant 0 : i32
        %dma_start3A_549 = tpu.memref_slice %arg22[%run_scoped3A_516, %dma_start3A_548] : memref<20x32xf32, #tpu.memory_space<vmem>> -> memref<1x32xf32, #tpu.memory_space<vmem>>
        %dma_start3A_550 = tpu.memref_squeeze %dma_start3A_549 : memref<1x32xf32, #tpu.memory_space<vmem>> -> memref<32xf32, #tpu.memory_space<vmem>>
        tpu.enqueue_dma source(%dma_start3A_550 : memref<32xf32, #tpu.memory_space<vmem>>) target(%dma_start3A_547 : memref<32xf32, #tpu.memory_space<hbm>>) target_semaphore(%run_scoped3A_540 : memref<!tpu.dma_semaphore, #tpu.memory_space<semaphore_mem>>)
        %dma_wait3A_551 = arith.constant 0 : i32
        %dma_wait3A_552 = tpu.memref_slice %arg22[%run_scoped3A_516, %dma_wait3A_551] : memref<20x32xf32, #tpu.memory_space<vmem>> -> memref<1x32xf32, #tpu.memory_space<vmem>>
        %dma_wait3A_553 = tpu.memref_squeeze %dma_wait3A_552 : memref<1x32xf32, #tpu.memory_space<vmem>> -> memref<32xf32, #tpu.memory_space<vmem>>
        %dma_wait3A_554 = tpu.memref_slice %arg8[%run_scoped3A_517, %add3A_289] : memref<20x16384xf32, #tpu.memory_space<hbm>> -> memref<1x32xf32, #tpu.memory_space<hbm>>
        %dma_wait3A_555 = tpu.memref_squeeze %dma_wait3A_554 : memref<1x32xf32, #tpu.memory_space<hbm>> -> memref<32xf32, #tpu.memory_space<hbm>>
        %dma_wait3A_556 = tpu.memref_slice %arg8[%run_scoped3A_517, %add3A_289] : memref<20x16384xf32, #tpu.memory_space<hbm>> -> memref<1x32xf32, #tpu.memory_space<hbm>>
        %dma_wait3A_557 = tpu.memref_squeeze %dma_wait3A_556 : memref<1x32xf32, #tpu.memory_space<hbm>> -> memref<32xf32, #tpu.memory_space<hbm>>
        %dma_wait3A_558 = arith.constant 0 : i32
        %dma_wait3A_559 = tpu.memref_slice %arg22[%run_scoped3A_516, %dma_wait3A_558] : memref<20x32xf32, #tpu.memory_space<vmem>> -> memref<1x32xf32, #tpu.memory_space<vmem>>
        %dma_wait3A_560 = tpu.memref_squeeze %dma_wait3A_559 : memref<1x32xf32, #tpu.memory_space<vmem>> -> memref<32xf32, #tpu.memory_space<vmem>>
        tpu.wait_dma2 semaphore(%run_scoped3A_540 : memref<!tpu.dma_semaphore, #tpu.memory_space<semaphore_mem>>) src(%dma_wait3A_560 : memref<32xf32, #tpu.memory_space<vmem>>) dst(%dma_wait3A_557 : memref<32xf32, #tpu.memory_space<hbm>>)
        tpu.yield
      }) : () -> ()
      %run_scoped3A_518 = arith.constant 9 : i32
      %run_scoped3A_519 = arith.constant 9 : i32
      "tpu.region"() ({
        %run_scoped3A_540 = tpu.sem_alloc : memref<!tpu.dma_semaphore, #tpu.memory_space<semaphore_mem>>
        %dma_start3A_541 = arith.constant 0 : i32
        %dma_start3A_542 = tpu.memref_slice %arg22[%run_scoped3A_518, %dma_start3A_541] : memref<20x32xf32, #tpu.memory_space<vmem>> -> memref<1x32xf32, #tpu.memory_space<vmem>>
        %dma_start3A_543 = tpu.memref_squeeze %dma_start3A_542 : memref<1x32xf32, #tpu.memory_space<vmem>> -> memref<32xf32, #tpu.memory_space<vmem>>
        %dma_start3A_544 = tpu.memref_slice %arg8[%run_scoped3A_519, %add3A_289] : memref<20x16384xf32, #tpu.memory_space<hbm>> -> memref<1x32xf32, #tpu.memory_space<hbm>>
        %dma_start3A_545 = tpu.memref_squeeze %dma_start3A_544 : memref<1x32xf32, #tpu.memory_space<hbm>> -> memref<32xf32, #tpu.memory_space<hbm>>
        %dma_start3A_546 = tpu.memref_slice %arg8[%run_scoped3A_519, %add3A_289] : memref<20x16384xf32, #tpu.memory_space<hbm>> -> memref<1x32xf32, #tpu.memory_space<hbm>>
        %dma_start3A_547 = tpu.memref_squeeze %dma_start3A_546 : memref<1x32xf32, #tpu.memory_space<hbm>> -> memref<32xf32, #tpu.memory_space<hbm>>
        %dma_start3A_548 = arith.constant 0 : i32
        %dma_start3A_549 = tpu.memref_slice %arg22[%run_scoped3A_518, %dma_start3A_548] : memref<20x32xf32, #tpu.memory_space<vmem>> -> memref<1x32xf32, #tpu.memory_space<vmem>>
        %dma_start3A_550 = tpu.memref_squeeze %dma_start3A_549 : memref<1x32xf32, #tpu.memory_space<vmem>> -> memref<32xf32, #tpu.memory_space<vmem>>
        tpu.enqueue_dma source(%dma_start3A_550 : memref<32xf32, #tpu.memory_space<vmem>>) target(%dma_start3A_547 : memref<32xf32, #tpu.memory_space<hbm>>) target_semaphore(%run_scoped3A_540 : memref<!tpu.dma_semaphore, #tpu.memory_space<semaphore_mem>>)
        %dma_wait3A_551 = arith.constant 0 : i32
        %dma_wait3A_552 = tpu.memref_slice %arg22[%run_scoped3A_518, %dma_wait3A_551] : memref<20x32xf32, #tpu.memory_space<vmem>> -> memref<1x32xf32, #tpu.memory_space<vmem>>
        %dma_wait3A_553 = tpu.memref_squeeze %dma_wait3A_552 : memref<1x32xf32, #tpu.memory_space<vmem>> -> memref<32xf32, #tpu.memory_space<vmem>>
        %dma_wait3A_554 = tpu.memref_slice %arg8[%run_scoped3A_519, %add3A_289] : memref<20x16384xf32, #tpu.memory_space<hbm>> -> memref<1x32xf32, #tpu.memory_space<hbm>>
        %dma_wait3A_555 = tpu.memref_squeeze %dma_wait3A_554 : memref<1x32xf32, #tpu.memory_space<hbm>> -> memref<32xf32, #tpu.memory_space<hbm>>
        %dma_wait3A_556 = tpu.memref_slice %arg8[%run_scoped3A_519, %add3A_289] : memref<20x16384xf32, #tpu.memory_space<hbm>> -> memref<1x32xf32, #tpu.memory_space<hbm>>
        %dma_wait3A_557 = tpu.memref_squeeze %dma_wait3A_556 : memref<1x32xf32, #tpu.memory_space<hbm>> -> memref<32xf32, #tpu.memory_space<hbm>>
        %dma_wait3A_558 = arith.constant 0 : i32
        %dma_wait3A_559 = tpu.memref_slice %arg22[%run_scoped3A_518, %dma_wait3A_558] : memref<20x32xf32, #tpu.memory_space<vmem>> -> memref<1x32xf32, #tpu.memory_space<vmem>>
        %dma_wait3A_560 = tpu.memref_squeeze %dma_wait3A_559 : memref<1x32xf32, #tpu.memory_space<vmem>> -> memref<32xf32, #tpu.memory_space<vmem>>
        tpu.wait_dma2 semaphore(%run_scoped3A_540 : memref<!tpu.dma_semaphore, #tpu.memory_space<semaphore_mem>>) src(%dma_wait3A_560 : memref<32xf32, #tpu.memory_space<vmem>>) dst(%dma_wait3A_557 : memref<32xf32, #tpu.memory_space<hbm>>)
        tpu.yield
      }) : () -> ()
      %run_scoped3A_520 = arith.constant 10 : i32
      %run_scoped3A_521 = arith.constant 10 : i32
      "tpu.region"() ({
        %run_scoped3A_540 = tpu.sem_alloc : memref<!tpu.dma_semaphore, #tpu.memory_space<semaphore_mem>>
        %dma_start3A_541 = arith.constant 0 : i32
        %dma_start3A_542 = tpu.memref_slice %arg22[%run_scoped3A_520, %dma_start3A_541] : memref<20x32xf32, #tpu.memory_space<vmem>> -> memref<1x32xf32, #tpu.memory_space<vmem>>
        %dma_start3A_543 = tpu.memref_squeeze %dma_start3A_542 : memref<1x32xf32, #tpu.memory_space<vmem>> -> memref<32xf32, #tpu.memory_space<vmem>>
        %dma_start3A_544 = tpu.memref_slice %arg8[%run_scoped3A_521, %add3A_289] : memref<20x16384xf32, #tpu.memory_space<hbm>> -> memref<1x32xf32, #tpu.memory_space<hbm>>
        %dma_start3A_545 = tpu.memref_squeeze %dma_start3A_544 : memref<1x32xf32, #tpu.memory_space<hbm>> -> memref<32xf32, #tpu.memory_space<hbm>>
        %dma_start3A_546 = tpu.memref_slice %arg8[%run_scoped3A_521, %add3A_289] : memref<20x16384xf32, #tpu.memory_space<hbm>> -> memref<1x32xf32, #tpu.memory_space<hbm>>
        %dma_start3A_547 = tpu.memref_squeeze %dma_start3A_546 : memref<1x32xf32, #tpu.memory_space<hbm>> -> memref<32xf32, #tpu.memory_space<hbm>>
        %dma_start3A_548 = arith.constant 0 : i32
        %dma_start3A_549 = tpu.memref_slice %arg22[%run_scoped3A_520, %dma_start3A_548] : memref<20x32xf32, #tpu.memory_space<vmem>> -> memref<1x32xf32, #tpu.memory_space<vmem>>
        %dma_start3A_550 = tpu.memref_squeeze %dma_start3A_549 : memref<1x32xf32, #tpu.memory_space<vmem>> -> memref<32xf32, #tpu.memory_space<vmem>>
        tpu.enqueue_dma source(%dma_start3A_550 : memref<32xf32, #tpu.memory_space<vmem>>) target(%dma_start3A_547 : memref<32xf32, #tpu.memory_space<hbm>>) target_semaphore(%run_scoped3A_540 : memref<!tpu.dma_semaphore, #tpu.memory_space<semaphore_mem>>)
        %dma_wait3A_551 = arith.constant 0 : i32
        %dma_wait3A_552 = tpu.memref_slice %arg22[%run_scoped3A_520, %dma_wait3A_551] : memref<20x32xf32, #tpu.memory_space<vmem>> -> memref<1x32xf32, #tpu.memory_space<vmem>>
        %dma_wait3A_553 = tpu.memref_squeeze %dma_wait3A_552 : memref<1x32xf32, #tpu.memory_space<vmem>> -> memref<32xf32, #tpu.memory_space<vmem>>
        %dma_wait3A_554 = tpu.memref_slice %arg8[%run_scoped3A_521, %add3A_289] : memref<20x16384xf32, #tpu.memory_space<hbm>> -> memref<1x32xf32, #tpu.memory_space<hbm>>
        %dma_wait3A_555 = tpu.memref_squeeze %dma_wait3A_554 : memref<1x32xf32, #tpu.memory_space<hbm>> -> memref<32xf32, #tpu.memory_space<hbm>>
        %dma_wait3A_556 = tpu.memref_slice %arg8[%run_scoped3A_521, %add3A_289] : memref<20x16384xf32, #tpu.memory_space<hbm>> -> memref<1x32xf32, #tpu.memory_space<hbm>>
        %dma_wait3A_557 = tpu.memref_squeeze %dma_wait3A_556 : memref<1x32xf32, #tpu.memory_space<hbm>> -> memref<32xf32, #tpu.memory_space<hbm>>
        %dma_wait3A_558 = arith.constant 0 : i32
        %dma_wait3A_559 = tpu.memref_slice %arg22[%run_scoped3A_520, %dma_wait3A_558] : memref<20x32xf32, #tpu.memory_space<vmem>> -> memref<1x32xf32, #tpu.memory_space<vmem>>
        %dma_wait3A_560 = tpu.memref_squeeze %dma_wait3A_559 : memref<1x32xf32, #tpu.memory_space<vmem>> -> memref<32xf32, #tpu.memory_space<vmem>>
        tpu.wait_dma2 semaphore(%run_scoped3A_540 : memref<!tpu.dma_semaphore, #tpu.memory_space<semaphore_mem>>) src(%dma_wait3A_560 : memref<32xf32, #tpu.memory_space<vmem>>) dst(%dma_wait3A_557 : memref<32xf32, #tpu.memory_space<hbm>>)
        tpu.yield
      }) : () -> ()
      %run_scoped3A_522 = arith.constant 11 : i32
      %run_scoped3A_523 = arith.constant 11 : i32
      "tpu.region"() ({
        %run_scoped3A_540 = tpu.sem_alloc : memref<!tpu.dma_semaphore, #tpu.memory_space<semaphore_mem>>
        %dma_start3A_541 = arith.constant 0 : i32
        %dma_start3A_542 = tpu.memref_slice %arg22[%run_scoped3A_522, %dma_start3A_541] : memref<20x32xf32, #tpu.memory_space<vmem>> -> memref<1x32xf32, #tpu.memory_space<vmem>>
        %dma_start3A_543 = tpu.memref_squeeze %dma_start3A_542 : memref<1x32xf32, #tpu.memory_space<vmem>> -> memref<32xf32, #tpu.memory_space<vmem>>
        %dma_start3A_544 = tpu.memref_slice %arg8[%run_scoped3A_523, %add3A_289] : memref<20x16384xf32, #tpu.memory_space<hbm>> -> memref<1x32xf32, #tpu.memory_space<hbm>>
        %dma_start3A_545 = tpu.memref_squeeze %dma_start3A_544 : memref<1x32xf32, #tpu.memory_space<hbm>> -> memref<32xf32, #tpu.memory_space<hbm>>
        %dma_start3A_546 = tpu.memref_slice %arg8[%run_scoped3A_523, %add3A_289] : memref<20x16384xf32, #tpu.memory_space<hbm>> -> memref<1x32xf32, #tpu.memory_space<hbm>>
        %dma_start3A_547 = tpu.memref_squeeze %dma_start3A_546 : memref<1x32xf32, #tpu.memory_space<hbm>> -> memref<32xf32, #tpu.memory_space<hbm>>
        %dma_start3A_548 = arith.constant 0 : i32
        %dma_start3A_549 = tpu.memref_slice %arg22[%run_scoped3A_522, %dma_start3A_548] : memref<20x32xf32, #tpu.memory_space<vmem>> -> memref<1x32xf32, #tpu.memory_space<vmem>>
        %dma_start3A_550 = tpu.memref_squeeze %dma_start3A_549 : memref<1x32xf32, #tpu.memory_space<vmem>> -> memref<32xf32, #tpu.memory_space<vmem>>
        tpu.enqueue_dma source(%dma_start3A_550 : memref<32xf32, #tpu.memory_space<vmem>>) target(%dma_start3A_547 : memref<32xf32, #tpu.memory_space<hbm>>) target_semaphore(%run_scoped3A_540 : memref<!tpu.dma_semaphore, #tpu.memory_space<semaphore_mem>>)
        %dma_wait3A_551 = arith.constant 0 : i32
        %dma_wait3A_552 = tpu.memref_slice %arg22[%run_scoped3A_522, %dma_wait3A_551] : memref<20x32xf32, #tpu.memory_space<vmem>> -> memref<1x32xf32, #tpu.memory_space<vmem>>
        %dma_wait3A_553 = tpu.memref_squeeze %dma_wait3A_552 : memref<1x32xf32, #tpu.memory_space<vmem>> -> memref<32xf32, #tpu.memory_space<vmem>>
        %dma_wait3A_554 = tpu.memref_slice %arg8[%run_scoped3A_523, %add3A_289] : memref<20x16384xf32, #tpu.memory_space<hbm>> -> memref<1x32xf32, #tpu.memory_space<hbm>>
        %dma_wait3A_555 = tpu.memref_squeeze %dma_wait3A_554 : memref<1x32xf32, #tpu.memory_space<hbm>> -> memref<32xf32, #tpu.memory_space<hbm>>
        %dma_wait3A_556 = tpu.memref_slice %arg8[%run_scoped3A_523, %add3A_289] : memref<20x16384xf32, #tpu.memory_space<hbm>> -> memref<1x32xf32, #tpu.memory_space<hbm>>
        %dma_wait3A_557 = tpu.memref_squeeze %dma_wait3A_556 : memref<1x32xf32, #tpu.memory_space<hbm>> -> memref<32xf32, #tpu.memory_space<hbm>>
        %dma_wait3A_558 = arith.constant 0 : i32
        %dma_wait3A_559 = tpu.memref_slice %arg22[%run_scoped3A_522, %dma_wait3A_558] : memref<20x32xf32, #tpu.memory_space<vmem>> -> memref<1x32xf32, #tpu.memory_space<vmem>>
        %dma_wait3A_560 = tpu.memref_squeeze %dma_wait3A_559 : memref<1x32xf32, #tpu.memory_space<vmem>> -> memref<32xf32, #tpu.memory_space<vmem>>
        tpu.wait_dma2 semaphore(%run_scoped3A_540 : memref<!tpu.dma_semaphore, #tpu.memory_space<semaphore_mem>>) src(%dma_wait3A_560 : memref<32xf32, #tpu.memory_space<vmem>>) dst(%dma_wait3A_557 : memref<32xf32, #tpu.memory_space<hbm>>)
        tpu.yield
      }) : () -> ()
      %run_scoped3A_524 = arith.constant 12 : i32
      %run_scoped3A_525 = arith.constant 12 : i32
      "tpu.region"() ({
        %run_scoped3A_540 = tpu.sem_alloc : memref<!tpu.dma_semaphore, #tpu.memory_space<semaphore_mem>>
        %dma_start3A_541 = arith.constant 0 : i32
        %dma_start3A_542 = tpu.memref_slice %arg22[%run_scoped3A_524, %dma_start3A_541] : memref<20x32xf32, #tpu.memory_space<vmem>> -> memref<1x32xf32, #tpu.memory_space<vmem>>
        %dma_start3A_543 = tpu.memref_squeeze %dma_start3A_542 : memref<1x32xf32, #tpu.memory_space<vmem>> -> memref<32xf32, #tpu.memory_space<vmem>>
        %dma_start3A_544 = tpu.memref_slice %arg8[%run_scoped3A_525, %add3A_289] : memref<20x16384xf32, #tpu.memory_space<hbm>> -> memref<1x32xf32, #tpu.memory_space<hbm>>
        %dma_start3A_545 = tpu.memref_squeeze %dma_start3A_544 : memref<1x32xf32, #tpu.memory_space<hbm>> -> memref<32xf32, #tpu.memory_space<hbm>>
        %dma_start3A_546 = tpu.memref_slice %arg8[%run_scoped3A_525, %add3A_289] : memref<20x16384xf32, #tpu.memory_space<hbm>> -> memref<1x32xf32, #tpu.memory_space<hbm>>
        %dma_start3A_547 = tpu.memref_squeeze %dma_start3A_546 : memref<1x32xf32, #tpu.memory_space<hbm>> -> memref<32xf32, #tpu.memory_space<hbm>>
        %dma_start3A_548 = arith.constant 0 : i32
        %dma_start3A_549 = tpu.memref_slice %arg22[%run_scoped3A_524, %dma_start3A_548] : memref<20x32xf32, #tpu.memory_space<vmem>> -> memref<1x32xf32, #tpu.memory_space<vmem>>
        %dma_start3A_550 = tpu.memref_squeeze %dma_start3A_549 : memref<1x32xf32, #tpu.memory_space<vmem>> -> memref<32xf32, #tpu.memory_space<vmem>>
        tpu.enqueue_dma source(%dma_start3A_550 : memref<32xf32, #tpu.memory_space<vmem>>) target(%dma_start3A_547 : memref<32xf32, #tpu.memory_space<hbm>>) target_semaphore(%run_scoped3A_540 : memref<!tpu.dma_semaphore, #tpu.memory_space<semaphore_mem>>)
        %dma_wait3A_551 = arith.constant 0 : i32
        %dma_wait3A_552 = tpu.memref_slice %arg22[%run_scoped3A_524, %dma_wait3A_551] : memref<20x32xf32, #tpu.memory_space<vmem>> -> memref<1x32xf32, #tpu.memory_space<vmem>>
        %dma_wait3A_553 = tpu.memref_squeeze %dma_wait3A_552 : memref<1x32xf32, #tpu.memory_space<vmem>> -> memref<32xf32, #tpu.memory_space<vmem>>
        %dma_wait3A_554 = tpu.memref_slice %arg8[%run_scoped3A_525, %add3A_289] : memref<20x16384xf32, #tpu.memory_space<hbm>> -> memref<1x32xf32, #tpu.memory_space<hbm>>
        %dma_wait3A_555 = tpu.memref_squeeze %dma_wait3A_554 : memref<1x32xf32, #tpu.memory_space<hbm>> -> memref<32xf32, #tpu.memory_space<hbm>>
        %dma_wait3A_556 = tpu.memref_slice %arg8[%run_scoped3A_525, %add3A_289] : memref<20x16384xf32, #tpu.memory_space<hbm>> -> memref<1x32xf32, #tpu.memory_space<hbm>>
        %dma_wait3A_557 = tpu.memref_squeeze %dma_wait3A_556 : memref<1x32xf32, #tpu.memory_space<hbm>> -> memref<32xf32, #tpu.memory_space<hbm>>
        %dma_wait3A_558 = arith.constant 0 : i32
        %dma_wait3A_559 = tpu.memref_slice %arg22[%run_scoped3A_524, %dma_wait3A_558] : memref<20x32xf32, #tpu.memory_space<vmem>> -> memref<1x32xf32, #tpu.memory_space<vmem>>
        %dma_wait3A_560 = tpu.memref_squeeze %dma_wait3A_559 : memref<1x32xf32, #tpu.memory_space<vmem>> -> memref<32xf32, #tpu.memory_space<vmem>>
        tpu.wait_dma2 semaphore(%run_scoped3A_540 : memref<!tpu.dma_semaphore, #tpu.memory_space<semaphore_mem>>) src(%dma_wait3A_560 : memref<32xf32, #tpu.memory_space<vmem>>) dst(%dma_wait3A_557 : memref<32xf32, #tpu.memory_space<hbm>>)
        tpu.yield
      }) : () -> ()
      %run_scoped3A_526 = arith.constant 13 : i32
      %run_scoped3A_527 = arith.constant 13 : i32
      "tpu.region"() ({
        %run_scoped3A_540 = tpu.sem_alloc : memref<!tpu.dma_semaphore, #tpu.memory_space<semaphore_mem>>
        %dma_start3A_541 = arith.constant 0 : i32
        %dma_start3A_542 = tpu.memref_slice %arg22[%run_scoped3A_526, %dma_start3A_541] : memref<20x32xf32, #tpu.memory_space<vmem>> -> memref<1x32xf32, #tpu.memory_space<vmem>>
        %dma_start3A_543 = tpu.memref_squeeze %dma_start3A_542 : memref<1x32xf32, #tpu.memory_space<vmem>> -> memref<32xf32, #tpu.memory_space<vmem>>
        %dma_start3A_544 = tpu.memref_slice %arg8[%run_scoped3A_527, %add3A_289] : memref<20x16384xf32, #tpu.memory_space<hbm>> -> memref<1x32xf32, #tpu.memory_space<hbm>>
        %dma_start3A_545 = tpu.memref_squeeze %dma_start3A_544 : memref<1x32xf32, #tpu.memory_space<hbm>> -> memref<32xf32, #tpu.memory_space<hbm>>
        %dma_start3A_546 = tpu.memref_slice %arg8[%run_scoped3A_527, %add3A_289] : memref<20x16384xf32, #tpu.memory_space<hbm>> -> memref<1x32xf32, #tpu.memory_space<hbm>>
        %dma_start3A_547 = tpu.memref_squeeze %dma_start3A_546 : memref<1x32xf32, #tpu.memory_space<hbm>> -> memref<32xf32, #tpu.memory_space<hbm>>
        %dma_start3A_548 = arith.constant 0 : i32
        %dma_start3A_549 = tpu.memref_slice %arg22[%run_scoped3A_526, %dma_start3A_548] : memref<20x32xf32, #tpu.memory_space<vmem>> -> memref<1x32xf32, #tpu.memory_space<vmem>>
        %dma_start3A_550 = tpu.memref_squeeze %dma_start3A_549 : memref<1x32xf32, #tpu.memory_space<vmem>> -> memref<32xf32, #tpu.memory_space<vmem>>
        tpu.enqueue_dma source(%dma_start3A_550 : memref<32xf32, #tpu.memory_space<vmem>>) target(%dma_start3A_547 : memref<32xf32, #tpu.memory_space<hbm>>) target_semaphore(%run_scoped3A_540 : memref<!tpu.dma_semaphore, #tpu.memory_space<semaphore_mem>>)
        %dma_wait3A_551 = arith.constant 0 : i32
        %dma_wait3A_552 = tpu.memref_slice %arg22[%run_scoped3A_526, %dma_wait3A_551] : memref<20x32xf32, #tpu.memory_space<vmem>> -> memref<1x32xf32, #tpu.memory_space<vmem>>
        %dma_wait3A_553 = tpu.memref_squeeze %dma_wait3A_552 : memref<1x32xf32, #tpu.memory_space<vmem>> -> memref<32xf32, #tpu.memory_space<vmem>>
        %dma_wait3A_554 = tpu.memref_slice %arg8[%run_scoped3A_527, %add3A_289] : memref<20x16384xf32, #tpu.memory_space<hbm>> -> memref<1x32xf32, #tpu.memory_space<hbm>>
        %dma_wait3A_555 = tpu.memref_squeeze %dma_wait3A_554 : memref<1x32xf32, #tpu.memory_space<hbm>> -> memref<32xf32, #tpu.memory_space<hbm>>
        %dma_wait3A_556 = tpu.memref_slice %arg8[%run_scoped3A_527, %add3A_289] : memref<20x16384xf32, #tpu.memory_space<hbm>> -> memref<1x32xf32, #tpu.memory_space<hbm>>
        %dma_wait3A_557 = tpu.memref_squeeze %dma_wait3A_556 : memref<1x32xf32, #tpu.memory_space<hbm>> -> memref<32xf32, #tpu.memory_space<hbm>>
        %dma_wait3A_558 = arith.constant 0 : i32
        %dma_wait3A_559 = tpu.memref_slice %arg22[%run_scoped3A_526, %dma_wait3A_558] : memref<20x32xf32, #tpu.memory_space<vmem>> -> memref<1x32xf32, #tpu.memory_space<vmem>>
        %dma_wait3A_560 = tpu.memref_squeeze %dma_wait3A_559 : memref<1x32xf32, #tpu.memory_space<vmem>> -> memref<32xf32, #tpu.memory_space<vmem>>
        tpu.wait_dma2 semaphore(%run_scoped3A_540 : memref<!tpu.dma_semaphore, #tpu.memory_space<semaphore_mem>>) src(%dma_wait3A_560 : memref<32xf32, #tpu.memory_space<vmem>>) dst(%dma_wait3A_557 : memref<32xf32, #tpu.memory_space<hbm>>)
        tpu.yield
      }) : () -> ()
      %run_scoped3A_528 = arith.constant 14 : i32
      %run_scoped3A_529 = arith.constant 14 : i32
      "tpu.region"() ({
        %run_scoped3A_540 = tpu.sem_alloc : memref<!tpu.dma_semaphore, #tpu.memory_space<semaphore_mem>>
        %dma_start3A_541 = arith.constant 0 : i32
        %dma_start3A_542 = tpu.memref_slice %arg22[%run_scoped3A_528, %dma_start3A_541] : memref<20x32xf32, #tpu.memory_space<vmem>> -> memref<1x32xf32, #tpu.memory_space<vmem>>
        %dma_start3A_543 = tpu.memref_squeeze %dma_start3A_542 : memref<1x32xf32, #tpu.memory_space<vmem>> -> memref<32xf32, #tpu.memory_space<vmem>>
        %dma_start3A_544 = tpu.memref_slice %arg8[%run_scoped3A_529, %add3A_289] : memref<20x16384xf32, #tpu.memory_space<hbm>> -> memref<1x32xf32, #tpu.memory_space<hbm>>
        %dma_start3A_545 = tpu.memref_squeeze %dma_start3A_544 : memref<1x32xf32, #tpu.memory_space<hbm>> -> memref<32xf32, #tpu.memory_space<hbm>>
        %dma_start3A_546 = tpu.memref_slice %arg8[%run_scoped3A_529, %add3A_289] : memref<20x16384xf32, #tpu.memory_space<hbm>> -> memref<1x32xf32, #tpu.memory_space<hbm>>
        %dma_start3A_547 = tpu.memref_squeeze %dma_start3A_546 : memref<1x32xf32, #tpu.memory_space<hbm>> -> memref<32xf32, #tpu.memory_space<hbm>>
        %dma_start3A_548 = arith.constant 0 : i32
        %dma_start3A_549 = tpu.memref_slice %arg22[%run_scoped3A_528, %dma_start3A_548] : memref<20x32xf32, #tpu.memory_space<vmem>> -> memref<1x32xf32, #tpu.memory_space<vmem>>
        %dma_start3A_550 = tpu.memref_squeeze %dma_start3A_549 : memref<1x32xf32, #tpu.memory_space<vmem>> -> memref<32xf32, #tpu.memory_space<vmem>>
        tpu.enqueue_dma source(%dma_start3A_550 : memref<32xf32, #tpu.memory_space<vmem>>) target(%dma_start3A_547 : memref<32xf32, #tpu.memory_space<hbm>>) target_semaphore(%run_scoped3A_540 : memref<!tpu.dma_semaphore, #tpu.memory_space<semaphore_mem>>)
        %dma_wait3A_551 = arith.constant 0 : i32
        %dma_wait3A_552 = tpu.memref_slice %arg22[%run_scoped3A_528, %dma_wait3A_551] : memref<20x32xf32, #tpu.memory_space<vmem>> -> memref<1x32xf32, #tpu.memory_space<vmem>>
        %dma_wait3A_553 = tpu.memref_squeeze %dma_wait3A_552 : memref<1x32xf32, #tpu.memory_space<vmem>> -> memref<32xf32, #tpu.memory_space<vmem>>
        %dma_wait3A_554 = tpu.memref_slice %arg8[%run_scoped3A_529, %add3A_289] : memref<20x16384xf32, #tpu.memory_space<hbm>> -> memref<1x32xf32, #tpu.memory_space<hbm>>
        %dma_wait3A_555 = tpu.memref_squeeze %dma_wait3A_554 : memref<1x32xf32, #tpu.memory_space<hbm>> -> memref<32xf32, #tpu.memory_space<hbm>>
        %dma_wait3A_556 = tpu.memref_slice %arg8[%run_scoped3A_529, %add3A_289] : memref<20x16384xf32, #tpu.memory_space<hbm>> -> memref<1x32xf32, #tpu.memory_space<hbm>>
        %dma_wait3A_557 = tpu.memref_squeeze %dma_wait3A_556 : memref<1x32xf32, #tpu.memory_space<hbm>> -> memref<32xf32, #tpu.memory_space<hbm>>
        %dma_wait3A_558 = arith.constant 0 : i32
        %dma_wait3A_559 = tpu.memref_slice %arg22[%run_scoped3A_528, %dma_wait3A_558] : memref<20x32xf32, #tpu.memory_space<vmem>> -> memref<1x32xf32, #tpu.memory_space<vmem>>
        %dma_wait3A_560 = tpu.memref_squeeze %dma_wait3A_559 : memref<1x32xf32, #tpu.memory_space<vmem>> -> memref<32xf32, #tpu.memory_space<vmem>>
        tpu.wait_dma2 semaphore(%run_scoped3A_540 : memref<!tpu.dma_semaphore, #tpu.memory_space<semaphore_mem>>) src(%dma_wait3A_560 : memref<32xf32, #tpu.memory_space<vmem>>) dst(%dma_wait3A_557 : memref<32xf32, #tpu.memory_space<hbm>>)
        tpu.yield
      }) : () -> ()
      %run_scoped3A_530 = arith.constant 15 : i32
      %run_scoped3A_531 = arith.constant 15 : i32
      "tpu.region"() ({
        %run_scoped3A_540 = tpu.sem_alloc : memref<!tpu.dma_semaphore, #tpu.memory_space<semaphore_mem>>
        %dma_start3A_541 = arith.constant 0 : i32
        %dma_start3A_542 = tpu.memref_slice %arg22[%run_scoped3A_530, %dma_start3A_541] : memref<20x32xf32, #tpu.memory_space<vmem>> -> memref<1x32xf32, #tpu.memory_space<vmem>>
        %dma_start3A_543 = tpu.memref_squeeze %dma_start3A_542 : memref<1x32xf32, #tpu.memory_space<vmem>> -> memref<32xf32, #tpu.memory_space<vmem>>
        %dma_start3A_544 = tpu.memref_slice %arg8[%run_scoped3A_531, %add3A_289] : memref<20x16384xf32, #tpu.memory_space<hbm>> -> memref<1x32xf32, #tpu.memory_space<hbm>>
        %dma_start3A_545 = tpu.memref_squeeze %dma_start3A_544 : memref<1x32xf32, #tpu.memory_space<hbm>> -> memref<32xf32, #tpu.memory_space<hbm>>
        %dma_start3A_546 = tpu.memref_slice %arg8[%run_scoped3A_531, %add3A_289] : memref<20x16384xf32, #tpu.memory_space<hbm>> -> memref<1x32xf32, #tpu.memory_space<hbm>>
        %dma_start3A_547 = tpu.memref_squeeze %dma_start3A_546 : memref<1x32xf32, #tpu.memory_space<hbm>> -> memref<32xf32, #tpu.memory_space<hbm>>
        %dma_start3A_548 = arith.constant 0 : i32
        %dma_start3A_549 = tpu.memref_slice %arg22[%run_scoped3A_530, %dma_start3A_548] : memref<20x32xf32, #tpu.memory_space<vmem>> -> memref<1x32xf32, #tpu.memory_space<vmem>>
        %dma_start3A_550 = tpu.memref_squeeze %dma_start3A_549 : memref<1x32xf32, #tpu.memory_space<vmem>> -> memref<32xf32, #tpu.memory_space<vmem>>
        tpu.enqueue_dma source(%dma_start3A_550 : memref<32xf32, #tpu.memory_space<vmem>>) target(%dma_start3A_547 : memref<32xf32, #tpu.memory_space<hbm>>) target_semaphore(%run_scoped3A_540 : memref<!tpu.dma_semaphore, #tpu.memory_space<semaphore_mem>>)
        %dma_wait3A_551 = arith.constant 0 : i32
        %dma_wait3A_552 = tpu.memref_slice %arg22[%run_scoped3A_530, %dma_wait3A_551] : memref<20x32xf32, #tpu.memory_space<vmem>> -> memref<1x32xf32, #tpu.memory_space<vmem>>
        %dma_wait3A_553 = tpu.memref_squeeze %dma_wait3A_552 : memref<1x32xf32, #tpu.memory_space<vmem>> -> memref<32xf32, #tpu.memory_space<vmem>>
        %dma_wait3A_554 = tpu.memref_slice %arg8[%run_scoped3A_531, %add3A_289] : memref<20x16384xf32, #tpu.memory_space<hbm>> -> memref<1x32xf32, #tpu.memory_space<hbm>>
        %dma_wait3A_555 = tpu.memref_squeeze %dma_wait3A_554 : memref<1x32xf32, #tpu.memory_space<hbm>> -> memref<32xf32, #tpu.memory_space<hbm>>
        %dma_wait3A_556 = tpu.memref_slice %arg8[%run_scoped3A_531, %add3A_289] : memref<20x16384xf32, #tpu.memory_space<hbm>> -> memref<1x32xf32, #tpu.memory_space<hbm>>
        %dma_wait3A_557 = tpu.memref_squeeze %dma_wait3A_556 : memref<1x32xf32, #tpu.memory_space<hbm>> -> memref<32xf32, #tpu.memory_space<hbm>>
        %dma_wait3A_558 = arith.constant 0 : i32
        %dma_wait3A_559 = tpu.memref_slice %arg22[%run_scoped3A_530, %dma_wait3A_558] : memref<20x32xf32, #tpu.memory_space<vmem>> -> memref<1x32xf32, #tpu.memory_space<vmem>>
        %dma_wait3A_560 = tpu.memref_squeeze %dma_wait3A_559 : memref<1x32xf32, #tpu.memory_space<vmem>> -> memref<32xf32, #tpu.memory_space<vmem>>
        tpu.wait_dma2 semaphore(%run_scoped3A_540 : memref<!tpu.dma_semaphore, #tpu.memory_space<semaphore_mem>>) src(%dma_wait3A_560 : memref<32xf32, #tpu.memory_space<vmem>>) dst(%dma_wait3A_557 : memref<32xf32, #tpu.memory_space<hbm>>)
        tpu.yield
      }) : () -> ()
      %run_scoped3A_532 = arith.constant 16 : i32
      %run_scoped3A_533 = arith.constant 16 : i32
      "tpu.region"() ({
        %run_scoped3A_540 = tpu.sem_alloc : memref<!tpu.dma_semaphore, #tpu.memory_space<semaphore_mem>>
        %dma_start3A_541 = arith.constant 0 : i32
        %dma_start3A_542 = tpu.memref_slice %arg22[%run_scoped3A_532, %dma_start3A_541] : memref<20x32xf32, #tpu.memory_space<vmem>> -> memref<1x32xf32, #tpu.memory_space<vmem>>
        %dma_start3A_543 = tpu.memref_squeeze %dma_start3A_542 : memref<1x32xf32, #tpu.memory_space<vmem>> -> memref<32xf32, #tpu.memory_space<vmem>>
        %dma_start3A_544 = tpu.memref_slice %arg8[%run_scoped3A_533, %add3A_289] : memref<20x16384xf32, #tpu.memory_space<hbm>> -> memref<1x32xf32, #tpu.memory_space<hbm>>
        %dma_start3A_545 = tpu.memref_squeeze %dma_start3A_544 : memref<1x32xf32, #tpu.memory_space<hbm>> -> memref<32xf32, #tpu.memory_space<hbm>>
        %dma_start3A_546 = tpu.memref_slice %arg8[%run_scoped3A_533, %add3A_289] : memref<20x16384xf32, #tpu.memory_space<hbm>> -> memref<1x32xf32, #tpu.memory_space<hbm>>
        %dma_start3A_547 = tpu.memref_squeeze %dma_start3A_546 : memref<1x32xf32, #tpu.memory_space<hbm>> -> memref<32xf32, #tpu.memory_space<hbm>>
        %dma_start3A_548 = arith.constant 0 : i32
        %dma_start3A_549 = tpu.memref_slice %arg22[%run_scoped3A_532, %dma_start3A_548] : memref<20x32xf32, #tpu.memory_space<vmem>> -> memref<1x32xf32, #tpu.memory_space<vmem>>
        %dma_start3A_550 = tpu.memref_squeeze %dma_start3A_549 : memref<1x32xf32, #tpu.memory_space<vmem>> -> memref<32xf32, #tpu.memory_space<vmem>>
        tpu.enqueue_dma source(%dma_start3A_550 : memref<32xf32, #tpu.memory_space<vmem>>) target(%dma_start3A_547 : memref<32xf32, #tpu.memory_space<hbm>>) target_semaphore(%run_scoped3A_540 : memref<!tpu.dma_semaphore, #tpu.memory_space<semaphore_mem>>)
        %dma_wait3A_551 = arith.constant 0 : i32
        %dma_wait3A_552 = tpu.memref_slice %arg22[%run_scoped3A_532, %dma_wait3A_551] : memref<20x32xf32, #tpu.memory_space<vmem>> -> memref<1x32xf32, #tpu.memory_space<vmem>>
        %dma_wait3A_553 = tpu.memref_squeeze %dma_wait3A_552 : memref<1x32xf32, #tpu.memory_space<vmem>> -> memref<32xf32, #tpu.memory_space<vmem>>
        %dma_wait3A_554 = tpu.memref_slice %arg8[%run_scoped3A_533, %add3A_289] : memref<20x16384xf32, #tpu.memory_space<hbm>> -> memref<1x32xf32, #tpu.memory_space<hbm>>
        %dma_wait3A_555 = tpu.memref_squeeze %dma_wait3A_554 : memref<1x32xf32, #tpu.memory_space<hbm>> -> memref<32xf32, #tpu.memory_space<hbm>>
        %dma_wait3A_556 = tpu.memref_slice %arg8[%run_scoped3A_533, %add3A_289] : memref<20x16384xf32, #tpu.memory_space<hbm>> -> memref<1x32xf32, #tpu.memory_space<hbm>>
        %dma_wait3A_557 = tpu.memref_squeeze %dma_wait3A_556 : memref<1x32xf32, #tpu.memory_space<hbm>> -> memref<32xf32, #tpu.memory_space<hbm>>
        %dma_wait3A_558 = arith.constant 0 : i32
        %dma_wait3A_559 = tpu.memref_slice %arg22[%run_scoped3A_532, %dma_wait3A_558] : memref<20x32xf32, #tpu.memory_space<vmem>> -> memref<1x32xf32, #tpu.memory_space<vmem>>
        %dma_wait3A_560 = tpu.memref_squeeze %dma_wait3A_559 : memref<1x32xf32, #tpu.memory_space<vmem>> -> memref<32xf32, #tpu.memory_space<vmem>>
        tpu.wait_dma2 semaphore(%run_scoped3A_540 : memref<!tpu.dma_semaphore, #tpu.memory_space<semaphore_mem>>) src(%dma_wait3A_560 : memref<32xf32, #tpu.memory_space<vmem>>) dst(%dma_wait3A_557 : memref<32xf32, #tpu.memory_space<hbm>>)
        tpu.yield
      }) : () -> ()
      %run_scoped3A_534 = arith.constant 17 : i32
      %run_scoped3A_535 = arith.constant 17 : i32
      "tpu.region"() ({
        %run_scoped3A_540 = tpu.sem_alloc : memref<!tpu.dma_semaphore, #tpu.memory_space<semaphore_mem>>
        %dma_start3A_541 = arith.constant 0 : i32
        %dma_start3A_542 = tpu.memref_slice %arg22[%run_scoped3A_534, %dma_start3A_541] : memref<20x32xf32, #tpu.memory_space<vmem>> -> memref<1x32xf32, #tpu.memory_space<vmem>>
        %dma_start3A_543 = tpu.memref_squeeze %dma_start3A_542 : memref<1x32xf32, #tpu.memory_space<vmem>> -> memref<32xf32, #tpu.memory_space<vmem>>
        %dma_start3A_544 = tpu.memref_slice %arg8[%run_scoped3A_535, %add3A_289] : memref<20x16384xf32, #tpu.memory_space<hbm>> -> memref<1x32xf32, #tpu.memory_space<hbm>>
        %dma_start3A_545 = tpu.memref_squeeze %dma_start3A_544 : memref<1x32xf32, #tpu.memory_space<hbm>> -> memref<32xf32, #tpu.memory_space<hbm>>
        %dma_start3A_546 = tpu.memref_slice %arg8[%run_scoped3A_535, %add3A_289] : memref<20x16384xf32, #tpu.memory_space<hbm>> -> memref<1x32xf32, #tpu.memory_space<hbm>>
        %dma_start3A_547 = tpu.memref_squeeze %dma_start3A_546 : memref<1x32xf32, #tpu.memory_space<hbm>> -> memref<32xf32, #tpu.memory_space<hbm>>
        %dma_start3A_548 = arith.constant 0 : i32
        %dma_start3A_549 = tpu.memref_slice %arg22[%run_scoped3A_534, %dma_start3A_548] : memref<20x32xf32, #tpu.memory_space<vmem>> -> memref<1x32xf32, #tpu.memory_space<vmem>>
        %dma_start3A_550 = tpu.memref_squeeze %dma_start3A_549 : memref<1x32xf32, #tpu.memory_space<vmem>> -> memref<32xf32, #tpu.memory_space<vmem>>
        tpu.enqueue_dma source(%dma_start3A_550 : memref<32xf32, #tpu.memory_space<vmem>>) target(%dma_start3A_547 : memref<32xf32, #tpu.memory_space<hbm>>) target_semaphore(%run_scoped3A_540 : memref<!tpu.dma_semaphore, #tpu.memory_space<semaphore_mem>>)
        %dma_wait3A_551 = arith.constant 0 : i32
        %dma_wait3A_552 = tpu.memref_slice %arg22[%run_scoped3A_534, %dma_wait3A_551] : memref<20x32xf32, #tpu.memory_space<vmem>> -> memref<1x32xf32, #tpu.memory_space<vmem>>
        %dma_wait3A_553 = tpu.memref_squeeze %dma_wait3A_552 : memref<1x32xf32, #tpu.memory_space<vmem>> -> memref<32xf32, #tpu.memory_space<vmem>>
        %dma_wait3A_554 = tpu.memref_slice %arg8[%run_scoped3A_535, %add3A_289] : memref<20x16384xf32, #tpu.memory_space<hbm>> -> memref<1x32xf32, #tpu.memory_space<hbm>>
        %dma_wait3A_555 = tpu.memref_squeeze %dma_wait3A_554 : memref<1x32xf32, #tpu.memory_space<hbm>> -> memref<32xf32, #tpu.memory_space<hbm>>
        %dma_wait3A_556 = tpu.memref_slice %arg8[%run_scoped3A_535, %add3A_289] : memref<20x16384xf32, #tpu.memory_space<hbm>> -> memref<1x32xf32, #tpu.memory_space<hbm>>
        %dma_wait3A_557 = tpu.memref_squeeze %dma_wait3A_556 : memref<1x32xf32, #tpu.memory_space<hbm>> -> memref<32xf32, #tpu.memory_space<hbm>>
        %dma_wait3A_558 = arith.constant 0 : i32
        %dma_wait3A_559 = tpu.memref_slice %arg22[%run_scoped3A_534, %dma_wait3A_558] : memref<20x32xf32, #tpu.memory_space<vmem>> -> memref<1x32xf32, #tpu.memory_space<vmem>>
        %dma_wait3A_560 = tpu.memref_squeeze %dma_wait3A_559 : memref<1x32xf32, #tpu.memory_space<vmem>> -> memref<32xf32, #tpu.memory_space<vmem>>
        tpu.wait_dma2 semaphore(%run_scoped3A_540 : memref<!tpu.dma_semaphore, #tpu.memory_space<semaphore_mem>>) src(%dma_wait3A_560 : memref<32xf32, #tpu.memory_space<vmem>>) dst(%dma_wait3A_557 : memref<32xf32, #tpu.memory_space<hbm>>)
        tpu.yield
      }) : () -> ()
      %run_scoped3A_536 = arith.constant 18 : i32
      %run_scoped3A_537 = arith.constant 18 : i32
      "tpu.region"() ({
        %run_scoped3A_540 = tpu.sem_alloc : memref<!tpu.dma_semaphore, #tpu.memory_space<semaphore_mem>>
        %dma_start3A_541 = arith.constant 0 : i32
        %dma_start3A_542 = tpu.memref_slice %arg22[%run_scoped3A_536, %dma_start3A_541] : memref<20x32xf32, #tpu.memory_space<vmem>> -> memref<1x32xf32, #tpu.memory_space<vmem>>
        %dma_start3A_543 = tpu.memref_squeeze %dma_start3A_542 : memref<1x32xf32, #tpu.memory_space<vmem>> -> memref<32xf32, #tpu.memory_space<vmem>>
        %dma_start3A_544 = tpu.memref_slice %arg8[%run_scoped3A_537, %add3A_289] : memref<20x16384xf32, #tpu.memory_space<hbm>> -> memref<1x32xf32, #tpu.memory_space<hbm>>
        %dma_start3A_545 = tpu.memref_squeeze %dma_start3A_544 : memref<1x32xf32, #tpu.memory_space<hbm>> -> memref<32xf32, #tpu.memory_space<hbm>>
        %dma_start3A_546 = tpu.memref_slice %arg8[%run_scoped3A_537, %add3A_289] : memref<20x16384xf32, #tpu.memory_space<hbm>> -> memref<1x32xf32, #tpu.memory_space<hbm>>
        %dma_start3A_547 = tpu.memref_squeeze %dma_start3A_546 : memref<1x32xf32, #tpu.memory_space<hbm>> -> memref<32xf32, #tpu.memory_space<hbm>>
        %dma_start3A_548 = arith.constant 0 : i32
        %dma_start3A_549 = tpu.memref_slice %arg22[%run_scoped3A_536, %dma_start3A_548] : memref<20x32xf32, #tpu.memory_space<vmem>> -> memref<1x32xf32, #tpu.memory_space<vmem>>
        %dma_start3A_550 = tpu.memref_squeeze %dma_start3A_549 : memref<1x32xf32, #tpu.memory_space<vmem>> -> memref<32xf32, #tpu.memory_space<vmem>>
        tpu.enqueue_dma source(%dma_start3A_550 : memref<32xf32, #tpu.memory_space<vmem>>) target(%dma_start3A_547 : memref<32xf32, #tpu.memory_space<hbm>>) target_semaphore(%run_scoped3A_540 : memref<!tpu.dma_semaphore, #tpu.memory_space<semaphore_mem>>)
        %dma_wait3A_551 = arith.constant 0 : i32
        %dma_wait3A_552 = tpu.memref_slice %arg22[%run_scoped3A_536, %dma_wait3A_551] : memref<20x32xf32, #tpu.memory_space<vmem>> -> memref<1x32xf32, #tpu.memory_space<vmem>>
        %dma_wait3A_553 = tpu.memref_squeeze %dma_wait3A_552 : memref<1x32xf32, #tpu.memory_space<vmem>> -> memref<32xf32, #tpu.memory_space<vmem>>
        %dma_wait3A_554 = tpu.memref_slice %arg8[%run_scoped3A_537, %add3A_289] : memref<20x16384xf32, #tpu.memory_space<hbm>> -> memref<1x32xf32, #tpu.memory_space<hbm>>
        %dma_wait3A_555 = tpu.memref_squeeze %dma_wait3A_554 : memref<1x32xf32, #tpu.memory_space<hbm>> -> memref<32xf32, #tpu.memory_space<hbm>>
        %dma_wait3A_556 = tpu.memref_slice %arg8[%run_scoped3A_537, %add3A_289] : memref<20x16384xf32, #tpu.memory_space<hbm>> -> memref<1x32xf32, #tpu.memory_space<hbm>>
        %dma_wait3A_557 = tpu.memref_squeeze %dma_wait3A_556 : memref<1x32xf32, #tpu.memory_space<hbm>> -> memref<32xf32, #tpu.memory_space<hbm>>
        %dma_wait3A_558 = arith.constant 0 : i32
        %dma_wait3A_559 = tpu.memref_slice %arg22[%run_scoped3A_536, %dma_wait3A_558] : memref<20x32xf32, #tpu.memory_space<vmem>> -> memref<1x32xf32, #tpu.memory_space<vmem>>
        %dma_wait3A_560 = tpu.memref_squeeze %dma_wait3A_559 : memref<1x32xf32, #tpu.memory_space<vmem>> -> memref<32xf32, #tpu.memory_space<vmem>>
        tpu.wait_dma2 semaphore(%run_scoped3A_540 : memref<!tpu.dma_semaphore, #tpu.memory_space<semaphore_mem>>) src(%dma_wait3A_560 : memref<32xf32, #tpu.memory_space<vmem>>) dst(%dma_wait3A_557 : memref<32xf32, #tpu.memory_space<hbm>>)
        tpu.yield
      }) : () -> ()
      %run_scoped3A_538 = arith.constant 19 : i32
      %run_scoped3A_539 = arith.constant 19 : i32
      "tpu.region"() ({
        %run_scoped3A_540 = tpu.sem_alloc : memref<!tpu.dma_semaphore, #tpu.memory_space<semaphore_mem>>
        %dma_start3A_541 = arith.constant 0 : i32
        %dma_start3A_542 = tpu.memref_slice %arg22[%run_scoped3A_538, %dma_start3A_541] : memref<20x32xf32, #tpu.memory_space<vmem>> -> memref<1x32xf32, #tpu.memory_space<vmem>>
        %dma_start3A_543 = tpu.memref_squeeze %dma_start3A_542 : memref<1x32xf32, #tpu.memory_space<vmem>> -> memref<32xf32, #tpu.memory_space<vmem>>
        %dma_start3A_544 = tpu.memref_slice %arg8[%run_scoped3A_539, %add3A_289] : memref<20x16384xf32, #tpu.memory_space<hbm>> -> memref<1x32xf32, #tpu.memory_space<hbm>>
        %dma_start3A_545 = tpu.memref_squeeze %dma_start3A_544 : memref<1x32xf32, #tpu.memory_space<hbm>> -> memref<32xf32, #tpu.memory_space<hbm>>
        %dma_start3A_546 = tpu.memref_slice %arg8[%run_scoped3A_539, %add3A_289] : memref<20x16384xf32, #tpu.memory_space<hbm>> -> memref<1x32xf32, #tpu.memory_space<hbm>>
        %dma_start3A_547 = tpu.memref_squeeze %dma_start3A_546 : memref<1x32xf32, #tpu.memory_space<hbm>> -> memref<32xf32, #tpu.memory_space<hbm>>
        %dma_start3A_548 = arith.constant 0 : i32
        %dma_start3A_549 = tpu.memref_slice %arg22[%run_scoped3A_538, %dma_start3A_548] : memref<20x32xf32, #tpu.memory_space<vmem>> -> memref<1x32xf32, #tpu.memory_space<vmem>>
        %dma_start3A_550 = tpu.memref_squeeze %dma_start3A_549 : memref<1x32xf32, #tpu.memory_space<vmem>> -> memref<32xf32, #tpu.memory_space<vmem>>
        tpu.enqueue_dma source(%dma_start3A_550 : memref<32xf32, #tpu.memory_space<vmem>>) target(%dma_start3A_547 : memref<32xf32, #tpu.memory_space<hbm>>) target_semaphore(%run_scoped3A_540 : memref<!tpu.dma_semaphore, #tpu.memory_space<semaphore_mem>>)
        %dma_wait3A_551 = arith.constant 0 : i32
        %dma_wait3A_552 = tpu.memref_slice %arg22[%run_scoped3A_538, %dma_wait3A_551] : memref<20x32xf32, #tpu.memory_space<vmem>> -> memref<1x32xf32, #tpu.memory_space<vmem>>
        %dma_wait3A_553 = tpu.memref_squeeze %dma_wait3A_552 : memref<1x32xf32, #tpu.memory_space<vmem>> -> memref<32xf32, #tpu.memory_space<vmem>>
        %dma_wait3A_554 = tpu.memref_slice %arg8[%run_scoped3A_539, %add3A_289] : memref<20x16384xf32, #tpu.memory_space<hbm>> -> memref<1x32xf32, #tpu.memory_space<hbm>>
        %dma_wait3A_555 = tpu.memref_squeeze %dma_wait3A_554 : memref<1x32xf32, #tpu.memory_space<hbm>> -> memref<32xf32, #tpu.memory_space<hbm>>
        %dma_wait3A_556 = tpu.memref_slice %arg8[%run_scoped3A_539, %add3A_289] : memref<20x16384xf32, #tpu.memory_space<hbm>> -> memref<1x32xf32, #tpu.memory_space<hbm>>
        %dma_wait3A_557 = tpu.memref_squeeze %dma_wait3A_556 : memref<1x32xf32, #tpu.memory_space<hbm>> -> memref<32xf32, #tpu.memory_space<hbm>>
        %dma_wait3A_558 = arith.constant 0 : i32
        %dma_wait3A_559 = tpu.memref_slice %arg22[%run_scoped3A_538, %dma_wait3A_558] : memref<20x32xf32, #tpu.memory_space<vmem>> -> memref<1x32xf32, #tpu.memory_space<vmem>>
        %dma_wait3A_560 = tpu.memref_squeeze %dma_wait3A_559 : memref<1x32xf32, #tpu.memory_space<vmem>> -> memref<32xf32, #tpu.memory_space<vmem>>
        tpu.wait_dma2 semaphore(%run_scoped3A_540 : memref<!tpu.dma_semaphore, #tpu.memory_space<semaphore_mem>>) src(%dma_wait3A_560 : memref<32xf32, #tpu.memory_space<vmem>>) dst(%dma_wait3A_557 : memref<32xf32, #tpu.memory_space<hbm>>)
        tpu.yield
      }) : () -> ()
    }
    %scan3A_32 = arith.constant 8 : i32
    return
  }
}

</mosaic_0001>

<sc_bundles>
// kernel: _scores.3.cloned.1.call-start
scs
__scs_entry_jumppad:
0x0: {  	(pc) =	sbr.rel $0x88, $3  }
0x1: {  	(tag) =	ssettag $0x0;
	lr =	simm.s32 $0x1  }
0x2: {  	[smem:$0x3F9C] =	sst lr;
	_ =	strace $0xD0000000  }
0x3: {  	_ = 	snop  }
0x4: {  	_ = 	snop  }
0x5: {  	_ = 	snop  }
0x6: {  	_ = 	snop  }
0x7: {  	_ = 	snop  }
__scs_overlays_trampoline_lowered:
0x8: {  	[smem:$0x3FAB] =	sst s0  }
0x9: {  	[smem:$0x3FAC] =	sst s1  }
0xa: {  	[smem:$0x3FAD] =	sst s2  }
0xb: {  	[smem:$0x3FAE] =	sst s3  }
0xc: {  	[smem:$0x3FAF] =	sst s4  }
0xd: {  	[smem:$0x3FB0] =	sst s5  }
0xe: {  	[smem:$0x3FB1] =	sst s6  }
0xf: {  	[smem:$0x3FB2] =	sst s7  }
0x10: {  	[smem:$0x3FB3] =	sst s8  }
0x11: {  	[smem:$0x3FB4] =	sst s9;
	s0 =	simm.s32 @!p0 $0x0  }
0x12: {  	s1 =	sld [smem:$0x3F9A];
	s0 =	simm.s32 @p0 $0x1  }
0x13: {  	[smem:$0x3FB5] =	sst s0;
	s0 =	simm.s32 @!p1 $0x0  }
0x14: {  	s2 =	sld [smem:$0x3F99];
	s0 =	simm.s32 @p1 $0x1  }
0x15: {  	[smem:$0x3FB6] =	sst s0;
	s0 =	simm.s32 @!p2 $0x0  }
0x16: {  	s3 =	sld [smem:$0x3FDB];
	s0 =	simm.s32 @p2 $0x1  }
0x17: {  	s4 =	simm.s32 $0x1BF5;
	[smem:$0x3FB8] =	sst s0  }
0x18: {  	s0 =	sld [smem:$0x3F9B];
	_ =	swait.ge [sflag:s4], $0x0  }
0x19: {  	s7 =	sld [smem:$0x3F9C]  }
0x1a: {  	s8 =	sadd.s32 $0xFFFFE003, lr  }
0x1b: {  	s9 =	sadd.s32 $0xFFFFFEF7, lr;
	s5 =	simm.s32 $0xFFFFFFFF;
	p2 =	slt.u32 s8, $0xFFFFF086  }
0x1c: {  	p1 =	slt.u32 s9, $0xF7A;
	s5 =	simm.s32 @!p2 $0x0  }
0x1d: {  	s5 =	simm.s32 @p1 $0x1;
	p0 =	seq.s32 s7, s2  }
0x1e: {  	s7 =	smul.u32 @!p0 $0xF7A, s2;
	p2 =	seq.s32 @!p0 s5, $0x0  }
0x1f: {  	s9 =	smul.u32 $0xF7A, s1;
	s8 =	simm.s32 @!p0 $0x1BF5;
	p2 =	por !p2, p0  }
0x20: {  	[sflag:s8] =	ssyncset.s32 @!p0 $0xFFFFF086;
	s6 =	sadd.s32 @!p0 s3, s7;
	s7 =	simm.s32 @!p0 $0x108  }
0x21: {  	s3 =	sadd.s32 s3, s9;
	s6 =	sadd.s32 @!p0 $0x88, s6;
	s7 =	simm.s32 @p2 $0x1082  }
0x22: {  	[simem:s7], [sflag:s8] =	dma.local @!p0 [hbm:s6], $0xF7A  }
0x23: {  	s9 =	sor.u32 $0xD0000000, s2;
	s6 =	simm.s32 $0x108;
	_ =	swait.ge @!p0 [sflag:s8], $0x0  }
0x24: {  	s3 =	sadd.s32 $0x88, s3;
	s6 =	simm.s32 @!p1 $0x1082;
	[sflag:s4] =	ssyncset.s32 $0xFFFFF086  }
0x25: {  	[simem:s6], [sflag:s4] =	dma.local [hbm:s3], $0xF7A  }
0x26: {  	[smem:$0x3F9C] =	sst s1;
	(tag) =	ssettag s2;
	_ =	strace s9  }
0x27: {  	s1 =	sld [smem:$0x3FAC]  }
0x28: {  	s2 =	sld [smem:$0x3FAD]  }
0x29: {  	s4 =	sld [smem:$0x3FAF]  }
0x2a: {  	p0 =	seq.s32 s5, $0x0;
	s5 =	sld [smem:$0x3FB0]  }
0x2b: {  	s6 =	sld [smem:$0x3FB1]  }
0x2c: {  	s7 =	sld [smem:$0x3FB2]  }
0x2d: {  	s3 =	simm.s32 $0x108;
	s8 =	sld [smem:$0x3FB3]  }
0x2e: {  	s3 =	simm.s32 @!p0 $0x1082;
	s9 =	sld [smem:$0x3FB4]  }
0x2f: {  	lr =	sadd.s32 s0, s3;
	s0 =	sld [smem:$0x3FAB]  }
0x30: {  	s3 =	sld [smem:$0x3FAE]  }
0x31: {  	[smem:$0x3FB7] =	sst s10  }
0x32: {  	s10 =	sld [smem:$0x3FB5];
	_ =	sdelay $0x3  }
0x33: {  	p0 =	seq.s32 s10, $0x1;
	s10 =	sld [smem:$0x3FB7];
	_ =	sdelay $0x3  }
0x34: {  	[smem:$0x3FB7] =	sst s10  }
0x35: {  	s10 =	sld [smem:$0x3FB6];
	_ =	sdelay $0x3  }
0x36: {  	p1 =	seq.s32 s10, $0x1;
	s10 =	sld [smem:$0x3FB7];
	_ =	sdelay $0x3  }
0x37: {  	[smem:$0x3FB7] =	sst s10  }
0x38: {  	s10 =	sld [smem:$0x3FB8]  }
0x39: {  	_ = 	snop;
	(pc) =	sbr.ind lr, $3  }
0x3a: {  	_ = 	snop  }
0x3b: {  	_ = 	snop  }
0x3c: {  	p2 =	seq.s32 s10, $0x1;
	s10 =	sld [smem:$0x3FB7]  }
0x3d: {  	_ =	shalt  }
0x3e: {  	_ =	shalt  }
0x3f: {  	_ =	shalt  }
0x40: {  	_ =	shalt  }
0x41: {  	_ =	shalt  }
0x42: {  	_ =	shalt  }
0x43: {  	_ =	shalt  }
0x44: {  	_ =	shalt  }
0x45: {  	_ =	shalt  }
0x46: {  	_ =	shalt  }
0x47: {  	_ =	shalt  }
0x48: {  	_ =	shalt  }
0x49: {  	_ =	shalt  }
0x4a: {  	_ =	shalt  }
0x4b: {  	_ =	shalt  }
0x4c: {  	_ =	shalt  }
0x4d: {  	_ =	shalt  }
0x4e: {  	_ =	shalt  }
0x4f: {  	_ =	shalt  }
0x50: {  	_ =	shalt  }
0x51: {  	_ =	shalt  }
0x52: {  	_ =	shalt  }
0x53: {  	_ =	shalt  }
0x54: {  	_ =	shalt  }
0x55: {  	_ =	shalt  }
0x56: {  	_ =	shalt  }
0x57: {  	_ =	shalt  }
0x58: {  	_ =	shalt  }
0x59: {  	_ =	shalt  }
0x5a: {  	_ =	shalt  }
0x5b: {  	_ =	shalt  }
0x5c: {  	_ =	shalt  }
0x5d: {  	_ =	shalt  }
0x5e: {  	_ =	shalt  }
0x5f: {  	_ =	shalt  }
0x60: {  	_ =	shalt  }
0x61: {  	_ =	shalt  }
0x62: {  	_ =	shalt  }
0x63: {  	_ =	shalt  }
0x64: {  	_ =	shalt  }
0x65: {  	_ =	shalt  }
0x66: {  	_ =	shalt  }
0x67: {  	_ =	shalt  }
0x68: {  	_ =	shalt  }
0x69: {  	_ =	shalt  }
0x6a: {  	_ =	shalt  }
0x6b: {  	_ =	shalt  }
0x6c: {  	_ =	shalt  }
0x6d: {  	_ =	shalt  }
0x6e: {  	_ =	shalt  }
0x6f: {  	_ =	shalt  }
0x70: {  	_ =	shalt  }
0x71: {  	_ =	shalt  }
0x72: {  	_ =	shalt  }
0x73: {  	_ =	shalt  }
0x74: {  	_ =	shalt  }
0x75: {  	_ =	shalt  }
0x76: {  	_ =	shalt  }
0x77: {  	_ =	shalt  }
0x78: {  	_ =	shalt  }
0x79: {  	_ =	shalt  }
0x7a: {  	_ =	shalt  }
0x7b: {  	_ =	shalt  }
0x7c: {  	_ =	shalt  }
0x7d: {  	_ =	shalt  }
0x7e: {  	_ =	shalt  }
0x7f: {  	_ =	shalt  }
0x80: {  	_ =	shalt  }
0x81: {  	_ =	shalt  }
0x82: {  	_ =	shalt  }
0x83: {  	_ =	shalt  }
0x84: {  	_ =	shalt  }
0x85: {  	_ =	shalt  }
0x86: {  	_ =	shalt  }
0x87: {  	_ =	shalt  }
.Lfunc_end0:
.L_simem_size_0:
called_computation_lowered:
.L_overlay_start_0:
0x88: {  	s2 =	sld [smem:$0x3FD9]  }
0x89: {  	s3 =	sld [smem:$0x3FFE];
	_ =	sdelay $0x1  }
0x8a: {  	s1 =	srdreg.scid  }
0x8b: {  	s0 =	sand.u32 $0x1, s1  }
0x8c: {  	s14 =	sshll.u32 s0, $0xA;
	s2 =	sadd.s32 s3, s2  }
0x8d: {  	s2 =	sadd.s32 s2, s14  }
0x8e: {  	[smem:$0x3FC3] =	sst s2  }
0x8f: {  	_ = 	snop  }
0x90: {  	s2 =	sld [smem:$0x3FD0]  }
0x91: {  	s15 =	sld [smem:$0x3FC9]  }
0x92: {  	s4 =	sld [smem:$0x3FC8]  }
0x93: {  	s6 =	simm.s32 $0xA;
	s7 =	simm.s32 $0x10;
	s5 =	sld [smem:$0x3FC7]  }
0x94: {  	[smem:s7], [sflag:s6] =	dma.local [hbm:s2], $0x1  }
0x95: {  	_ =	swait.eq [sflag:s6], $0x1  }
0x96: {  	[sflag:s6] =	ssyncset.done $0x0  }
0x97: {  	[sflag:s6] =	ssyncadd.s32 $0xFFFFFFFF  }
0x98: {  	s16 =	sld [smem:$0x10];
	(tm) =	ssettm $0x1  }
0x99: {  	s17 =	sld [smem:$0x3FFB];
	_ =	sdelay $0x3  }
0x9a: {  	_ =	strace s17  }
0x9b: {  	s6 =	sld [smem:$0x3FFC];
	_ =	sdelay $0x3  }
0x9c: {  	_ =	strace s6  }
0x9d: {  	s6 =	sld [smem:$0x3FFD];
	_ =	sdelay $0x3  }
0x9e: {  	_ =	strace s6  }
0x9f: {  	_ =	strace $0x8FFFFFFF  }
0xa0: {  	s18 =	sld [smem:$0x3FDB];
	_ =	sdelay $0x1  }
0xa1: {  	s19 =	simm.s32 $_scs_section_size  }
0xa2: {  	s8 =	simm.s32 $_size__tile_overlayer_lowered;
	s9 =	simm.s32 $_tile_overlayer_lowered  }
0xa3: {  	s22 =	simm.s32 $0x1BFF;
	s21 =	sshll.u32 s9, $0x1;
	s6 =	sadd.s32 s19, s18  }
0xa4: {  	s10 =	simm.s32 $0x0;
	s20 =	sshll.u32 s8, $0x1;
	s8 =	sadd.s32 s21, s6  }
0xa5: {  	[timem:s10], [sflag:s22] =	dma.local [hbm:s8], s20  }
0xa6: {  	_ =	swait.ge [sflag:s22], s20  }
0xa7: {  	s7 =	ssub.s32 $0x0, s20;
	[sflag:s22] =	ssyncset.done $0x0  }
0xa8: {  	[sflag:s22] =	ssyncadd.s32 s7;
	_ =	sdelay $0x1  }
0xa9: {  	s23 =	simm.s32 $0x1B8B  }
0xaa: {  	_ =	swait.ge [sflag:s23], $0x1  }
0xab: {  	[sflag:s23] =	ssyncset.done $0x0  }
0xac: {  	s25 =	simm.s32 $0x1B8E;
	s24 =	sld [smem:$0x3FFE];
	[sflag:s23] =	ssyncadd.s32 $0xFFFFFFFF  }
0xad: {  	s26 =	simm.s32 $execute0_lowered;
	[smem:$0x3FD2] =	sst s25  }
0xae: {  	s8 =	sshll.u32 s26, $0x1;
	_ =	strace $0x80000046;
	[dreg:$0x1] =	wrdreg $0xFFFFFFFF  }
0xaf: {  	s28 =	simm.s32 $_size_execute0_lowered;
	s6 =	sadd.s32 s6, s8;
	[dreg:$0x0] =	wrdreg $0x0  }
0xb0: {  	s8 =	sshll.u32 s28, $0x1;
	[dreg:$0x2] =	wrdreg s6  }
0xb1: {  	[dreg:$0x3] =	wrdreg s8  }
0xb2: {  	[dreg:$0x4] =	wrdreg $0xC0  }
0xb3: {  	_ =	task [dreg:s10], $0x5FFFF  }
0xb4: {  	[dreg:$0x1] =	wrdreg $0xFFFFFFFF  }
0xb5: {  	[dreg:$0x0] =	wrdreg $0x60  }
0xb6: {  	[dreg:$0x2] =	wrdreg s15  }
0xb7: {  	[dreg:$0x3] =	wrdreg s4  }
0xb8: {  	[dreg:$0x4] =	wrdreg s5  }
0xb9: {  	[dreg:$0x5] =	wrdreg s24  }
0xba: {  	[dreg:$0x6] =	wrdreg s16  }
0xbb: {  	[dreg:$0x7] =	wrdreg $0x9  }
0xbc: {  	_ =	task.clear_ibuf [dreg:s10], $0x8FFFF;
	_ =	strace $0x90000046  }
0xbd: {  	s29 =	simm.s32 $0x9;
	_ =	strace $0x80000048  }
0xbe: {  	_ =	swait.ge [sflag:s29], $0x1  }
0xbf: {  	[sflag:s29] =	ssyncadd.s32 $0xFFFFFFFF  }
0xc0: {  	_ =	strace $0x90000048  }
0xc1: {  	_ =	sfence  }
0xc2: {  	s30 =	sld [smem:$0x0];
	_ =	sdelay $0x2  }
0xc3: {  	s31 =	sshll.u32 s1, $0xD;
	s1 =	sshrl.u32 s1, $0x2  }
0xc4: {  	s3 =	sand.u32 $0x4000, s31;
	s1 =	sadd.s32 s1, s30  }
0xc5: {  	s0 =	sor.u32 s3, s0;
	s1 =	sshll.u32 s1, $0x11  }
0xc6: {  	s0 =	sor.u32 s1, s0  }
0xc7: {  	s0 =	sadd.s32 $0x8F2B, s0  }
0xc8: {  	[sflag:s0] =	ssyncadd.remote.s32 $0x1  }
0xc9: {  	_ =	sfence.sel $0xFFFF  }
0xca: {  	[dreg:$0x0] =	wrdreg $0xFFFFFFFF;
	(pc) =	sbr.abs _section_cstart, $3  }
0xcb: {  	[dreg:$0x1] =	wrdreg $0xFFFFFFFF  }
0xcc: {  	_ =	task.clear_ibuf [dreg:s10], $0x2FFFF;
	_ =	strace $0x9FFFFFFF  }
0xcd: {  	(tm) =	ssettm $0x7FFFFFFF  }
tec
execute0_lowered:
.L_overlay_start_1:
0x0: {  	(tag) =	ssettag $0x1  }
0x1: {  	s5 =	rddreg [dreg:$0x0]  }
0x2: {  	s10 =	rddreg [dreg:$0x1];
	v0 =	vlaneseq.u32  }
0x3: {  	s11 =	rddreg [dreg:$0x2];
	s6 =	simm.s32 $0x0;
	v44 =	vmul.u32 $0x500, v0  }
0x4: {  	[smem:$0x7FF] =	sst s6;
	v17 =	vmul.u32 $0x40, v0  }
0x5: {  	s0 =	rddreg [dreg:$0x3];
	_ =	strace $0x80000047;
	[tilespmem:$0x1FE60] =	vst v44  }
0x6: {  	v0 =	vadd.s32 $0x5040, v44;
	[tilespmem:$0x1FE70] =	vst v17  }
0x7: {  	v1 =	vadd.s32 $0x5200, v44;
	[tilespmem:$0x1FDE0] =	vst v0  }
0x8: {  	v3 =	vadd.s32 $0x5280, v44;
	[tilespmem:$0x1FE30] =	vst v1  }
0x9: {  	v20 =	vor.u32 $0x40, v44;
	[tilespmem:$0x1FE40] =	vst v3  }
0xa: {  	v22 =	vor.u32 $0x80, v44;
	[tilespmem:$0x1FE80] =	vst v20  }
0xb: {  	v23 =	vor.u32 $0xC0, v44;
	[tilespmem:$0x1FE90] =	vst v22  }
0xc: {  	v25 =	vadd.s32 $0x100, v44;
	[tilespmem:$0x1FEA0] =	vst v23  }
0xd: {  	v28 =	vadd.s32 $0x140, v44;
	[tilespmem:$0x1FEB0] =	vst v25  }
0xe: {  	v27 =	vadd.s32 $0x180, v44;
	[tilespmem:$0x1FEC0] =	vst v28  }
0xf: {  	v2 =	vadd.s32 $0x1C0, v44;
	[tilespmem:$0x1FED0] =	vst v27  }
0x10: {  	v29 =	vadd.s32 $0x200, v44;
	[tilespmem:$0x1FEE0] =	vst v2  }
0x11: {  	v11 =	vadd.s32 $0x240, v44;
	[tilespmem:$0x1FEF0] =	vst v29  }
0x12: {  	v30 =	vadd.s32 $0x280, v44;
	[tilespmem:$0x1FF00] =	vst v11  }
0x13: {  	v32 =	vadd.s32 $0x2C0, v44;
	[tilespmem:$0x1FF10] =	vst v30  }
0x14: {  	s1 =	srdreg.scid;
	s2 =	stileid.u32;
	s28 =	simm.s32 $0x2580;
	v37 =	vadd.s32 $0x300, v44;
	[tilespmem:$0x1FF20] =	vst v32  }
0x15: {  	s31 =	simm.s32 $0xD80;
	s17 =	simm.s32 $0x16760;
	s18 =	simm.s32 $0x16780;
	v39 =	vadd.s32 $0x340, v44;
	[tilespmem:$0x1FF30] =	vst v37  }
0x16: {  	s29 =	simm.s32 $0x167A0;
	s30 =	simm.s32 $0x167C0;
	s13 =	simm.s32 $0x2;
	v40 =	vadd.s32 $0x380, v44;
	[tilespmem:$0x1FF40] =	vst v39  }
0x17: {  	s14 =	simm.s32 $0x4;
	s15 =	simm.s32 $0x6;
	s7 =	sadd.s32 $0xF42C00, s0;
	v41 =	vadd.s32 $0x3C0, v44;
	[tilespmem:$0x1FF50] =	vst v40  }
0x18: {  	s1 =	sand.u32 $0x1, s1;
	s2 =	sshll.u32 s2, $0x1;
	s8 =	sadd.s32 $0x16E3E00, s0;
	v42 =	vadd.s32 $0x400, v44;
	[tilespmem:$0x1FF60] =	vst v41  }
0x19: {  	s9 =	sadd.s32 $0x800, s0;
	s3 =	ssub.s32 $0x2, s1;
	s1 =	sor.u32 s1, s2;
	v43 =	vadd.s32 $0x440, v44;
	[tilespmem:$0x1FF70] =	vst v42  }
0x1a: {  	s19 =	sshrl.u32 s3, $0x1;
	s12 =	sshll.u32 s1, $0x9;
	s2 =	sshll.u32 s1, $0x6;
	v46 =	vadd.s32 $0x480, v44;
	[tilespmem:$0x1FF80] =	vst v43  }
0x1b: {  	s1 =	smul.u32 $0x500, s1;
	v48 =	vadd.s32 $0x4C0, v44;
	s4 =	sor.u32 $0x20, s12;
	s0 =	ssub.s32 s3, s19;
	[tilespmem:$0x1FF90] =	vst v46  }
0x1c: {  	v49 =	vor.u32 $0x400, v17;
	s20 =	sadd.s32 s5, s2;
	s2 =	sadd.s32 s10, s2;
	[dreg:$0x6] =	wrdreg s12;
	[tilespmem:$0x1FFA0] =	vst v48  }
0x1d: {  	v51 =	vadd.s32 $0x5000, v44;
	s25 =	sor.u32 $0x40, s12;
	s26 =	sor.u32 $0x60, s12;
	[tilespmem:$0x1FFB0] =	vst v49;
	[dreg:$0x7] =	wrdreg s20  }
0x1e: {  	v47 =	vadd.s32 $0x50C0, v44;
	s12 =	simm.s32 $0x16800;
	[tilespmem:$0x1FFC0] =	vst v51;
	s21 =	smul.u32 $0x14, s4;
	[dreg:$0x8] =	wrdreg s2  }
0x1f: {  	v0 =	vadd.s32 $0x5080, v44;
	[tilespmem:$0x1FFD0] =	vst v47;
	s1 =	sadd.s32 s11, s1;
	s22 =	sshrl.u32 s4, $0x3;
	[dreg:$0xd] =	wrdreg s25  }
0x20: {  	v3 =	vadd.s32 $0x52C0, v44;
	[dreg:$0xe] =	wrdreg s26;
	s0 =	smax.u32 s0, $0x1;
	s20 =	simm.s32 $0x7;
	[tilespmem:$0x1FDF0] =	vst v0  }
0x21: {  	v1 =	vadd.s32 $0x5240, v44;
	s25 =	simm.s32 $0x1580;
	s26 =	simm.s32 $0x5;
	[tilespmem:$0x1FE50] =	vst v3;
	s2 =	simm.s32 $0x0  }
0x22: {  	v0 =	vadd.s32 $0x5100, v44;
	[tilespmem:$0x1FFF0] =	vst v1;
	[dreg:$0x9] =	wrdreg s1;
	s23 =	sadd.s32 s5, s22;
	s1 =	sadd.s32 s10, s22  }
0x23: {  	[dreg:$0xf] =	wrdreg s0;
	s0 =	simm.s32 $0x1D80;
	s5 =	simm.s32 $0xC580;
	[tilespmem:$0x1FE00] =	vst v0;
	v0 =	vadd.s32 $0x5140, v44  }
0x24: {  	s22 =	simm.s32 $0x3;
	[dreg:$0xa] =	wrdreg s23;
	s24 =	sshrl.u32 s21, $0x3;
	[tilespmem:$0x1FE10] =	vst v0;
	v0 =	vadd.s32 $0x5180, v44  }
0x25: {  	[dreg:$0xb] =	wrdreg s1;
	s21 =	simm.s32 $0x1;
	s1 =	sadd.s32 s11, s24;
	[tilespmem:$0x1FE20] =	vst v0;
	v0 =	vadd.s32 $0x51C0, v44  }
0x26: {  	s24 =	simm.s32 $0x580;
	s11 =	simm.s32 $0x167E0;
	[dreg:$0xc] =	wrdreg s1;
	[tilespmem:$0x1FFE0] =	vst v0  }
.LBB2_1:
0x27: {  	[dreg:$0x10] =	wrdreg s2  }
0x28: {  	s1 =	rddreg [dreg:$0x7]  }
0x29: {  	[tilespmem:s6], [sflag:$0x7] =	stream.linear.gather [hbm4b:s1+s6], $0x20, $0x38;
	[tilespmem:$0x16820] =	vst v63  }
0x2a: {  	_ =	swait.ge [sflag:s20], $0x20  }
0x2b: {  	[sflag:s20] =	ssyncset.done $0x0  }
0x2c: {  	s23 =	simm.s32 $0x40;
	s19 =	rddreg [dreg:$0x8];
	[sflag:s20] =	ssyncadd.s32 $0xFFFFFFE0  }
0x2d: {  	[tilespmem:s23], [sflag:$0x7] =	stream.linear.gather [hbm4b:s19+s6], $0x20, $0x38;
	[tilespmem:$0x16820] =	vst v63  }
0x2e: {  	_ =	swait.ge [sflag:s20], $0x20  }
0x2f: {  	[sflag:s20] =	ssyncset.done $0x0  }
0x30: {  	s3 =	simm.s32 $0x80;
	s4 =	rddreg [dreg:$0x9];
	[sflag:s20] =	ssyncadd.s32 $0xFFFFFFE0  }
0x31: {  	[tilespmem:s3], [sflag:$0x7] =	stream.linear.gather [hbm4b:s4+s6], $0x280, $0x38;
	[tilespmem:$0x16820] =	vst v63  }
0x32: {  	_ =	swait.ge [sflag:s20], $0x280  }
0x33: {  	[sflag:s20] =	ssyncset.done $0x0  }
0x34: {  	s4 =	simm.s32 $0x20;
	[sflag:s20] =	ssyncadd.s32 $0xFFFFFD80  }
0x35: {  	[tilespmem:s24], [sflag:$0x1] =	stream.indirect.gather [hbm4b:s7+s4], $0x40, s6, s4, $0xb8;
	[tilespmem:$0x16820] =	vst v63  }
0x36: {  	_ = 	snop  }
0x37: {  	[tilespmem:s25], [sflag:$0x3] =	stream.indirect.gather [hbm4b:s8+s4], $0x40, s23, s4, $0xb8;
	[tilespmem:$0x16820] =	vst v63  }
0x38: {  	s2 =	simm.s32 $0x280  }
0x39: {  	[tilespmem:s28], [sflag:$0x5] =	stream.indirect.gather [hbm4b:s8+s2], $0x40, s3, s2, $0xb8;
	[tilespmem:$0x16820] =	vst v63  }
0x3a: {  	s10 =	rddreg [dreg:$0xa]  }
0x3b: {  	[tilespmem:s4], [sflag:$0x7] =	stream.linear.gather [hbm4b:s10+s6], $0x20, $0x38;
	[tilespmem:$0x16820] =	vst v63  }
0x3c: {  	_ =	swait.ge [sflag:s20], $0x20  }
0x3d: {  	[sflag:s20] =	ssyncset.done $0x0  }
0x3e: {  	s19 =	simm.s32 $0x60;
	s16 =	rddreg [dreg:$0xb];
	[sflag:s20] =	ssyncadd.s32 $0xFFFFFFE0  }
0x3f: {  	[tilespmem:s19], [sflag:$0x7] =	stream.linear.gather [hbm4b:s16+s6], $0x20, $0x38;
	[tilespmem:$0x16820] =	vst v63  }
0x40: {  	_ =	swait.ge [sflag:s20], $0x20  }
0x41: {  	[sflag:s20] =	ssyncset.done $0x0  }
0x42: {  	s10 =	simm.s32 $0x300;
	s23 =	rddreg [dreg:$0xc];
	[sflag:s20] =	ssyncadd.s32 $0xFFFFFFE0  }
0x43: {  	[tilespmem:s10], [sflag:$0x7] =	stream.linear.gather [hbm4b:s23+s6], $0x280, $0x38;
	[tilespmem:$0x16820] =	vst v63  }
0x44: {  	_ =	swait.ge [sflag:s20], $0x280  }
0x45: {  	[sflag:s20] =	ssyncset.done $0x0  }
0x46: {  	[sflag:s20] =	ssyncadd.s32 $0xFFFFFD80  }
0x47: {  	[tilespmem:s31], [sflag:$0x2] =	stream.indirect.gather [hbm4b:s7+s4], $0x40, s4, s4, $0xb8;
	[tilespmem:$0x16820] =	vst v63  }
0x48: {  	_ = 	snop  }
0x49: {  	[tilespmem:s0], [sflag:$0x4] =	stream.indirect.gather [hbm4b:s8+s4], $0x40, s19, s4, $0xb8;
	[tilespmem:$0x16820] =	vst v63  }
0x4a: {  	s16 =	simm.s32 $0x0  }
0x4b: {  	[tilespmem:s5], [sflag:$0x6] =	stream.indirect.gather [hbm4b:s8+s2], $0x40, s10, s2, $0xb8;
	[tilespmem:$0x16820] =	vst v63  }
.LBB2_2:
0x4c: {  	_ =	swait.ge [sflag:s21], $0x800  }
0x4d: {  	s1 =	simm.s32 $0x1;
	v13 =	vlaneseq.u32;
	[sflag:s21] =	ssyncset.done $0x0  }
0x4e: {  	v0 =	vadd.s32 s1, v13;
	[sflag:s21] =	ssyncadd.s32 $0xFFFFF800  }
0x4f: {  	v0 =	vand.u32 $0x3F, v0;
	_ =	swait.ge [sflag:s22], $0x800  }
0x50: {  	v1 =	vor.u32 v17, v0;
	[sflag:s22] =	ssyncset.done $0x0  }
0x51: {  	v2 =	vor.u32 v2, v0;
	[sflag:s22] =	ssyncadd.s32 $0xFFFFF800  }
0x52: {  	v3 =	vor.u32 v48, v0;
	_ =	swait.ge [sflag:s26], $0xA000  }
0x53: {  	v4 =	vor.u32 v40, v0;
	[sflag:s26] =	ssyncset.done $0x0  }
0x54: {  	v5 =	vor.u32 v44, v0;
	[sflag:s26] =	ssyncadd.s32 $0xFFFF6000  }
0x55: {  	v6 =	vor.u32 v39, v0;
	v35 =	vld.idx.msk [tilespmem:v1+s24+$0x0], $0xffff  }
0x56: {  	v7 =	vor.u32 v37, v0;
	v2 =	vld.idx.msk [tilespmem:v2+s28+$0x0], $0xffff  }
0x57: {  	v8 =	vor.u32 v30, v0;
	v3 =	vld.idx.msk [tilespmem:v3+s28+$0x0], $0xffff  }
0x58: {  	s23 =	simm.s32 $0x0;
	v9 =	vor.u32 v22, v0;
	v10 =	vld.idx.msk [tilespmem:v4+s28+$0x0], $0xffff  }
0x59: {  	v13 =	vadd.s32 s23, v13;
	v12 =	vor.u32 v32, v0;
	v5 =	vld.idx.msk [tilespmem:v5+s28+$0x0], $0xffff  }
0x5a: {  	v15 =	vor.u32 v43, v0;
	v24 =	vor.u32 v28, v0;
	v4 =	vimm.f32 $0.0e+00;
	v6 =	vld.idx.msk [tilespmem:v6+s28+$0x0], $0xffff  }
0x5b: {  	v16 =	vand.u32 $0x3F, v13;
	v14 =	vor.u32 v41, v0;
	v19 =	vld.idx.msk [tilespmem:v7+s28+$0x0], $0xffff;
	[tilespmem:$0x1FD30] =	vst v4;
	v4 =	vor.u32 v11, v0  }
0x5c: {  	v34 =	vor.u32 v29, v0;
	v13 =	vor.u32 v27, v0;
	v26 =	vor.u32 v17, v16;
	v8 =	vld.idx.msk [tilespmem:v8+s28+$0x0], $0xffff  }
0x5d: {  	v18 =	vor.u32 v42, v0;
	v21 =	vor.u32 v20, v0;
	v53 =	vor.u32 v25, v0;
	v9 =	vld.idx.msk [tilespmem:v9+s28+$0x0], $0xffff  }
0x5e: {  	v11 =	vor.u32 v23, v0;
	v45 =	vmul.f32 v2, v35;
	v2 =	vor.u32 v46, v0;
	v0 =	vld.idx.msk [tilespmem:v12+s28+$0x0], $0xffff  }
0x5f: {  	v55 =	vimm.f32 $0.0e+00;
	v51 =	vimm.f32 $0.0e+00;
	v12 =	vor.u32 v29, v16;
	v29 =	vld.idx.msk [tilespmem:v24+s28+$0x0], $0xffff  }
0x60: {  	v38 =	vor.u32 v20, v16;
	v20 =	vor.u32 v22, v16;
	v31 =	vor.u32 v23, v16;
	v4 =	vld.idx.msk [tilespmem:v4+s28+$0x0], $0xffff  }
0x61: {  	v22 =	vor.u32 v27, v16;
	v33 =	vor.u32 v32, v16;
	v17 =	vor.u32 v42, v16;
	v36 =	vld.idx.msk [tilespmem:v26+s24+$0x0], $0xffff  }
0x62: {  	v58 =	vor.u32 v30, v16;
	v27 =	vor.u32 v43, v16;
	v7 =	vor.u32 v44, v16;
	v32 =	vld.idx.msk [tilespmem:v13+s28+$0x0], $0xffff  }
0x63: {  	v43 =	vor.u32 v39, v16;
	v39 =	vld.idx.msk [tilespmem:v18+s28+$0x0], $0xffff;
	v49 =	vmul.f32 v9, v35;
	v9 =	vmul.f32 v8, v35  }
0x64: {  	v60 =	vor.u32 v28, v16;
	v28 =	vld.idx.msk [tilespmem:v1+s25+$0x0], $0xffff;
	v8 =	vmul.f32 v0, v35;
	v0 =	vmul.f32 v29, v35  }
0x65: {  	v54 =	vor.u32 v41, v16;
	v30 =	vor.u32 v46, v16;
	v59 =	vld.idx.msk [tilespmem:v26+s25+$0x0], $0xffff;
	v4 =	vmul.f32 v4, v35  }
0x66: {  	v50 =	vimm.f32 $0.0e+00;
	v13 =	vor.u32 v48, v16;
	v47 =	vmul.f32 v3, v35;
	v3 =	vld.idx.msk [tilespmem:v14+s28+$0x0], $0xffff;
	[tilespmem:$0x1FD50] =	vst v0  }
0x67: {  	v1 =	vimm.f32 $0.0e+00;
	v48 =	vimm.f32 $0.0e+00;
	v14 =	vld.idx.msk [tilespmem:v7+s28+$0x0], $0xffff;
	v0 =	vimm.f32 $0.0e+00;
	[tilespmem:$0x1FD40] =	vst v4  }
0x68: {  	v61 =	vld.idx.msk [tilespmem:v38+s28+$0x0], $0xffff;
	v23 =	vor.u32 v25, v16;
	v24 =	vor.u32 v40, v16;
	[tilespmem:$0x1FD60] =	vst v0;
	v0 =	vimm.f32 $0.0e+00  }
0x69: {  	v63 =	vld.idx.msk [tilespmem:v34+s28+$0x0], $0xffff;
	v7 =	vmul.f32 v6, v35;
	v62 =	vmul.f32 v5, v35;
	[tilespmem:$0x1FD70] =	vst v0;
	v0 =	vimm.f32 $0.0e+00  }
0x6a: {  	v34 =	vld.idx.msk [tilespmem:v54+s28+$0x0], $0xffff;
	v5 =	vmul.f32 v32, v35;
	v32 =	vimm.f32 $0.0e+00;
	[tilespmem:$0x1FD80] =	vst v0;
	v0 =	vimm.f32 $0.0e+00  }
0x6b: {  	v46 =	vimm.f32 $0.0e+00;
	v26 =	vld.idx.msk [tilespmem:v11+s28+$0x0], $0xffff;
	v11 =	vimm.f32 $0.0e+00;
	[tilespmem:$0x1FD90] =	vst v0;
	v0 =	vimm.f32 $0.0e+00  }
0x6c: {  	v6 =	vmul.f32 v3, v35;
	v25 =	vmul.f32 v14, v36;
	v57 =	vld.idx.msk [tilespmem:v2+s28+$0x0], $0xffff;
	[tilespmem:$0x1FDA0] =	vst v0;
	v0 =	vimm.f32 $0.0e+00  }
0x6d: {  	v14 =	vor.u32 v37, v16;
	v29 =	vld.idx.msk [tilespmem:v15+s28+$0x0], $0xffff;
	v3 =	vimm.f32 $0.0e+00;
	[tilespmem:$0x1FDB0] =	vst v0;
	v0 =	vimm.f32 $0.0e+00  }
0x6e: {  	v4 =	vmul.f32 v19, v35;
	v19 =	vld.idx.msk [tilespmem:v21+s28+$0x0], $0xffff;
	v21 =	vmul.f32 v10, v35;
	[tilespmem:$0x1FDC0] =	vst v0;
	v0 =	vimm.f32 $0.0e+00  }
0x6f: {  	s19 =	simm.s32 $0x2;
	v15 =	vld.idx.msk [tilespmem:v43+s28+$0x0], $0xffff;
	v2 =	vimm.f32 $0.0e+00;
	v43 =	vimm.f32 $0.0e+00;
	v10 =	vimm.f32 $0.0e+00;
	[tilespmem:$0x1FDD0] =	vst v0  }
.LBB2_3:
0x70: {  	v0 =	vmov v21;
	v21 =	vmul.f32 v26, v35;
	v26 =	vld [tilespmem:$0x1FD30];
	v18 =	vmov v45  }
0x71: {  	s1 =	smov.u32 s19;
	[tilespmem:$0x1FCE0] =	vst v18;
	v18 =	vmul.f32 v39, v35  }
0x72: {  	s2 =	sadd.s32 $0x1, s1;
	[tilespmem:$0x1FD10] =	vst v0;
	v0 =	vlaneseq.u32  }
0x73: {  	[tilespmem:$0x1FC30] =	vst v18;
	v18 =	vadd.s32 s2, v0;
	v0 =	vld [tilespmem:$0x1FEE0];
	_ =	sdelay $0x1  }
0x74: {  	v37 =	vld.idx.msk [tilespmem:v30+s28+$0x0], $0xffff;
	v40 =	vadd.f32 v25, v26;
	v25 =	vmul.f32 v63, v35  }
0x75: {  	v52 =	vld.idx.msk [tilespmem:v60+s28+$0x0], $0xffff  }
0x76: {  	[tilespmem:$0x1FCB0] =	vst v25;
	v25 =	vand.u32 $0x3F, v18  }
0x77: {  	v40 =	vadd.f32 v62, v40;
	v60 =	vor.u32 v0, v16;
	v62 =	vor.u32 v0, v25;
	v0 =	vld [tilespmem:$0x1FD60];
	_ =	sdelay $0x2  }
0x78: {  	v37 =	vmul.f32 v37, v36;
	v52 =	vmul.f32 v52, v36;
	_ =	sdelay $0x1  }
0x79: {  	v30 =	vmov v47;
	v47 =	vld.idx.msk [tilespmem:v58+s28+$0x0], $0xffff;
	v37 =	vadd.f32 v37, v0;
	v0 =	vadd.f32 v52, v32;
	_ =	sdelay $0x1  }
0x7a: {  	[tilespmem:$0x1FC90] =	vst v0;
	v0 =	vld [tilespmem:$0x1FD70];
	_ =	sdelay $0x2  }
0x7b: {  	v47 =	vmul.f32 v47, v36  }
0x7c: {  	[tilespmem:$0x1FC80] =	vst v50;
	v50 =	vld [tilespmem:$0x1FE70]  }
0x7d: {  	v33 =	vld.idx.msk [tilespmem:v33+s28+$0x0], $0xffff;
	v0 =	vadd.f32 v47, v0  }
0x7e: {  	v59 =	vmul.f32 v59, v36;
	v18 =	vld.idx.msk [tilespmem:v14+s28+$0x0], $0xffff  }
0x7f: {  	v63 =	vld [tilespmem:$0x1FD90];
	v0 =	vadd.f32 v9, v0  }
0x80: {  	v3 =	vadd.f32 v59, v3;
	v59 =	vld [tilespmem:$0x1FD80]  }
0x81: {  	v38 =	vmul.f32 v15, v36;
	v41 =	vor.u32 v50, v25;
	[tilespmem:$0x1FD70] =	vst v0;
	v0 =	vld [tilespmem:$0x1FDA0]  }
0x82: {  	v28 =	vmul.f32 v28, v35;
	v34 =	vmul.f32 v34, v36  }
0x83: {  	v1 =	vadd.f32 v38, v1;
	v18 =	vmul.f32 v18, v36  }
0x84: {  	v31 =	vld.idx.msk [tilespmem:v31+s28+$0x0], $0xffff;
	v33 =	vmul.f32 v33, v36;
	v3 =	vadd.f32 v28, v3;
	v34 =	vadd.f32 v34, v63  }
0x85: {  	[tilespmem:$0x1FC50] =	vst v49;
	v49 =	vld [tilespmem:$0x1FEA0];
	v18 =	vadd.f32 v18, v59;
	v32 =	vadd.f32 v7, v1  }
0x86: {  	v7 =	vld.idx.msk [tilespmem:v41+s24+$0x0], $0xffff;
	v28 =	vadd.f32 v33, v0;
	v0 =	vadd.f32 v6, v34  }
0x87: {  	v62 =	vld.idx.msk [tilespmem:v62+s28+$0x0], $0xffff  }
0x88: {  	v57 =	vmul.f32 v57, v35;
	v58 =	vmovc v46;
	v46 =	vmov v44;
	v44 =	vld [tilespmem:$0x1FF00];
	[tilespmem:$0x1FD90] =	vst v0;
	v0 =	vadd.f32 v4, v18  }
0x89: {  	v56 =	vld [tilespmem:$0x1FF80]  }
0x8a: {  	v54 =	vld [tilespmem:$0x1FEF0];
	[tilespmem:$0x1FD80] =	vst v0;
	v0 =	vadd.f32 v57, v37  }
0x8b: {  	[tilespmem:$0x1FC60] =	vst v51;
	v51 =	vld [tilespmem:$0x1FED0]  }
0x8c: {  	v27 =	vld.idx.msk [tilespmem:v27+s28+$0x0], $0xffff;
	[tilespmem:$0x1FD60] =	vst v0;
	v0 =	vmul.f32 v62, v7  }
0x8d: {  	v17 =	vld.idx.msk [tilespmem:v17+s28+$0x0], $0xffff;
	v16 =	vor.u32 v44, v16  }
0x8e: {  	v14 =	vor.u32 v49, v25;
	[tilespmem:$0x1FCF0] =	vst v0;
	v0 =	vld [tilespmem:$0x1FDB0]  }
0x8f: {  	v20 =	vld.idx.msk [tilespmem:v20+s28+$0x0], $0xffff;
	[tilespmem:$0x1FCA0] =	vst v14;
	v14 =	vor.u32 v56, v25  }
0x90: {  	v23 =	vld.idx.msk [tilespmem:v23+s28+$0x0], $0xffff;
	[tilespmem:$0x1FC70] =	vst v14;
	v14 =	vor.u32 v54, v25  }
0x91: {  	v27 =	vmul.f32 v27, v36;
	[tilespmem:$0x1FCD0] =	vst v14;
	v14 =	vld [tilespmem:$0x1FFA0]  }
0x92: {  	v6 =	vld.idx.msk [tilespmem:v16+s28+$0x0], $0xffff  }
0x93: {  	[tilespmem:$0x1FCC0] =	vst v43;
	v43 =	vor.u32 v51, v25;
	v16 =	vmul.f32 v17, v36;
	v17 =	vadd.f32 v27, v0;
	v0 =	vld [tilespmem:$0x1FDC0]  }
0x94: {  	v22 =	vld.idx.msk [tilespmem:v22+s28+$0x0], $0xffff  }
0x95: {  	v24 =	vld.idx.msk [tilespmem:v24+s28+$0x0], $0xffff  }
0x96: {  	v45 =	vld [tilespmem:$0x1FF10];
	v31 =	vmul.f32 v31, v36  }
0x97: {  	v61 =	vmul.f32 v61, v36;
	v26 =	vld [tilespmem:$0x1FF50]  }
0x98: {  	v52 =	vor.u32 v14, v25;
	v27 =	vadd.f32 v31, v0;
	v0 =	vld.idx.msk [tilespmem:v43+s28+$0x0], $0xffff  }
0x99: {  	v12 =	vld.idx.msk [tilespmem:v12+s28+$0x0], $0xffff;
	v19 =	vmul.f32 v19, v35;
	v38 =	vadd.f32 v61, v55  }
0x9a: {  	v53 =	vld.idx.msk [tilespmem:v53+s28+$0x0], $0xffff  }
0x9b: {  	v13 =	vld.idx.msk [tilespmem:v13+s28+$0x0], $0xffff;
	v15 =	vmov v5;
	v5 =	vadd.f32 v19, v38;
	v38 =	vor.u32 v45, v25  }
0x9c: {  	[tilespmem:$0x1FC40] =	vst v30;
	v30 =	vmov v2;
	v2 =	vld [tilespmem:$0x1FE90];
	v39 =	vor.u32 v26, v25  }
0x9d: {  	v23 =	vmul.f32 v23, v36;
	v59 =	vld.idx.msk [tilespmem:v52+s28+$0x0], $0xffff;
	[tilespmem:$0x1FD20] =	vst v0;
	v0 =	vadd.f32 v8, v28  }
0x9e: {  	v55 =	vmov v48;
	v48 =	vld [tilespmem:$0x1FE80]  }
0x9f: {  	v29 =	vmul.f32 v29, v35;
	v10 =	vadd.f32 v23, v10;
	v23 =	vld [tilespmem:$0x1FEB0];
	[tilespmem:$0x1FDA0] =	vst v0;
	v0 =	vadd.f32 v21, v27  }
0xa0: {  	[tilespmem:$0x1FD00] =	vst v3;
	v38 =	vld.idx.msk [tilespmem:v38+s28+$0x0], $0xffff  }
0xa1: {  	v3 =	vld.idx.msk [tilespmem:v39+s28+$0x0], $0xffff;
	[tilespmem:$0x1FDC0] =	vst v0;
	v0 =	vadd.f32 v29, v17  }
0xa2: {  	v34 =	vmul.f32 v59, v7;
	v59 =	vld [tilespmem:$0x1FEC0]  }
0xa3: {  	v42 =	vor.u32 v46, v25;
	[tilespmem:$0x1FDB0] =	vst v0;
	v0 =	vld [tilespmem:$0x1FDD0]  }
0xa4: {  	v1 =	vld [tilespmem:$0x1FF70]  }
0xa5: {  	v20 =	vmul.f32 v20, v36;
	v52 =	vld [tilespmem:$0x1FF90]  }
0xa6: {  	v47 =	vld [tilespmem:$0x1FF30]  }
0xa7: {  	v11 =	vadd.f32 v20, v11;
	v18 =	vld [tilespmem:$0x1FF40]  }
0xa8: {  	v37 =	vld.idx.msk [tilespmem:v42+s28+$0x0], $0xffff;
	v20 =	vor.u32 v59, v25;
	v16 =	vadd.f32 v16, v0;
	v0 =	vlaneseq.u32  }
0xa9: {  	v4 =	vmul.f32 v22, v36;
	v17 =	vor.u32 v44, v25;
	v22 =	vadd.s32 s1, v0;
	v0 =	vld [tilespmem:$0x1FC30]  }
0xaa: {  	v62 =	vld [tilespmem:$0x1FF20]  }
0xab: {  	v61 =	vor.u32 v2, v25;
	v28 =	vld.idx.msk [tilespmem:v41+s25+$0x0], $0xffff  }
0xac: {  	v4 =	vadd.f32 v4, v55;
	v8 =	vld [tilespmem:$0x1FF60]  }
0xad: {  	v6 =	vmul.f32 v6, v36;
	v31 =	vor.u32 v52, v25;
	v41 =	vld.idx.msk [tilespmem:v20+s28+$0x0], $0xffff;
	v21 =	vmul.f32 v12, v36  }
0xae: {  	v55 =	vmovc v5;
	v12 =	vor.u32 v47, v25;
	v5 =	vld.idx.msk [tilespmem:v17+s28+$0x0], $0xffff;
	v0 =	vadd.f32 v0, v16;
	v16 =	vand.u32 $0x3F, v22  }
0xaf: {  	v20 =	vor.u32 v2, v16;
	v2 =	vadd.f32 v6, v30;
	v6 =	vld [tilespmem:$0x1FD40]  }
0xb0: {  	v19 =	vor.u32 v48, v25;
	v43 =	vor.u32 v48, v16;
	v48 =	vadd.f32 v15, v4;
	v4 =	vld.idx.msk [tilespmem:v61+s28+$0x0], $0xffff  }
0xb1: {  	[tilespmem:$0x1FDD0] =	vst v0;
	v0 =	vld [tilespmem:$0x1FC40]  }
0xb2: {  	v13 =	vmul.f32 v13, v36;
	[tilespmem:$0x1FD30] =	vst v40;
	v57 =	vld.idx.msk [tilespmem:v31+s28+$0x0], $0xffff  }
0xb3: {  	v63 =	vmul.f32 v24, v36;
	v40 =	vor.u32 v1, v25;
	v24 =	vor.u32 v18, v25;
	v42 =	vld.idx.msk [tilespmem:v12+s28+$0x0], $0xffff  }
0xb4: {  	v29 =	vmul.f32 v53, v35;
	v35 =	vmovc v7;
	v12 =	vadd.f32 v13, v58;
	v2 =	vadd.f32 v6, v2;
	v6 =	vld [tilespmem:$0x1FC70]  }
0xb5: {  	v31 =	vor.u32 v49, v16;
	v49 =	vmul.f32 v4, v35;
	v4 =	vmul.f32 v5, v35;
	v5 =	vld [tilespmem:$0x1FC90]  }
0xb6: {  	v7 =	vor.u32 v46, v16;
	v46 =	vadd.f32 v0, v12;
	v0 =	vld [tilespmem:$0x1FC50]  }
0xb7: {  	[tilespmem:$0x1FD40] =	vst v4;
	v4 =	vld [tilespmem:$0x1FD50]  }
0xb8: {  	v19 =	vld.idx.msk [tilespmem:v19+s28+$0x0], $0xffff  }
0xb9: {  	v39 =	vld.idx.msk [tilespmem:v40+s28+$0x0], $0xffff;
	v27 =	vor.u32 v62, v25  }
0xba: {  	v40 =	vld.idx.msk [tilespmem:v24+s28+$0x0], $0xffff  }
0xbb: {  	v11 =	vadd.f32 v0, v11;
	v0 =	vld [tilespmem:$0x1FC60]  }
0xbc: {  	v24 =	vor.u32 v8, v25;
	v17 =	vor.u32 v1, v16;
	v1 =	vmovc v32;
	v32 =	vadd.f32 v4, v5;
	v4 =	vld [tilespmem:$0x1FCA0]  }
0xbd: {  	v9 =	vld.idx.msk [tilespmem:v60+s28+$0x0], $0xffff;
	v53 =	vor.u32 v23, v25;
	v25 =	vor.u32 v50, v16  }
0xbe: {  	v33 =	vor.u32 v62, v16;
	v62 =	vld.idx.msk [tilespmem:v27+s28+$0x0], $0xffff  }
0xbf: {  	v10 =	vadd.f32 v29, v10;
	v29 =	vld.idx.msk [tilespmem:v6+s28+$0x0], $0xffff  }
0xc0: {  	v6 =	vld [tilespmem:$0x1FC80]  }
0xc1: {  	v21 =	vadd.f32 v21, v0;
	v0 =	vld.idx.msk [tilespmem:v24+s28+$0x0], $0xffff  }
0xc2: {  	v9 =	vmul.f32 v9, v36;
	v36 =	vld.idx.msk [tilespmem:v25+s24+$0x0], $0xffff  }
0xc3: {  	v44 =	vld.idx.msk [tilespmem:v7+s28+$0x0], $0xffff  }
0xc4: {  	v24 =	vor.u32 v26, v16;
	v26 =	vld.idx.msk [tilespmem:v4+s28+$0x0], $0xffff  }
0xc5: {  	v13 =	vor.u32 v14, v16;
	v4 =	vld [tilespmem:$0x1FCB0]  }
0xc6: {  	v5 =	vmul.f32 v41, v35;
	v14 =	vadd.f32 v9, v6;
	v6 =	vmul.f32 v0, v35;
	v0 =	vld [tilespmem:$0x1FCC0]  }
0xc7: {  	v58 =	vor.u32 v45, v16;
	v60 =	vor.u32 v59, v16;
	v45 =	vor.u32 v18, v16;
	v59 =	vld.idx.msk [tilespmem:v25+s25+$0x0], $0xffff  }
0xc8: {  	[tilespmem:$0x1FD50] =	vst v5;
	v5 =	vld [tilespmem:$0x1FD10]  }
0xc9: {  	v61 =	vld.idx.msk [tilespmem:v43+s28+$0x0], $0xffff  }
0xca: {  	v22 =	vor.u32 v51, v16;
	v51 =	vadd.f32 v4, v21;
	v4 =	vld [tilespmem:$0x1FCD0]  }
0xcb: {  	v21 =	vmul.f32 v3, v35;
	v3 =	vld [tilespmem:$0x1FCE0];
	v0 =	vadd.f32 v63, v0  }
0xcc: {  	v15 =	vld.idx.msk [tilespmem:v45+s28+$0x0], $0xffff;
	v12 =	vor.u32 v54, v16;
	v54 =	vor.u32 v8, v16  }
0xcd: {  	p0 =	slt.u32 s19, $0x3E;
	v43 =	vadd.f32 v5, v0;
	v0 =	vld [tilespmem:$0x1FD20]  }
.Ltmp0:
0xce: {  	v23 =	vor.u32 v23, v16;
	v45 =	vld [tilespmem:$0x1FCF0];
	(pc) =	sbr.rel @p0 .LBB2_3-.Ltmp0, $4  }
0xcf: {  	v27 =	vor.u32 v56, v16;
	v7 =	vmul.f32 v40, v35;
	v25 =	vmul.f32 v44, v36;
	v44 =	vld [tilespmem:$0x1FE60]  }
0xd0: {  	v8 =	vmul.f32 v62, v35;
	v62 =	vmul.f32 v37, v35;
	v50 =	vadd.f32 v3, v14;
	v3 =	vld [tilespmem:$0x1FD00]  }
0xd1: {  	v9 =	vmul.f32 v38, v35;
	v14 =	vor.u32 v47, v16;
	v47 =	vmov v34;
	v34 =	vld.idx.msk [tilespmem:v54+s28+$0x0], $0xffff  }
0xd2: {  	s19 =	sadd.s32 $0x2, s19;
	v30 =	vor.u32 v52, v16;
	v63 =	vld.idx.msk [tilespmem:v4+s28+$0x0], $0xffff;
	v4 =	vmul.f32 v42, v35;
	v5 =	vmul.f32 v0, v35  }
0xd3: {  	_ =	sdelay $0x3  }
0xd4: {  	v0 =	vld.idx.msk [tilespmem:v30+s28+$0x0], $0xffff  }
0xd5: {  	v30 =	vld.idx.msk [tilespmem:v58+s28+$0x0], $0xffff  }
0xd6: {  	v37 =	vld.idx.msk [tilespmem:v60+s28+$0x0], $0xffff  }
0xd7: {  	v31 =	vld.idx.msk [tilespmem:v31+s28+$0x0], $0xffff  }
0xd8: {  	v38 =	vld [tilespmem:$0x1FEE0]  }
0xd9: {  	v40 =	vld [tilespmem:$0x1FF00]  }
0xda: {  	v14 =	vld.idx.msk [tilespmem:v14+s28+$0x0], $0xffff  }
0xdb: {  	v33 =	vld.idx.msk [tilespmem:v33+s28+$0x0], $0xffff  }
0xdc: {  	v20 =	vld.idx.msk [tilespmem:v20+s28+$0x0], $0xffff  }
0xdd: {  	v23 =	vld.idx.msk [tilespmem:v23+s28+$0x0], $0xffff;
	v38 =	vor.u32 v38, v16  }
0xde: {  	v22 =	vld.idx.msk [tilespmem:v22+s28+$0x0], $0xffff;
	v16 =	vor.u32 v40, v16  }
0xdf: {  	v27 =	vld.idx.msk [tilespmem:v27+s28+$0x0], $0xffff  }
0xe0: {  	v17 =	vld.idx.msk [tilespmem:v17+s28+$0x0], $0xffff;
	v54 =	vmul.f32 v59, v36  }
0xe1: {  	v52 =	vmul.f32 v57, v35;
	v57 =	vld.idx.msk [tilespmem:v53+s28+$0x0], $0xffff  }
0xe2: {  	v28 =	vmul.f32 v28, v35;
	v15 =	vmul.f32 v15, v36;
	v3 =	vadd.f32 v54, v3;
	v38 =	vld.idx.msk [tilespmem:v38+s28+$0x0], $0xffff  }
0xe3: {  	v20 =	vmul.f32 v20, v36;
	v16 =	vld.idx.msk [tilespmem:v16+s28+$0x0], $0xffff  }
0xe4: {  	v24 =	vld.idx.msk [tilespmem:v24+s28+$0x0], $0xffff;
	v1 =	vadd.f32 v15, v1;
	v3 =	vadd.f32 v28, v3;
	v15 =	vmul.f32 v23, v36  }
0xe5: {  	v12 =	vld.idx.msk [tilespmem:v12+s28+$0x0], $0xffff;
	v11 =	vadd.f32 v20, v11  }
0xe6: {  	v13 =	vld.idx.msk [tilespmem:v13+s28+$0x0], $0xffff;
	v10 =	vadd.f32 v15, v10;
	[tilespmem:$0x16580] =	vst v3;
	v3 =	vmul.f32 v57, v35  }
0xe7: {  	v11 =	vadd.f32 v49, v11  }
0xe8: {  	v3 =	vadd.f32 v3, v10;
	v23 =	vmul.f32 v38, v36;
	v10 =	vmul.f32 v16, v36;
	v16 =	vld [tilespmem:$0x1FD50]  }
0xe9: {  	v37 =	vmul.f32 v37, v36  }
0xea: {  	[tilespmem:$0x165E0] =	vst v11;
	v11 =	vadd.f32 v23, v50  }
0xeb: {  	v15 =	vadd.f32 v37, v32  }
0xec: {  	v41 =	vld [tilespmem:$0x1FD30];
	v2 =	vadd.f32 v10, v2;
	v10 =	vadd.f32 v45, v11  }
0xed: {  	v11 =	vmul.f32 v14, v36;
	v14 =	vld [tilespmem:$0x1FD70];
	v15 =	vadd.f32 v16, v15  }
0xee: {  	v42 =	vmul.f32 v61, v36;
	[tilespmem:$0x16680] =	vst v10;
	v10 =	vld [tilespmem:$0x1FD80]  }
0xef: {  	[tilespmem:$0x16640] =	vst v15;
	v15 =	vld [tilespmem:$0x1FDA0]  }
0xf0: {  	v19 =	vmul.f32 v19, v35;
	v42 =	vadd.f32 v42, v55;
	_ =	sdelay $0x1  }
0xf1: {  	v19 =	vadd.f32 v19, v42;
	[tilespmem:$0x16620] =	vst v3;
	v3 =	vmul.f32 v33, v36;
	v16 =	vmul.f32 v30, v36  }
0xf2: {  	v25 =	vadd.f32 v25, v41;
	v22 =	vmul.f32 v22, v36;
	v20 =	vld [tilespmem:$0x1FDC0];
	v10 =	vadd.f32 v11, v10  }
0xf3: {  	v14 =	vadd.f32 v16, v14;
	v3 =	vadd.f32 v3, v15;
	v15 =	vld [tilespmem:$0x1FD40]  }
0xf4: {  	v26 =	vmul.f32 v26, v35;
	v53 =	vld [tilespmem:$0x1FFF0];
	[tilespmem:$0x165C0] =	vst v19;
	v19 =	vadd.f32 v22, v48;
	v4 =	vadd.f32 v4, v10  }
0xf5: {  	v12 =	vmul.f32 v12, v36;
	v9 =	vadd.f32 v9, v14;
	v14 =	vld [tilespmem:$0x1FD90];
	v3 =	vadd.f32 v8, v3  }
0xf6: {  	v1 =	vadd.f32 v7, v1;
	v31 =	vmul.f32 v31, v36;
	v25 =	vadd.f32 v62, v25;
	[tilespmem:$0x16720] =	vst v4;
	v4 =	vld [tilespmem:$0x1FDB0]  }
0xf7: {  	v56 =	vmul.f32 v63, v35;
	v12 =	vadd.f32 v12, v51;
	v5 =	vadd.f32 v5, v19;
	[tilespmem:$0x16700] =	vst v3;
	v3 =	vld [tilespmem:$0x1FDD0]  }
0xf8: {  	v61 =	vld [tilespmem:$0x1FFD0];
	[tilespmem:$0x165A0] =	vst v25;
	v20 =	vadd.f32 v31, v20;
	v11 =	vmul.f32 v24, v36;
	v2 =	vadd.f32 v15, v2  }
0xf9: {  	v60 =	vld [tilespmem:$0x1FE40];
	v7 =	vmul.f32 v27, v36;
	v12 =	vadd.f32 v56, v12;
	[tilespmem:$0x16660] =	vst v5;
	v5 =	vmul.f32 v34, v36  }
0xfa: {  	v54 =	vld [tilespmem:$0x1FFB0];
	v20 =	vadd.f32 v26, v20;
	v8 =	vadd.f32 v11, v43;
	[tilespmem:$0x166C0] =	vst v2;
	v2 =	vmul.f32 v17, v36  }
0xfb: {  	v18 =	vmul.f32 v39, v35;
	[tilespmem:$0x16740] =	vst v1;
	v5 =	vadd.f32 v5, v14;
	v4 =	vadd.f32 v7, v4;
	v7 =	vld [tilespmem:$0x1FD60]  }
0xfc: {  	v55 =	vld [tilespmem:$0x1FFC0];
	v1 =	vlaneseq.u32;
	[tilespmem:$0x166A0] =	vst v12;
	v12 =	vmul.f32 v29, v35;
	v2 =	vadd.f32 v2, v3  }
0xfd: {  	s1 =	simm.s32 $0x1;
	v42 =	vld [tilespmem:$0x1FDE0];
	[tilespmem:$0x16600] =	vst v20;
	v5 =	vadd.f32 v6, v5;
	v6 =	vmul.f32 v13, v36;
	v3 =	vadd.f32 v21, v8  }
0xfe: {  	v0 =	vmul.f32 v0, v36;
	v56 =	vld [tilespmem:$0x1FDF0];
	v1 =	vadd.s32 s1, v1;
	[tilespmem:$0x166E0] =	vst v9;
	v2 =	vadd.f32 v18, v2  }
0xff: {  	v62 =	vld [tilespmem:$0x1FE10];
	v1 =	vand.u32 $0x3F, v1;
	[tilespmem:$0x16760] =	vst v3;
	v3 =	vadd.f32 v12, v4;
	v4 =	vadd.f32 v6, v46  }
0x100: {  	v51 =	vld [tilespmem:$0x1FE00];
	[tilespmem:$0x16780] =	vst v5;
	v5 =	vor.u32 v54, v1;
	v0 =	vadd.f32 v0, v7  }
0x101: {  	v57 =	vld [tilespmem:$0x1FE50];
	[tilespmem:$0x167A0] =	vst v2;
	v2 =	vadd.f32 v47, v4  }
0x102: {  	v48 =	vld [tilespmem:$0x1FE20];
	[tilespmem:$0x167C0] =	vst v3;
	v3 =	vor.u32 v55, v1;
	v0 =	vadd.f32 v52, v0  }
0x103: {  	v50 =	vld [tilespmem:$0x1FE30];
	v6 =	vor.u32 v56, v1;
	[tilespmem:$0x16800] =	vst v2  }
0x104: {  	v8 =	vor.u32 v61, v1;
	v52 =	vld [tilespmem:$0x1FFE0];
	[tilespmem:$0x167E0] =	vst v0  }
0x105: {  	v9 =	vor.u32 v60, v1;
	v7 =	vld.idx.msk [tilespmem:v5+s25+$0x0], $0xffff  }
0x106: {  	v45 =	vadd.s32 $0x5480, v44;
	v10 =	vor.u32 v57, v1;
	v0 =	vld.idx.msk [tilespmem:v5+s24+$0x0], $0xffff  }
0x107: {  	v43 =	vadd.s32 $0x5380, v44;
	v21 =	vor.u32 v45, v1;
	v3 =	vld.idx.msk [tilespmem:v3+s28+$0x0], $0xffff  }
0x108: {  	v25 =	vor.u32 v43, v1;
	v12 =	vld.idx.msk [tilespmem:v6+s28+$0x0], $0xffff  }
0x109: {  	v31 =	vor.u32 v42, v1;
	v8 =	vld.idx.msk [tilespmem:v8+s28+$0x0], $0xffff  }
0x10a: {  	v38 =	vor.u32 v50, v1;
	v9 =	vld.idx.msk [tilespmem:v9+s28+$0x0], $0xffff  }
0x10b: {  	v2 =	vor.u32 v53, v1;
	v10 =	vld.idx.msk [tilespmem:v10+s28+$0x0], $0xffff  }
0x10c: {  	s10 =	simm.s32 $0x0;
	v13 =	vlaneseq.u32;
	v5 =	vor.u32 v62, v1;
	v21 =	vld.idx.msk [tilespmem:v21+s28+$0x0], $0xffff  }
0x10d: {  	v63 =	vadd.s32 $0x5300, v44;
	v6 =	vadd.s32 s10, v13;
	v13 =	vor.u32 v51, v1;
	v25 =	vld.idx.msk [tilespmem:v25+s28+$0x0], $0xffff  }
0x10e: {  	v28 =	vor.u32 v63, v1;
	v31 =	vld.idx.msk [tilespmem:v31+s28+$0x0], $0xffff  }
0x10f: {  	v38 =	vld.idx.msk [tilespmem:v38+s28+$0x0], $0xffff;
	v14 =	vand.u32 $0x3F, v6;
	v4 =	vor.u32 v52, v1  }
0x110: {  	v11 =	vld.idx.msk [tilespmem:v2+s28+$0x0], $0xffff;
	v15 =	vor.u32 v54, v14  }
0x111: {  	v36 =	vadd.s32 $0x5340, v44;
	v5 =	vld.idx.msk [tilespmem:v5+s28+$0x0], $0xffff  }
0x112: {  	v2 =	vor.u32 v36, v1;
	v13 =	vld.idx.msk [tilespmem:v13+s28+$0x0], $0xffff  }
0x113: {  	v16 =	vor.u32 v56, v14;
	v37 =	vmul.f32 v12, v0;
	v12 =	vld.idx.msk [tilespmem:v28+s28+$0x0], $0xffff  }
0x114: {  	v59 =	vadd.s32 $0x53C0, v44;
	v22 =	vmul.f32 v7, v0;
	v7 =	vor.u32 v63, v14;
	v4 =	vld.idx.msk [tilespmem:v4+s28+$0x0], $0xffff  }
0x115: {  	v30 =	vadd.s32 $0x5400, v44;
	v47 =	vadd.s32 $0x5440, v44;
	v17 =	vor.u32 v55, v14;
	v6 =	vld.idx.msk [tilespmem:v15+s24+$0x0], $0xffff  }
0x116: {  	v46 =	vadd.s32 $0x54C0, v44;
	v44 =	vor.u32 v47, v1;
	v20 =	vor.u32 v50, v14;
	v15 =	vld.idx.msk [tilespmem:v15+s25+$0x0], $0xffff  }
0x117: {  	v18 =	vor.u32 v61, v14;
	v23 =	vor.u32 v42, v14;
	v58 =	vor.u32 v47, v14;
	v19 =	vld.idx.msk [tilespmem:v2+s28+$0x0], $0xffff  }
0x118: {  	v24 =	vor.u32 v51, v14;
	v26 =	vor.u32 v48, v14;
	v16 =	vld.idx.msk [tilespmem:v16+s28+$0x0], $0xffff;
	v11 =	vmul.f32 v11, v0  }
0x119: {  	v49 =	vor.u32 v60, v14;
	v32 =	vor.u32 v62, v14;
	v7 =	vld.idx.msk [tilespmem:v7+s28+$0x0], $0xffff;
	v13 =	vmul.f32 v13, v0  }
0x11a: {  	v3 =	vmul.f32 v3, v0;
	v17 =	vld.idx.msk [tilespmem:v17+s28+$0x0], $0xffff;
	[tilespmem:$0x1FA90] =	vst v11;
	v4 =	vmul.f32 v4, v0  }
0x11b: {  	v41 =	vlaneseq.u32;
	v20 =	vld.idx.msk [tilespmem:v20+s28+$0x0], $0xffff;
	v11 =	vor.u32 v43, v14;
	[tilespmem:$0x1FAB0] =	vst v13;
	v15 =	vmul.f32 v15, v6  }
0x11c: {  	v28 =	vor.u32 v46, v1;
	v2 =	vimm.f32 $0.0e+00;
	v34 =	vld.idx.msk [tilespmem:v58+s28+$0x0], $0xffff;
	v13 =	vor.u32 v59, v1;
	[tilespmem:$0x1FA80] =	vst v4  }
0x11d: {  	v4 =	vld.idx.msk [tilespmem:v18+s28+$0x0], $0xffff;
	v18 =	vor.u32 v30, v1;
	v1 =	vor.u32 v48, v1;
	v15 =	vadd.f32 v15, v2  }
0x11e: {  	v35 =	vor.u32 v45, v14;
	v23 =	vld.idx.msk [tilespmem:v23+s28+$0x0], $0xffff;
	v58 =	vmul.f32 v7, v6;
	v7 =	vmul.f32 v19, v0  }
0x11f: {  	s19 =	simm.s32 $0x3;
	v32 =	vld.idx.msk [tilespmem:v32+s28+$0x0], $0xffff;
	v17 =	vmul.f32 v17, v6;
	v16 =	vmul.f32 v16, v6;
	v15 =	vadd.f32 v22, v15  }
0x120: {  	v19 =	vadd.s32 s19, v41;
	[tilespmem:$0x1FAC0] =	vst v7;
	v7 =	vmul.f32 v10, v0;
	v10 =	vld.idx.msk [tilespmem:v11+s28+$0x0], $0xffff;
	v11 =	vmul.f32 v25, v0  }
0x121: {  	v25 =	vadd.f32 v58, v2;
	v58 =	vand.u32 $0x3F, v19;
	v19 =	vmul.f32 v31, v0;
	v31 =	vld.idx.msk [tilespmem:v44+s28+$0x0], $0xffff  }
0x122: {  	v16 =	vadd.f32 v16, v2;
	[tilespmem:$0x1FAD0] =	vst v15;
	v15 =	vadd.f32 v17, v2;
	v1 =	vld.idx.msk [tilespmem:v1+s28+$0x0], $0xffff  }
0x123: {  	v27 =	vor.u32 v57, v14;
	v35 =	vld.idx.msk [tilespmem:v35+s28+$0x0], $0xffff;
	v39 =	vor.u32 v54, v58  }
0x124: {  	v26 =	vld.idx.msk [tilespmem:v26+s28+$0x0], $0xffff;
	v16 =	vadd.f32 v37, v16;
	v37 =	vor.u32 v55, v58;
	v3 =	vadd.f32 v3, v15  }
0x125: {  	v29 =	vor.u32 v30, v14;
	v33 =	vor.u32 v59, v14;
	v9 =	vmul.f32 v9, v0;
	v17 =	vld.idx.msk [tilespmem:v49+s28+$0x0], $0xffff  }
0x126: {  	v23 =	vmul.f32 v23, v6;
	[tilespmem:$0x1FAF0] =	vst v3;
	v3 =	vld.idx.msk [tilespmem:v24+s28+$0x0], $0xffff;
	v15 =	vmul.f32 v31, v0  }
0x127: {  	[tilespmem:$0x1FAA0] =	vst v9;
	v9 =	vld.idx.msk [tilespmem:v18+s28+$0x0], $0xffff;
	v31 =	vmul.f32 v1, v0;
	v1 =	vmul.f32 v32, v6  }
0x128: {  	[tilespmem:$0x1FBF0] =	vst v36;
	v40 =	vor.u32 v46, v14;
	v5 =	vmul.f32 v5, v0;
	v49 =	vld.idx.msk [tilespmem:v39+s24+$0x0], $0xffff  }
0x129: {  	v23 =	vadd.f32 v23, v2;
	v22 =	vmul.f32 v35, v6;
	v35 =	vld.idx.msk [tilespmem:v37+s28+$0x0], $0xffff;
	v1 =	vadd.f32 v1, v2  }
0x12a: {  	[tilespmem:$0x1FB60] =	vst v40;
	v29 =	vld.idx.msk [tilespmem:v29+s28+$0x0], $0xffff  }
0x12b: {  	v27 =	vld.idx.msk [tilespmem:v27+s28+$0x0], $0xffff;
	v3 =	vmul.f32 v3, v6;
	v1 =	vadd.f32 v5, v1;
	v5 =	vadd.f32 v19, v23  }
0x12c: {  	v8 =	vmul.f32 v8, v0;
	v21 =	vmul.f32 v21, v0;
	v33 =	vld.idx.msk [tilespmem:v33+s28+$0x0], $0xffff;
	v22 =	vadd.f32 v22, v2  }
0x12d: {  	v40 =	vmul.f32 v12, v0;
	v41 =	vor.u32 v52, v14;
	[tilespmem:$0x1FB30] =	vst v5;
	v5 =	vadd.f32 v3, v2  }
0x12e: {  	v13 =	vld.idx.msk [tilespmem:v13+s28+$0x0], $0xffff;
	v3 =	vadd.f32 v21, v22;
	v22 =	vmul.f32 v9, v0;
	v9 =	vmul.f32 v35, v49  }
0x12f: {  	[tilespmem:$0x1FAE0] =	vst v16;
	v18 =	vor.u32 v36, v14;
	v14 =	vor.u32 v53, v14;
	v4 =	vmul.f32 v4, v6  }
0x130: {  	v26 =	vmul.f32 v26, v6;
	v10 =	vmul.f32 v10, v6;
	[tilespmem:$0x1FB50] =	vst v9;
	v9 =	vld [tilespmem:$0x1FB60]  }
0x131: {  	v12 =	vor.u32 v60, v58;
	[tilespmem:$0x1FBA0] =	vst v7;
	v7 =	vor.u32 v45, v58;
	v4 =	vadd.f32 v4, v2  }
0x132: {  	v16 =	vmul.f32 v38, v0;
	v36 =	vor.u32 v36, v58;
	[tilespmem:$0x1FBB0] =	vst v7;
	v10 =	vadd.f32 v10, v2  }
0x133: {  	v7 =	vor.u32 v51, v58;
	v24 =	vmul.f32 v34, v6;
	v4 =	vadd.f32 v8, v4;
	v8 =	vld.idx.msk [tilespmem:v41+s28+$0x0], $0xffff  }
0x134: {  	v17 =	vmul.f32 v17, v6;
	v14 =	vld.idx.msk [tilespmem:v14+s28+$0x0], $0xffff;
	v10 =	vadd.f32 v11, v10;
	v11 =	vor.u32 v62, v58  }
0x135: {  	v34 =	vor.u32 v56, v58;
	v38 =	vld.idx.msk [tilespmem:v39+s25+$0x0], $0xffff;
	[tilespmem:$0x1FB10] =	vst v4;
	v4 =	vmul.f32 v29, v6  }
0x136: {  	v32 =	vor.u32 v52, v58;
	v52 =	vor.u32 v53, v58;
	v18 =	vld.idx.msk [tilespmem:v18+s28+$0x0], $0xffff;
	v17 =	vadd.f32 v17, v2  }
0x137: {  	v19 =	vmul.f32 v27, v6;
	v27 =	vadd.f32 v4, v2;
	[tilespmem:$0x1FB20] =	vst v1;
	v1 =	vmul.f32 v20, v6  }
0x138: {  	s23 =	simm.s32 $0x2;
	v4 =	vlaneseq.u32;
	[tilespmem:$0x1FB40] =	vst v3;
	v3 =	vadd.f32 v40, v25;
	v25 =	vadd.f32 v26, v2;
	v26 =	vld.idx.msk [tilespmem:v9+s28+$0x0], $0xffff  }
0x139: {  	[tilespmem:$0x1FB80] =	vst v36;
	v8 =	vmul.f32 v8, v6;
	v14 =	vmul.f32 v14, v6;
	v4 =	vadd.s32 s23, v4;
	v39 =	vld.idx.msk [tilespmem:v11+s28+$0x0], $0xffff  }
0x13a: {  	v20 =	vadd.f32 v24, v2;
	v24 =	vadd.f32 v1, v2;
	v1 =	vmul.f32 v38, v49;
	v38 =	vld.idx.msk [tilespmem:v7+s28+$0x0], $0xffff  }
0x13b: {  	v19 =	vadd.f32 v19, v2;
	v7 =	vld [tilespmem:$0x1FB80];
	v11 =	vadd.f32 v31, v25;
	v9 =	vmul.f32 v33, v6  }
0x13c: {  	v36 =	vld.idx.msk [tilespmem:v12+s28+$0x0], $0xffff;
	v18 =	vmul.f32 v18, v6;
	v31 =	vadd.f32 v14, v2;
	v14 =	vadd.f32 v8, v2  }
0x13d: {  	v21 =	vld.idx.msk [tilespmem:v32+s28+$0x0], $0xffff;
	v53 =	vadd.f32 v9, v2;
	v9 =	vand.u32 $0x3F, v4;
	v6 =	vmul.f32 v26, v6  }
0x13e: {  	[tilespmem:$0x1FB70] =	vst v11;
	v11 =	vmul.f32 v13, v0;
	v13 =	vor.u32 v56, v9;
	v56 =	vadd.f32 v16, v24  }
0x13f: {  	v16 =	vadd.f32 v18, v2;
	v6 =	vadd.f32 v6, v2;
	v2 =	vld [tilespmem:$0x1FBA0]  }
0x140: {  	v29 =	vld.idx.msk [tilespmem:v28+s28+$0x0], $0xffff  }
0x141: {  	[tilespmem:$0x1FC00] =	vst v59;
	v44 =	vor.u32 v57, v58;
	v23 =	vld.idx.msk [tilespmem:v52+s28+$0x0], $0xffff  }
0x142: {  	[tilespmem:$0x1FB00] =	vst v10;
	v10 =	vor.u32 v61, v58;
	v52 =	vld.idx.msk [tilespmem:v34+s28+$0x0], $0xffff  }
0x143: {  	[tilespmem:$0x1FBE0] =	vst v63;
	v37 =	vld.idx.msk [tilespmem:v7+s28+$0x0], $0xffff;
	v4 =	vmul.f32 v21, v49;
	v21 =	vor.u32 v54, v9  }
0x144: {  	[tilespmem:$0x1FBC0] =	vst v45;
	v34 =	vor.u32 v55, v9;
	v7 =	vadd.f32 v2, v19;
	v2 =	vld [tilespmem:$0x1FBB0]  }
0x145: {  	[tilespmem:$0x1FB90] =	vst v30  }
0x146: {  	[tilespmem:$0x1FBD0] =	vst v43;
	v28 =	vld.idx.msk [tilespmem:v44+s28+$0x0], $0xffff;
	v24 =	vor.u32 v61, v9  }
0x147: {  	[tilespmem:$0x1FC10] =	vst v46;
	v25 =	vld.idx.msk [tilespmem:v10+s28+$0x0], $0xffff  }
0x148: {  	v12 =	vor.u32 v43, v58;
	v40 =	vmul.f32 v29, v0;
	v0 =	vadd.f32 v15, v20;
	v54 =	vld.idx.msk [tilespmem:v21+s24+$0x0], $0xffff  }
0x149: {  	v15 =	vmul.f32 v36, v49;
	v33 =	vor.u32 v42, v9;
	v44 =	vor.u32 v50, v9;
	v20 =	vld.idx.msk [tilespmem:v34+s28+$0x0], $0xffff  }
0x14a: {  	v10 =	vor.u32 v51, v9;
	v18 =	vor.u32 v63, v9;
	v61 =	vadd.f32 v22, v27;
	v35 =	vld.idx.msk [tilespmem:v13+s28+$0x0], $0xffff  }
0x14b: {  	v29 =	vor.u32 v30, v9;
	v22 =	vmul.f32 v23, v49;
	v23 =	vmul.f32 v38, v49;
	v27 =	vld.idx.msk [tilespmem:v24+s28+$0x0], $0xffff  }
0x14c: {  	v55 =	vadd.f32 v11, v53;
	v53 =	vadd.f32 v40, v6;
	v6 =	vor.u32 v30, v58;
	v30 =	vld.idx.msk [tilespmem:v2+s28+$0x0], $0xffff  }
0x14d: {  	[tilespmem:$0x1FC20] =	vst v47;
	v36 =	vor.u32 v60, v9;
	v41 =	vor.u32 v45, v9;
	v45 =	vor.u32 v63, v58;
	v2 =	vld [tilespmem:$0x1FBF0]  }
0x14e: {  	v11 =	vor.u32 v57, v9;
	v26 =	vor.u32 v48, v9;
	v8 =	vld.idx.msk [tilespmem:v44+s28+$0x0], $0xffff;
	v34 =	vmul.f32 v52, v49  }
0x14f: {  	v32 =	vld.idx.msk [tilespmem:v18+s28+$0x0], $0xffff;
	v18 =	vmul.f32 v39, v49;
	v39 =	vor.u32 v62, v9;
	v44 =	vor.u32 v47, v9  }
0x150: {  	v13 =	vor.u32 v46, v58;
	v40 =	vld.idx.msk [tilespmem:v21+s25+$0x0], $0xffff;
	v21 =	vmul.f32 v25, v49;
	v25 =	vor.u32 v59, v58  }
0x151: {  	v19 =	vor.u32 v42, v58;
	v42 =	vor.u32 v43, v9;
	v43 =	vld.idx.msk [tilespmem:v12+s28+$0x0], $0xffff;
	v12 =	vor.u32 v46, v9  }
0x152: {  	s19 =	simm.s32 $0x4;
	v38 =	vmul.f32 v20, v54;
	v20 =	vor.u32 v59, v9;
	v6 =	vld.idx.msk [tilespmem:v6+s28+$0x0], $0xffff;
	v24 =	vor.u32 v2, v9  }
.LBB2_5:
0x153: {  	v45 =	vld.idx.msk [tilespmem:v45+s28+$0x0], $0xffff  }
0x154: {  	v47 =	vld [tilespmem:$0x1FC20]  }
0x155: {  	v59 =	vld [tilespmem:$0x1FAC0]  }
0x156: {  	v19 =	vld.idx.msk [tilespmem:v19+s28+$0x0], $0xffff  }
0x157: {  	v60 =	vld [tilespmem:$0x1FA80]  }
0x158: {  	v44 =	vld.idx.msk [tilespmem:v44+s28+$0x0], $0xffff  }
0x159: {  	v41 =	vld.idx.msk [tilespmem:v41+s28+$0x0], $0xffff  }
0x15a: {  	v33 =	vld.idx.msk [tilespmem:v33+s28+$0x0], $0xffff  }
0x15b: {  	v39 =	vld.idx.msk [tilespmem:v39+s28+$0x0], $0xffff  }
0x15c: {  	v26 =	vld.idx.msk [tilespmem:v26+s28+$0x0], $0xffff  }
0x15d: {  	v52 =	vld [tilespmem:$0x1FFF0]  }
0x15e: {  	v29 =	vld.idx.msk [tilespmem:v29+s28+$0x0], $0xffff  }
0x15f: {  	v11 =	vld.idx.msk [tilespmem:v11+s28+$0x0], $0xffff  }
0x160: {  	v20 =	vld.idx.msk [tilespmem:v20+s28+$0x0], $0xffff  }
0x161: {  	v12 =	vld.idx.msk [tilespmem:v12+s28+$0x0], $0xffff  }
0x162: {  	v13 =	vld.idx.msk [tilespmem:v13+s28+$0x0], $0xffff  }
0x163: {  	v63 =	vmul.f32 v32, v54;
	v32 =	vmov v49;
	v57 =	vmov v4;
	[tilespmem:$0x1FA30] =	vst v53;
	v53 =	vld [tilespmem:$0x1FAA0]  }
0x164: {  	v37 =	vmul.f32 v37, v32;
	[tilespmem:$0x1FA80] =	vst v57;
	v57 =	vld [tilespmem:$0x1FE10]  }
0x165: {  	v3 =	vadd.f32 v63, v3;
	v63 =	vld [tilespmem:$0x1FBC0]  }
0x166: {  	[tilespmem:$0x1FAC0] =	vst v37;
	v37 =	vmul.f32 v30, v32;
	v30 =	vld [tilespmem:$0x1FAB0]  }
0x167: {  	v2 =	vadd.f32 v59, v16;
	v16 =	vld [tilespmem:$0x1FBF0]  }
0x168: {  	v46 =	vor.u32 v48, v58;
	v59 =	vld [tilespmem:$0x1FAE0]  }
0x169: {  	v47 =	vor.u32 v47, v58;
	v58 =	vor.u32 v50, v58;
	v17 =	vadd.f32 v53, v17;
	v53 =	vld [tilespmem:$0x1FFE0]  }
0x16a: {  	v4 =	vmov v22;
	[tilespmem:$0x1FA40] =	vst v2;
	v2 =	vadd.f32 v60, v14;
	v14 =	vld [tilespmem:$0x1FA90]  }
0x16b: {  	[tilespmem:$0x1FA90] =	vst v4;
	v4 =	vld [tilespmem:$0x1FAD0]  }
0x16c: {  	s1 =	smov.u32 s19;
	v35 =	vmul.f32 v35, v54;
	v60 =	vld [tilespmem:$0x1FE40]  }
0x16d: {  	s2 =	sadd.s32 $0x1, s1;
	[tilespmem:$0x1FA60] =	vst v2;
	v2 =	vlaneseq.u32;
	v46 =	vld.idx.msk [tilespmem:v46+s28+$0x0], $0xffff  }
0x16e: {  	v62 =	vadd.s32 s2, v2;
	v22 =	vld.idx.msk [tilespmem:v58+s28+$0x0], $0xffff;
	v35 =	vadd.f32 v35, v59  }
0x16f: {  	v59 =	vld [tilespmem:$0x1FFD0];
	v31 =	vadd.f32 v14, v31;
	v14 =	vmovc v0;
	v0 =	vadd.f32 v30, v5;
	v30 =	vmul.f32 v40, v54  }
0x170: {  	v58 =	vand.u32 $0x3F, v62;
	v62 =	vld [tilespmem:$0x1FE50];
	v5 =	vmul.f32 v28, v32  }
0x171: {  	v28 =	vld.idx.msk [tilespmem:v42+s28+$0x0], $0xffff;
	v42 =	vmul.f32 v43, v32;
	v43 =	vmul.f32 v45, v32;
	v2 =	vmov v15  }
0x172: {  	v45 =	vld.idx.msk [tilespmem:v47+s28+$0x0], $0xffff;
	[tilespmem:$0x1FAA0] =	vst v2;
	v2 =	vor.u32 v63, v58;
	v4 =	vadd.f32 v30, v4  }
0x173: {  	v30 =	vmov v55;
	v55 =	vld [tilespmem:$0x1FFB0]  }
0x174: {  	v40 =	vor.u32 v53, v9;
	v9 =	vor.u32 v52, v9;
	v1 =	vadd.f32 v1, v4;
	v4 =	vld.idx.msk [tilespmem:v36+s28+$0x0], $0xffff  }
0x175: {  	[tilespmem:$0x1FA50] =	vst v2;
	v2 =	vmov v56;
	v56 =	vld [tilespmem:$0x1FFC0]  }
0x176: {  	v48 =	vor.u32 v51, v58;
	[tilespmem:$0x1FAD0] =	vst v1;
	v1 =	vld [tilespmem:$0x1FAF0]  }
0x177: {  	v49 =	vmul.f32 v28, v54;
	v28 =	vmov v23;
	v23 =	vld [tilespmem:$0x1FB10]  }
0x178: {  	v36 =	vmul.f32 v41, v54;
	v41 =	vld [tilespmem:$0x1FB50]  }
0x179: {  	v9 =	vld.idx.msk [tilespmem:v9+s28+$0x0], $0xffff;
	v15 =	vor.u32 v55, v58  }
0x17a: {  	v27 =	vmul.f32 v27, v54;
	[tilespmem:$0x1FA70] =	vst v5;
	v5 =	vmul.f32 v45, v32;
	v45 =	vld [tilespmem:$0x1FDF0]  }
0x17b: {  	v34 =	vadd.f32 v34, v35;
	v48 =	vld.idx.msk [tilespmem:v48+s28+$0x0], $0xffff;
	v1 =	vadd.f32 v38, v1  }
0x17c: {  	v35 =	vor.u32 v56, v58;
	v23 =	vadd.f32 v27, v23;
	v27 =	vmul.f32 v44, v54;
	v44 =	vld [tilespmem:$0x1FBD0]  }
0x17d: {  	v38 =	vld [tilespmem:$0x1FB20];
	v1 =	vadd.f32 v41, v1  }
0x17e: {  	v47 =	vor.u32 v60, v58;
	[tilespmem:$0x1FAE0] =	vst v34;
	v34 =	vld.idx.msk [tilespmem:v15+s25+$0x0], $0xffff  }
0x17f: {  	[tilespmem:$0x1FAF0] =	vst v1;
	v1 =	vld.idx.msk [tilespmem:v10+s28+$0x0], $0xffff  }
0x180: {  	v39 =	vmul.f32 v39, v54;
	v21 =	vadd.f32 v21, v23;
	v10 =	vld [tilespmem:$0x1FB00]  }
0x181: {  	v35 =	vld.idx.msk [tilespmem:v35+s28+$0x0], $0xffff  }
0x182: {  	[tilespmem:$0x1FB10] =	vst v21;
	v21 =	vld.idx.msk [tilespmem:v40+s28+$0x0], $0xffff;
	v39 =	vadd.f32 v39, v38  }
0x183: {  	[tilespmem:$0x1FA20] =	vst v5;
	v40 =	vld.idx.msk [tilespmem:v47+s28+$0x0], $0xffff  }
0x184: {  	v38 =	vadd.f32 v43, v3;
	v3 =	vmul.f32 v6, v32;
	v6 =	vld [tilespmem:$0x1FA20];
	v18 =	vadd.f32 v18, v39  }
0x185: {  	v10 =	vadd.f32 v49, v10;
	v49 =	vld.idx.msk [tilespmem:v15+s24+$0x0], $0xffff  }
0x186: {  	v1 =	vmul.f32 v1, v54;
	[tilespmem:$0x1FB20] =	vst v18;
	v18 =	vld.idx.msk [tilespmem:v24+s28+$0x0], $0xffff  }
0x187: {  	v41 =	vor.u32 v45, v58;
	v10 =	vadd.f32 v42, v10;
	v42 =	vor.u32 v53, v58;
	v53 =	vld [tilespmem:$0x1FB30]  }
0x188: {  	v15 =	vor.u32 v57, v58;
	v5 =	vadd.f32 v1, v0;
	v1 =	vmul.f32 v11, v54;
	v11 =	vld.idx.msk [tilespmem:v25+s28+$0x0], $0xffff  }
0x189: {  	v0 =	vadd.f32 v27, v14;
	v25 =	vld [tilespmem:$0x1FB70]  }
0x18a: {  	v8 =	vmul.f32 v8, v54;
	v19 =	vmul.f32 v19, v32;
	v52 =	vor.u32 v52, v58;
	v14 =	vld [tilespmem:$0x1FBE0]  }
0x18b: {  	v33 =	vmul.f32 v33, v54;
	v26 =	vmul.f32 v26, v54;
	[tilespmem:$0x1FB00] =	vst v10;
	v0 =	vadd.f32 v6, v0;
	v6 =	vld [tilespmem:$0x1FA30]  }
0x18c: {  	v10 =	vor.u32 v59, v58;
	v7 =	vadd.f32 v1, v7;
	v1 =	vmul.f32 v34, v49;
	v34 =	vld.idx.msk [tilespmem:v41+s28+$0x0], $0xffff  }
0x18d: {  	v12 =	vmul.f32 v12, v54;
	v50 =	vor.u32 v62, v58;
	v24 =	vmul.f32 v35, v49;
	v43 =	vld.idx.msk [tilespmem:v15+s28+$0x0], $0xffff  }
0x18e: {  	[tilespmem:$0x1FAB0] =	vst v28;
	v28 =	vmul.f32 v46, v32;
	v4 =	vmul.f32 v4, v54;
	v33 =	vadd.f32 v33, v53;
	v53 =	vld [tilespmem:$0x1FB40]  }
0x18f: {  	v27 =	vmul.f32 v9, v54;
	v9 =	vmul.f32 v20, v54;
	[tilespmem:$0x1FB50] =	vst v24;
	v24 =	vld.idx.msk [tilespmem:v52+s28+$0x0], $0xffff  }
0x190: {  	v17 =	vadd.f32 v4, v17;
	v4 =	vlaneseq.u32;
	v25 =	vadd.f32 v26, v25;
	v52 =	vld [tilespmem:$0x1FDE0]  }
0x191: {  	v23 =	vmul.f32 v29, v54;
	v15 =	vadd.f32 v9, v30;
	v9 =	vadd.s32 s1, v4;
	v46 =	vld.idx.msk [tilespmem:v10+s28+$0x0], $0xffff  }
0x192: {  	v8 =	vadd.f32 v8, v2;
	v9 =	vand.u32 $0x3F, v9;
	v10 =	vadd.f32 v28, v25;
	v28 =	vld.idx.msk [tilespmem:v50+s28+$0x0], $0xffff  }
0x193: {  	v2 =	vadd.f32 v23, v61;
	v23 =	vor.u32 v55, v9;
	v25 =	vmul.f32 v11, v32;
	v11 =	vld [tilespmem:$0x1FE20]  }
0x194: {  	v39 =	vor.u32 v57, v9;
	v19 =	vadd.f32 v19, v33;
	v57 =	vadd.f32 v12, v6;
	v12 =	vld [tilespmem:$0x1FC20]  }
0x195: {  	v20 =	vor.u32 v45, v9;
	v6 =	vld [tilespmem:$0x1FA40];
	v36 =	vadd.f32 v36, v53  }
0x196: {  	v50 =	vld [tilespmem:$0x1FE30];
	[tilespmem:$0x1FB30] =	vst v19  }
0x197: {  	[tilespmem:$0x1FB70] =	vst v10;
	v10 =	vld [tilespmem:$0x1FE00];
	v19 =	vadd.f32 v37, v36  }
0x198: {  	v21 =	vmul.f32 v21, v54;
	v18 =	vmul.f32 v18, v54;
	v54 =	vld.idx.msk [tilespmem:v23+s24+$0x0], $0xffff  }
0x199: {  	v51 =	vor.u32 v16, v58;
	[tilespmem:$0x1FB40] =	vst v19;
	v19 =	vld.idx.msk [tilespmem:v42+s28+$0x0], $0xffff  }
0x19a: {  	v35 =	vld.idx.msk [tilespmem:v20+s28+$0x0], $0xffff  }
0x19b: {  	v61 =	vor.u32 v14, v9;
	v55 =	vadd.f32 v25, v15;
	v15 =	vmul.f32 v40, v49;
	v40 =	vld.idx.msk [tilespmem:v23+s25+$0x0], $0xffff  }
0x19c: {  	v22 =	vmul.f32 v22, v32;
	v23 =	vmul.f32 v48, v49;
	v48 =	vld [tilespmem:$0x1FE20]  }
0x19d: {  	v26 =	vor.u32 v11, v9;
	v11 =	vld [tilespmem:$0x1FE30]  }
0x19e: {  	v37 =	vld.idx.msk [tilespmem:v51+s28+$0x0], $0xffff;
	v4 =	vmul.f32 v19, v49;
	v19 =	vor.u32 v56, v9;
	v56 =	vadd.f32 v22, v8  }
0x19f: {  	v22 =	vmul.f32 v24, v49;
	v24 =	vor.u32 v16, v9;
	v16 =	vadd.f32 v18, v6;
	v6 =	vld [tilespmem:$0x1FA50]  }
0x1a0: {  	v51 =	vmul.f32 v13, v32;
	v32 =	vld.idx.msk [tilespmem:v61+s28+$0x0], $0xffff  }
0x1a1: {  	v61 =	vadd.f32 v3, v2;
	v2 =	vld [tilespmem:$0x1FA70]  }
0x1a2: {  	v53 =	vadd.f32 v51, v57;
	v51 =	vld [tilespmem:$0x1FE00]  }
0x1a3: {  	v8 =	vor.u32 v59, v9;
	v59 =	vld [tilespmem:$0x1FB90]  }
0x1a4: {  	v42 =	vor.u32 v11, v9;
	v11 =	vor.u32 v62, v9;
	v62 =	vld [tilespmem:$0x1FC00]  }
0x1a5: {  	v18 =	vld [tilespmem:$0x1FC10]  }
0x1a6: {  	v47 =	vor.u32 v44, v58;
	v31 =	vadd.f32 v27, v31;
	v13 =	vld.idx.msk [tilespmem:v19+s28+$0x0], $0xffff  }
0x1a7: {  	v41 =	vor.u32 v63, v9;
	v45 =	vor.u32 v14, v58;
	v34 =	vmul.f32 v34, v49;
	v30 =	vld.idx.msk [tilespmem:v6+s28+$0x0], $0xffff  }
0x1a8: {  	p0 =	slt.u32 s19, $0x3E;
	v33 =	vor.u32 v52, v9;
	v19 =	vor.u32 v52, v58;
	v52 =	vor.u32 v59, v58;
	v6 =	vld [tilespmem:$0x1FA60]  }
.Ltmp1:
0x1a9: {  	v36 =	vor.u32 v60, v9;
	v3 =	vmov v38;
	v10 =	vor.u32 v10, v9;
	v27 =	vld.idx.msk [tilespmem:v8+s28+$0x0], $0xffff;
	(pc) =	sbr.rel @p0 .LBB2_5-.Ltmp1, $4  }
0x1aa: {  	v8 =	vld.idx.msk [tilespmem:v42+s28+$0x0], $0xffff;
	v42 =	vor.u32 v44, v9;
	v44 =	vor.u32 v12, v9;
	v12 =	vor.u32 v18, v9  }
0x1ab: {  	v38 =	vmul.f32 v13, v54;
	v13 =	vor.u32 v18, v58;
	v18 =	vmul.f32 v43, v49;
	v43 =	vld.idx.msk [tilespmem:v47+s28+$0x0], $0xffff  }
0x1ac: {  	v7 =	vadd.f32 v2, v7;
	v20 =	vor.u32 v62, v9;
	v25 =	vor.u32 v62, v58;
	v47 =	vld [tilespmem:$0x1FC20]  }
0x1ad: {  	s19 =	sadd.s32 $0x2, s19;
	v29 =	vor.u32 v59, v9;
	v14 =	vadd.f32 v21, v6;
	v6 =	vld.idx.msk [tilespmem:v52+s28+$0x0], $0xffff;
	v21 =	vmul.f32 v46, v49  }
0x1ae: {  	_ =	sdelay $0x3  }
0x1af: {  	v45 =	vld.idx.msk [tilespmem:v45+s28+$0x0], $0xffff  }
0x1b0: {  	v19 =	vld.idx.msk [tilespmem:v19+s28+$0x0], $0xffff  }
0x1b1: {  	v44 =	vld.idx.msk [tilespmem:v44+s28+$0x0], $0xffff  }
0x1b2: {  	v41 =	vld.idx.msk [tilespmem:v41+s28+$0x0], $0xffff  }
0x1b3: {  	v33 =	vld.idx.msk [tilespmem:v33+s28+$0x0], $0xffff  }
0x1b4: {  	v42 =	vld.idx.msk [tilespmem:v42+s28+$0x0], $0xffff  }
0x1b5: {  	v39 =	vld.idx.msk [tilespmem:v39+s28+$0x0], $0xffff  }
0x1b6: {  	v60 =	vld [tilespmem:$0x1FFF0]  }
0x1b7: {  	v26 =	vld.idx.msk [tilespmem:v26+s28+$0x0], $0xffff  }
0x1b8: {  	v36 =	vld.idx.msk [tilespmem:v36+s28+$0x0], $0xffff  }
0x1b9: {  	v51 =	vld [tilespmem:$0x1FFE0]  }
0x1ba: {  	v29 =	vld.idx.msk [tilespmem:v29+s28+$0x0], $0xffff  }
0x1bb: {  	v62 =	vld [tilespmem:$0x1FAC0]  }
0x1bc: {  	v63 =	vld [tilespmem:$0x1FA80]  }
0x1bd: {  	v10 =	vld.idx.msk [tilespmem:v10+s28+$0x0], $0xffff  }
0x1be: {  	v57 =	vld [tilespmem:$0x1FA90]  }
0x1bf: {  	v59 =	vld [tilespmem:$0x1FAB0]  }
0x1c0: {  	v11 =	vld.idx.msk [tilespmem:v11+s28+$0x0], $0xffff  }
0x1c1: {  	v20 =	vld.idx.msk [tilespmem:v20+s28+$0x0], $0xffff  }
0x1c2: {  	v24 =	vld.idx.msk [tilespmem:v24+s28+$0x0], $0xffff  }
0x1c3: {  	v25 =	vld.idx.msk [tilespmem:v25+s28+$0x0], $0xffff  }
0x1c4: {  	v46 =	vor.u32 v50, v58;
	v52 =	vld [tilespmem:$0x1FB30]  }
0x1c5: {  	v48 =	vor.u32 v48, v58;
	v12 =	vld.idx.msk [tilespmem:v12+s28+$0x0], $0xffff  }
0x1c6: {  	v2 =	vld [tilespmem:$0x1FB50]  }
0x1c7: {  	v13 =	vld.idx.msk [tilespmem:v13+s28+$0x0], $0xffff  }
0x1c8: {  	v47 =	vor.u32 v47, v58;
	v58 =	vld [tilespmem:$0x1FAA0]  }
0x1c9: {  	v46 =	vld.idx.msk [tilespmem:v46+s28+$0x0], $0xffff  }
0x1ca: {  	v48 =	vld.idx.msk [tilespmem:v48+s28+$0x0], $0xffff;
	v50 =	vor.u32 v60, v9;
	v9 =	vor.u32 v51, v9  }
0x1cb: {  	v5 =	vadd.f32 v59, v5;
	v60 =	vld [tilespmem:$0x1FAD0];
	v33 =	vmul.f32 v33, v54;
	v10 =	vmul.f32 v10, v54  }
0x1cc: {  	v32 =	vmul.f32 v32, v54;
	v16 =	vadd.f32 v62, v16;
	v62 =	vmul.f32 v45, v49;
	v45 =	vld [tilespmem:$0x1FAF0]  }
0x1cd: {  	v19 =	vmul.f32 v19, v49;
	v33 =	vadd.f32 v33, v52;
	v5 =	vadd.f32 v10, v5;
	v10 =	vld [tilespmem:$0x1FB20]  }
0x1ce: {  	v40 =	vmul.f32 v40, v54;
	v8 =	vmul.f32 v8, v54;
	v47 =	vld.idx.msk [tilespmem:v47+s28+$0x0], $0xffff  }
0x1cf: {  	v37 =	vmul.f32 v37, v49;
	v3 =	vadd.f32 v32, v3;
	v19 =	vadd.f32 v19, v33;
	v50 =	vld.idx.msk [tilespmem:v50+s28+$0x0], $0xffff  }
0x1d0: {  	v28 =	vmul.f32 v28, v49;
	v8 =	vadd.f32 v8, v56;
	v14 =	vadd.f32 v63, v14;
	v9 =	vld.idx.msk [tilespmem:v9+s28+$0x0], $0xffff  }
0x1d1: {  	v35 =	vmul.f32 v35, v54;
	v31 =	vadd.f32 v57, v31;
	v40 =	vadd.f32 v40, v60;
	[tilespmem:$0x165D0] =	vst v19;
	v19 =	vld [tilespmem:$0x1FB70]  }
0x1d2: {  	v63 =	vld [tilespmem:$0x1FAE0];
	v39 =	vmul.f32 v39, v54;
	v3 =	vadd.f32 v62, v3;
	v17 =	vadd.f32 v58, v17  }
0x1d3: {  	v27 =	vmul.f32 v27, v54;
	v38 =	vadd.f32 v38, v45;
	v1 =	vadd.f32 v1, v40  }
0x1d4: {  	v26 =	vmul.f32 v26, v54;
	v5 =	vadd.f32 v23, v5;
	v10 =	vadd.f32 v39, v10  }
0x1d5: {  	v38 =	vadd.f32 v2, v38;
	[tilespmem:$0x16590] =	vst v1;
	v1 =	vmul.f32 v48, v49;
	v9 =	vmul.f32 v9, v54  }
0x1d6: {  	v58 =	vld [tilespmem:$0x1FB10];
	[tilespmem:$0x16730] =	vst v3;
	v10 =	vadd.f32 v18, v10;
	v18 =	vmul.f32 v50, v54;
	v19 =	vadd.f32 v26, v19  }
0x1d7: {  	v35 =	vadd.f32 v35, v63;
	v57 =	vmul.f32 v46, v49;
	[tilespmem:$0x16630] =	vst v5;
	v9 =	vadd.f32 v9, v14  }
0x1d8: {  	v5 =	vmul.f32 v11, v54;
	[tilespmem:$0x165B0] =	vst v38;
	v11 =	vadd.f32 v18, v31;
	v1 =	vadd.f32 v1, v19  }
0x1d9: {  	v8 =	vadd.f32 v57, v8;
	[tilespmem:$0x16650] =	vst v10;
	v14 =	vmul.f32 v36, v54;
	v4 =	vadd.f32 v4, v9  }
0x1da: {  	v43 =	vmul.f32 v43, v49;
	[tilespmem:$0x16670] =	vst v1;
	v1 =	vadd.f32 v5, v7;
	v7 =	vadd.f32 v22, v11  }
0x1db: {  	v51 =	vmul.f32 v42, v54;
	v27 =	vadd.f32 v27, v58;
	v10 =	vadd.f32 v14, v17;
	[tilespmem:$0x16690] =	vst v4;
	v4 =	vld [tilespmem:$0x1FB00]  }
0x1dc: {  	v34 =	vadd.f32 v34, v35;
	v5 =	vmul.f32 v24, v54;
	[tilespmem:$0x166D0] =	vst v7;
	v7 =	vmul.f32 v44, v54  }
0x1dd: {  	[tilespmem:$0x166B0] =	vst v8;
	v8 =	vmul.f32 v20, v54;
	v21 =	vadd.f32 v21, v27;
	v10 =	vadd.f32 v15, v10  }
0x1de: {  	v3 =	vmul.f32 v12, v54;
	[tilespmem:$0x165F0] =	vst v34;
	v5 =	vadd.f32 v5, v16;
	v0 =	vadd.f32 v7, v0;
	v7 =	vld [tilespmem:$0x1FB40]  }
0x1df: {  	v8 =	vadd.f32 v8, v55;
	[tilespmem:$0x16610] =	vst v21;
	v11 =	vmul.f32 v47, v49;
	v1 =	vadd.f32 v28, v1  }
0x1e0: {  	v14 =	vmul.f32 v29, v54;
	[tilespmem:$0x166F0] =	vst v10;
	v5 =	vadd.f32 v37, v5;
	v4 =	vadd.f32 v51, v4  }
0x1e1: {  	v9 =	vmul.f32 v41, v54;
	v10 =	vmul.f32 v25, v49;
	[tilespmem:$0x16710] =	vst v1;
	v0 =	vadd.f32 v11, v0  }
0x1e2: {  	v2 =	vadd.f32 v14, v61;
	[tilespmem:$0x16750] =	vst v5;
	v1 =	vadd.f32 v43, v4;
	v4 =	vmul.f32 v6, v49  }
0x1e3: {  	v5 =	vmul.f32 v30, v49;
	v6 =	vadd.f32 v10, v8;
	[tilespmem:$0x167D0] =	vst v0;
	v7 =	vadd.f32 v9, v7  }
0x1e4: {  	v3 =	vadd.f32 v3, v53;
	v2 =	vadd.f32 v4, v2;
	[tilespmem:$0x16770] =	vst v1;
	v1 =	vmul.f32 v13, v49  }
0x1e5: {  	s23 =	sshll.u32 s16, $0x6;
	p0 =	seq.s32 s16, $0x7;
	s1 =	rddreg [dreg:$0xd];
	[tilespmem:$0x16790] =	vst v6;
	v4 =	vadd.f32 v5, v7  }
0x1e6: {  	s1 =	sadd.s32 @!p0 s23, s1;
	[tilespmem:$0x167B0] =	vst v2;
	v1 =	vadd.f32 v1, v3  }
0x1e7: {  	s3 =	rddreg [dreg:$0x0];
	s2 =	sshrl.u32 @!p0 s1, $0x3;
	[tilespmem:$0x167F0] =	vst v4  }
0x1e8: {  	s4 =	simm.s32 @!p0 $0x0;
	s19 =	sadd.s32 @!p0 s3, s2;
	[tilespmem:$0x16810] =	vst v1  }
0x1e9: {  	[tilespmem:s4], [sflag:$0x7] =	stream.linear.gather @!p0 [hbm4b:s19+s4], $0x20, $0x38;
	[tilespmem:$0x16820] =	vst v63  }
0x1ea: {  	s19 =	simm.s32 @!p0 $0x7  }
0x1eb: {  	_ =	swait.ge @!p0 [sflag:s19], $0x20  }
0x1ec: {  	[sflag:s19] =	ssyncset.done @!p0 $0x0  }
0x1ed: {  	[sflag:s19] =	ssyncadd.s32 @!p0 $0xFFFFFFE0  }
0x1ee: {  	s3 =	rddreg [dreg:$0x1]  }
0x1ef: {  	s2 =	sadd.s32 @!p0 s3, s2;
	s3 =	simm.s32 @!p0 $0x40  }
0x1f0: {  	[tilespmem:s3], [sflag:$0x7] =	stream.linear.gather @!p0 [hbm4b:s2+s4], $0x20, $0x38;
	[tilespmem:$0x16820] =	vst v63  }
0x1f1: {  	_ =	swait.ge @!p0 [sflag:s19], $0x20  }
0x1f2: {  	s1 =	smul.u32 @!p0 $0x14, s1;
	[sflag:s19] =	ssyncset.done @!p0 $0x0  }
0x1f3: {  	[sflag:s19] =	ssyncadd.s32 @!p0 $0xFFFFFFE0  }
0x1f4: {  	s1 =	sshrl.u32 @!p0 s1, $0x3;
	s2 =	rddreg [dreg:$0x2]  }
0x1f5: {  	s1 =	sadd.s32 @!p0 s2, s1;
	s2 =	simm.s32 @!p0 $0x80  }
0x1f6: {  	[tilespmem:s2], [sflag:$0x7] =	stream.linear.gather @!p0 [hbm4b:s1+s4], $0x280, $0x38;
	[tilespmem:$0x16820] =	vst v63  }
0x1f7: {  	_ =	swait.ge @!p0 [sflag:s19], $0x280  }
0x1f8: {  	[sflag:s19] =	ssyncset.done @!p0 $0x0  }
0x1f9: {  	s1 =	simm.s32 @!p0 $0x20;
	[sflag:s19] =	ssyncadd.s32 @!p0 $0xFFFFFD80;
	s19 =	simm.s32 @!p0 $0x580  }
0x1fa: {  	[tilespmem:s19], [sflag:$0x1] =	stream.indirect.gather @!p0 [hbm4b:s7+s1], $0x40, s4, s1, $0xb8;
	[tilespmem:$0x16820] =	vst v63  }
0x1fb: {  	s4 =	simm.s32 @!p0 $0x1580  }
0x1fc: {  	[tilespmem:s4], [sflag:$0x3] =	stream.indirect.gather @!p0 [hbm4b:s8+s1], $0x40, s3, s1, $0xb8;
	[tilespmem:$0x16820] =	vst v63  }
0x1fd: {  	s1 =	simm.s32 @!p0 $0x280;
	s3 =	simm.s32 @!p0 $0x2580  }
0x1fe: {  	[tilespmem:s3], [sflag:$0x5] =	stream.indirect.gather @!p0 [hbm4b:s8+s1], $0x40, s2, s1, $0xb8;
	[tilespmem:$0x16820] =	vst v63  }
0x1ff: {  	s2 =	rddreg [dreg:$0x6]  }
0x200: {  	s1 =	sor.u32 s2, s23  }
0x201: {  	s3 =	rddreg [dreg:$0x4];
	s19 =	sshrl.u32 s1, $0x3  }
0x202: {  	s10 =	simm.s32 $0x16580;
	s1 =	simm.s32 $0x0;
	s4 =	sadd.s32 s3, s19  }
0x203: {  	[hbm4b:s4+s1] =	stream.linear.scatter [tilespmem:s10], [sflag:$0x7], $0x20, $0x38;
	[tilespmem:$0x16820] =	vst v63  }
0x204: {  	_ =	swait.ge [sflag:s20], $0x20  }
0x205: {  	[sflag:s20] =	ssyncset.done $0x0  }
0x206: {  	s4 =	sadd.s32 s9, s19;
	s10 =	simm.s32 $0x165A0;
	[sflag:s20] =	ssyncadd.s32 $0xFFFFFFE0  }
0x207: {  	[hbm4b:s4+s1] =	stream.linear.scatter [tilespmem:s10], [sflag:$0x7], $0x20, $0x38;
	[tilespmem:$0x16820] =	vst v63  }
0x208: {  	_ =	swait.ge [sflag:s20], $0x20  }
0x209: {  	s4 =	sor.u32 $0x800, s19;
	[sflag:s20] =	ssyncset.done $0x0  }
0x20a: {  	s10 =	simm.s32 $0x165C0;
	s2 =	sadd.s32 s9, s4;
	[sflag:s20] =	ssyncadd.s32 $0xFFFFFFE0  }
0x20b: {  	[hbm4b:s2+s1] =	stream.linear.scatter [tilespmem:s10], [sflag:$0x7], $0x20, $0x38;
	[tilespmem:$0x16820] =	vst v63  }
0x20c: {  	_ =	swait.ge [sflag:s20], $0x20  }
0x20d: {  	s4 =	sor.u32 $0x1000, s19;
	[sflag:s20] =	ssyncset.done $0x0  }
0x20e: {  	s2 =	sadd.s32 s9, s4;
	s10 =	simm.s32 $0x165E0;
	[sflag:s20] =	ssyncadd.s32 $0xFFFFFFE0  }
0x20f: {  	[hbm4b:s2+s1] =	stream.linear.scatter [tilespmem:s10], [sflag:$0x7], $0x20, $0x38;
	[tilespmem:$0x16820] =	vst v63  }
0x210: {  	_ =	swait.ge [sflag:s20], $0x20  }
0x211: {  	s4 =	sor.u32 $0x1800, s19;
	[sflag:s20] =	ssyncset.done $0x0  }
0x212: {  	s2 =	sadd.s32 s9, s4;
	s10 =	simm.s32 $0x16600;
	[sflag:s20] =	ssyncadd.s32 $0xFFFFFFE0  }
0x213: {  	[hbm4b:s2+s1] =	stream.linear.scatter [tilespmem:s10], [sflag:$0x7], $0x20, $0x38;
	[tilespmem:$0x16820] =	vst v63  }
0x214: {  	_ =	swait.ge [sflag:s20], $0x20  }
0x215: {  	s4 =	sor.u32 $0x2000, s19;
	[sflag:s20] =	ssyncset.done $0x0  }
0x216: {  	s2 =	sadd.s32 s9, s4;
	s10 =	simm.s32 $0x16620;
	[sflag:s20] =	ssyncadd.s32 $0xFFFFFFE0  }
0x217: {  	[hbm4b:s2+s1] =	stream.linear.scatter [tilespmem:s10], [sflag:$0x7], $0x20, $0x38;
	[tilespmem:$0x16820] =	vst v63  }
0x218: {  	_ =	swait.ge [sflag:s20], $0x20  }
0x219: {  	s4 =	sor.u32 $0x2800, s19;
	[sflag:s20] =	ssyncset.done $0x0  }
0x21a: {  	s2 =	sadd.s32 s9, s4;
	s10 =	simm.s32 $0x16640;
	[sflag:s20] =	ssyncadd.s32 $0xFFFFFFE0  }
0x21b: {  	[hbm4b:s2+s1] =	stream.linear.scatter [tilespmem:s10], [sflag:$0x7], $0x20, $0x38;
	[tilespmem:$0x16820] =	vst v63  }
0x21c: {  	_ =	swait.ge [sflag:s20], $0x20  }
0x21d: {  	s4 =	sor.u32 $0x3000, s19;
	[sflag:s20] =	ssyncset.done $0x0  }
0x21e: {  	s2 =	sadd.s32 s9, s4;
	s10 =	simm.s32 $0x16660;
	[sflag:s20] =	ssyncadd.s32 $0xFFFFFFE0  }
0x21f: {  	[hbm4b:s2+s1] =	stream.linear.scatter [tilespmem:s10], [sflag:$0x7], $0x20, $0x38;
	[tilespmem:$0x16820] =	vst v63  }
0x220: {  	_ =	swait.ge [sflag:s20], $0x20  }
0x221: {  	s4 =	sor.u32 $0x3800, s19;
	[sflag:s20] =	ssyncset.done $0x0  }
0x222: {  	s2 =	sadd.s32 s9, s4;
	s10 =	simm.s32 $0x16680;
	[sflag:s20] =	ssyncadd.s32 $0xFFFFFFE0  }
0x223: {  	[hbm4b:s2+s1] =	stream.linear.scatter [tilespmem:s10], [sflag:$0x7], $0x20, $0x38;
	[tilespmem:$0x16820] =	vst v63  }
0x224: {  	_ =	swait.ge [sflag:s20], $0x20  }
0x225: {  	s4 =	sor.u32 $0x4000, s19;
	[sflag:s20] =	ssyncset.done $0x0  }
0x226: {  	s2 =	sadd.s32 s9, s4;
	s10 =	simm.s32 $0x166A0;
	[sflag:s20] =	ssyncadd.s32 $0xFFFFFFE0  }
0x227: {  	[hbm4b:s2+s1] =	stream.linear.scatter [tilespmem:s10], [sflag:$0x7], $0x20, $0x38;
	[tilespmem:$0x16820] =	vst v63  }
0x228: {  	_ =	swait.ge [sflag:s20], $0x20  }
0x229: {  	s4 =	sor.u32 $0x4800, s19;
	[sflag:s20] =	ssyncset.done $0x0  }
0x22a: {  	s2 =	sadd.s32 s9, s4;
	s10 =	simm.s32 $0x166C0;
	[sflag:s20] =	ssyncadd.s32 $0xFFFFFFE0  }
0x22b: {  	[hbm4b:s2+s1] =	stream.linear.scatter [tilespmem:s10], [sflag:$0x7], $0x20, $0x38;
	[tilespmem:$0x16820] =	vst v63  }
0x22c: {  	_ =	swait.ge [sflag:s20], $0x20  }
0x22d: {  	s4 =	sor.u32 $0x5000, s19;
	[sflag:s20] =	ssyncset.done $0x0  }
0x22e: {  	s2 =	sadd.s32 s9, s4;
	s10 =	simm.s32 $0x166E0;
	[sflag:s20] =	ssyncadd.s32 $0xFFFFFFE0  }
0x22f: {  	[hbm4b:s2+s1] =	stream.linear.scatter [tilespmem:s10], [sflag:$0x7], $0x20, $0x38;
	[tilespmem:$0x16820] =	vst v63  }
0x230: {  	_ =	swait.ge [sflag:s20], $0x20  }
0x231: {  	s4 =	sor.u32 $0x5800, s19;
	[sflag:s20] =	ssyncset.done $0x0  }
0x232: {  	s2 =	sadd.s32 s9, s4;
	s10 =	simm.s32 $0x16700;
	[sflag:s20] =	ssyncadd.s32 $0xFFFFFFE0  }
0x233: {  	[hbm4b:s2+s1] =	stream.linear.scatter [tilespmem:s10], [sflag:$0x7], $0x20, $0x38;
	[tilespmem:$0x16820] =	vst v63  }
0x234: {  	_ =	swait.ge [sflag:s20], $0x20  }
0x235: {  	s4 =	sor.u32 $0x6000, s19;
	[sflag:s20] =	ssyncset.done $0x0  }
0x236: {  	s2 =	sadd.s32 s9, s4;
	s10 =	simm.s32 $0x16720;
	[sflag:s20] =	ssyncadd.s32 $0xFFFFFFE0  }
0x237: {  	[hbm4b:s2+s1] =	stream.linear.scatter [tilespmem:s10], [sflag:$0x7], $0x20, $0x38;
	[tilespmem:$0x16820] =	vst v63  }
0x238: {  	_ =	swait.ge [sflag:s20], $0x20  }
0x239: {  	s3 =	sor.u32 $0x6800, s19;
	[sflag:s20] =	ssyncset.done $0x0  }
0x23a: {  	s4 =	simm.s32 $0x16740;
	s2 =	sadd.s32 s9, s3;
	[sflag:s20] =	ssyncadd.s32 $0xFFFFFFE0  }
0x23b: {  	[hbm4b:s2+s1] =	stream.linear.scatter [tilespmem:s4], [sflag:$0x7], $0x20, $0x38;
	[tilespmem:$0x16820] =	vst v63  }
0x23c: {  	_ =	swait.ge [sflag:s20], $0x20  }
0x23d: {  	s10 =	sor.u32 $0x7000, s19;
	[sflag:s20] =	ssyncset.done $0x0  }
0x23e: {  	s2 =	sadd.s32 s9, s10;
	[sflag:s20] =	ssyncadd.s32 $0xFFFFFFE0  }
0x23f: {  	[hbm4b:s2+s1] =	stream.linear.scatter [tilespmem:s17], [sflag:$0x7], $0x20, $0x38;
	[tilespmem:$0x16820] =	vst v63  }
0x240: {  	_ =	swait.ge [sflag:s20], $0x20  }
0x241: {  	s3 =	sor.u32 $0x7800, s19;
	[sflag:s20] =	ssyncset.done $0x0  }
0x242: {  	s2 =	sadd.s32 s9, s3;
	[sflag:s20] =	ssyncadd.s32 $0xFFFFFFE0  }
0x243: {  	[hbm4b:s2+s1] =	stream.linear.scatter [tilespmem:s18], [sflag:$0x7], $0x20, $0x38;
	[tilespmem:$0x16820] =	vst v63  }
0x244: {  	_ =	swait.ge [sflag:s20], $0x20  }
0x245: {  	s4 =	sor.u32 $0x8000, s19;
	[sflag:s20] =	ssyncset.done $0x0  }
0x246: {  	s2 =	sadd.s32 s9, s4;
	[sflag:s20] =	ssyncadd.s32 $0xFFFFFFE0  }
0x247: {  	[hbm4b:s2+s1] =	stream.linear.scatter [tilespmem:s29], [sflag:$0x7], $0x20, $0x38;
	[tilespmem:$0x16820] =	vst v63  }
0x248: {  	_ =	swait.ge [sflag:s20], $0x20  }
0x249: {  	s10 =	sor.u32 $0x8800, s19;
	[sflag:s20] =	ssyncset.done $0x0  }
0x24a: {  	s2 =	sadd.s32 s9, s10;
	[sflag:s20] =	ssyncadd.s32 $0xFFFFFFE0  }
0x24b: {  	[hbm4b:s2+s1] =	stream.linear.scatter [tilespmem:s30], [sflag:$0x7], $0x20, $0x38;
	[tilespmem:$0x16820] =	vst v63  }
0x24c: {  	_ =	swait.ge [sflag:s20], $0x20  }
0x24d: {  	s3 =	sor.u32 $0x9000, s19;
	[sflag:s20] =	ssyncset.done $0x0  }
0x24e: {  	s2 =	sadd.s32 s9, s3;
	[sflag:s20] =	ssyncadd.s32 $0xFFFFFFE0  }
0x24f: {  	[hbm4b:s2+s1] =	stream.linear.scatter [tilespmem:s11], [sflag:$0x7], $0x20, $0x38;
	[tilespmem:$0x16820] =	vst v63  }
0x250: {  	_ =	swait.ge [sflag:s20], $0x20  }
0x251: {  	s4 =	sor.u32 $0x9800, s19;
	[sflag:s20] =	ssyncset.done $0x0  }
0x252: {  	s2 =	sadd.s32 s9, s4;
	[sflag:s20] =	ssyncadd.s32 $0xFFFFFFE0  }
0x253: {  	[hbm4b:s2+s1] =	stream.linear.scatter [tilespmem:s12], [sflag:$0x7], $0x20, $0x38;
	[tilespmem:$0x16820] =	vst v63  }
0x254: {  	_ =	swait.ge [sflag:s20], $0x20  }
0x255: {  	[sflag:s20] =	ssyncset.done $0x0  }
0x256: {  	[sflag:s20] =	ssyncadd.s32 $0xFFFFFFE0  }
0x257: {  	_ =	swait.ge [sflag:s13], $0x800  }
0x258: {  	[sflag:s13] =	ssyncset.done $0x0  }
0x259: {  	[sflag:s13] =	ssyncadd.s32 $0xFFFFF800  }
0x25a: {  	_ =	swait.ge [sflag:s14], $0x800  }
0x25b: {  	[sflag:s14] =	ssyncset.done $0x0  }
0x25c: {  	v18 =	vld [tilespmem:$0x1FE70];
	[sflag:s14] =	ssyncadd.s32 $0xFFFFF800  }
0x25d: {  	v2 =	vld [tilespmem:$0x1FEE0];
	_ =	swait.ge [sflag:s15], $0xA000  }
0x25e: {  	v31 =	vld [tilespmem:$0x1FFA0]  }
0x25f: {  	v25 =	vld [tilespmem:$0x1FF50]  }
0x260: {  	v21 =	vld [tilespmem:$0x1FE60]  }
0x261: {  	v29 =	vld [tilespmem:$0x1FF40]  }
0x262: {  	v40 =	vld [tilespmem:$0x1FF30]  }
0x263: {  	v28 =	vld [tilespmem:$0x1FF10]  }
0x264: {  	v23 =	vld [tilespmem:$0x1FE90]  }
0x265: {  	v24 =	vld [tilespmem:$0x1FEA0]  }
0x266: {  	v59 =	vld [tilespmem:$0x1FF20]  }
0x267: {  	v13 =	vlaneseq.u32;
	s10 =	simm.s32 $0x1;
	v60 =	vld [tilespmem:$0x1FF80]  }
0x268: {  	v0 =	vadd.s32 s10, v13;
	v13 =	vadd.s32 s1, v13;
	v61 =	vld [tilespmem:$0x1FF60]  }
0x269: {  	v17 =	vand.u32 $0x3F, v13;
	v13 =	vld [tilespmem:$0x1FEF0]  }
0x26a: {  	v0 =	vand.u32 $0x3F, v0;
	v62 =	vld [tilespmem:$0x1FED0]  }
0x26b: {  	v26 =	vld [tilespmem:$0x1FE80];
	v1 =	vor.u32 v18, v0  }
0x26c: {  	v42 =	vld [tilespmem:$0x1FF90];
	v2 =	vor.u32 v2, v0  }
0x26d: {  	v63 =	vld [tilespmem:$0x1FEC0];
	v27 =	vor.u32 v18, v17  }
0x26e: {  	[sflag:s15] =	ssyncset.done $0x0;
	v46 =	vld [tilespmem:$0x1FEB0];
	v3 =	vor.u32 v31, v0  }
0x26f: {  	[sflag:s15] =	ssyncadd.s32 $0xFFFF6000;
	v18 =	vld [tilespmem:$0x1FF70];
	v4 =	vor.u32 v25, v0  }
0x270: {  	v5 =	vor.u32 v21, v0;
	v43 =	vld.idx.msk [tilespmem:v1+s31+$0x0], $0xffff  }
0x271: {  	v2 =	vld.idx.msk [tilespmem:v2+s5+$0x0], $0xffff  }
0x272: {  	v6 =	vor.u32 v29, v0;
	v44 =	vld.idx.msk [tilespmem:v27+s31+$0x0], $0xffff  }
0x273: {  	v7 =	vor.u32 v40, v0;
	v3 =	vld.idx.msk [tilespmem:v3+s5+$0x0], $0xffff  }
0x274: {  	v8 =	vor.u32 v28, v0;
	v4 =	vld.idx.msk [tilespmem:v4+s5+$0x0], $0xffff  }
0x275: {  	v9 =	vor.u32 v23, v0;
	v11 =	vld.idx.msk [tilespmem:v5+s5+$0x0], $0xffff  }
0x276: {  	v56 =	vimm.f32 $0.0e+00;
	v30 =	vor.u32 v42, v0;
	v5 =	vld [tilespmem:$0x1FF00]  }
0x277: {  	v52 =	vimm.f32 $0.0e+00;
	v53 =	vimm.f32 $0.0e+00;
	v16 =	vor.u32 v60, v0;
	v6 =	vld.idx.msk [tilespmem:v6+s5+$0x0], $0xffff  }
0x278: {  	v58 =	vimm.f32 $0.0e+00;
	v47 =	vimm.f32 $0.0e+00;
	v14 =	vor.u32 v61, v0;
	v15 =	vld.idx.msk [tilespmem:v7+s5+$0x0], $0xffff  }
0x279: {  	v12 =	vor.u32 v24, v0;
	v10 =	vor.u32 v59, v0;
	v20 =	vld.idx.msk [tilespmem:v8+s5+$0x0], $0xffff;
	v8 =	vor.u32 v21, v17  }
0x27a: {  	v35 =	vor.u32 v13, v0;
	v22 =	vor.u32 v26, v0;
	v32 =	vor.u32 v24, v17;
	v9 =	vld.idx.msk [tilespmem:v9+s5+$0x0], $0xffff  }
0x27b: {  	v24 =	vor.u32 v46, v17;
	v13 =	vor.u32 v13, v17;
	v7 =	vor.u32 v62, v0;
	v36 =	vld.idx.msk [tilespmem:v30+s5+$0x0], $0xffff  }
0x27c: {  	v34 =	vor.u32 v59, v17;
	v37 =	vor.u32 v28, v17;
	v19 =	vor.u32 v18, v0;
	v30 =	vld.idx.msk [tilespmem:v16+s5+$0x0], $0xffff  }
0x27d: {  	v49 =	vmul.f32 v2, v43;
	v48 =	vmul.f32 v3, v43;
	v3 =	vor.u32 v26, v17;
	v26 =	vld.idx.msk [tilespmem:v14+s5+$0x0], $0xffff  }
0x27e: {  	v2 =	vor.u32 v63, v0;
	v5 =	vor.u32 v5, v0;
	v0 =	vor.u32 v46, v0;
	v33 =	vld.idx.msk [tilespmem:v8+s5+$0x0], $0xffff  }
0x27f: {  	v54 =	vimm.f32 $0.0e+00;
	v28 =	vor.u32 v60, v17;
	v39 =	vor.u32 v63, v17;
	[tilespmem:$0x1F9A0] =	vst v0;
	v0 =	vld.idx.msk [tilespmem:v10+s5+$0x0], $0xffff  }
0x280: {  	v25 =	vor.u32 v25, v17;
	v50 =	vor.u32 v61, v17;
	v8 =	vmul.f32 v6, v43;
	v6 =	vld.idx.msk [tilespmem:v7+s5+$0x0], $0xffff  }
0x281: {  	v59 =	vimm.f32 $0.0e+00;
	v18 =	vor.u32 v18, v17;
	v57 =	vmul.f32 v9, v43;
	v9 =	vld.idx.msk [tilespmem:v19+s5+$0x0], $0xffff  }
0x282: {  	v21 =	vor.u32 v23, v17;
	v23 =	vor.u32 v62, v17;
	v46 =	vor.u32 v29, v17;
	v29 =	vld.idx.msk [tilespmem:v1+s0+$0x0], $0xffff  }
0x283: {  	v62 =	vimm.f32 $0.0e+00;
	v14 =	vor.u32 v31, v17;
	v61 =	vmul.f32 v15, v43;
	v5 =	vld.idx.msk [tilespmem:v5+s5+$0x0], $0xffff  }
0x284: {  	v31 =	vor.u32 v42, v17;
	v42 =	vld.idx.msk [tilespmem:v35+s5+$0x0], $0xffff;
	v60 =	vmul.f32 v0, v43;
	v0 =	vimm.f32 $0.0e+00  }
0x285: {  	v15 =	vor.u32 v40, v17;
	v41 =	vmul.f32 v11, v43;
	v38 =	vld.idx.msk [tilespmem:v2+s5+$0x0], $0xffff;
	[tilespmem:$0x1F9C0] =	vst v0;
	v0 =	vimm.f32 $0.0e+00  }
0x286: {  	v1 =	vimm.f32 $0.0e+00;
	v11 =	vimm.f32 $0.0e+00;
	v35 =	vld.idx.msk [tilespmem:v50+s5+$0x0], $0xffff;
	[tilespmem:$0x1F9D0] =	vst v0;
	v0 =	vimm.f32 $0.0e+00  }
0x287: {  	v50 =	vimm.f32 $0.0e+00;
	v10 =	vmul.f32 v20, v43;
	v20 =	vld.idx.msk [tilespmem:v22+s5+$0x0], $0xffff;
	[tilespmem:$0x1F9E0] =	vst v0;
	v0 =	vimm.f32 $0.0e+00  }
0x288: {  	v22 =	vmul.f32 v4, v43;
	v40 =	vld.idx.msk [tilespmem:v3+s5+$0x0], $0xffff;
	v5 =	vmul.f32 v5, v43;
	[tilespmem:$0x1F9F0] =	vst v0;
	v0 =	vimm.f32 $0.0e+00  }
0x289: {  	v4 =	vimm.f32 $0.0e+00;
	v7 =	vmul.f32 v26, v43;
	v26 =	vmul.f32 v33, v44;
	v16 =	vld.idx.msk [tilespmem:v46+s5+$0x0], $0xffff;
	[tilespmem:$0x1FA00] =	vst v0  }
0x28a: {  	v33 =	vimm.f32 $0.0e+00;
	v2 =	vmul.f32 v38, v43;
	v38 =	vld.idx.msk [tilespmem:v27+s0+$0x0], $0xffff;
	v0 =	vimm.f32 $0.0e+00;
	[tilespmem:$0x1F9B0] =	vst v5  }
0x28b: {  	s1 =	simm.s32 $0x2;
	v46 =	vimm.f32 $0.0e+00;
	v27 =	vld.idx.msk [tilespmem:v12+s5+$0x0], $0xffff;
	v12 =	vimm.f32 $0.0e+00;
	v5 =	vmul.f32 v6, v43;
	[tilespmem:$0x1FA10] =	vst v0  }
.LBB2_7:
0x28c: {  	_ =	sdelay $0x2  }
0x28d: {  	v45 =	vld.idx.msk [tilespmem:v31+s5+$0x0], $0xffff  }
0x28e: {  	v55 =	vld.idx.msk [tilespmem:v37+s5+$0x0], $0xffff  }
0x28f: {  	v39 =	vld.idx.msk [tilespmem:v39+s5+$0x0], $0xffff  }
0x290: {  	[tilespmem:$0x1F8B0] =	vst v57;
	v3 =	vmov v49;
	v32 =	vld.idx.msk [tilespmem:v32+s5+$0x0], $0xffff  }
0x291: {  	v37 =	vmov v54;
	v54 =	vld [tilespmem:$0x1FF00];
	[tilespmem:$0x1F960] =	vst v3;
	v3 =	vmul.f32 v9, v43  }
0x292: {  	[tilespmem:$0x1F8C0] =	vst v59;
	v59 =	vld [tilespmem:$0x1FEA0]  }
0x293: {  	s2 =	smov.u32 s1;
	v0 =	vmov v22;
	[tilespmem:$0x1F880] =	vst v3;
	v3 =	vmul.f32 v42, v43;
	v42 =	vmov v61;
	v61 =	vld [tilespmem:$0x1FF80]  }
0x294: {  	v57 =	vld [tilespmem:$0x1FF50];
	s3 =	sadd.s32 $0x1, s2;
	[tilespmem:$0x1F970] =	vst v0;
	v0 =	vlaneseq.u32  }
0x295: {  	v34 =	vld.idx.msk [tilespmem:v34+s5+$0x0], $0xffff;
	v19 =	vadd.s32 s3, v0  }
0x296: {  	v6 =	vmov v48;
	v21 =	vld.idx.msk [tilespmem:v21+s5+$0x0], $0xffff;
	v48 =	vadd.f32 v26, v47;
	v26 =	vand.u32 $0x3F, v19  }
0x297: {  	v24 =	vld.idx.msk [tilespmem:v24+s5+$0x0], $0xffff;
	[tilespmem:$0x1F910] =	vst v3;
	v3 =	vor.u32 v59, v26  }
0x298: {  	v0 =	vld [tilespmem:$0x1FEE0];
	[tilespmem:$0x1F900] =	vst v3;
	v3 =	vor.u32 v61, v26  }
0x299: {  	[tilespmem:$0x1F8E0] =	vst v3;
	v3 =	vld [tilespmem:$0x1FEF0]  }
0x29a: {  	v23 =	vld.idx.msk [tilespmem:v23+s5+$0x0], $0xffff  }
0x29b: {  	[tilespmem:$0x1F8D0] =	vst v53;
	v28 =	vld.idx.msk [tilespmem:v28+s5+$0x0], $0xffff;
	v40 =	vmul.f32 v40, v44;
	v39 =	vmul.f32 v39, v44  }
0x29c: {  	v18 =	vld.idx.msk [tilespmem:v18+s5+$0x0], $0xffff;
	[tilespmem:$0x1F890] =	vst v5  }
0x29d: {  	v53 =	vld [tilespmem:$0x1FE70];
	v5 =	vmovc v60;
	v20 =	vmul.f32 v20, v43;
	v40 =	vadd.f32 v40, v52;
	v33 =	vadd.f32 v39, v33  }
0x29e: {  	v19 =	vld.idx.msk [tilespmem:v15+s5+$0x0], $0xffff;
	v39 =	vmul.f32 v55, v44;
	v60 =	vor.u32 v0, v17;
	v9 =	vor.u32 v3, v26  }
0x29f: {  	v63 =	vld [tilespmem:$0x1FED0];
	[tilespmem:$0x1F940] =	vst v9;
	v9 =	vadd.f32 v41, v48;
	v41 =	vor.u32 v0, v26;
	v0 =	vadd.f32 v20, v40  }
0x2a0: {  	v25 =	vld.idx.msk [tilespmem:v25+s5+$0x0], $0xffff  }
0x2a1: {  	[tilespmem:$0x1F980] =	vst v0;
	v0 =	vadd.f32 v39, v62;
	v62 =	vld [tilespmem:$0x1F9C0]  }
0x2a2: {  	v31 =	vmov v2;
	v2 =	vld [tilespmem:$0x1FF70]  }
0x2a3: {  	v13 =	vld.idx.msk [tilespmem:v13+s5+$0x0], $0xffff;
	v45 =	vmul.f32 v45, v44  }
0x2a4: {  	[tilespmem:$0x1F8A0] =	vst v6;
	v6 =	vld [tilespmem:$0x1FE60];
	v19 =	vmul.f32 v19, v44  }
0x2a5: {  	[tilespmem:$0x1F930] =	vst v46;
	v46 =	vmul.f32 v16, v44;
	v45 =	vadd.f32 v45, v56;
	v56 =	vld [tilespmem:$0x1FFA0]  }
0x2a6: {  	v19 =	vadd.f32 v19, v62;
	v62 =	vld [tilespmem:$0x1F9D0]  }
0x2a7: {  	v22 =	vmul.f32 v27, v43;
	v1 =	vadd.f32 v46, v1;
	v15 =	vmov v58;
	v58 =	vld [tilespmem:$0x1FE90]  }
0x2a8: {  	v38 =	vmul.f32 v38, v44;
	v49 =	vor.u32 v53, v26;
	v16 =	vadd.f32 v10, v0;
	v0 =	vld [tilespmem:$0x1F9E0]  }
0x2a9: {  	v27 =	vadd.f32 v8, v1;
	v35 =	vmul.f32 v35, v44;
	v1 =	vld [tilespmem:$0x1FF10];
	v24 =	vmul.f32 v24, v44  }
0x2aa: {  	v29 =	vmul.f32 v29, v43;
	v52 =	vld [tilespmem:$0x1FE80];
	v4 =	vadd.f32 v38, v4;
	v46 =	vor.u32 v56, v26  }
0x2ab: {  	v34 =	vmul.f32 v34, v44;
	v11 =	vadd.f32 v24, v11;
	v24 =	vld [tilespmem:$0x1FEB0];
	v35 =	vadd.f32 v35, v62  }
0x2ac: {  	v4 =	vadd.f32 v29, v4;
	[tilespmem:$0x1F950] =	vst v9;
	v9 =	vld [tilespmem:$0x1F9A0]  }
0x2ad: {  	v8 =	vld.idx.msk [tilespmem:v49+s31+$0x0], $0xffff;
	v29 =	vadd.f32 v34, v0;
	v0 =	vadd.f32 v7, v35  }
0x2ae: {  	[tilespmem:$0x1F920] =	vst v4;
	v4 =	vld [tilespmem:$0x1FA00]  }
0x2af: {  	v40 =	vld.idx.msk [tilespmem:v46+s5+$0x0], $0xffff;
	[tilespmem:$0x1F9D0] =	vst v0;
	v0 =	vadd.f32 v42, v19  }
0x2b0: {  	v17 =	vor.u32 v54, v17;
	v10 =	vld.idx.msk [tilespmem:v60+s5+$0x0], $0xffff  }
0x2b1: {  	[tilespmem:$0x1F9C0] =	vst v0;
	v0 =	vld [tilespmem:$0x1F9F0]  }
0x2b2: {  	v55 =	vor.u32 v2, v26;
	v60 =	vld [tilespmem:$0x1FF60]  }
0x2b3: {  	v51 =	vor.u32 v63, v26;
	v34 =	vld [tilespmem:$0x1FF20]  }
0x2b4: {  	v28 =	vmul.f32 v28, v44;
	v39 =	vld.idx.msk [tilespmem:v9+s5+$0x0], $0xffff  }
0x2b5: {  	v7 =	vld.idx.msk [tilespmem:v17+s5+$0x0], $0xffff  }
0x2b6: {  	v32 =	vmul.f32 v32, v44;
	v17 =	vmul.f32 v18, v44;
	v18 =	vadd.f32 v28, v0;
	v0 =	vld [tilespmem:$0x1FF40]  }
0x2b7: {  	v9 =	vld.idx.msk [tilespmem:v55+s5+$0x0], $0xffff  }
0x2b8: {  	v21 =	vmul.f32 v21, v44;
	v28 =	vadd.f32 v32, v4;
	v4 =	vld.idx.msk [tilespmem:v51+s5+$0x0], $0xffff  }
0x2b9: {  	v30 =	vmul.f32 v30, v43;
	v47 =	vor.u32 v57, v26;
	v55 =	vld [tilespmem:$0x1FF30]  }
0x2ba: {  	v12 =	vadd.f32 v21, v12;
	v42 =	vmul.f32 v25, v44;
	v19 =	vld [tilespmem:$0x1FF90];
	v21 =	vadd.f32 v22, v28  }
0x2bb: {  	[tilespmem:$0x1F8F0] =	vst v50;
	v22 =	vmul.f32 v13, v44;
	v13 =	vadd.f32 v30, v18;
	v18 =	vld [tilespmem:$0x1FA10];
	v25 =	vor.u32 v0, v26  }
0x2bc: {  	v36 =	vmul.f32 v36, v43;
	v50 =	vor.u32 v6, v26;
	v51 =	vld [tilespmem:$0x1FEC0];
	[tilespmem:$0x1FA00] =	vst v21  }
0x2bd: {  	v38 =	vor.u32 v1, v26;
	v48 =	vor.u32 v58, v26;
	[tilespmem:$0x1F990] =	vst v4;
	v4 =	vadd.f32 v5, v29  }
0x2be: {  	v20 =	vor.u32 v52, v26;
	v62 =	vadd.f32 v36, v45;
	v45 =	vld.idx.msk [tilespmem:v47+s5+$0x0], $0xffff;
	[tilespmem:$0x1F9F0] =	vst v13  }
0x2bf: {  	v47 =	vor.u32 v19, v26;
	v28 =	vor.u32 v34, v26;
	v13 =	vor.u32 v55, v26;
	[tilespmem:$0x1F9E0] =	vst v4  }
0x2c0: {  	v4 =	vmul.f32 v40, v8;
	v17 =	vadd.f32 v17, v18;
	v18 =	vor.u32 v24, v26;
	v40 =	vld.idx.msk [tilespmem:v25+s5+$0x0], $0xffff  }
0x2c1: {  	v21 =	vor.u32 v51, v26;
	[tilespmem:$0x1F9A0] =	vst v18;
	v18 =	vor.u32 v54, v26;
	v25 =	vor.u32 v60, v26;
	v26 =	vld [tilespmem:$0x1F880];
	_ =	sdelay $0x2  }
0x2c2: {  	v41 =	vld.idx.msk [tilespmem:v41+s5+$0x0], $0xffff;
	_ =	sdelay $0x1  }
0x2c3: {  	v5 =	vmul.f32 v23, v44;
	v23 =	vlaneseq.u32;
	v17 =	vadd.f32 v26, v17  }
0x2c4: {  	v23 =	vadd.s32 s2, v23  }
0x2c5: {  	[tilespmem:$0x1FA10] =	vst v17;
	v17 =	vand.u32 $0x3F, v23  }
0x2c6: {  	v35 =	vmul.f32 v41, v8;
	v30 =	vmul.f32 v39, v43;
	v43 =	vmovc v8;
	v8 =	vor.u32 v6, v17;
	v6 =	vld [tilespmem:$0x1F890]  }
0x2c7: {  	v14 =	vld.idx.msk [tilespmem:v14+s5+$0x0], $0xffff;
	_ =	sdelay $0x1  }
0x2c8: {  	v5 =	vadd.f32 v5, v15  }
0x2c9: {  	v46 =	vld.idx.msk [tilespmem:v21+s5+$0x0], $0xffff  }
0x2ca: {  	v21 =	vor.u32 v58, v17;
	v58 =	vadd.f32 v6, v5;
	v6 =	vld [tilespmem:$0x1F8A0]  }
0x2cb: {  	v14 =	vmul.f32 v14, v44  }
0x2cc: {  	v36 =	vld.idx.msk [tilespmem:v47+s5+$0x0], $0xffff  }
0x2cd: {  	v47 =	vld.idx.msk [tilespmem:v13+s5+$0x0], $0xffff;
	v13 =	vadd.f32 v14, v37;
	_ =	sdelay $0x1  }
0x2ce: {  	v54 =	vadd.f32 v6, v13;
	v6 =	vld.idx.msk [tilespmem:v18+s5+$0x0], $0xffff  }
0x2cf: {  	v13 =	vor.u32 v3, v17;
	v3 =	vld [tilespmem:$0x1F8B0]  }
0x2d0: {  	v18 =	vor.u32 v2, v17;
	v2 =	vld [tilespmem:$0x1F8C0];
	_ =	sdelay $0x4  }
0x2d1: {  	v12 =	vadd.f32 v3, v12;
	v3 =	vadd.f32 v22, v2;
	v2 =	vld [tilespmem:$0x1F8D0];
	_ =	sdelay $0x2  }
0x2d2: {  	v7 =	vmul.f32 v7, v44;
	_ =	sdelay $0x1  }
0x2d3: {  	v2 =	vadd.f32 v7, v2;
	v7 =	vld [tilespmem:$0x1F9B0];
	_ =	sdelay $0x4  }
0x2d4: {  	v26 =	vor.u32 v53, v17;
	v53 =	vadd.f32 v7, v2;
	v2 =	vld [tilespmem:$0x1F8E0];
	_ =	sdelay $0x7  }
0x2d5: {  	v11 =	vadd.f32 v30, v11;
	v30 =	vld.idx.msk [tilespmem:v2+s5+$0x0], $0xffff  }
0x2d6: {  	v2 =	vld [tilespmem:$0x1F8F0];
	_ =	sdelay $0x2  }
0x2d7: {  	v10 =	vmul.f32 v10, v44;
	_ =	sdelay $0x1  }
0x2d8: {  	v15 =	vadd.f32 v10, v2;
	v2 =	vld [tilespmem:$0x1F900];
	_ =	sdelay $0x7  }
0x2d9: {  	v37 =	vor.u32 v1, v17;
	v1 =	vmov v27;
	v27 =	vld.idx.msk [tilespmem:v2+s5+$0x0], $0xffff  }
0x2da: {  	v2 =	vld [tilespmem:$0x1F910];
	_ =	sdelay $0x3  }
0x2db: {  	v5 =	vld.idx.msk [tilespmem:v48+s5+$0x0], $0xffff  }
0x2dc: {  	v32 =	vor.u32 v59, v17;
	v59 =	vadd.f32 v2, v3;
	v2 =	vld [tilespmem:$0x1F930];
	_ =	sdelay $0x3  }
0x2dd: {  	v22 =	vld.idx.msk [tilespmem:v25+s5+$0x0], $0xffff;
	v25 =	vor.u32 v57, v17  }
0x2de: {  	v57 =	vmul.f32 v5, v43;
	v5 =	vmul.f32 v6, v43;
	v6 =	vadd.f32 v42, v2;
	v2 =	vld [tilespmem:$0x1F940]  }
0x2df: {  	v0 =	vor.u32 v0, v17  }
0x2e0: {  	v20 =	vld.idx.msk [tilespmem:v20+s5+$0x0], $0xffff  }
0x2e1: {  	v41 =	vld.idx.msk [tilespmem:v50+s5+$0x0], $0xffff  }
0x2e2: {  	v50 =	vld.idx.msk [tilespmem:v38+s5+$0x0], $0xffff  }
0x2e3: {  	v29 =	vld.idx.msk [tilespmem:v49+s0+$0x0], $0xffff  }
0x2e4: {  	v14 =	vor.u32 v56, v17;
	v56 =	vmov v62;
	v62 =	vmov v16;
	v16 =	vld.idx.msk [tilespmem:v0+s5+$0x0], $0xffff  }
0x2e5: {  	v0 =	vld [tilespmem:$0x1F970]  }
0x2e6: {  	v42 =	vld.idx.msk [tilespmem:v2+s5+$0x0], $0xffff  }
0x2e7: {  	v2 =	vld [tilespmem:$0x1F960]  }
0x2e8: {  	v49 =	vor.u32 v52, v17;
	v48 =	vld.idx.msk [tilespmem:v28+s5+$0x0], $0xffff  }
0x2e9: {  	v44 =	vld.idx.msk [tilespmem:v26+s31+$0x0], $0xffff  }
0x2ea: {  	v39 =	vor.u32 v51, v17;
	v52 =	vor.u32 v60, v17;
	v51 =	vld.idx.msk [tilespmem:v8+s5+$0x0], $0xffff  }
0x2eb: {  	v33 =	vadd.f32 v31, v33;
	v38 =	vld.idx.msk [tilespmem:v26+s0+$0x0], $0xffff;
	v10 =	vmul.f32 v50, v43  }
0x2ec: {  	p1 =	slt.u32 s1, $0x3E;
	v50 =	vadd.f32 v2, v15;
	v2 =	vmul.f32 v46, v43;
	v46 =	vadd.f32 v0, v6;
	v0 =	vld [tilespmem:$0x1F990]  }
.Ltmp2:
0x2ed: {  	v41 =	vmul.f32 v41, v43;
	v24 =	vor.u32 v24, v17;
	v8 =	vmul.f32 v40, v43;
	v40 =	vld.idx.msk [tilespmem:v49+s5+$0x0], $0xffff;
	(pc) =	sbr.rel @p1 .LBB2_7-.Ltmp2, $4  }
0x2ee: {  	v23 =	vor.u32 v63, v17;
	v28 =	vor.u32 v61, v17;
	v61 =	vmul.f32 v47, v43;
	v47 =	vld [tilespmem:$0x1F950]  }
0x2ef: {  	v34 =	vor.u32 v34, v17;
	v49 =	vmov v35;
	v35 =	vld.idx.msk [tilespmem:v52+s5+$0x0], $0xffff;
	v60 =	vmul.f32 v48, v43  }
0x2f0: {  	v31 =	vor.u32 v19, v17;
	v52 =	vld [tilespmem:$0x1F980];
	v48 =	vmovc v4;
	v26 =	vmul.f32 v51, v44;
	v7 =	vmul.f32 v22, v43  }
0x2f1: {  	s1 =	sadd.s32 $0x2, s1;
	v4 =	vld [tilespmem:$0x1F920];
	[tilespmem:$0x1F9B0] =	vst v5;
	v22 =	vmul.f32 v45, v43;
	v15 =	vor.u32 v55, v17;
	v5 =	vmul.f32 v0, v43  }
0x2f2: {  	_ =	sdelay $0x3  }
0x2f3: {  	v0 =	vld.idx.msk [tilespmem:v31+s5+$0x0], $0xffff  }
0x2f4: {  	v31 =	vld.idx.msk [tilespmem:v37+s5+$0x0], $0xffff  }
0x2f5: {  	v63 =	vld.idx.msk [tilespmem:v39+s5+$0x0], $0xffff  }
0x2f6: {  	v32 =	vld.idx.msk [tilespmem:v32+s5+$0x0], $0xffff  }
0x2f7: {  	v15 =	vld.idx.msk [tilespmem:v15+s5+$0x0], $0xffff  }
0x2f8: {  	v45 =	vld [tilespmem:$0x1FEE0]  }
0x2f9: {  	v3 =	vld [tilespmem:$0x1F9A0]  }
0x2fa: {  	v34 =	vld.idx.msk [tilespmem:v34+s5+$0x0], $0xffff  }
0x2fb: {  	v21 =	vld.idx.msk [tilespmem:v21+s5+$0x0], $0xffff  }
0x2fc: {  	v24 =	vld.idx.msk [tilespmem:v24+s5+$0x0], $0xffff  }
0x2fd: {  	v23 =	vld.idx.msk [tilespmem:v23+s5+$0x0], $0xffff  }
0x2fe: {  	v39 =	vor.u32 v45, v17;
	v45 =	vld [tilespmem:$0x1FF00]  }
0x2ff: {  	v28 =	vld.idx.msk [tilespmem:v28+s5+$0x0], $0xffff  }
0x300: {  	v18 =	vld.idx.msk [tilespmem:v18+s5+$0x0], $0xffff  }
0x301: {  	v29 =	vmul.f32 v29, v43;
	v19 =	vmul.f32 v9, v43;
	v51 =	vld.idx.msk [tilespmem:v3+s5+$0x0], $0xffff  }
0x302: {  	v38 =	vmul.f32 v38, v44;
	v16 =	vmul.f32 v16, v44;
	v3 =	vld [tilespmem:$0x1FA00]  }
0x303: {  	v25 =	vld.idx.msk [tilespmem:v25+s5+$0x0], $0xffff;
	v40 =	vmul.f32 v40, v44;
	v26 =	vadd.f32 v26, v47;
	v17 =	vor.u32 v45, v17  }
0x304: {  	v1 =	vadd.f32 v16, v1;
	v4 =	vadd.f32 v38, v4;
	v21 =	vmul.f32 v21, v44;
	v39 =	vld.idx.msk [tilespmem:v39+s5+$0x0], $0xffff  }
0x305: {  	v13 =	vld.idx.msk [tilespmem:v13+s5+$0x0], $0xffff;
	v40 =	vadd.f32 v40, v52;
	v32 =	vmul.f32 v32, v44;
	v16 =	vmul.f32 v24, v44  }
0x306: {  	v14 =	vld.idx.msk [tilespmem:v14+s5+$0x0], $0xffff;
	v37 =	vmul.f32 v63, v44;
	v4 =	vadd.f32 v29, v4;
	v12 =	vadd.f32 v21, v12  }
0x307: {  	v27 =	vmul.f32 v27, v43;
	v9 =	vld [tilespmem:$0x1F9E0];
	v11 =	vadd.f32 v16, v11;
	v21 =	vadd.f32 v32, v3  }
0x308: {  	v20 =	vmul.f32 v20, v43;
	v24 =	vadd.f32 v57, v12;
	v12 =	vadd.f32 v37, v33;
	v17 =	vld.idx.msk [tilespmem:v17+s5+$0x0], $0xffff  }
0x309: {  	v47 =	vld [tilespmem:$0x1FFD0];
	[tilespmem:$0x16580] =	vst v4;
	v4 =	vmul.f32 v51, v43;
	v16 =	vadd.f32 v27, v21;
	v21 =	vmul.f32 v39, v44  }
0x30a: {  	v38 =	vld [tilespmem:$0x1FBE0];
	v20 =	vadd.f32 v20, v40;
	v12 =	vadd.f32 v2, v12  }
0x30b: {  	v40 =	vld [tilespmem:$0x1FBF0];
	v4 =	vadd.f32 v4, v11;
	v11 =	vadd.f32 v21, v50  }
0x30c: {  	v32 =	vld [tilespmem:$0x1FC10];
	[tilespmem:$0x16640] =	vst v12  }
0x30d: {  	v13 =	vmul.f32 v13, v44;
	v12 =	vmul.f32 v15, v44;
	v15 =	vld [tilespmem:$0x1F9B0];
	[tilespmem:$0x16600] =	vst v16;
	v11 =	vadd.f32 v49, v11  }
0x30e: {  	v23 =	vmul.f32 v23, v44;
	v51 =	vld [tilespmem:$0x1FFC0];
	v16 =	vmul.f32 v31, v44;
	[tilespmem:$0x16620] =	vst v4  }
0x30f: {  	v42 =	vmul.f32 v42, v43;
	v3 =	vadd.f32 v13, v59;
	v4 =	vmul.f32 v34, v44;
	[tilespmem:$0x16680] =	vst v11;
	v11 =	vld [tilespmem:$0x1F9C0]  }
0x310: {  	[tilespmem:$0x165C0] =	vst v20;
	v20 =	vadd.f32 v23, v58;
	v27 =	vld [tilespmem:$0x1FE40];
	v13 =	vadd.f32 v16, v62  }
0x311: {  	[tilespmem:$0x165E0] =	vst v24;
	v3 =	vadd.f32 v42, v3;
	v24 =	vld [tilespmem:$0x1FE20];
	v17 =	vmul.f32 v17, v44;
	v4 =	vadd.f32 v4, v9  }
0x312: {  	v6 =	vadd.f32 v5, v20;
	v10 =	vadd.f32 v10, v13;
	v13 =	vld [tilespmem:$0x1F9D0]  }
0x313: {  	[tilespmem:$0x166A0] =	vst v3;
	v21 =	vld [tilespmem:$0x1FDF0];
	v2 =	vadd.f32 v17, v53;
	v4 =	vadd.f32 v60, v4  }
0x314: {  	v3 =	vmul.f32 v30, v43;
	v30 =	vld [tilespmem:$0x1FE50];
	[tilespmem:$0x16660] =	vst v6;
	v11 =	vadd.f32 v12, v11  }
0x315: {  	v36 =	vmul.f32 v36, v43;
	v6 =	vmul.f32 v35, v44;
	v2 =	vadd.f32 v15, v2;
	[tilespmem:$0x16700] =	vst v4;
	v4 =	vld [tilespmem:$0x1FA10]  }
0x316: {  	v26 =	vadd.f32 v41, v26;
	v31 =	vld [tilespmem:$0x1FC20];
	v12 =	vmul.f32 v25, v44;
	v5 =	vadd.f32 v61, v11  }
0x317: {  	v1 =	vadd.f32 v8, v1;
	v0 =	vmul.f32 v0, v44;
	v49 =	vld [tilespmem:$0x1FFB0];
	v6 =	vadd.f32 v6, v13;
	[tilespmem:$0x166C0] =	vst v2  }
0x318: {  	v8 =	vmul.f32 v28, v44;
	v2 =	vmul.f32 v18, v44;
	v9 =	vadd.f32 v12, v46;
	[tilespmem:$0x16720] =	vst v5;
	v5 =	vld [tilespmem:$0x1F9F0]  }
0x319: {  	v0 =	vadd.f32 v0, v56;
	[tilespmem:$0x165A0] =	vst v26;
	v53 =	vld [tilespmem:$0x1FC00];
	v13 =	vlaneseq.u32;
	v6 =	vadd.f32 v7, v6  }
0x31a: {  	s1 =	simm.s32 $0x1;
	s10 =	simm.s32 $0x0;
	[tilespmem:$0x166E0] =	vst v10;
	v10 =	vld [tilespmem:$0x1FFF0];
	v7 =	vmul.f32 v14, v44;
	v2 =	vadd.f32 v2, v4;
	v4 =	vadd.f32 v22, v9  }
0x31b: {  	v0 =	vadd.f32 v36, v0;
	[tilespmem:$0x16740] =	vst v1;
	v60 =	vld [tilespmem:$0x1FB90];
	v1 =	vadd.s32 s1, v13;
	v13 =	vadd.s32 s10, v13  }
0x31c: {  	v25 =	vld [tilespmem:$0x1FE00];
	v1 =	vand.u32 $0x3F, v1;
	v18 =	vand.u32 $0x3F, v13;
	[tilespmem:$0x16760] =	vst v4;
	v4 =	vadd.f32 v7, v54  }
0x31d: {  	v13 =	vld [tilespmem:$0x1FE30];
	[tilespmem:$0x16780] =	vst v6;
	v6 =	vor.u32 v40, v1;
	v2 =	vadd.f32 v19, v2;
	v5 =	vadd.f32 v8, v5  }
0x31e: {  	[tilespmem:$0x167E0] =	vst v0;
	v61 =	vld [tilespmem:$0x1FE10];
	v7 =	vor.u32 v38, v1;
	v4 =	vadd.f32 v48, v4  }
0x31f: {  	v22 =	vld [tilespmem:$0x1FDE0];
	[tilespmem:$0x167A0] =	vst v2;
	v8 =	vor.u32 v27, v1;
	v3 =	vadd.f32 v3, v5  }
0x320: {  	v9 =	vor.u32 v21, v1;
	v2 =	vld [tilespmem:$0x1FFE0];
	[tilespmem:$0x16800] =	vst v4  }
0x321: {  	v10 =	vor.u32 v10, v1;
	v48 =	vld [tilespmem:$0x1FBD0];
	[tilespmem:$0x167C0] =	vst v3  }
0x322: {  	v28 =	vor.u32 v49, v18;
	v6 =	vld.idx.msk [tilespmem:v6+s5+$0x0], $0xffff  }
0x323: {  	v19 =	vor.u32 v51, v18;
	v7 =	vld.idx.msk [tilespmem:v7+s5+$0x0], $0xffff  }
0x324: {  	v26 =	vor.u32 v61, v1;
	v8 =	vld.idx.msk [tilespmem:v8+s5+$0x0], $0xffff  }
0x325: {  	v16 =	vor.u32 v24, v1;
	v9 =	vld.idx.msk [tilespmem:v9+s5+$0x0], $0xffff  }
0x326: {  	v10 =	vld.idx.msk [tilespmem:v10+s5+$0x0], $0xffff  }
0x327: {  	v17 =	vor.u32 v13, v1;
	v44 =	vld.idx.msk [tilespmem:v28+s31+$0x0], $0xffff  }
0x328: {  	v12 =	vor.u32 v30, v1;
	v34 =	vor.u32 v30, v18;
	v46 =	vor.u32 v40, v18;
	v30 =	vld.idx.msk [tilespmem:v19+s5+$0x0], $0xffff  }
0x329: {  	v5 =	vor.u32 v49, v1;
	v62 =	vld.idx.msk [tilespmem:v26+s5+$0x0], $0xffff  }
0x32a: {  	v2 =	vor.u32 v2, v1;
	v63 =	vld.idx.msk [tilespmem:v16+s5+$0x0], $0xffff  }
0x32b: {  	v4 =	vor.u32 v51, v1;
	v16 =	vor.u32 v38, v18;
	v38 =	vld.idx.msk [tilespmem:v28+s0+$0x0], $0xffff  }
0x32c: {  	v3 =	vor.u32 v32, v1;
	v28 =	vld.idx.msk [tilespmem:v17+s5+$0x0], $0xffff  }
0x32d: {  	v55 =	vimm.f32 $0.0e+00;
	v17 =	vld.idx.msk [tilespmem:v46+s5+$0x0], $0xffff  }
0x32e: {  	v52 =	vimm.f32 $0.0e+00;
	v36 =	vimm.f32 $0.0e+00;
	v0 =	vor.u32 v48, v1;
	v43 =	vld.idx.msk [tilespmem:v5+s31+$0x0], $0xffff  }
0x32f: {  	v50 =	vlaneseq.u32;
	v11 =	vor.u32 v47, v1;
	v14 =	vor.u32 v31, v1;
	v2 =	vld.idx.msk [tilespmem:v2+s5+$0x0], $0xffff  }
0x330: {  	v15 =	vor.u32 v53, v1;
	v20 =	vor.u32 v60, v1;
	v33 =	vor.u32 v47, v18;
	v4 =	vld.idx.msk [tilespmem:v4+s5+$0x0], $0xffff  }
0x331: {  	v24 =	vor.u32 v24, v18;
	v37 =	vor.u32 v27, v18;
	v31 =	vor.u32 v31, v18;
	v3 =	vld.idx.msk [tilespmem:v3+s5+$0x0], $0xffff  }
0x332: {  	v45 =	vor.u32 v53, v18;
	v59 =	vor.u32 v25, v1;
	v25 =	vor.u32 v25, v18;
	v26 =	vld.idx.msk [tilespmem:v5+s0+$0x0], $0xffff  }
0x333: {  	v54 =	vimm.f32 $0.0e+00;
	v13 =	vor.u32 v13, v18;
	v23 =	vor.u32 v22, v1;
	v0 =	vld.idx.msk [tilespmem:v0+s5+$0x0], $0xffff  }
0x334: {  	v39 =	vor.u32 v61, v18;
	v42 =	vmul.f32 v30, v44;
	v58 =	vmul.f32 v2, v43;
	v2 =	vld [tilespmem:$0x1FBC0]  }
0x335: {  	v61 =	vimm.f32 $0.0e+00;
	v30 =	vld.idx.msk [tilespmem:v11+s5+$0x0], $0xffff;
	v19 =	vmul.f32 v6, v43;
	v6 =	vmul.f32 v10, v43  }
0x336: {  	v27 =	vor.u32 v48, v18;
	v46 =	vimm.f32 $0.0e+00;
	v56 =	vmul.f32 v3, v43;
	v3 =	vld.idx.msk [tilespmem:v12+s5+$0x0], $0xffff  }
0x337: {  	v5 =	vimm.f32 $0.0e+00;
	v11 =	vimm.f32 $0.0e+00;
	v57 =	vmul.f32 v9, v43;
	[tilespmem:$0x1F800] =	vst v6;
	v6 =	vld.idx.msk [tilespmem:v20+s5+$0x0], $0xffff  }
0x338: {  	v10 =	vmul.f32 v8, v43;
	v20 =	vld.idx.msk [tilespmem:v23+s5+$0x0], $0xffff;
	v23 =	vmul.f32 v0, v43;
	v0 =	vimm.f32 $0.0e+00  }
0x339: {  	v9 =	vmul.f32 v7, v43;
	v12 =	vld.idx.msk [tilespmem:v15+s5+$0x0], $0xffff;
	[tilespmem:$0x1F820] =	vst v0;
	v0 =	vimm.f32 $0.0e+00;
	v29 =	vor.u32 v2, v1  }
0x33a: {  	v41 =	vmul.f32 v4, v43;
	v7 =	vmul.f32 v63, v43;
	[tilespmem:$0x1F830] =	vst v0;
	v0 =	vimm.f32 $0.0e+00  }
0x33b: {  	v4 =	vimm.f32 $0.0e+00;
	[tilespmem:$0x1F840] =	vst v0;
	v0 =	vimm.f32 $0.0e+00;
	v1 =	vor.u32 v22, v18  }
0x33c: {  	v63 =	vimm.f32 $0.0e+00;
	v15 =	vor.u32 v32, v18;
	[tilespmem:$0x1F850] =	vst v0;
	v32 =	vor.u32 v2, v18  }
0x33d: {  	v35 =	vld.idx.msk [tilespmem:v45+s5+$0x0], $0xffff;
	v0 =	vimm.f32 $0.0e+00;
	v22 =	vor.u32 v21, v18;
	[tilespmem:$0x1F810] =	vst v6;
	v6 =	vmul.f32 v3, v43  }
0x33e: {  	v21 =	vor.u32 v60, v18;
	v8 =	vmul.f32 v12, v43;
	v2 =	vmul.f32 v62, v43;
	v12 =	vld.idx.msk [tilespmem:v29+s5+$0x0], $0xffff  }
0x33f: {  	[tilespmem:$0x1F860] =	vst v0;
	v62 =	vimm.f32 $0.0e+00;
	v0 =	vimm.f32 $0.0e+00;
	v60 =	vimm.f32 $0.0e+00;
	v29 =	vld.idx.msk [tilespmem:v14+s5+$0x0], $0xffff  }
0x340: {  	s1 =	simm.s32 $0x2;
	v3 =	vimm.f32 $0.0e+00;
	[tilespmem:$0x1F870] =	vst v0;
	v40 =	vld.idx.msk [tilespmem:v1+s5+$0x0], $0xffff;
	v1 =	vimm.f32 $0.0e+00;
	v14 =	vimm.f32 $0.0e+00  }
.LBB2_9:
0x341: {  	v45 =	vld.idx.msk [tilespmem:v32+s5+$0x0], $0xffff  }
0x342: {  	v0 =	vmov v56;
	v39 =	vld.idx.msk [tilespmem:v39+s5+$0x0], $0xffff  }
0x343: {  	[tilespmem:$0x1F730] =	vst v0;
	v0 =	vld [tilespmem:$0x1F810]  }
0x344: {  	v53 =	vld [tilespmem:$0x1FFE0]  }
0x345: {  	v33 =	vld.idx.msk [tilespmem:v33+s5+$0x0], $0xffff;
	[tilespmem:$0x1F780] =	vst v2;
	v2 =	vmov v58  }
0x346: {  	s2 =	smov.u32 s1;
	[tilespmem:$0x1F7D0] =	vst v2;
	v2 =	vld.idx.msk [tilespmem:v37+s5+$0x0], $0xffff  }
0x347: {  	v34 =	vld.idx.msk [tilespmem:v34+s5+$0x0], $0xffff;
	v38 =	vmul.f32 v38, v44;
	s3 =	sadd.s32 $0x1, s2  }
0x348: {  	[tilespmem:$0x1F7B0] =	vst v46;
	v32 =	vmovc v57;
	v58 =	vld.idx.msk [tilespmem:v16+s5+$0x0], $0xffff;
	v46 =	vadd.s32 s3, v50;
	v37 =	vmul.f32 v0, v43;
	v0 =	vmov v23  }
0x349: {  	v57 =	vld [tilespmem:$0x1FC20];
	v38 =	vadd.f32 v38, v61;
	v42 =	vadd.f32 v42, v52;
	[tilespmem:$0x1F7F0] =	vst v0;
	v0 =	vmul.f32 v28, v43  }
0x34a: {  	[tilespmem:$0x1F750] =	vst v60;
	v61 =	vld [tilespmem:$0x1F830];
	v35 =	vmul.f32 v35, v44;
	v28 =	vand.u32 $0x3F, v46;
	v46 =	vmul.f32 v17, v44  }
0x34b: {  	v60 =	vld [tilespmem:$0x1FE30];
	v16 =	vadd.f32 v41, v42;
	v2 =	vmul.f32 v2, v44;
	[tilespmem:$0x1F7A0] =	vst v0;
	v0 =	vor.u32 v47, v28  }
0x34c: {  	v22 =	vld.idx.msk [tilespmem:v22+s5+$0x0], $0xffff;
	v47 =	vor.u32 v48, v28;
	v48 =	vor.u32 v49, v28;
	v4 =	vadd.f32 v46, v4  }
0x34d: {  	v42 =	vld [tilespmem:$0x1F820];
	v49 =	vor.u32 v51, v28;
	v51 =	vor.u32 v53, v28;
	v2 =	vadd.f32 v2, v55  }
0x34e: {  	v23 =	vmul.f32 v30, v43;
	v30 =	vadd.f32 v19, v4;
	v4 =	vld [tilespmem:$0x1FB90]  }
0x34f: {  	v35 =	vadd.f32 v35, v61;
	v61 =	vadd.f32 v10, v2;
	v2 =	vld [tilespmem:$0x1F840]  }
0x350: {  	v25 =	vld.idx.msk [tilespmem:v25+s5+$0x0], $0xffff;
	v58 =	vmul.f32 v58, v44  }
0x351: {  	v24 =	vld.idx.msk [tilespmem:v24+s5+$0x0], $0xffff;
	v45 =	vmul.f32 v45, v44  }
0x352: {  	v34 =	vmul.f32 v34, v44;
	v41 =	vld.idx.msk [tilespmem:v51+s5+$0x0], $0xffff;
	v51 =	vadd.f32 v58, v42  }
0x353: {  	v31 =	vld.idx.msk [tilespmem:v31+s5+$0x0], $0xffff;
	v45 =	vadd.f32 v45, v54;
	v46 =	vor.u32 v4, v28  }
0x354: {  	v12 =	vmul.f32 v12, v43;
	v21 =	vld.idx.msk [tilespmem:v21+s5+$0x0], $0xffff;
	v2 =	vadd.f32 v34, v2;
	v9 =	vadd.f32 v9, v51  }
0x355: {  	v52 =	vld [tilespmem:$0x1FFF0]  }
0x356: {  	[tilespmem:$0x1F820] =	vst v9;
	v9 =	vadd.f32 v12, v45;
	v12 =	vld [tilespmem:$0x1F850];
	v2 =	vadd.f32 v6, v2  }
0x357: {  	v26 =	vmul.f32 v26, v43;
	v54 =	vld [tilespmem:$0x1FC10]  }
0x358: {  	[tilespmem:$0x1F840] =	vst v2;
	v2 =	vld.idx.msk [tilespmem:v46+s5+$0x0], $0xffff  }
0x359: {  	v27 =	vld.idx.msk [tilespmem:v27+s5+$0x0], $0xffff;
	[tilespmem:$0x1F7E0] =	vst v16;
	v16 =	vadd.f32 v26, v38;
	v26 =	vmul.f32 v31, v44  }
0x35a: {  	[tilespmem:$0x1F740] =	vst v63;
	v29 =	vmul.f32 v29, v43;
	v13 =	vld.idx.msk [tilespmem:v13+s5+$0x0], $0xffff;
	v39 =	vmul.f32 v39, v44  }
0x35b: {  	v59 =	vld.idx.msk [tilespmem:v59+s5+$0x0], $0xffff;
	v63 =	vor.u32 v53, v18;
	v18 =	vor.u32 v52, v18;
	v12 =	vadd.f32 v26, v12  }
0x35c: {  	v36 =	vadd.f32 v39, v36;
	v53 =	vld [tilespmem:$0x1FBF0];
	v39 =	vor.u32 v54, v28  }
0x35d: {  	v12 =	vadd.f32 v29, v12;
	[tilespmem:$0x1F810] =	vst v2;
	v2 =	vld [tilespmem:$0x1F860]  }
0x35e: {  	v8 =	vadd.f32 v8, v35;
	v19 =	vld.idx.msk [tilespmem:v48+s31+$0x0], $0xffff  }
0x35f: {  	v33 =	vmul.f32 v33, v44;
	[tilespmem:$0x1F850] =	vst v12;
	v12 =	vld [tilespmem:$0x1FBE0]  }
0x360: {  	[tilespmem:$0x1F830] =	vst v8;
	v8 =	vld.idx.msk [tilespmem:v18+s5+$0x0], $0xffff;
	v18 =	vmul.f32 v21, v44  }
0x361: {  	v1 =	vadd.f32 v33, v1;
	v21 =	vor.u32 v53, v28;
	v39 =	vld.idx.msk [tilespmem:v39+s5+$0x0], $0xffff  }
0x362: {  	v40 =	vmul.f32 v40, v44;
	v25 =	vmul.f32 v25, v44;
	v18 =	vadd.f32 v18, v2;
	v2 =	vld [tilespmem:$0x1FC00]  }
0x363: {  	v56 =	vld [tilespmem:$0x1FDF0];
	v1 =	vadd.f32 v23, v1;
	v23 =	vmul.f32 v13, v44;
	[tilespmem:$0x1F790] =	vst v0;
	v0 =	vor.u32 v57, v28  }
0x364: {  	[tilespmem:$0x1F770] =	vst v3;
	v3 =	vld [tilespmem:$0x1FE20];
	v13 =	vor.u32 v12, v28;
	v12 =	vlaneseq.u32;
	v18 =	vadd.f32 v37, v18  }
0x365: {  	v15 =	vld.idx.msk [tilespmem:v15+s5+$0x0], $0xffff;
	v5 =	vadd.f32 v40, v5;
	[tilespmem:$0x1F760] =	vst v0;
	v6 =	vmul.f32 v24, v44;
	v24 =	vadd.s32 s2, v12  }
0x366: {  	v38 =	vld.idx.msk [tilespmem:v21+s5+$0x0], $0xffff;
	v21 =	vor.u32 v52, v28;
	v33 =	vmul.f32 v39, v19;
	[tilespmem:$0x1F860] =	vst v18;
	v18 =	vand.u32 $0x3F, v24  }
0x367: {  	v39 =	vor.u32 v2, v28;
	v52 =	vor.u32 v53, v18;
	v53 =	vor.u32 v2, v18;
	v2 =	vld [tilespmem:$0x1F760]  }
0x368: {  	v11 =	vadd.f32 v25, v11;
	v25 =	vld [tilespmem:$0x1FE00];
	v0 =	vor.u32 v60, v28  }
0x369: {  	v20 =	vmul.f32 v20, v43;
	[tilespmem:$0x1F7C0] =	vst v0;
	v0 =	vor.u32 v3, v28;
	v24 =	vor.u32 v3, v18;
	v3 =	vld [tilespmem:$0x1F740]  }
0x36a: {  	v55 =	vld [tilespmem:$0x1FE40]  }
0x36b: {  	v17 =	vadd.f32 v20, v5;
	v5 =	vmov v7;
	v7 =	vmov v62;
	v62 =	vld [tilespmem:$0x1FDE0]  }
0x36c: {  	v10 =	vld.idx.msk [tilespmem:v63+s5+$0x0], $0xffff  }
0x36d: {  	v63 =	vld [tilespmem:$0x1FBC0];
	v29 =	vmul.f32 v59, v43  }
0x36e: {  	v23 =	vadd.f32 v23, v3;
	v3 =	vld [tilespmem:$0x1F750]  }
0x36f: {  	v11 =	vadd.f32 v29, v11;
	v29 =	vld.idx.msk [tilespmem:v2+s5+$0x0], $0xffff  }
0x370: {  	v2 =	vld [tilespmem:$0x1F770]  }
0x371: {  	v35 =	vld.idx.msk [tilespmem:v47+s5+$0x0], $0xffff  }
0x372: {  	v51 =	vld [tilespmem:$0x1FE10]  }
0x373: {  	v34 =	vld [tilespmem:$0x1FE50];
	v10 =	vmul.f32 v10, v44;
	v8 =	vmul.f32 v8, v44  }
0x374: {  	v0 =	vld.idx.msk [tilespmem:v0+s5+$0x0], $0xffff  }
0x375: {  	v8 =	vadd.f32 v8, v3;
	v3 =	vadd.f32 v10, v2;
	v2 =	vld [tilespmem:$0x1F780]  }
0x376: {  	v20 =	vor.u32 v62, v28;
	v58 =	vmul.f32 v41, v19;
	v41 =	vld.idx.msk [tilespmem:v49+s5+$0x0], $0xffff  }
0x377: {  	v6 =	vadd.f32 v6, v7;
	v46 =	vld.idx.msk [tilespmem:v13+s5+$0x0], $0xffff  }
0x378: {  	v22 =	vmul.f32 v22, v44;
	v50 =	vor.u32 v55, v28;
	v13 =	vld [tilespmem:$0x1F870]  }
0x379: {  	v47 =	vor.u32 v62, v18;
	v62 =	vadd.f32 v5, v6;
	v5 =	vld [tilespmem:$0x1F730]  }
0x37a: {  	v14 =	vadd.f32 v22, v14;
	v22 =	vor.u32 v51, v28;
	v36 =	vadd.f32 v2, v36;
	v2 =	vld [tilespmem:$0x1F790]  }
0x37b: {  	v15 =	vmul.f32 v15, v44;
	v20 =	vld.idx.msk [tilespmem:v20+s5+$0x0], $0xffff  }
0x37c: {  	v26 =	vld.idx.msk [tilespmem:v48+s0+$0x0], $0xffff  }
0x37d: {  	v48 =	vld.idx.msk [tilespmem:v50+s5+$0x0], $0xffff;
	v13 =	vadd.f32 v15, v13  }
0x37e: {  	v43 =	vmov v19;
	v19 =	vld [tilespmem:$0x1FFB0]  }
0x37f: {  	v31 =	vor.u32 v34, v28;
	v45 =	vld.idx.msk [tilespmem:v22+s5+$0x0], $0xffff;
	v7 =	vadd.f32 v5, v13  }
0x380: {  	v42 =	vmul.f32 v27, v44;
	v27 =	vor.u32 v63, v28;
	v6 =	vld [tilespmem:$0x1FFD0]  }
0x381: {  	[tilespmem:$0x1F870] =	vst v7;
	v7 =	vld.idx.msk [tilespmem:v21+s5+$0x0], $0xffff  }
0x382: {  	v40 =	vor.u32 v56, v28;
	v21 =	vor.u32 v4, v18;
	v4 =	vmov v30;
	v30 =	vld.idx.msk [tilespmem:v2+s5+$0x0], $0xffff  }
0x383: {  	v2 =	vld [tilespmem:$0x1F7A0]  }
0x384: {  	v49 =	vld.idx.msk [tilespmem:v31+s5+$0x0], $0xffff  }
0x385: {  	v12 =	vld.idx.msk [tilespmem:v27+s5+$0x0], $0xffff  }
0x386: {  	v59 =	vor.u32 v25, v28;
	v28 =	vor.u32 v19, v18;
	v19 =	vld [tilespmem:$0x1FFC0]  }
0x387: {  	v22 =	vor.u32 v56, v18;
	v56 =	vmov v33;
	v33 =	vor.u32 v6, v18;
	v6 =	vld.idx.msk [tilespmem:v40+s5+$0x0], $0xffff  }
0x388: {  	v14 =	vadd.f32 v32, v14;
	v32 =	vor.u32 v63, v18;
	v63 =	vadd.f32 v2, v23;
	v2 =	vld [tilespmem:$0x1F7B0]  }
0x389: {  	v15 =	vld [tilespmem:$0x1FBD0]  }
0x38a: {  	v37 =	vor.u32 v55, v18;
	v55 =	vmov v61;
	v61 =	vmov v16;
	v16 =	vld [tilespmem:$0x1F7F0]  }
0x38b: {  	v50 =	vld.idx.msk [tilespmem:v39+s5+$0x0], $0xffff  }
0x38c: {  	v31 =	vor.u32 v57, v18;
	v19 =	vor.u32 v19, v18;
	v44 =	vld.idx.msk [tilespmem:v28+s31+$0x0], $0xffff  }
0x38d: {  	v57 =	vmul.f32 v6, v43;
	v6 =	vmul.f32 v7, v43;
	v7 =	vadd.f32 v42, v2;
	v2 =	vld [tilespmem:$0x1F7C0]  }
0x38e: {  	v27 =	vor.u32 v15, v18;
	v15 =	vld [tilespmem:$0x1F800]  }
0x38f: {  	v40 =	vld.idx.msk [tilespmem:v47+s5+$0x0], $0xffff  }
0x390: {  	v47 =	vld [tilespmem:$0x1FFD0]  }
0x391: {  	v5 =	vmov v17;
	v17 =	vld.idx.msk [tilespmem:v52+s5+$0x0], $0xffff  }
0x392: {  	v39 =	vor.u32 v51, v18;
	v51 =	vld.idx.msk [tilespmem:v19+s5+$0x0], $0xffff  }
0x393: {  	v13 =	vor.u32 v60, v18;
	v19 =	vmul.f32 v38, v43;
	v38 =	vld.idx.msk [tilespmem:v28+s0+$0x0], $0xffff;
	v60 =	vadd.f32 v15, v8  }
0x394: {  	v15 =	vor.u32 v54, v18;
	v54 =	vmovc v9;
	v9 =	vmul.f32 v46, v43;
	v46 =	vadd.f32 v16, v7;
	v7 =	vld [tilespmem:$0x1FBE0]  }
0x395: {  	v28 =	vld.idx.msk [tilespmem:v2+s5+$0x0], $0xffff  }
0x396: {  	p1 =	slt.u32 s1, $0x3E;
	v2 =	vld [tilespmem:$0x1F7D0]  }
.Ltmp3:
0x397: {  	v41 =	vmul.f32 v41, v43;
	v52 =	vld [tilespmem:$0x1F7E0];
	(pc) =	sbr.rel @p1 .LBB2_9-.Ltmp3, $4  }
0x398: {  	v25 =	vor.u32 v25, v18;
	v34 =	vor.u32 v34, v18;
	v10 =	vmul.f32 v48, v43;
	v48 =	vld [tilespmem:$0x1FBD0]  }
0x399: {  	v8 =	vmul.f32 v50, v43;
	v50 =	vlaneseq.u32;
	[tilespmem:$0x1F800] =	vst v6;
	v6 =	vmul.f32 v49, v43;
	v49 =	vld [tilespmem:$0x1FFB0]  }
0x39a: {  	v23 =	vmul.f32 v35, v43;
	v35 =	vld.idx.msk [tilespmem:v53+s5+$0x0], $0xffff;
	v42 =	vmul.f32 v51, v44;
	v16 =	vor.u32 v7, v18  }
0x39b: {  	s1 =	sadd.s32 $0x2, s1;
	v51 =	vld [tilespmem:$0x1FFC0];
	v7 =	vmul.f32 v0, v43;
	v3 =	vadd.f32 v2, v3;
	v2 =	vmul.f32 v45, v43  }
0x39c: {  	_ =	sdelay $0x3  }
0x39d: {  	v0 =	vld.idx.msk [tilespmem:v32+s5+$0x0], $0xffff  }
0x39e: {  	v32 =	vld.idx.msk [tilespmem:v37+s5+$0x0], $0xffff  }
0x39f: {  	v37 =	vld.idx.msk [tilespmem:v39+s5+$0x0], $0xffff  }
0x3a0: {  	v33 =	vld.idx.msk [tilespmem:v33+s5+$0x0], $0xffff  }
0x3a1: {  	v16 =	vld.idx.msk [tilespmem:v16+s5+$0x0], $0xffff  }
0x3a2: {  	v34 =	vld.idx.msk [tilespmem:v34+s5+$0x0], $0xffff  }
0x3a3: {  	v45 =	vld [tilespmem:$0x1FFE0]  }
0x3a4: {  	v50 =	vld [tilespmem:$0x1FFF0]  }
0x3a5: {  	v22 =	vld.idx.msk [tilespmem:v22+s5+$0x0], $0xffff  }
0x3a6: {  	v25 =	vld.idx.msk [tilespmem:v25+s5+$0x0], $0xffff;
	v17 =	vmul.f32 v17, v44  }
0x3a7: {  	v24 =	vld.idx.msk [tilespmem:v24+s5+$0x0], $0xffff  }
0x3a8: {  	v31 =	vld.idx.msk [tilespmem:v31+s5+$0x0], $0xffff;
	v4 =	vadd.f32 v17, v4;
	v53 =	vor.u32 v45, v18;
	v17 =	vmul.f32 v37, v44  }
0x3a9: {  	v21 =	vld.idx.msk [tilespmem:v21+s5+$0x0], $0xffff;
	v40 =	vmul.f32 v40, v44;
	v18 =	vor.u32 v50, v18  }
0x3aa: {  	v27 =	vld.idx.msk [tilespmem:v27+s5+$0x0], $0xffff;
	v17 =	vadd.f32 v17, v36  }
0x3ab: {  	v47 =	vld.idx.msk [tilespmem:v59+s5+$0x0], $0xffff;
	v20 =	vmul.f32 v20, v43;
	v5 =	vadd.f32 v40, v5  }
0x3ac: {  	v38 =	vmul.f32 v38, v44;
	v22 =	vmul.f32 v22, v44;
	v50 =	vadd.f32 v2, v17;
	v2 =	vld [tilespmem:$0x1F840]  }
0x3ad: {  	v42 =	vadd.f32 v42, v52;
	v5 =	vadd.f32 v20, v5;
	v33 =	vmul.f32 v33, v44;
	v48 =	vld.idx.msk [tilespmem:v53+s5+$0x0], $0xffff  }
0x3ae: {  	v45 =	vadd.f32 v38, v61;
	v14 =	vadd.f32 v22, v14;
	v18 =	vld.idx.msk [tilespmem:v18+s5+$0x0], $0xffff  }
0x3af: {  	v13 =	vld.idx.msk [tilespmem:v13+s5+$0x0], $0xffff;
	v52 =	vmul.f32 v34, v44;
	v1 =	vadd.f32 v33, v1;
	v22 =	vmul.f32 v30, v43  }
0x3b0: {  	v15 =	vld.idx.msk [tilespmem:v15+s5+$0x0], $0xffff;
	v20 =	vmul.f32 v24, v44;
	v51 =	vmul.f32 v32, v44;
	v14 =	vadd.f32 v57, v14  }
0x3b1: {  	v25 =	vmul.f32 v25, v44;
	v1 =	vadd.f32 v22, v1;
	[tilespmem:$0x165D0] =	vst v5;
	v5 =	vadd.f32 v52, v2;
	v2 =	vld [tilespmem:$0x1F820]  }
0x3b2: {  	v20 =	vadd.f32 v20, v62;
	[tilespmem:$0x165F0] =	vst v14;
	v14 =	vadd.f32 v51, v55;
	v55 =	vld [tilespmem:$0x1F800];
	v49 =	vmul.f32 v48, v44  }
0x3b3: {  	v24 =	vmul.f32 v47, v43;
	v11 =	vadd.f32 v25, v11;
	[tilespmem:$0x16610] =	vst v1;
	v1 =	vmul.f32 v18, v44  }
0x3b4: {  	v7 =	vadd.f32 v7, v20;
	v53 =	vmul.f32 v16, v44;
	v3 =	vadd.f32 v49, v3  }
0x3b5: {  	v26 =	vmul.f32 v26, v43;
	v11 =	vadd.f32 v24, v11;
	v57 =	vld [tilespmem:$0x1F830];
	v1 =	vadd.f32 v1, v60  }
0x3b6: {  	v13 =	vmul.f32 v13, v44;
	[tilespmem:$0x16670] =	vst v7;
	v3 =	vadd.f32 v58, v3;
	v7 =	vadd.f32 v53, v2;
	v2 =	vld [tilespmem:$0x1F860]  }
0x3b7: {  	v26 =	vadd.f32 v26, v45;
	[tilespmem:$0x16630] =	vst v11;
	v1 =	vadd.f32 v55, v1  }
0x3b8: {  	v13 =	vadd.f32 v13, v63;
	v11 =	vmul.f32 v28, v43;
	[tilespmem:$0x16690] =	vst v3;
	v3 =	vmul.f32 v35, v44  }
0x3b9: {  	v41 =	vadd.f32 v41, v42;
	[tilespmem:$0x166D0] =	vst v1;
	v1 =	vmul.f32 v21, v44  }
0x3ba: {  	[tilespmem:$0x16590] =	vst v26;
	v11 =	vadd.f32 v11, v13;
	v3 =	vadd.f32 v3, v57  }
0x3bb: {  	v4 =	vadd.f32 v19, v4;
	v0 =	vmul.f32 v0, v44;
	[tilespmem:$0x165B0] =	vst v41;
	v1 =	vadd.f32 v1, v2;
	v2 =	vld [tilespmem:$0x1F810]  }
0x3bc: {  	[tilespmem:$0x166B0] =	vst v11;
	v11 =	vmul.f32 v27, v44;
	v3 =	vadd.f32 v8, v3;
	v8 =	vld [tilespmem:$0x1F850]  }
0x3bd: {  	v0 =	vadd.f32 v0, v54;
	[tilespmem:$0x16750] =	vst v4;
	v10 =	vadd.f32 v10, v14  }
0x3be: {  	v63 =	vld [tilespmem:$0x1F870];
	[tilespmem:$0x16650] =	vst v50;
	v5 =	vadd.f32 v6, v5;
	v59 =	vadd.f32 v11, v46  }
0x3bf: {  	[tilespmem:$0x166F0] =	vst v10;
	v60 =	vmul.f32 v31, v44;
	v58 =	vadd.f32 v9, v7;
	v9 =	vmul.f32 v12, v43  }
0x3c0: {  	v62 =	vmul.f32 v29, v43;
	[tilespmem:$0x16710] =	vst v5;
	v7 =	vadd.f32 v23, v59;
	v61 =	vmul.f32 v2, v43  }
0x3c1: {  	[tilespmem:$0x16730] =	vst v58;
	v0 =	vadd.f32 v9, v0;
	v5 =	vadd.f32 v60, v8;
	v8 =	vmul.f32 v15, v44  }
0x3c2: {  	[tilespmem:$0x16770] =	vst v7;
	v1 =	vadd.f32 v61, v1  }
0x3c3: {  	[tilespmem:$0x167F0] =	vst v0;
	v4 =	vadd.f32 v62, v5;
	v5 =	vadd.f32 v8, v63  }
0x3c4: {  	s1 =	rddreg [dreg:$0xe];
	[tilespmem:$0x16790] =	vst v3  }
0x3c5: {  	s1 =	sadd.s32 @!p0 s23, s1;
	[tilespmem:$0x167B0] =	vst v1;
	v1 =	vadd.f32 v56, v5  }
0x3c6: {  	s3 =	rddreg [dreg:$0x0];
	s2 =	sshrl.u32 @!p0 s1, $0x3;
	[tilespmem:$0x167D0] =	vst v4  }
0x3c7: {  	s4 =	simm.s32 @!p0 $0x0;
	s23 =	simm.s32 @!p0 $0x20;
	s3 =	sadd.s32 @!p0 s3, s2;
	[tilespmem:$0x16810] =	vst v1  }
0x3c8: {  	[tilespmem:s23], [sflag:$0x7] =	stream.linear.gather @!p0 [hbm4b:s3+s4], $0x20, $0x38;
	[tilespmem:$0x16820] =	vst v63  }
0x3c9: {  	s3 =	simm.s32 @!p0 $0x7  }
0x3ca: {  	_ =	swait.ge @!p0 [sflag:s3], $0x20  }
0x3cb: {  	[sflag:s3] =	ssyncset.done @!p0 $0x0  }
0x3cc: {  	[sflag:s3] =	ssyncadd.s32 @!p0 $0xFFFFFFE0  }
0x3cd: {  	s10 =	rddreg [dreg:$0x1]  }
0x3ce: {  	s2 =	sadd.s32 @!p0 s10, s2;
	s10 =	simm.s32 @!p0 $0x60  }
0x3cf: {  	[tilespmem:s10], [sflag:$0x7] =	stream.linear.gather @!p0 [hbm4b:s2+s4], $0x20, $0x38;
	[tilespmem:$0x16820] =	vst v63  }
0x3d0: {  	_ =	swait.ge @!p0 [sflag:s3], $0x20  }
0x3d1: {  	s1 =	smul.u32 @!p0 $0x14, s1;
	[sflag:s3] =	ssyncset.done @!p0 $0x0  }
0x3d2: {  	[sflag:s3] =	ssyncadd.s32 @!p0 $0xFFFFFFE0  }
0x3d3: {  	s1 =	sshrl.u32 @!p0 s1, $0x3;
	s2 =	rddreg [dreg:$0x2]  }
0x3d4: {  	s1 =	sadd.s32 @!p0 s2, s1;
	s2 =	simm.s32 @!p0 $0x300  }
0x3d5: {  	[tilespmem:s2], [sflag:$0x7] =	stream.linear.gather @!p0 [hbm4b:s1+s4], $0x280, $0x38;
	[tilespmem:$0x16820] =	vst v63  }
0x3d6: {  	_ =	swait.ge @!p0 [sflag:s3], $0x280  }
0x3d7: {  	[sflag:s3] =	ssyncset.done @!p0 $0x0  }
0x3d8: {  	s1 =	simm.s32 @!p0 $0xD80;
	[sflag:s3] =	ssyncadd.s32 @!p0 $0xFFFFFD80  }
0x3d9: {  	[tilespmem:s1], [sflag:$0x2] =	stream.indirect.gather @!p0 [hbm4b:s7+s23], $0x40, s23, s23, $0xb8;
	[tilespmem:$0x16820] =	vst v63  }
0x3da: {  	s4 =	sor.u32 $0x4, s19;
	s1 =	simm.s32 @!p0 $0x1D80  }
0x3db: {  	[tilespmem:s1], [sflag:$0x4] =	stream.indirect.gather @!p0 [hbm4b:s8+s23], $0x40, s10, s23, $0xb8;
	[tilespmem:$0x16820] =	vst v63  }
0x3dc: {  	s3 =	simm.s32 @!p0 $0xC580;
	s1 =	simm.s32 @!p0 $0x280;
	s10 =	rddreg [dreg:$0x4]  }
0x3dd: {  	[tilespmem:s3], [sflag:$0x6] =	stream.indirect.gather @!p0 [hbm4b:s8+s1], $0x40, s2, s1, $0xb8;
	[tilespmem:$0x16820] =	vst v63  }
0x3de: {  	s23 =	simm.s32 $0x16580;
	s2 =	sadd.s32 s10, s4  }
0x3df: {  	[hbm4b:s2+s6] =	stream.linear.scatter [tilespmem:s23], [sflag:$0x7], $0x20, $0x38;
	[tilespmem:$0x16820] =	vst v63  }
0x3e0: {  	_ =	swait.ge [sflag:s20], $0x20  }
0x3e1: {  	[sflag:s20] =	ssyncset.done $0x0  }
0x3e2: {  	s1 =	sadd.s32 s9, s4;
	s4 =	simm.s32 $0x165A0;
	[sflag:s20] =	ssyncadd.s32 $0xFFFFFFE0  }
0x3e3: {  	[hbm4b:s1+s6] =	stream.linear.scatter [tilespmem:s4], [sflag:$0x7], $0x20, $0x38;
	[tilespmem:$0x16820] =	vst v63  }
0x3e4: {  	_ =	swait.ge [sflag:s20], $0x20  }
0x3e5: {  	s10 =	sor.u32 $0x804, s19;
	[sflag:s20] =	ssyncset.done $0x0  }
0x3e6: {  	s23 =	simm.s32 $0x165C0;
	s1 =	sadd.s32 s9, s10;
	[sflag:s20] =	ssyncadd.s32 $0xFFFFFFE0  }
0x3e7: {  	[hbm4b:s1+s6] =	stream.linear.scatter [tilespmem:s23], [sflag:$0x7], $0x20, $0x38;
	[tilespmem:$0x16820] =	vst v63  }
0x3e8: {  	_ =	swait.ge [sflag:s20], $0x20  }
0x3e9: {  	s3 =	sor.u32 $0x1004, s19;
	[sflag:s20] =	ssyncset.done $0x0  }
0x3ea: {  	s4 =	simm.s32 $0x165E0;
	s1 =	sadd.s32 s9, s3;
	[sflag:s20] =	ssyncadd.s32 $0xFFFFFFE0  }
0x3eb: {  	[hbm4b:s1+s6] =	stream.linear.scatter [tilespmem:s4], [sflag:$0x7], $0x20, $0x38;
	[tilespmem:$0x16820] =	vst v63  }
0x3ec: {  	_ =	swait.ge [sflag:s20], $0x20  }
0x3ed: {  	s10 =	sor.u32 $0x1804, s19;
	[sflag:s20] =	ssyncset.done $0x0  }
0x3ee: {  	s23 =	simm.s32 $0x16600;
	s1 =	sadd.s32 s9, s10;
	[sflag:s20] =	ssyncadd.s32 $0xFFFFFFE0  }
0x3ef: {  	[hbm4b:s1+s6] =	stream.linear.scatter [tilespmem:s23], [sflag:$0x7], $0x20, $0x38;
	[tilespmem:$0x16820] =	vst v63  }
0x3f0: {  	_ =	swait.ge [sflag:s20], $0x20  }
0x3f1: {  	s3 =	sor.u32 $0x2004, s19;
	[sflag:s20] =	ssyncset.done $0x0  }
0x3f2: {  	s4 =	simm.s32 $0x16620;
	s1 =	sadd.s32 s9, s3;
	[sflag:s20] =	ssyncadd.s32 $0xFFFFFFE0  }
0x3f3: {  	[hbm4b:s1+s6] =	stream.linear.scatter [tilespmem:s4], [sflag:$0x7], $0x20, $0x38;
	[tilespmem:$0x16820] =	vst v63  }
0x3f4: {  	_ =	swait.ge [sflag:s20], $0x20  }
0x3f5: {  	s10 =	sor.u32 $0x2804, s19;
	[sflag:s20] =	ssyncset.done $0x0  }
0x3f6: {  	s23 =	simm.s32 $0x16640;
	s1 =	sadd.s32 s9, s10;
	[sflag:s20] =	ssyncadd.s32 $0xFFFFFFE0  }
0x3f7: {  	[hbm4b:s1+s6] =	stream.linear.scatter [tilespmem:s23], [sflag:$0x7], $0x20, $0x38;
	[tilespmem:$0x16820] =	vst v63  }
0x3f8: {  	_ =	swait.ge [sflag:s20], $0x20  }
0x3f9: {  	s3 =	sor.u32 $0x3004, s19;
	[sflag:s20] =	ssyncset.done $0x0  }
0x3fa: {  	s4 =	simm.s32 $0x16660;
	s1 =	sadd.s32 s9, s3;
	[sflag:s20] =	ssyncadd.s32 $0xFFFFFFE0  }
0x3fb: {  	[hbm4b:s1+s6] =	stream.linear.scatter [tilespmem:s4], [sflag:$0x7], $0x20, $0x38;
	[tilespmem:$0x16820] =	vst v63  }
0x3fc: {  	_ =	swait.ge [sflag:s20], $0x20  }
0x3fd: {  	s10 =	sor.u32 $0x3804, s19;
	[sflag:s20] =	ssyncset.done $0x0  }
0x3fe: {  	s23 =	simm.s32 $0x16680;
	s1 =	sadd.s32 s9, s10;
	[sflag:s20] =	ssyncadd.s32 $0xFFFFFFE0  }
0x3ff: {  	[hbm4b:s1+s6] =	stream.linear.scatter [tilespmem:s23], [sflag:$0x7], $0x20, $0x38;
	[tilespmem:$0x16820] =	vst v63  }
0x400: {  	_ =	swait.ge [sflag:s20], $0x20  }
0x401: {  	s3 =	sor.u32 $0x4004, s19;
	[sflag:s20] =	ssyncset.done $0x0  }
0x402: {  	s4 =	simm.s32 $0x166A0;
	s1 =	sadd.s32 s9, s3;
	[sflag:s20] =	ssyncadd.s32 $0xFFFFFFE0  }
0x403: {  	[hbm4b:s1+s6] =	stream.linear.scatter [tilespmem:s4], [sflag:$0x7], $0x20, $0x38;
	[tilespmem:$0x16820] =	vst v63  }
0x404: {  	_ =	swait.ge [sflag:s20], $0x20  }
0x405: {  	s10 =	sor.u32 $0x4804, s19;
	[sflag:s20] =	ssyncset.done $0x0  }
0x406: {  	s23 =	simm.s32 $0x166C0;
	s1 =	sadd.s32 s9, s10;
	[sflag:s20] =	ssyncadd.s32 $0xFFFFFFE0  }
0x407: {  	[hbm4b:s1+s6] =	stream.linear.scatter [tilespmem:s23], [sflag:$0x7], $0x20, $0x38;
	[tilespmem:$0x16820] =	vst v63  }
0x408: {  	_ =	swait.ge [sflag:s20], $0x20  }
0x409: {  	s3 =	sor.u32 $0x5004, s19;
	[sflag:s20] =	ssyncset.done $0x0  }
0x40a: {  	s4 =	simm.s32 $0x166E0;
	s1 =	sadd.s32 s9, s3;
	[sflag:s20] =	ssyncadd.s32 $0xFFFFFFE0  }
0x40b: {  	[hbm4b:s1+s6] =	stream.linear.scatter [tilespmem:s4], [sflag:$0x7], $0x20, $0x38;
	[tilespmem:$0x16820] =	vst v63  }
0x40c: {  	_ =	swait.ge [sflag:s20], $0x20  }
0x40d: {  	s10 =	sor.u32 $0x5804, s19;
	[sflag:s20] =	ssyncset.done $0x0  }
0x40e: {  	s23 =	simm.s32 $0x16700;
	s1 =	sadd.s32 s9, s10;
	[sflag:s20] =	ssyncadd.s32 $0xFFFFFFE0  }
0x40f: {  	[hbm4b:s1+s6] =	stream.linear.scatter [tilespmem:s23], [sflag:$0x7], $0x20, $0x38;
	[tilespmem:$0x16820] =	vst v63  }
0x410: {  	_ =	swait.ge [sflag:s20], $0x20  }
0x411: {  	s2 =	sor.u32 $0x6004, s19;
	[sflag:s20] =	ssyncset.done $0x0  }
0x412: {  	s3 =	simm.s32 $0x16720;
	s1 =	sadd.s32 s9, s2;
	[sflag:s20] =	ssyncadd.s32 $0xFFFFFFE0  }
0x413: {  	[hbm4b:s1+s6] =	stream.linear.scatter [tilespmem:s3], [sflag:$0x7], $0x20, $0x38;
	[tilespmem:$0x16820] =	vst v63  }
0x414: {  	_ =	swait.ge [sflag:s20], $0x20  }
0x415: {  	s4 =	sor.u32 $0x6804, s19;
	[sflag:s20] =	ssyncset.done $0x0  }
0x416: {  	s10 =	simm.s32 $0x16740;
	s1 =	sadd.s32 s9, s4;
	[sflag:s20] =	ssyncadd.s32 $0xFFFFFFE0  }
0x417: {  	[hbm4b:s1+s6] =	stream.linear.scatter [tilespmem:s10], [sflag:$0x7], $0x20, $0x38;
	[tilespmem:$0x16820] =	vst v63  }
0x418: {  	_ =	swait.ge [sflag:s20], $0x20  }
0x419: {  	s23 =	sor.u32 $0x7004, s19;
	[sflag:s20] =	ssyncset.done $0x0  }
0x41a: {  	s1 =	sadd.s32 s9, s23;
	[sflag:s20] =	ssyncadd.s32 $0xFFFFFFE0  }
0x41b: {  	[hbm4b:s1+s6] =	stream.linear.scatter [tilespmem:s17], [sflag:$0x7], $0x20, $0x38;
	[tilespmem:$0x16820] =	vst v63  }
0x41c: {  	_ =	swait.ge [sflag:s20], $0x20  }
0x41d: {  	s2 =	sor.u32 $0x7804, s19;
	[sflag:s20] =	ssyncset.done $0x0  }
0x41e: {  	s1 =	sadd.s32 s9, s2;
	[sflag:s20] =	ssyncadd.s32 $0xFFFFFFE0  }
0x41f: {  	[hbm4b:s1+s6] =	stream.linear.scatter [tilespmem:s18], [sflag:$0x7], $0x20, $0x38;
	[tilespmem:$0x16820] =	vst v63  }
0x420: {  	_ =	swait.ge [sflag:s20], $0x20  }
0x421: {  	s3 =	sor.u32 $0x8004, s19;
	[sflag:s20] =	ssyncset.done $0x0  }
0x422: {  	s1 =	sadd.s32 s9, s3;
	[sflag:s20] =	ssyncadd.s32 $0xFFFFFFE0  }
0x423: {  	[hbm4b:s1+s6] =	stream.linear.scatter [tilespmem:s29], [sflag:$0x7], $0x20, $0x38;
	[tilespmem:$0x16820] =	vst v63  }
0x424: {  	_ =	swait.ge [sflag:s20], $0x20  }
0x425: {  	s4 =	sor.u32 $0x8804, s19;
	[sflag:s20] =	ssyncset.done $0x0  }
0x426: {  	s1 =	sadd.s32 s9, s4;
	[sflag:s20] =	ssyncadd.s32 $0xFFFFFFE0  }
0x427: {  	[hbm4b:s1+s6] =	stream.linear.scatter [tilespmem:s30], [sflag:$0x7], $0x20, $0x38;
	[tilespmem:$0x16820] =	vst v63  }
0x428: {  	_ =	swait.ge [sflag:s20], $0x20  }
0x429: {  	s10 =	sor.u32 $0x9004, s19;
	[sflag:s20] =	ssyncset.done $0x0  }
0x42a: {  	s1 =	sadd.s32 s9, s10;
	[sflag:s20] =	ssyncadd.s32 $0xFFFFFFE0  }
0x42b: {  	[hbm4b:s1+s6] =	stream.linear.scatter [tilespmem:s11], [sflag:$0x7], $0x20, $0x38;
	[tilespmem:$0x16820] =	vst v63  }
0x42c: {  	_ =	swait.ge [sflag:s20], $0x20  }
0x42d: {  	s23 =	sor.u32 $0x9804, s19;
	[sflag:s20] =	ssyncset.done $0x0  }
0x42e: {  	s1 =	sadd.s32 s9, s23;
	[sflag:s20] =	ssyncadd.s32 $0xFFFFFFE0  }
0x42f: {  	[hbm4b:s1+s6] =	stream.linear.scatter [tilespmem:s12], [sflag:$0x7], $0x20, $0x38;
	[tilespmem:$0x16820] =	vst v63  }
0x430: {  	_ =	swait.ge [sflag:s20], $0x20  }
0x431: {  	v44 =	vld [tilespmem:$0x1FE60]  }
0x432: {  	v17 =	vld [tilespmem:$0x1FE70]  }
0x433: {  	v20 =	vld [tilespmem:$0x1FE80]  }
0x434: {  	v22 =	vld [tilespmem:$0x1FE90]  }
0x435: {  	v23 =	vld [tilespmem:$0x1FEA0]  }
0x436: {  	v25 =	vld [tilespmem:$0x1FEB0]  }
0x437: {  	v28 =	vld [tilespmem:$0x1FEC0]  }
0x438: {  	v27 =	vld [tilespmem:$0x1FED0]  }
0x439: {  	v2 =	vld [tilespmem:$0x1FEE0]  }
0x43a: {  	v29 =	vld [tilespmem:$0x1FEF0]  }
0x43b: {  	v11 =	vld [tilespmem:$0x1FF00]  }
0x43c: {  	v30 =	vld [tilespmem:$0x1FF10]  }
0x43d: {  	v32 =	vld [tilespmem:$0x1FF20]  }
0x43e: {  	v37 =	vld [tilespmem:$0x1FF30]  }
0x43f: {  	s16 =	sadd.s32 $0x1, s16;
	v39 =	vld [tilespmem:$0x1FF40]  }
0x440: {  	p0 =	sne.s32 s16, $0x8;
	v40 =	vld [tilespmem:$0x1FF50]  }
.Ltmp4:
0x441: {  	v41 =	vld [tilespmem:$0x1FF60];
	(pc) =	sbr.rel @p0 .LBB2_2-.Ltmp4, $4  }
0x442: {  	v42 =	vld [tilespmem:$0x1FF70]  }
0x443: {  	v43 =	vld [tilespmem:$0x1FF80]  }
0x444: {  	[sflag:s20] =	ssyncset.done $0x0;
	v46 =	vld [tilespmem:$0x1FF90]  }
0x445: {  	v48 =	vld [tilespmem:$0x1FFA0];
	[sflag:s20] =	ssyncadd.s32 $0xFFFFFFE0  }
0x446: {  	s2 =	rddreg [dreg:$0x10]  }
0x447: {  	s1 =	rddreg [dreg:$0xf];
	s2 =	sadd.s32 $0x1, s2  }
0x448: {  	p0 =	sne.s32 s2, s1  }
.Ltmp5:
0x449: {  	_ = 	snop;
	(pc) =	sbr.rel @p0 .LBB2_1-.Ltmp5, $1  }
0x44a: {  	_ =	sdelay $0x3  }
0x44b: {  	_ =	sfence.sel $0x180000  }
0x44c: {  	[bflag:$0x0] =	sbarrier.arrive $0xFFFF  }
0x44d: {  	_ =	strace $0x90000047  }
0x44e: {  	s0 =	stileid.u32;
	[bflag:$0x2] =	sbarrier.arrive $0xFFFF  }
0x44f: {  	p0 =	sne.s32 s0, $0x0;
	s0 =	rddreg [dreg:$0x5]  }
0x450: {  	s0 =	sadd.s32 @!p0 $0x100000, s0  }
0x451: {  	[sflag:s0] =	ssyncadd.tile.s32 @!p0 $0x1;
	_ =	shalt  }
.Lfunc_end2:
_tile_overlayer_lowered:
.L_overlay_start_2:
0x452: {  	(tag) =	ssettag $0x2  }
0x453: {  	s0 =	rddreg [dreg:$0x0];
	s2 =	stileid.u32  }
0x454: {  	s1 =	rddreg [dreg:$0x1];
	p0 =	sne.s32 s2, $0x0  }
0x455: {  	s3 =	rddreg [dreg:$0x2];
	[bflag:$0x3] =	sbarrier.arrive $0xFFFF;
	s2 =	simm.s32 @!p0 $0x1C07  }
0x456: {  	[timem:s3], [sflag:s2] =	dma.local @!p0 [hbm:s0], s1  }
0x457: {  	s0 =	simm.s32 @!p0 $0x7  }
0x458: {  	_ =	swait.ge @!p0 [sflag:s0], s1  }
0x459: {  	s1 =	ssub.s32 @!p0 $0x0, s1;
	[sflag:s0] =	ssyncset.done @!p0 $0x0  }
0x45a: {  	[sflag:s0] =	ssyncadd.s32 @!p0 s1  }
0x45b: {  	[bflag:$0x3] =	sbarrier.arrive $0xFFFF  }
0x45c: {  	_ =	shalt  }

</sc_bundles>
